<compile_context>
chip_gen: v7x
topology: tpu7x:2x2x1
jax: 0.10.2.dev20260603
libtpu: 0.0.44.dev20260713+nightly
codegen_flags: <defaults>
</compile_context>

<pallas_src>
import functools

import jax
import jax.numpy as jnp
from jax import lax
from jax.experimental import pallas as pl
from jax.experimental.pallas import tpu as pltpu
from jax.experimental.pallas import tpu_sc as plsc

N = 10000
T = 16
D = 128
G3 = 3 * D
NP = 10240
NNZ = 160000
NNZP = 163840
PAD_ID = N

BN = 400


def _gru_body(x_ref, sl_ref, wih_ref, whh_ref, bih_ref, bhh_ref, h0_ref,
              w1t_ref, feat_ref, y1_ref):
    xr = x_ref[...]
    gi = jnp.dot(xr.reshape(BN * T, D), wih_ref[...],
                 preferred_element_type=jnp.float32) + bih_ref[...]
    gi = gi.reshape(BN, T, G3)
    sl = sl_ref[...]
    idx = jnp.where(sl <= 0, T - 1, sl - 1)
    h = jnp.broadcast_to(h0_ref[...], (BN, D))
    feat = jnp.zeros((BN, D), jnp.float32)
    for t in range(T):
        gh = jnp.dot(h, whh_ref[...],
                     preferred_element_type=jnp.float32) + bhh_ref[...]
        git = gi[:, t, :]
        r = jax.nn.sigmoid(git[:, 0:D] + gh[:, 0:D])
        z = jax.nn.sigmoid(git[:, D:2 * D] + gh[:, D:2 * D])
        n = jnp.tanh(git[:, 2 * D:] + r * gh[:, 2 * D:])
        h = (1.0 - z) * n + z * h
        feat = jnp.where(idx == t, h, feat)
    feat_ref[...] = feat
    y1_ref[...] = jnp.dot(feat, w1t_ref[...],
                          preferred_element_type=jnp.float32)


def _run_gru(x, sl, wihT, whhT, bih, bhh, h0r, w1T):
    return pl.pallas_call(
        _gru_body,
        grid=(N // BN,),
        in_specs=[
            pl.BlockSpec((BN, T, D), lambda i: (i, 0, 0)),
            pl.BlockSpec((BN, 1), lambda i: (i, 0)),
            pl.BlockSpec((D, G3), lambda i: (0, 0)),
            pl.BlockSpec((D, G3), lambda i: (0, 0)),
            pl.BlockSpec((1, G3), lambda i: (0, 0)),
            pl.BlockSpec((1, G3), lambda i: (0, 0)),
            pl.BlockSpec((1, D), lambda i: (0, 0)),
            pl.BlockSpec((D, D), lambda i: (0, 0)),
        ],
        out_specs=[
            pl.BlockSpec((BN, D), lambda i: (i, 0)),
            pl.BlockSpec((BN, D), lambda i: (i, 0)),
        ],
        out_shape=[
            jax.ShapeDtypeStruct((N, D), jnp.float32),
            jax.ShapeDtypeStruct((N, D), jnp.float32),
        ],
    )(x, sl, wihT, whhT, bih, bhh, h0r, w1T)


CL = 128
CHUNKS = 40
HCH = 80
RPS = NP // 16


@functools.lru_cache(maxsize=None)
def _sc_apply_kernel():
    mesh = plsc.VectorSubcoreMesh(core_axis_name="c", subcore_axis_name="s")

    nbuf = 2
    ngrp = CHUNKS // nbuf

    @functools.partial(
        pl.kernel,
        out_type=jax.ShapeDtypeStruct((2, NP, D), jnp.float32),
        mesh=mesh,
        scratch_types=[
            pltpu.VMEM((CHUNKS, CL), jnp.int32),
            pltpu.VMEM((CHUNKS, CL), jnp.int32),
            pltpu.VMEM((nbuf * CL, D), jnp.float32),
            pltpu.VMEM_SHARED((NP, D), jnp.float32),
            pltpu.SemaphoreType.DMA,
        ],
    )
    def body_fn(src, gidx, sidx, zrows, out, gidx_v, sidx_v, rows_v, acc,
                gsem):
        cid = lax.axis_index("c")
        sid = lax.axis_index("s")
        pltpu.sync_copy(gidx.at[cid, sid], gidx_v)
        pltpu.sync_copy(sidx.at[cid, sid], sidx_v)
        pltpu.sync_copy(zrows, acc.at[pl.ds(sid * RPS, RPS)])
        plsc.subcore_barrier()

        def buf(b):
            return rows_v.at[pl.ds(b * CL, CL)]

        for b in range(nbuf):
            pltpu.async_copy(src.at[gidx_v.at[b]], buf(b), gsem)

        def group(g, carry):
            for b in range(nbuf):
                c = g * nbuf + b
                pltpu.make_async_copy(src.at[gidx_v.at[c]], buf(b),
                                      gsem).wait()
                pltpu.sync_copy(buf(b), acc.at[sidx_v.at[c]], add=True)

                @pl.when(g < ngrp - 1)
                def _():
                    pltpu.async_copy(src.at[gidx_v.at[c + nbuf]], buf(b),
                                     gsem)
            return carry

        lax.fori_loop(0, ngrp, group, 0)
        plsc.subcore_barrier()
        pltpu.sync_copy(acc.at[pl.ds(sid * RPS, RPS)],
                        out.at[cid, pl.ds(sid * RPS, RPS)])

    return body_fn


def _sc_apply(src, gidx, sidx, zrows):
    return _sc_apply_kernel()(src, gidx, sidx, zrows)


@functools.lru_cache(maxsize=None)
def _sc_hist_kernel():
    mesh = plsc.VectorSubcoreMesh(core_axis_name="c", subcore_axis_name="s")

    @functools.partial(
        pl.kernel,
        out_type=jax.ShapeDtypeStruct((2, NP), jnp.float32),
        mesh=mesh,
        scratch_types=[
            pltpu.VMEM((HCH, CL), jnp.int32),
            pltpu.VMEM((CL,), jnp.float32),
            pltpu.VMEM_SHARED((NP,), jnp.float32),
        ],
    )
    def body_fn(idx2, zvec, ones, out, idx_v, ones_v, acc):
        cid = lax.axis_index("c")
        sid = lax.axis_index("s")
        pltpu.sync_copy(idx2.at[cid, sid], idx_v)
        pltpu.sync_copy(ones, ones_v)
        pltpu.sync_copy(zvec, acc.at[pl.ds(sid * RPS, RPS)])
        plsc.subcore_barrier()

        def body(c, carry):
            pltpu.sync_copy(ones_v, acc.at[idx_v.at[c]], add=True)
            return carry

        lax.fori_loop(0, HCH, body, 0)
        plsc.subcore_barrier()
        pltpu.sync_copy(acc.at[pl.ds(sid * RPS, RPS)],
                        out.at[cid, pl.ds(sid * RPS, RPS)])

    return body_fn


def _sc_hist(idx2, zvec, ones):
    return _sc_hist_kernel()(idx2, zvec, ones)


BM = 512


def _scale_body(m0_ref, m1_ref, cnt_ref, out_ref):
    cnt = cnt_ref[...]
    inv = jnp.where(cnt > 0, 1.0 / cnt, 0.0)
    out_ref[...] = (m0_ref[...] + m1_ref[...]) * inv


def _run_scale(m0, m1, cnt):
    return pl.pallas_call(
        _scale_body,
        grid=(NP // BM,),
        in_specs=[
            pl.BlockSpec((BM, D), lambda i: (i, 0)),
            pl.BlockSpec((BM, D), lambda i: (i, 0)),
            pl.BlockSpec((BM, 1), lambda i: (i, 0)),
        ],
        out_specs=pl.BlockSpec((BM, D), lambda i: (i, 0)),
        out_shape=jax.ShapeDtypeStruct((NP, D), jnp.float32),
    )(m0, m1, cnt)


def _make_comb_body(mask_rows):
    def body(s0_ref, s1_ref, cnt_ref, b_ref, prev_ref, wt_ref, o_ref, y_ref):
        cnt = cnt_ref[...]
        inv = jnp.where(cnt > 0, 1.0 / cnt, 0.0)
        o = (s0_ref[...] + s1_ref[...]) * inv + b_ref[...] + prev_ref[...]
        if mask_rows:
            row = (lax.broadcasted_iota(jnp.int32, (BM, 1), 0)
                   + pl.program_id(0) * BM)
            o = jnp.where(row < N, o, 0.0)
        o_ref[...] = o
        y_ref[...] = jnp.dot(o, wt_ref[...], preferred_element_type=jnp.float32)
    return body


def _run_comb(s0, s1, cnt, b, prev, wt, mask_rows):
    return pl.pallas_call(
        _make_comb_body(mask_rows),
        grid=(NP // BM,),
        in_specs=[
            pl.BlockSpec((BM, D), lambda i: (i, 0)),
            pl.BlockSpec((BM, D), lambda i: (i, 0)),
            pl.BlockSpec((BM, 1), lambda i: (i, 0)),
            pl.BlockSpec((1, D), lambda i: (0, 0)),
            pl.BlockSpec((BM, D), lambda i: (i, 0)),
            pl.BlockSpec((D, D), lambda i: (0, 0)),
        ],
        out_specs=[
            pl.BlockSpec((BM, D), lambda i: (i, 0)),
            pl.BlockSpec((BM, D), lambda i: (i, 0)),
        ],
        out_shape=[
            jax.ShapeDtypeStruct((NP, D), jnp.float32),
            jax.ShapeDtypeStruct((NP, D), jnp.float32),
        ],
    )(s0, s1, cnt, b, prev, wt)


BA = 512
NB = NP // BA
_INV_DD = 1.0 / float(D * D)


def _deg_body(o3_ref, o3t_ref, phi_ref, dis_ref):
    i = pl.program_id(0)
    j = pl.program_id(1)
    a = jnp.dot(o3_ref[...], o3t_ref[...],
                preferred_element_type=jnp.float32) * _INV_DD
    hit = (a >= phi_ref[0, 0]).astype(jnp.float32)
    cnt = jnp.sum(hit, axis=1, keepdims=True)

    @pl.when(j == 0)
    def _():
        dis_ref[...] = cnt + 1.0

    @pl.when(j > 0)
    def _():
        dis_ref[...] += cnt

    @pl.when(j == i)
    def _():
        ri = lax.broadcasted_iota(jnp.int32, (BA, BA), 0)
        ci = lax.broadcasted_iota(jnp.int32, (BA, BA), 1)
        selfhit = jnp.sum(jnp.where(ri == ci, hit, 0.0), axis=1,
                          keepdims=True)
        dis_ref[...] -= selfhit

    @pl.when(j == NB - 1)
    def _():
        dis_ref[...] = lax.rsqrt(dis_ref[...])


def _run_deg(o3, o3t, phi):
    return pl.pallas_call(
        _deg_body,
        grid=(NB, NB),
        in_specs=[
            pl.BlockSpec((BA, D), lambda i, j: (i, 0)),
            pl.BlockSpec((D, BA), lambda i, j: (0, j)),
            pl.BlockSpec((1, 1), lambda i, j: (0, 0)),
        ],
        out_specs=pl.BlockSpec((BA, 1), lambda i, j: (i, 0)),
        out_shape=jax.ShapeDtypeStruct((NP, 1), jnp.float32),
    )(o3, o3t, phi)


def _gcn_body(o3_ref, o3t_ref, xg_ref, disi_ref, disj_ref, phi_ref, bg_ref,
              out_ref):
    i = pl.program_id(0)
    j = pl.program_id(1)
    a = jnp.dot(o3_ref[...], o3t_ref[...],
                preferred_element_type=jnp.float32) * _INV_DD
    hit = (a >= phi_ref[0, 0]).astype(jnp.float32)
    u = disj_ref[...] * xg_ref[...]
    part = jnp.dot(hit, u, preferred_element_type=jnp.float32)

    @pl.when(j == 0)
    def _():
        out_ref[...] = part

    @pl.when(j > 0)
    def _():
        out_ref[...] += part

    @pl.when(j == i)
    def _():
        ri = lax.broadcasted_iota(jnp.int32, (BA, BA), 0)
        ci = lax.broadcasted_iota(jnp.int32, (BA, BA), 1)
        dhit = jnp.sum(jnp.where(ri == ci, hit, 0.0), axis=1, keepdims=True)
        out_ref[...] += (1.0 - dhit) * u

    @pl.when(j == NB - 1)
    def _():
        out_ref[...] = disi_ref[...] * out_ref[...] + bg_ref[...]


def _run_gcn(o3, o3t, xg, dis, phi, bg):
    return pl.pallas_call(
        _gcn_body,
        grid=(NB, NB),
        in_specs=[
            pl.BlockSpec((BA, D), lambda i, j: (i, 0)),
            pl.BlockSpec((D, BA), lambda i, j: (0, j)),
            pl.BlockSpec((BA, D), lambda i, j: (j, 0)),
            pl.BlockSpec((BA, 1), lambda i, j: (i, 0)),
            pl.BlockSpec((BA, 1), lambda i, j: (j, 0)),
            pl.BlockSpec((1, 1), lambda i, j: (0, 0)),
            pl.BlockSpec((1, D), lambda i, j: (0, 0)),
        ],
        out_specs=pl.BlockSpec((BA, D), lambda i, j: (i, 0)),
        out_shape=jax.ShapeDtypeStruct((NP, D), jnp.float32),
    )(o3, o3t, xg, dis, dis, phi, bg)


def kernel(x, hyperedge_index, sorted_length, W_ih, W_hh, b_ih, b_hh, h0,
           W1, b1, W2, b2, W3, b3, phi, Wg, bg):
    f32 = jnp.float32
    sl = sorted_length.astype(jnp.int32).reshape(N, 1)
    wihT = W_ih.T
    whhT = W_hh.T
    bih = b_ih.reshape(1, G3)
    bhh = b_hh.reshape(1, G3)
    h0r = h0.reshape(1, D)

    feat, y1 = _run_gru(x, sl, wihT, whhT, bih, bhh, h0r, W1.T)
    featP = jnp.pad(feat, ((0, NP - N), (0, 0)))
    y1P = jnp.pad(y1, ((0, NP - N), (0, 0)))

    hi = jnp.concatenate(
        [hyperedge_index.astype(jnp.int32),
         jnp.full((2, NNZP - NNZ), PAD_ID, jnp.int32)], axis=1)
    conv_node = hi[0].reshape(2, 16, CHUNKS, CL)
    conv_edge = hi[1].reshape(2, 16, CHUNKS, CL)
    hist_idx = hi.reshape(2, 16, HCH, CL)
    zrows = jnp.zeros((RPS, D), f32)
    zvec = jnp.zeros((RPS,), f32)
    ones = jnp.ones((CL,), f32)

    cnts = _sc_hist(hist_idx, zvec, ones)
    Dn = cnts[0].reshape(NP, 1)
    Bn = cnts[1].reshape(NP, 1)

    def conv(Y, prev, b, wnextT, mask_rows):
        m = _sc_apply(Y, conv_node, conv_edge, zrows)
        Z = _run_scale(m[0], m[1], Bn)
        s = _sc_apply(Z, conv_edge, conv_node, zrows)
        return _run_comb(s[0], s[1], Dn, b.reshape(1, D), prev, wnextT,
                         mask_rows)

    o1, y2 = conv(y1P, featP, b1, W2.T, False)
    o2, y3 = conv(y2, o1, b2, W3.T, False)
    o3, xg = conv(y3, o2, b3, Wg.T, True)

    phiR = jnp.reshape(phi, (1, 1)).astype(f32)
    o3t = o3.T
    dis = _run_deg(o3, o3t, phiR)
    out = _run_gcn(o3, o3t, xg, dis, phiR, bg.reshape(1, D))
    return out[:N]

# --- scband reference (transcript-rebuilt; emitter-appended) ---
"""Pipeline reference for scband-hyper-net-3633542333210 (READ-ONLY COPY).

The authoritative reference and input builder live on the scoring server;
editing this copy changes nothing except your own understanding.
"""

import jax, jax.numpy as jnp
import numpy as np

N = 10000
T = 16
IN_DIM = 128
HIDDEN = 128
GCN_DIM = 128
NNZ = 160000
NUM_HE = 10000


def setup_inputs(seed: int = 0) -> dict:
    key = jax.random.key(seed)
    ks = jax.random.split(key, 16)
    s = 1.0 / np.sqrt(HIDDEN)
    u = lambda k, shape: jax.random.uniform(k, shape, jnp.float32, -s, s)
    inp = {}
    inp["x"] = jax.random.normal(ks[0], (N, T, IN_DIM), dtype=jnp.float32)
    inp["hyperedge_index"] = jax.random.randint(ks[1], (2, NNZ), 0, NUM_HE)
    inp["sorted_length"] = jax.random.randint(ks[2], (N,), 0, T)
    # GRU params (PyTorch layout: W_ih [3H, in], W_hh [3H, H], gate order r,z,n)
    inp["W_ih"] = u(ks[3], (3 * HIDDEN, IN_DIM))
    inp["W_hh"] = u(ks[4], (3 * HIDDEN, HIDDEN))
    inp["b_ih"] = u(ks[5], (3 * HIDDEN,))
    inp["b_hh"] = u(ks[6], (3 * HIDDEN,))
    inp["h0"] = jnp.zeros((HIDDEN,), jnp.float32)
    # HypergraphConv params (lin weight [out,in], bias [out])
    inp["W1"] = u(ks[7], (HIDDEN, HIDDEN)); inp["b1"] = jnp.zeros((HIDDEN,), jnp.float32)
    inp["W2"] = u(ks[8], (HIDDEN, HIDDEN)); inp["b2"] = jnp.zeros((HIDDEN,), jnp.float32)
    inp["W3"] = u(ks[9], (HIDDEN, HIDDEN)); inp["b3"] = jnp.zeros((HIDDEN,), jnp.float32)
    inp["phi"] = jnp.float32(0.001)
    # GCNConv params
    inp["Wg"] = u(ks[10], (GCN_DIM, HIDDEN)); inp["bg"] = jnp.zeros((GCN_DIM,), jnp.float32)
    return inp


def _gru(x, W_ih, W_hh, b_ih, b_hh, h0):
    def step(h, xt):
        gi = xt @ W_ih.T + b_ih
        gh = h @ W_hh.T + b_hh
        i_r, i_z, i_n = jnp.split(gi, 3, axis=-1)
        h_r, h_z, h_n = jnp.split(gh, 3, axis=-1)
        r = jax.nn.sigmoid(i_r + h_r)
        z = jax.nn.sigmoid(i_z + h_z)
        n = jnp.tanh(i_n + r * h_n)
        h_new = (1.0 - z) * n + z * h
        return h_new, h_new
    xs = jnp.swapaxes(x, 0, 1)
    h0b = jnp.broadcast_to(h0[None, :], (x.shape[0], HIDDEN))
    _, outs = jax.lax.scan(step, h0b, xs)
    return jnp.swapaxes(outs, 0, 1)


def _hgc(X_in, node, edge, W, b):
    # PyG HypergraphConv (use_attention=False): out = D^-1 H W B^-1 H^T X Theta + bias
    X = X_in @ W.T
    w = jnp.ones((NUM_HE,), jnp.float32)
    Dn = jax.ops.segment_sum(w[edge], node, num_segments=N)
    Dinv = jnp.where(Dn > 0, 1.0 / Dn, 0.0)
    Bn = jax.ops.segment_sum(jnp.ones(edge.shape, jnp.float32), edge, num_segments=NUM_HE)
    Binv = jnp.where(Bn > 0, 1.0 / Bn, 0.0)
    m = jax.ops.segment_sum(X[node], edge, num_segments=NUM_HE) * Binv[:, None]
    out = jax.ops.segment_sum(m[edge], node, num_segments=N) * Dinv[:, None]
    return out + b


def reference(x, hyperedge_index, sorted_length, W_ih, W_hh, b_ih, b_hh, h0,
              W1, b1, W2, b2, W3, b3, phi, Wg, bg):
    node = hyperedge_index[0].astype(jnp.int32)
    edge = hyperedge_index[1].astype(jnp.int32)
    # dropout is identity in eval mode
    gru_out = _gru(x, W_ih, W_hh, b_ih, b_hh, h0)
    idx = jnp.mod(sorted_length.astype(jnp.int32) - 1, T)  # matches torch negative-index wrap
    feat = gru_out[jnp.arange(N), idx, :]
    o1 = _hgc(feat, node, edge, W1, b1) + feat
    o2 = _hgc(o1, node, edge, W2, b2) + o1
    o3 = _hgc(o2, node, edge, W3, b3) + o2
    adj = (o3 @ o3.T) / jnp.float32(HIDDEN ** 2)
    A = jnp.where(adj >= phi, 1.0, 0.0).astype(jnp.float32)
    # GCNConv(gcn_norm): add_remaining_self_loops -> diagonal forced to 1
    diag = jnp.arange(N)
    A = A.at[diag, diag].set(1.0)
    deg = A.sum(axis=1)
    dis = jnp.where(deg > 0, deg ** -0.5, 0.0)
    Xg = o3 @ Wg.T
    out = dis[:, None] * (A @ (dis[:, None] * Xg)) + bg
    return out

if __name__ == "__main__":
    import jax
    _d = setup_inputs()
    print(jax.jit(kernel)(*tuple(_d.values())))

</pallas_src>

<mosaic_0001>
#map = affine_map<(d0, d1) -> (0, 0)>
#map1 = affine_map<(d0, d1) -> (0, 0, 0, 0)>
#map2 = affine_map<(d0, d1) -> (0, 0, 0)>
module attributes {stable_mosaic.version = 14 : i64} {
  func.func @body_fn(%arg0: i32, %arg1: i32, %arg2: memref<10240x128xf32, #tpu.memory_space<hbm>>, %arg3: memref<2x16x40x128xi32, #tpu.memory_space<hbm>>, %arg4: memref<2x16x40x128xi32, #tpu.memory_space<hbm>>, %arg5: memref<640x128xf32, #tpu.memory_space<hbm>>, %arg6: memref<2x10240x128xf32, #tpu.memory_space<hbm>>, %arg7: memref<40x128xi32, #tpu.memory_space<vmem>>, %arg8: memref<40x128xi32, #tpu.memory_space<vmem>>, %arg9: memref<256x128xf32, #tpu.memory_space<vmem>>, %arg10: memref<10240x128xf32, #tpu.memory_space<vmem_shared>>, %arg11: memref<!tpu.dma_semaphore, #tpu.memory_space<semaphore_mem>>) attributes {dimension_semantics = [#tpu.dimension_semantics<core_parallel>, #tpu.dimension_semantics<subcore_parallel>], iteration_bounds = array<i64: 2, 16>, scalar_prefetch = 0 : i64, scratch_operands = 5 : i64, tpu.core_type = #tpu.core_type<sc_vector_subcore>, window_params = [{transform_indices = #map}, {transform_indices = #map1}, {transform_indices = #map1}, {transform_indices = #map}, {transform_indices = #map2}]} {
    "tpu.region"() ({
      %run_scoped3A = tpu.sem_alloc : memref<!tpu.dma_semaphore, #tpu.memory_space<semaphore_mem>>
      %dma_start3A_30 = arith.constant 0 : i32
      %dma_start3A_31 = arith.constant 0 : i32
      %dma_start3A_32 = tpu.memref_slice %arg3[%arg0, %arg1, %dma_start3A_30, %dma_start3A_31] : memref<2x16x40x128xi32, #tpu.memory_space<hbm>> -> memref<1x1x40x128xi32, #tpu.memory_space<hbm>>
      %dma_start3A_33 = tpu.memref_squeeze %dma_start3A_32 : memref<1x1x40x128xi32, #tpu.memory_space<hbm>> -> memref<40x128xi32, #tpu.memory_space<hbm>>
      %dma_start3A_34 = arith.constant 0 : i32
      %dma_start3A_35 = arith.constant 0 : i32
      %dma_start3A_36 = tpu.memref_slice %arg3[%arg0, %arg1, %dma_start3A_34, %dma_start3A_35] : memref<2x16x40x128xi32, #tpu.memory_space<hbm>> -> memref<1x1x40x128xi32, #tpu.memory_space<hbm>>
      %dma_start3A_37 = tpu.memref_squeeze %dma_start3A_36 : memref<1x1x40x128xi32, #tpu.memory_space<hbm>> -> memref<40x128xi32, #tpu.memory_space<hbm>>
      tpu.enqueue_dma source(%dma_start3A_37 : memref<40x128xi32, #tpu.memory_space<hbm>>) target(%arg7 : memref<40x128xi32, #tpu.memory_space<vmem>>) target_semaphore(%run_scoped3A : memref<!tpu.dma_semaphore, #tpu.memory_space<semaphore_mem>>)
      %dma_wait3A = arith.constant 0 : i32
      %dma_wait3A_38 = arith.constant 0 : i32
      %dma_wait3A_39 = tpu.memref_slice %arg3[%arg0, %arg1, %dma_wait3A, %dma_wait3A_38] : memref<2x16x40x128xi32, #tpu.memory_space<hbm>> -> memref<1x1x40x128xi32, #tpu.memory_space<hbm>>
      %dma_wait3A_40 = tpu.memref_squeeze %dma_wait3A_39 : memref<1x1x40x128xi32, #tpu.memory_space<hbm>> -> memref<40x128xi32, #tpu.memory_space<hbm>>
      %dma_wait3A_41 = arith.constant 0 : i32
      %dma_wait3A_42 = arith.constant 0 : i32
      %dma_wait3A_43 = tpu.memref_slice %arg3[%arg0, %arg1, %dma_wait3A_41, %dma_wait3A_42] : memref<2x16x40x128xi32, #tpu.memory_space<hbm>> -> memref<1x1x40x128xi32, #tpu.memory_space<hbm>>
      %dma_wait3A_44 = tpu.memref_squeeze %dma_wait3A_43 : memref<1x1x40x128xi32, #tpu.memory_space<hbm>> -> memref<40x128xi32, #tpu.memory_space<hbm>>
      tpu.wait_dma2 semaphore(%run_scoped3A : memref<!tpu.dma_semaphore, #tpu.memory_space<semaphore_mem>>) src(%dma_wait3A_44 : memref<40x128xi32, #tpu.memory_space<hbm>>) dst(%arg7 : memref<40x128xi32, #tpu.memory_space<vmem>>)
      tpu.yield
    }) : () -> ()
    "tpu.region"() ({
      %run_scoped3A = tpu.sem_alloc : memref<!tpu.dma_semaphore, #tpu.memory_space<semaphore_mem>>
      %dma_start3A_30 = arith.constant 0 : i32
      %dma_start3A_31 = arith.constant 0 : i32
      %dma_start3A_32 = tpu.memref_slice %arg4[%arg0, %arg1, %dma_start3A_30, %dma_start3A_31] : memref<2x16x40x128xi32, #tpu.memory_space<hbm>> -> memref<1x1x40x128xi32, #tpu.memory_space<hbm>>
      %dma_start3A_33 = tpu.memref_squeeze %dma_start3A_32 : memref<1x1x40x128xi32, #tpu.memory_space<hbm>> -> memref<40x128xi32, #tpu.memory_space<hbm>>
      %dma_start3A_34 = arith.constant 0 : i32
      %dma_start3A_35 = arith.constant 0 : i32
      %dma_start3A_36 = tpu.memref_slice %arg4[%arg0, %arg1, %dma_start3A_34, %dma_start3A_35] : memref<2x16x40x128xi32, #tpu.memory_space<hbm>> -> memref<1x1x40x128xi32, #tpu.memory_space<hbm>>
      %dma_start3A_37 = tpu.memref_squeeze %dma_start3A_36 : memref<1x1x40x128xi32, #tpu.memory_space<hbm>> -> memref<40x128xi32, #tpu.memory_space<hbm>>
      tpu.enqueue_dma source(%dma_start3A_37 : memref<40x128xi32, #tpu.memory_space<hbm>>) target(%arg8 : memref<40x128xi32, #tpu.memory_space<vmem>>) target_semaphore(%run_scoped3A : memref<!tpu.dma_semaphore, #tpu.memory_space<semaphore_mem>>)
      %dma_wait3A = arith.constant 0 : i32
      %dma_wait3A_38 = arith.constant 0 : i32
      %dma_wait3A_39 = tpu.memref_slice %arg4[%arg0, %arg1, %dma_wait3A, %dma_wait3A_38] : memref<2x16x40x128xi32, #tpu.memory_space<hbm>> -> memref<1x1x40x128xi32, #tpu.memory_space<hbm>>
      %dma_wait3A_40 = tpu.memref_squeeze %dma_wait3A_39 : memref<1x1x40x128xi32, #tpu.memory_space<hbm>> -> memref<40x128xi32, #tpu.memory_space<hbm>>
      %dma_wait3A_41 = arith.constant 0 : i32
      %dma_wait3A_42 = arith.constant 0 : i32
      %dma_wait3A_43 = tpu.memref_slice %arg4[%arg0, %arg1, %dma_wait3A_41, %dma_wait3A_42] : memref<2x16x40x128xi32, #tpu.memory_space<hbm>> -> memref<1x1x40x128xi32, #tpu.memory_space<hbm>>
      %dma_wait3A_44 = tpu.memref_squeeze %dma_wait3A_43 : memref<1x1x40x128xi32, #tpu.memory_space<hbm>> -> memref<40x128xi32, #tpu.memory_space<hbm>>
      tpu.wait_dma2 semaphore(%run_scoped3A : memref<!tpu.dma_semaphore, #tpu.memory_space<semaphore_mem>>) src(%dma_wait3A_44 : memref<40x128xi32, #tpu.memory_space<hbm>>) dst(%arg8 : memref<40x128xi32, #tpu.memory_space<vmem>>)
      tpu.yield
    }) : () -> ()
    %mul3A = arith.constant 640 : i32
    %mul3A_0 = arith.muli %arg1, %mul3A : i32
    "tpu.region"() ({
      %run_scoped3A = tpu.sem_alloc : memref<!tpu.dma_semaphore, #tpu.memory_space<semaphore_mem>>
      %dma_start3A_30 = arith.constant 0 : i32
      %dma_start3A_31 = tpu.memref_slice %arg10[%mul3A_0, %dma_start3A_30] : memref<10240x128xf32, #tpu.memory_space<vmem_shared>> -> memref<640x128xf32, #tpu.memory_space<vmem_shared>>
      tpu.enqueue_dma source(%arg5 : memref<640x128xf32, #tpu.memory_space<hbm>>) target(%dma_start3A_31 : memref<640x128xf32, #tpu.memory_space<vmem_shared>>) target_semaphore(%run_scoped3A : memref<!tpu.dma_semaphore, #tpu.memory_space<semaphore_mem>>)
      %dma_wait3A = arith.constant 0 : i32
      %dma_wait3A_32 = tpu.memref_slice %arg10[%mul3A_0, %dma_wait3A] : memref<10240x128xf32, #tpu.memory_space<vmem_shared>> -> memref<640x128xf32, #tpu.memory_space<vmem_shared>>
      tpu.wait_dma2 semaphore(%run_scoped3A : memref<!tpu.dma_semaphore, #tpu.memory_space<semaphore_mem>>) src(%arg5 : memref<640x128xf32, #tpu.memory_space<hbm>>) dst(%dma_wait3A_32 : memref<640x128xf32, #tpu.memory_space<vmem_shared>>)
      tpu.yield
    }) : () -> ()
    %barrier3A = arith.constant 0 : index
    tpu.barrier barrier_id(%barrier3A)
    %dma_start3A = arith.constant 0 : i32
    %dma_start3A_1 = arith.constant 0 : i32
    %dma_start3A_2 = arith.constant 0 : i32
    %dma_start3A_3 = tpu.memref_slice %arg9[%dma_start3A_1, %dma_start3A_2] : memref<256x128xf32, #tpu.memory_space<vmem>> -> memref<128x128xf32, #tpu.memory_space<vmem>>
    %dma_start3A_4 = arith.constant 0 : i32
    %dma_start3A_5 = tpu.memref_slice %arg7[%dma_start3A, %dma_start3A_4] : memref<40x128xi32, #tpu.memory_space<vmem>> -> memref<1x128xi32, #tpu.memory_space<vmem>>
    %dma_start3A_6 = tpu.memref_squeeze %dma_start3A_5 : memref<1x128xi32, #tpu.memory_space<vmem>> -> memref<128xi32, #tpu.memory_space<vmem>>
    %dma_start3A_7 = arith.constant 0 : i32
    %dma_start3A_8 = arith.constant 0 : i32
    %dma_start3A_9 = tpu.memref_slice %arg2[%dma_start3A_7, %dma_start3A_8] : memref<10240x128xf32, #tpu.memory_space<hbm>> -> memref<10240x128xf32, #tpu.memory_space<hbm>>
    tpu.enqueue_indirect_dma source(%dma_start3A_9 : memref<10240x128xf32, #tpu.memory_space<hbm>>) target(%dma_start3A_3 : memref<128x128xf32, #tpu.memory_space<vmem>>) offsets(%dma_start3A_6 : memref<128xi32, #tpu.memory_space<vmem>>) semaphore(%arg11 : memref<!tpu.dma_semaphore, #tpu.memory_space<semaphore_mem>>)
    %dma_start3A_10 = arith.constant 1 : i32
    %dma_start3A_11 = arith.constant 128 : i32
    %dma_start3A_12 = arith.constant 0 : i32
    %dma_start3A_13 = tpu.memref_slice %arg9[%dma_start3A_11, %dma_start3A_12] : memref<256x128xf32, #tpu.memory_space<vmem>> -> memref<128x128xf32, #tpu.memory_space<vmem>>
    %dma_start3A_14 = arith.constant 0 : i32
    %dma_start3A_15 = tpu.memref_slice %arg7[%dma_start3A_10, %dma_start3A_14] : memref<40x128xi32, #tpu.memory_space<vmem>> -> memref<1x128xi32, #tpu.memory_space<vmem>>
    %dma_start3A_16 = tpu.memref_squeeze %dma_start3A_15 : memref<1x128xi32, #tpu.memory_space<vmem>> -> memref<128xi32, #tpu.memory_space<vmem>>
    %dma_start3A_17 = arith.constant 0 : i32
    %dma_start3A_18 = arith.constant 0 : i32
    %dma_start3A_19 = tpu.memref_slice %arg2[%dma_start3A_17, %dma_start3A_18] : memref<10240x128xf32, #tpu.memory_space<hbm>> -> memref<10240x128xf32, #tpu.memory_space<hbm>>
    tpu.enqueue_indirect_dma source(%dma_start3A_19 : memref<10240x128xf32, #tpu.memory_space<hbm>>) target(%dma_start3A_13 : memref<128x128xf32, #tpu.memory_space<vmem>>) offsets(%dma_start3A_16 : memref<128xi32, #tpu.memory_space<vmem>>) semaphore(%arg11 : memref<!tpu.dma_semaphore, #tpu.memory_space<semaphore_mem>>)
    %scan3A = arith.constant 0 : i32
    %scan3A_20 = arith.constant 0 : i32
    %scan3A_21 = arith.constant 20 : i32
    %scan3A_22 = arith.addi %scan3A_20, %scan3A_21 : i32
    %scan3A_23 = arith.constant 1 : i32
    scf.for %scan3A_30 = %scan3A_20 to %scan3A_22 step %scan3A_23  : i32 {
      %mul3A_31 = arith.constant 2 : i32
      %mul3A_32 = arith.muli %scan3A_30, %mul3A_31 : i32
      %add3A = arith.constant 0 : i32
      %add3A_33 = arith.addi %mul3A_32, %add3A : i32
      %dma_wait3A = arith.constant 0 : i32
      %dma_wait3A_34 = arith.constant 0 : i32
      %dma_wait3A_35 = tpu.memref_slice %arg9[%dma_wait3A, %dma_wait3A_34] : memref<256x128xf32, #tpu.memory_space<vmem>> -> memref<128x128xf32, #tpu.memory_space<vmem>>
      %dma_wait3A_36 = arith.constant 0 : i32
      %dma_wait3A_37 = tpu.memref_slice %arg7[%add3A_33, %dma_wait3A_36] : memref<40x128xi32, #tpu.memory_space<vmem>> -> memref<1x128xi32, #tpu.memory_space<vmem>>
      %dma_wait3A_38 = tpu.memref_squeeze %dma_wait3A_37 : memref<1x128xi32, #tpu.memory_space<vmem>> -> memref<128xi32, #tpu.memory_space<vmem>>
      %dma_wait3A_39 = arith.constant 0 : i32
      %dma_wait3A_40 = arith.constant 0 : i32
      %dma_wait3A_41 = tpu.memref_slice %arg2[%dma_wait3A_39, %dma_wait3A_40] : memref<10240x128xf32, #tpu.memory_space<hbm>> -> memref<10240x128xf32, #tpu.memory_space<hbm>>
      tpu.wait_indirect_dma semaphore(%arg11 : memref<!tpu.dma_semaphore, #tpu.memory_space<semaphore_mem>>) src(%dma_wait3A_41 : memref<10240x128xf32, #tpu.memory_space<hbm>>) dst(%dma_wait3A_35 : memref<128x128xf32, #tpu.memory_space<vmem>>)
      "tpu.region"() ({
        %run_scoped3A = tpu.sem_alloc : memref<!tpu.dma_semaphore, #tpu.memory_space<semaphore_mem>>
        %dma_start3A_62 = arith.constant 0 : i32
        %dma_start3A_63 = arith.constant 0 : i32
        %dma_start3A_64 = tpu.memref_slice %arg9[%dma_start3A_62, %dma_start3A_63] : memref<256x128xf32, #tpu.memory_space<vmem>> -> memref<128x128xf32, #tpu.memory_space<vmem>>
        %dma_start3A_65 = arith.constant 0 : i32
        %dma_start3A_66 = tpu.memref_slice %arg8[%add3A_33, %dma_start3A_65] : memref<40x128xi32, #tpu.memory_space<vmem>> -> memref<1x128xi32, #tpu.memory_space<vmem>>
        %dma_start3A_67 = tpu.memref_squeeze %dma_start3A_66 : memref<1x128xi32, #tpu.memory_space<vmem>> -> memref<128xi32, #tpu.memory_space<vmem>>
        %dma_start3A_68 = arith.constant 0 : i32
        %dma_start3A_69 = arith.constant 0 : i32
        %dma_start3A_70 = tpu.memref_slice %arg10[%dma_start3A_68, %dma_start3A_69] : memref<10240x128xf32, #tpu.memory_space<vmem_shared>> -> memref<10240x128xf32, #tpu.memory_space<vmem_shared>>
        tpu.enqueue_indirect_dma source(%dma_start3A_64 : memref<128x128xf32, #tpu.memory_space<vmem>>) target(%dma_start3A_70 : memref<10240x128xf32, #tpu.memory_space<vmem_shared>>) offsets(%dma_start3A_67 : memref<128xi32, #tpu.memory_space<vmem>>) semaphore(%run_scoped3A : memref<!tpu.dma_semaphore, #tpu.memory_space<semaphore_mem>>) {add = true}
        %dma_wait3A_71 = arith.constant 0 : i32
        %dma_wait3A_72 = arith.constant 0 : i32
        %dma_wait3A_73 = tpu.memref_slice %arg9[%dma_wait3A_71, %dma_wait3A_72] : memref<256x128xf32, #tpu.memory_space<vmem>> -> memref<128x128xf32, #tpu.memory_space<vmem>>
        %dma_wait3A_74 = arith.constant 0 : i32
        %dma_wait3A_75 = tpu.memref_slice %arg8[%add3A_33, %dma_wait3A_74] : memref<40x128xi32, #tpu.memory_space<vmem>> -> memref<1x128xi32, #tpu.memory_space<vmem>>
        %dma_wait3A_76 = tpu.memref_squeeze %dma_wait3A_75 : memref<1x128xi32, #tpu.memory_space<vmem>> -> memref<128xi32, #tpu.memory_space<vmem>>
        %dma_wait3A_77 = arith.constant 0 : i32
        %dma_wait3A_78 = arith.constant 0 : i32
        %dma_wait3A_79 = tpu.memref_slice %arg10[%dma_wait3A_77, %dma_wait3A_78] : memref<10240x128xf32, #tpu.memory_space<vmem_shared>> -> memref<10240x128xf32, #tpu.memory_space<vmem_shared>>
        tpu.wait_indirect_dma semaphore(%run_scoped3A : memref<!tpu.dma_semaphore, #tpu.memory_space<semaphore_mem>>) src(%dma_wait3A_73 : memref<128x128xf32, #tpu.memory_space<vmem>>) dst(%dma_wait3A_79 : memref<10240x128xf32, #tpu.memory_space<vmem_shared>>)
        tpu.yield
      }) : () -> ()
      %lt3A = arith.constant 19 : i32
      %lt3A_42 = arith.cmpi slt, %scan3A_30, %lt3A : i32
      %convert_element_type3A = arith.extui %lt3A_42 : i1 to i32
      %cond3A = arith.constant 0 : i32
      %cond3A_43 = arith.cmpi ne, %convert_element_type3A, %cond3A : i32
      scf.if %cond3A_43 {
        %add3A_62 = arith.constant 2 : i32
        %add3A_63 = arith.addi %add3A_33, %add3A_62 : i32
        %dma_start3A_64 = arith.constant 0 : i32
        %dma_start3A_65 = arith.constant 0 : i32
        %dma_start3A_66 = tpu.memref_slice %arg9[%dma_start3A_64, %dma_start3A_65] : memref<256x128xf32, #tpu.memory_space<vmem>> -> memref<128x128xf32, #tpu.memory_space<vmem>>
        %dma_start3A_67 = arith.constant 0 : i32
        %dma_start3A_68 = tpu.memref_slice %arg7[%add3A_63, %dma_start3A_67] : memref<40x128xi32, #tpu.memory_space<vmem>> -> memref<1x128xi32, #tpu.memory_space<vmem>>
        %dma_start3A_69 = tpu.memref_squeeze %dma_start3A_68 : memref<1x128xi32, #tpu.memory_space<vmem>> -> memref<128xi32, #tpu.memory_space<vmem>>
        %dma_start3A_70 = arith.constant 0 : i32
        %dma_start3A_71 = arith.constant 0 : i32
        %dma_start3A_72 = tpu.memref_slice %arg2[%dma_start3A_70, %dma_start3A_71] : memref<10240x128xf32, #tpu.memory_space<hbm>> -> memref<10240x128xf32, #tpu.memory_space<hbm>>
        tpu.enqueue_indirect_dma source(%dma_start3A_72 : memref<10240x128xf32, #tpu.memory_space<hbm>>) target(%dma_start3A_66 : memref<128x128xf32, #tpu.memory_space<vmem>>) offsets(%dma_start3A_69 : memref<128xi32, #tpu.memory_space<vmem>>) semaphore(%arg11 : memref<!tpu.dma_semaphore, #tpu.memory_space<semaphore_mem>>)
      } else {
      }
      %mul3A_44 = arith.constant 2 : i32
      %mul3A_45 = arith.muli %scan3A_30, %mul3A_44 : i32
      %add3A_46 = arith.constant 1 : i32
      %add3A_47 = arith.addi %mul3A_45, %add3A_46 : i32
      %dma_wait3A_48 = arith.constant 128 : i32
      %dma_wait3A_49 = arith.constant 0 : i32
      %dma_wait3A_50 = tpu.memref_slice %arg9[%dma_wait3A_48, %dma_wait3A_49] : memref<256x128xf32, #tpu.memory_space<vmem>> -> memref<128x128xf32, #tpu.memory_space<vmem>>
      %dma_wait3A_51 = arith.constant 0 : i32
      %dma_wait3A_52 = tpu.memref_slice %arg7[%add3A_47, %dma_wait3A_51] : memref<40x128xi32, #tpu.memory_space<vmem>> -> memref<1x128xi32, #tpu.memory_space<vmem>>
      %dma_wait3A_53 = tpu.memref_squeeze %dma_wait3A_52 : memref<1x128xi32, #tpu.memory_space<vmem>> -> memref<128xi32, #tpu.memory_space<vmem>>
      %dma_wait3A_54 = arith.constant 0 : i32
      %dma_wait3A_55 = arith.constant 0 : i32
      %dma_wait3A_56 = tpu.memref_slice %arg2[%dma_wait3A_54, %dma_wait3A_55] : memref<10240x128xf32, #tpu.memory_space<hbm>> -> memref<10240x128xf32, #tpu.memory_space<hbm>>
      tpu.wait_indirect_dma semaphore(%arg11 : memref<!tpu.dma_semaphore, #tpu.memory_space<semaphore_mem>>) src(%dma_wait3A_56 : memref<10240x128xf32, #tpu.memory_space<hbm>>) dst(%dma_wait3A_50 : memref<128x128xf32, #tpu.memory_space<vmem>>)
      "tpu.region"() ({
        %run_scoped3A = tpu.sem_alloc : memref<!tpu.dma_semaphore, #tpu.memory_space<semaphore_mem>>
        %dma_start3A_62 = arith.constant 128 : i32
        %dma_start3A_63 = arith.constant 0 : i32
        %dma_start3A_64 = tpu.memref_slice %arg9[%dma_start3A_62, %dma_start3A_63] : memref<256x128xf32, #tpu.memory_space<vmem>> -> memref<128x128xf32, #tpu.memory_space<vmem>>
        %dma_start3A_65 = arith.constant 0 : i32
        %dma_start3A_66 = tpu.memref_slice %arg8[%add3A_47, %dma_start3A_65] : memref<40x128xi32, #tpu.memory_space<vmem>> -> memref<1x128xi32, #tpu.memory_space<vmem>>
        %dma_start3A_67 = tpu.memref_squeeze %dma_start3A_66 : memref<1x128xi32, #tpu.memory_space<vmem>> -> memref<128xi32, #tpu.memory_space<vmem>>
        %dma_start3A_68 = arith.constant 0 : i32
        %dma_start3A_69 = arith.constant 0 : i32
        %dma_start3A_70 = tpu.memref_slice %arg10[%dma_start3A_68, %dma_start3A_69] : memref<10240x128xf32, #tpu.memory_space<vmem_shared>> -> memref<10240x128xf32, #tpu.memory_space<vmem_shared>>
        tpu.enqueue_indirect_dma source(%dma_start3A_64 : memref<128x128xf32, #tpu.memory_space<vmem>>) target(%dma_start3A_70 : memref<10240x128xf32, #tpu.memory_space<vmem_shared>>) offsets(%dma_start3A_67 : memref<128xi32, #tpu.memory_space<vmem>>) semaphore(%run_scoped3A : memref<!tpu.dma_semaphore, #tpu.memory_space<semaphore_mem>>) {add = true}
        %dma_wait3A_71 = arith.constant 128 : i32
        %dma_wait3A_72 = arith.constant 0 : i32
        %dma_wait3A_73 = tpu.memref_slice %arg9[%dma_wait3A_71, %dma_wait3A_72] : memref<256x128xf32, #tpu.memory_space<vmem>> -> memref<128x128xf32, #tpu.memory_space<vmem>>
        %dma_wait3A_74 = arith.constant 0 : i32
        %dma_wait3A_75 = tpu.memref_slice %arg8[%add3A_47, %dma_wait3A_74] : memref<40x128xi32, #tpu.memory_space<vmem>> -> memref<1x128xi32, #tpu.memory_space<vmem>>
        %dma_wait3A_76 = tpu.memref_squeeze %dma_wait3A_75 : memref<1x128xi32, #tpu.memory_space<vmem>> -> memref<128xi32, #tpu.memory_space<vmem>>
        %dma_wait3A_77 = arith.constant 0 : i32
        %dma_wait3A_78 = arith.constant 0 : i32
        %dma_wait3A_79 = tpu.memref_slice %arg10[%dma_wait3A_77, %dma_wait3A_78] : memref<10240x128xf32, #tpu.memory_space<vmem_shared>> -> memref<10240x128xf32, #tpu.memory_space<vmem_shared>>
        tpu.wait_indirect_dma semaphore(%run_scoped3A : memref<!tpu.dma_semaphore, #tpu.memory_space<semaphore_mem>>) src(%dma_wait3A_73 : memref<128x128xf32, #tpu.memory_space<vmem>>) dst(%dma_wait3A_79 : memref<10240x128xf32, #tpu.memory_space<vmem_shared>>)
        tpu.yield
      }) : () -> ()
      %lt3A_57 = arith.constant 19 : i32
      %lt3A_58 = arith.cmpi slt, %scan3A_30, %lt3A_57 : i32
      %convert_element_type3A_59 = arith.extui %lt3A_58 : i1 to i32
      %cond3A_60 = arith.constant 0 : i32
      %cond3A_61 = arith.cmpi ne, %convert_element_type3A_59, %cond3A_60 : i32
      scf.if %cond3A_61 {
        %add3A_62 = arith.constant 2 : i32
        %add3A_63 = arith.addi %add3A_47, %add3A_62 : i32
        %dma_start3A_64 = arith.constant 128 : i32
        %dma_start3A_65 = arith.constant 0 : i32
        %dma_start3A_66 = tpu.memref_slice %arg9[%dma_start3A_64, %dma_start3A_65] : memref<256x128xf32, #tpu.memory_space<vmem>> -> memref<128x128xf32, #tpu.memory_space<vmem>>
        %dma_start3A_67 = arith.constant 0 : i32
        %dma_start3A_68 = tpu.memref_slice %arg7[%add3A_63, %dma_start3A_67] : memref<40x128xi32, #tpu.memory_space<vmem>> -> memref<1x128xi32, #tpu.memory_space<vmem>>
        %dma_start3A_69 = tpu.memref_squeeze %dma_start3A_68 : memref<1x128xi32, #tpu.memory_space<vmem>> -> memref<128xi32, #tpu.memory_space<vmem>>
        %dma_start3A_70 = arith.constant 0 : i32
        %dma_start3A_71 = arith.constant 0 : i32
        %dma_start3A_72 = tpu.memref_slice %arg2[%dma_start3A_70, %dma_start3A_71] : memref<10240x128xf32, #tpu.memory_space<hbm>> -> memref<10240x128xf32, #tpu.memory_space<hbm>>
        tpu.enqueue_indirect_dma source(%dma_start3A_72 : memref<10240x128xf32, #tpu.memory_space<hbm>>) target(%dma_start3A_66 : memref<128x128xf32, #tpu.memory_space<vmem>>) offsets(%dma_start3A_69 : memref<128xi32, #tpu.memory_space<vmem>>) semaphore(%arg11 : memref<!tpu.dma_semaphore, #tpu.memory_space<semaphore_mem>>)
      } else {
      }
    }
    %scan3A_24 = arith.constant 20 : i32
    %barrier3A_25 = arith.constant 0 : index
    tpu.barrier barrier_id(%barrier3A_25)
    %mul3A_26 = arith.constant 640 : i32
    %mul3A_27 = arith.muli %arg1, %mul3A_26 : i32
    %mul3A_28 = arith.constant 640 : i32
    %mul3A_29 = arith.muli %arg1, %mul3A_28 : i32
    "tpu.region"() ({
      %run_scoped3A = tpu.sem_alloc : memref<!tpu.dma_semaphore, #tpu.memory_space<semaphore_mem>>
      %dma_start3A_30 = arith.constant 0 : i32
      %dma_start3A_31 = tpu.memref_slice %arg6[%arg0, %mul3A_29, %dma_start3A_30] : memref<2x10240x128xf32, #tpu.memory_space<hbm>> -> memref<1x640x128xf32, #tpu.memory_space<hbm>>
      %dma_start3A_32 = tpu.memref_squeeze %dma_start3A_31 : memref<1x640x128xf32, #tpu.memory_space<hbm>> -> memref<640x128xf32, #tpu.memory_space<hbm>>
      %dma_start3A_33 = arith.constant 0 : i32
      %dma_start3A_34 = tpu.memref_slice %arg10[%mul3A_27, %dma_start3A_33] : memref<10240x128xf32, #tpu.memory_space<vmem_shared>> -> memref<640x128xf32, #tpu.memory_space<vmem_shared>>
      tpu.enqueue_dma source(%dma_start3A_34 : memref<640x128xf32, #tpu.memory_space<vmem_shared>>) target(%dma_start3A_32 : memref<640x128xf32, #tpu.memory_space<hbm>>) target_semaphore(%run_scoped3A : memref<!tpu.dma_semaphore, #tpu.memory_space<semaphore_mem>>)
      %dma_wait3A = arith.constant 0 : i32
      %dma_wait3A_35 = tpu.memref_slice %arg6[%arg0, %mul3A_29, %dma_wait3A] : memref<2x10240x128xf32, #tpu.memory_space<hbm>> -> memref<1x640x128xf32, #tpu.memory_space<hbm>>
      %dma_wait3A_36 = tpu.memref_squeeze %dma_wait3A_35 : memref<1x640x128xf32, #tpu.memory_space<hbm>> -> memref<640x128xf32, #tpu.memory_space<hbm>>
      %dma_wait3A_37 = arith.constant 0 : i32
      %dma_wait3A_38 = tpu.memref_slice %arg10[%mul3A_27, %dma_wait3A_37] : memref<10240x128xf32, #tpu.memory_space<vmem_shared>> -> memref<640x128xf32, #tpu.memory_space<vmem_shared>>
      tpu.wait_dma2 semaphore(%run_scoped3A : memref<!tpu.dma_semaphore, #tpu.memory_space<semaphore_mem>>) src(%dma_wait3A_38 : memref<640x128xf32, #tpu.memory_space<vmem_shared>>) dst(%dma_wait3A_36 : memref<640x128xf32, #tpu.memory_space<hbm>>)
      tpu.yield
    }) : () -> ()
    return
  }
}

#map = affine_map<(d0, d1) -> (0, 0, 0, 0)>
#map1 = affine_map<(d0, d1) -> (0)>
#map2 = affine_map<(d0, d1) -> (0, 0)>
module attributes {stable_mosaic.version = 14 : i64} {
  func.func @body_fn(%arg0: i32, %arg1: i32, %arg2: memref<2x16x80x128xi32, #tpu.memory_space<hbm>>, %arg3: memref<640xf32, #tpu.memory_space<hbm>>, %arg4: memref<128xf32, #tpu.memory_space<hbm>>, %arg5: memref<2x10240xf32, #tpu.memory_space<hbm>>, %arg6: memref<80x128xi32, #tpu.memory_space<vmem>>, %arg7: memref<128xf32, #tpu.memory_space<vmem>>, %arg8: memref<10240xf32, #tpu.memory_space<vmem_shared>>) attributes {dimension_semantics = [#tpu.dimension_semantics<core_parallel>, #tpu.dimension_semantics<subcore_parallel>], iteration_bounds = array<i64: 2, 16>, scalar_prefetch = 0 : i64, scratch_operands = 3 : i64, tpu.core_type = #tpu.core_type<sc_vector_subcore>, window_params = [{transform_indices = #map}, {transform_indices = #map1}, {transform_indices = #map1}, {transform_indices = #map2}]} {
    "tpu.region"() ({
      %run_scoped3A = tpu.sem_alloc : memref<!tpu.dma_semaphore, #tpu.memory_space<semaphore_mem>>
      %dma_start3A = arith.constant 0 : i32
      %dma_start3A_11 = arith.constant 0 : i32
      %dma_start3A_12 = tpu.memref_slice %arg2[%arg0, %arg1, %dma_start3A, %dma_start3A_11] : memref<2x16x80x128xi32, #tpu.memory_space<hbm>> -> memref<1x1x80x128xi32, #tpu.memory_space<hbm>>
      %dma_start3A_13 = tpu.memref_squeeze %dma_start3A_12 : memref<1x1x80x128xi32, #tpu.memory_space<hbm>> -> memref<80x128xi32, #tpu.memory_space<hbm>>
      %dma_start3A_14 = arith.constant 0 : i32
      %dma_start3A_15 = arith.constant 0 : i32
      %dma_start3A_16 = tpu.memref_slice %arg2[%arg0, %arg1, %dma_start3A_14, %dma_start3A_15] : memref<2x16x80x128xi32, #tpu.memory_space<hbm>> -> memref<1x1x80x128xi32, #tpu.memory_space<hbm>>
      %dma_start3A_17 = tpu.memref_squeeze %dma_start3A_16 : memref<1x1x80x128xi32, #tpu.memory_space<hbm>> -> memref<80x128xi32, #tpu.memory_space<hbm>>
      tpu.enqueue_dma source(%dma_start3A_17 : memref<80x128xi32, #tpu.memory_space<hbm>>) target(%arg6 : memref<80x128xi32, #tpu.memory_space<vmem>>) target_semaphore(%run_scoped3A : memref<!tpu.dma_semaphore, #tpu.memory_space<semaphore_mem>>)
      %dma_wait3A = arith.constant 0 : i32
      %dma_wait3A_18 = arith.constant 0 : i32
      %dma_wait3A_19 = tpu.memref_slice %arg2[%arg0, %arg1, %dma_wait3A, %dma_wait3A_18] : memref<2x16x80x128xi32, #tpu.memory_space<hbm>> -> memref<1x1x80x128xi32, #tpu.memory_space<hbm>>
      %dma_wait3A_20 = tpu.memref_squeeze %dma_wait3A_19 : memref<1x1x80x128xi32, #tpu.memory_space<hbm>> -> memref<80x128xi32, #tpu.memory_space<hbm>>
      %dma_wait3A_21 = arith.constant 0 : i32
      %dma_wait3A_22 = arith.constant 0 : i32
      %dma_wait3A_23 = tpu.memref_slice %arg2[%arg0, %arg1, %dma_wait3A_21, %dma_wait3A_22] : memref<2x16x80x128xi32, #tpu.memory_space<hbm>> -> memref<1x1x80x128xi32, #tpu.memory_space<hbm>>
      %dma_wait3A_24 = tpu.memref_squeeze %dma_wait3A_23 : memref<1x1x80x128xi32, #tpu.memory_space<hbm>> -> memref<80x128xi32, #tpu.memory_space<hbm>>
      tpu.wait_dma2 semaphore(%run_scoped3A : memref<!tpu.dma_semaphore, #tpu.memory_space<semaphore_mem>>) src(%dma_wait3A_24 : memref<80x128xi32, #tpu.memory_space<hbm>>) dst(%arg6 : memref<80x128xi32, #tpu.memory_space<vmem>>)
      tpu.yield
    }) : () -> ()
    "tpu.region"() ({
      %run_scoped3A = tpu.sem_alloc : memref<!tpu.dma_semaphore, #tpu.memory_space<semaphore_mem>>
      tpu.enqueue_dma source(%arg4 : memref<128xf32, #tpu.memory_space<hbm>>) target(%arg7 : memref<128xf32, #tpu.memory_space<vmem>>) target_semaphore(%run_scoped3A : memref<!tpu.dma_semaphore, #tpu.memory_space<semaphore_mem>>)
      tpu.wait_dma2 semaphore(%run_scoped3A : memref<!tpu.dma_semaphore, #tpu.memory_space<semaphore_mem>>) src(%arg4 : memref<128xf32, #tpu.memory_space<hbm>>) dst(%arg7 : memref<128xf32, #tpu.memory_space<vmem>>)
      tpu.yield
    }) : () -> ()
    %mul3A = arith.constant 640 : i32
    %mul3A_0 = arith.muli %arg1, %mul3A : i32
    "tpu.region"() ({
      %run_scoped3A = tpu.sem_alloc : memref<!tpu.dma_semaphore, #tpu.memory_space<semaphore_mem>>
      %dma_start3A = tpu.memref_slice %arg8[%mul3A_0] : memref<10240xf32, #tpu.memory_space<vmem_shared>> -> memref<640xf32, #tpu.memory_space<vmem_shared>>
      tpu.enqueue_dma source(%arg3 : memref<640xf32, #tpu.memory_space<hbm>>) target(%dma_start3A : memref<640xf32, #tpu.memory_space<vmem_shared>>) target_semaphore(%run_scoped3A : memref<!tpu.dma_semaphore, #tpu.memory_space<semaphore_mem>>)
      %dma_wait3A = tpu.memref_slice %arg8[%mul3A_0] : memref<10240xf32, #tpu.memory_space<vmem_shared>> -> memref<640xf32, #tpu.memory_space<vmem_shared>>
      tpu.wait_dma2 semaphore(%run_scoped3A : memref<!tpu.dma_semaphore, #tpu.memory_space<semaphore_mem>>) src(%arg3 : memref<640xf32, #tpu.memory_space<hbm>>) dst(%dma_wait3A : memref<640xf32, #tpu.memory_space<vmem_shared>>)
      tpu.yield
    }) : () -> ()
    %barrier3A = arith.constant 0 : index
    tpu.barrier barrier_id(%barrier3A)
    %scan3A = arith.constant 0 : i32
    %scan3A_1 = arith.constant 0 : i32
    %scan3A_2 = arith.constant 80 : i32
    %scan3A_3 = arith.addi %scan3A_1, %scan3A_2 : i32
    %scan3A_4 = arith.constant 1 : i32
    scf.for %scan3A_11 = %scan3A_1 to %scan3A_3 step %scan3A_4  : i32 {
      "tpu.region"() ({
        %run_scoped3A = tpu.sem_alloc : memref<!tpu.dma_semaphore, #tpu.memory_space<semaphore_mem>>
        %dma_start3A = arith.constant 0 : i32
        %dma_start3A_12 = tpu.memref_slice %arg6[%scan3A_11, %dma_start3A] : memref<80x128xi32, #tpu.memory_space<vmem>> -> memref<1x128xi32, #tpu.memory_space<vmem>>
        %dma_start3A_13 = tpu.memref_squeeze %dma_start3A_12 : memref<1x128xi32, #tpu.memory_space<vmem>> -> memref<128xi32, #tpu.memory_space<vmem>>
        %dma_start3A_14 = arith.constant 0 : i32
        %dma_start3A_15 = tpu.memref_slice %arg8[%dma_start3A_14] : memref<10240xf32, #tpu.memory_space<vmem_shared>> -> memref<10240xf32, #tpu.memory_space<vmem_shared>>
        tpu.enqueue_indirect_dma source(%arg7 : memref<128xf32, #tpu.memory_space<vmem>>) target(%dma_start3A_15 : memref<10240xf32, #tpu.memory_space<vmem_shared>>) offsets(%dma_start3A_13 : memref<128xi32, #tpu.memory_space<vmem>>) semaphore(%run_scoped3A : memref<!tpu.dma_semaphore, #tpu.memory_space<semaphore_mem>>) {add = true}
        %dma_wait3A = arith.constant 0 : i32
        %dma_wait3A_16 = tpu.memref_slice %arg6[%scan3A_11, %dma_wait3A] : memref<80x128xi32, #tpu.memory_space<vmem>> -> memref<1x128xi32, #tpu.memory_space<vmem>>
        %dma_wait3A_17 = tpu.memref_squeeze %dma_wait3A_16 : memref<1x128xi32, #tpu.memory_space<vmem>> -> memref<128xi32, #tpu.memory_space<vmem>>
        %dma_wait3A_18 = arith.constant 0 : i32
        %dma_wait3A_19 = tpu.memref_slice %arg8[%dma_wait3A_18] : memref<10240xf32, #tpu.memory_space<vmem_shared>> -> memref<10240xf32, #tpu.memory_space<vmem_shared>>
        tpu.wait_indirect_dma semaphore(%run_scoped3A : memref<!tpu.dma_semaphore, #tpu.memory_space<semaphore_mem>>) src(%arg7 : memref<128xf32, #tpu.memory_space<vmem>>) dst(%dma_wait3A_19 : memref<10240xf32, #tpu.memory_space<vmem_shared>>)
        tpu.yield
      }) : () -> ()
    }
    %scan3A_5 = arith.constant 80 : i32
    %barrier3A_6 = arith.constant 0 : index
    tpu.barrier barrier_id(%barrier3A_6)
    %mul3A_7 = arith.constant 640 : i32
    %mul3A_8 = arith.muli %arg1, %mul3A_7 : i32
    %mul3A_9 = arith.constant 640 : i32
    %mul3A_10 = arith.muli %arg1, %mul3A_9 : i32
    "tpu.region"() ({
      %run_scoped3A = tpu.sem_alloc : memref<!tpu.dma_semaphore, #tpu.memory_space<semaphore_mem>>
      %dma_start3A = tpu.memref_slice %arg5[%arg0, %mul3A_10] : memref<2x10240xf32, #tpu.memory_space<hbm>> -> memref<1x640xf32, #tpu.memory_space<hbm>>
      %dma_start3A_11 = tpu.memref_squeeze %dma_start3A : memref<1x640xf32, #tpu.memory_space<hbm>> -> memref<640xf32, #tpu.memory_space<hbm>>
      %dma_start3A_12 = tpu.memref_slice %arg8[%mul3A_8] : memref<10240xf32, #tpu.memory_space<vmem_shared>> -> memref<640xf32, #tpu.memory_space<vmem_shared>>
      tpu.enqueue_dma source(%dma_start3A_12 : memref<640xf32, #tpu.memory_space<vmem_shared>>) target(%dma_start3A_11 : memref<640xf32, #tpu.memory_space<hbm>>) target_semaphore(%run_scoped3A : memref<!tpu.dma_semaphore, #tpu.memory_space<semaphore_mem>>)
      %dma_wait3A = tpu.memref_slice %arg5[%arg0, %mul3A_10] : memref<2x10240xf32, #tpu.memory_space<hbm>> -> memref<1x640xf32, #tpu.memory_space<hbm>>
      %dma_wait3A_13 = tpu.memref_squeeze %dma_wait3A : memref<1x640xf32, #tpu.memory_space<hbm>> -> memref<640xf32, #tpu.memory_space<hbm>>
      %dma_wait3A_14 = tpu.memref_slice %arg8[%mul3A_8] : memref<10240xf32, #tpu.memory_space<vmem_shared>> -> memref<640xf32, #tpu.memory_space<vmem_shared>>
      tpu.wait_dma2 semaphore(%run_scoped3A : memref<!tpu.dma_semaphore, #tpu.memory_space<semaphore_mem>>) src(%dma_wait3A_14 : memref<640xf32, #tpu.memory_space<vmem_shared>>) dst(%dma_wait3A_13 : memref<640xf32, #tpu.memory_space<hbm>>)
      tpu.yield
    }) : () -> ()
    return
  }
}

#map = affine_map<(d0, d1) -> (0, 0)>
#map1 = affine_map<(d0, d1) -> (0, 0, 0, 0)>
#map2 = affine_map<(d0, d1) -> (0, 0, 0)>
module attributes {stable_mosaic.version = 14 : i64} {
  func.func @body_fn(%arg0: i32, %arg1: i32, %arg2: memref<10240x128xf32, #tpu.memory_space<hbm>>, %arg3: memref<2x16x40x128xi32, #tpu.memory_space<hbm>>, %arg4: memref<2x16x40x128xi32, #tpu.memory_space<hbm>>, %arg5: memref<640x128xf32, #tpu.memory_space<hbm>>, %arg6: memref<2x10240x128xf32, #tpu.memory_space<hbm>>, %arg7: memref<40x128xi32, #tpu.memory_space<vmem>>, %arg8: memref<40x128xi32, #tpu.memory_space<vmem>>, %arg9: memref<256x128xf32, #tpu.memory_space<vmem>>, %arg10: memref<10240x128xf32, #tpu.memory_space<vmem_shared>>, %arg11: memref<!tpu.dma_semaphore, #tpu.memory_space<semaphore_mem>>) attributes {dimension_semantics = [#tpu.dimension_semantics<core_parallel>, #tpu.dimension_semantics<subcore_parallel>], iteration_bounds = array<i64: 2, 16>, scalar_prefetch = 0 : i64, scratch_operands = 5 : i64, tpu.core_type = #tpu.core_type<sc_vector_subcore>, window_params = [{transform_indices = #map}, {transform_indices = #map1}, {transform_indices = #map1}, {transform_indices = #map}, {transform_indices = #map2}]} {
    "tpu.region"() ({
      %run_scoped3A = tpu.sem_alloc : memref<!tpu.dma_semaphore, #tpu.memory_space<semaphore_mem>>
      %dma_start3A_30 = arith.constant 0 : i32
      %dma_start3A_31 = arith.constant 0 : i32
      %dma_start3A_32 = tpu.memref_slice %arg3[%arg0, %arg1, %dma_start3A_30, %dma_start3A_31] : memref<2x16x40x128xi32, #tpu.memory_space<hbm>> -> memref<1x1x40x128xi32, #tpu.memory_space<hbm>>
      %dma_start3A_33 = tpu.memref_squeeze %dma_start3A_32 : memref<1x1x40x128xi32, #tpu.memory_space<hbm>> -> memref<40x128xi32, #tpu.memory_space<hbm>>
      %dma_start3A_34 = arith.constant 0 : i32
      %dma_start3A_35 = arith.constant 0 : i32
      %dma_start3A_36 = tpu.memref_slice %arg3[%arg0, %arg1, %dma_start3A_34, %dma_start3A_35] : memref<2x16x40x128xi32, #tpu.memory_space<hbm>> -> memref<1x1x40x128xi32, #tpu.memory_space<hbm>>
      %dma_start3A_37 = tpu.memref_squeeze %dma_start3A_36 : memref<1x1x40x128xi32, #tpu.memory_space<hbm>> -> memref<40x128xi32, #tpu.memory_space<hbm>>
      tpu.enqueue_dma source(%dma_start3A_37 : memref<40x128xi32, #tpu.memory_space<hbm>>) target(%arg7 : memref<40x128xi32, #tpu.memory_space<vmem>>) target_semaphore(%run_scoped3A : memref<!tpu.dma_semaphore, #tpu.memory_space<semaphore_mem>>)
      %dma_wait3A = arith.constant 0 : i32
      %dma_wait3A_38 = arith.constant 0 : i32
      %dma_wait3A_39 = tpu.memref_slice %arg3[%arg0, %arg1, %dma_wait3A, %dma_wait3A_38] : memref<2x16x40x128xi32, #tpu.memory_space<hbm>> -> memref<1x1x40x128xi32, #tpu.memory_space<hbm>>
      %dma_wait3A_40 = tpu.memref_squeeze %dma_wait3A_39 : memref<1x1x40x128xi32, #tpu.memory_space<hbm>> -> memref<40x128xi32, #tpu.memory_space<hbm>>
      %dma_wait3A_41 = arith.constant 0 : i32
      %dma_wait3A_42 = arith.constant 0 : i32
      %dma_wait3A_43 = tpu.memref_slice %arg3[%arg0, %arg1, %dma_wait3A_41, %dma_wait3A_42] : memref<2x16x40x128xi32, #tpu.memory_space<hbm>> -> memref<1x1x40x128xi32, #tpu.memory_space<hbm>>
      %dma_wait3A_44 = tpu.memref_squeeze %dma_wait3A_43 : memref<1x1x40x128xi32, #tpu.memory_space<hbm>> -> memref<40x128xi32, #tpu.memory_space<hbm>>
      tpu.wait_dma2 semaphore(%run_scoped3A : memref<!tpu.dma_semaphore, #tpu.memory_space<semaphore_mem>>) src(%dma_wait3A_44 : memref<40x128xi32, #tpu.memory_space<hbm>>) dst(%arg7 : memref<40x128xi32, #tpu.memory_space<vmem>>)
      tpu.yield
    }) : () -> ()
    "tpu.region"() ({
      %run_scoped3A = tpu.sem_alloc : memref<!tpu.dma_semaphore, #tpu.memory_space<semaphore_mem>>
      %dma_start3A_30 = arith.constant 0 : i32
      %dma_start3A_31 = arith.constant 0 : i32
      %dma_start3A_32 = tpu.memref_slice %arg4[%arg0, %arg1, %dma_start3A_30, %dma_start3A_31] : memref<2x16x40x128xi32, #tpu.memory_space<hbm>> -> memref<1x1x40x128xi32, #tpu.memory_space<hbm>>
      %dma_start3A_33 = tpu.memref_squeeze %dma_start3A_32 : memref<1x1x40x128xi32, #tpu.memory_space<hbm>> -> memref<40x128xi32, #tpu.memory_space<hbm>>
      %dma_start3A_34 = arith.constant 0 : i32
      %dma_start3A_35 = arith.constant 0 : i32
      %dma_start3A_36 = tpu.memref_slice %arg4[%arg0, %arg1, %dma_start3A_34, %dma_start3A_35] : memref<2x16x40x128xi32, #tpu.memory_space<hbm>> -> memref<1x1x40x128xi32, #tpu.memory_space<hbm>>
      %dma_start3A_37 = tpu.memref_squeeze %dma_start3A_36 : memref<1x1x40x128xi32, #tpu.memory_space<hbm>> -> memref<40x128xi32, #tpu.memory_space<hbm>>
      tpu.enqueue_dma source(%dma_start3A_37 : memref<40x128xi32, #tpu.memory_space<hbm>>) target(%arg8 : memref<40x128xi32, #tpu.memory_space<vmem>>) target_semaphore(%run_scoped3A : memref<!tpu.dma_semaphore, #tpu.memory_space<semaphore_mem>>)
      %dma_wait3A = arith.constant 0 : i32
      %dma_wait3A_38 = arith.constant 0 : i32
      %dma_wait3A_39 = tpu.memref_slice %arg4[%arg0, %arg1, %dma_wait3A, %dma_wait3A_38] : memref<2x16x40x128xi32, #tpu.memory_space<hbm>> -> memref<1x1x40x128xi32, #tpu.memory_space<hbm>>
      %dma_wait3A_40 = tpu.memref_squeeze %dma_wait3A_39 : memref<1x1x40x128xi32, #tpu.memory_space<hbm>> -> memref<40x128xi32, #tpu.memory_space<hbm>>
      %dma_wait3A_41 = arith.constant 0 : i32
      %dma_wait3A_42 = arith.constant 0 : i32
      %dma_wait3A_43 = tpu.memref_slice %arg4[%arg0, %arg1, %dma_wait3A_41, %dma_wait3A_42] : memref<2x16x40x128xi32, #tpu.memory_space<hbm>> -> memref<1x1x40x128xi32, #tpu.memory_space<hbm>>
      %dma_wait3A_44 = tpu.memref_squeeze %dma_wait3A_43 : memref<1x1x40x128xi32, #tpu.memory_space<hbm>> -> memref<40x128xi32, #tpu.memory_space<hbm>>
      tpu.wait_dma2 semaphore(%run_scoped3A : memref<!tpu.dma_semaphore, #tpu.memory_space<semaphore_mem>>) src(%dma_wait3A_44 : memref<40x128xi32, #tpu.memory_space<hbm>>) dst(%arg8 : memref<40x128xi32, #tpu.memory_space<vmem>>)
      tpu.yield
    }) : () -> ()
    %mul3A = arith.constant 640 : i32
    %mul3A_0 = arith.muli %arg1, %mul3A : i32
    "tpu.region"() ({
      %run_scoped3A = tpu.sem_alloc : memref<!tpu.dma_semaphore, #tpu.memory_space<semaphore_mem>>
      %dma_start3A_30 = arith.constant 0 : i32
      %dma_start3A_31 = tpu.memref_slice %arg10[%mul3A_0, %dma_start3A_30] : memref<10240x128xf32, #tpu.memory_space<vmem_shared>> -> memref<640x128xf32, #tpu.memory_space<vmem_shared>>
      tpu.enqueue_dma source(%arg5 : memref<640x128xf32, #tpu.memory_space<hbm>>) target(%dma_start3A_31 : memref<640x128xf32, #tpu.memory_space<vmem_shared>>) target_semaphore(%run_scoped3A : memref<!tpu.dma_semaphore, #tpu.memory_space<semaphore_mem>>)
      %dma_wait3A = arith.constant 0 : i32
      %dma_wait3A_32 = tpu.memref_slice %arg10[%mul3A_0, %dma_wait3A] : memref<10240x128xf32, #tpu.memory_space<vmem_shared>> -> memref<640x128xf32, #tpu.memory_space<vmem_shared>>
      tpu.wait_dma2 semaphore(%run_scoped3A : memref<!tpu.dma_semaphore, #tpu.memory_space<semaphore_mem>>) src(%arg5 : memref<640x128xf32, #tpu.memory_space<hbm>>) dst(%dma_wait3A_32 : memref<640x128xf32, #tpu.memory_space<vmem_shared>>)
      tpu.yield
    }) : () -> ()
    %barrier3A = arith.constant 0 : index
    tpu.barrier barrier_id(%barrier3A)
    %dma_start3A = arith.constant 0 : i32
    %dma_start3A_1 = arith.constant 0 : i32
    %dma_start3A_2 = arith.constant 0 : i32
    %dma_start3A_3 = tpu.memref_slice %arg9[%dma_start3A_1, %dma_start3A_2] : memref<256x128xf32, #tpu.memory_space<vmem>> -> memref<128x128xf32, #tpu.memory_space<vmem>>
    %dma_start3A_4 = arith.constant 0 : i32
    %dma_start3A_5 = tpu.memref_slice %arg7[%dma_start3A, %dma_start3A_4] : memref<40x128xi32, #tpu.memory_space<vmem>> -> memref<1x128xi32, #tpu.memory_space<vmem>>
    %dma_start3A_6 = tpu.memref_squeeze %dma_start3A_5 : memref<1x128xi32, #tpu.memory_space<vmem>> -> memref<128xi32, #tpu.memory_space<vmem>>
    %dma_start3A_7 = arith.constant 0 : i32
    %dma_start3A_8 = arith.constant 0 : i32
    %dma_start3A_9 = tpu.memref_slice %arg2[%dma_start3A_7, %dma_start3A_8] : memref<10240x128xf32, #tpu.memory_space<hbm>> -> memref<10240x128xf32, #tpu.memory_space<hbm>>
    tpu.enqueue_indirect_dma source(%dma_start3A_9 : memref<10240x128xf32, #tpu.memory_space<hbm>>) target(%dma_start3A_3 : memref<128x128xf32, #tpu.memory_space<vmem>>) offsets(%dma_start3A_6 : memref<128xi32, #tpu.memory_space<vmem>>) semaphore(%arg11 : memref<!tpu.dma_semaphore, #tpu.memory_space<semaphore_mem>>)
    %dma_start3A_10 = arith.constant 1 : i32
    %dma_start3A_11 = arith.constant 128 : i32
    %dma_start3A_12 = arith.constant 0 : i32
    %dma_start3A_13 = tpu.memref_slice %arg9[%dma_start3A_11, %dma_start3A_12] : memref<256x128xf32, #tpu.memory_space<vmem>> -> memref<128x128xf32, #tpu.memory_space<vmem>>
    %dma_start3A_14 = arith.constant 0 : i32
    %dma_start3A_15 = tpu.memref_slice %arg7[%dma_start3A_10, %dma_start3A_14] : memref<40x128xi32, #tpu.memory_space<vmem>> -> memref<1x128xi32, #tpu.memory_space<vmem>>
    %dma_start3A_16 = tpu.memref_squeeze %dma_start3A_15 : memref<1x128xi32, #tpu.memory_space<vmem>> -> memref<128xi32, #tpu.memory_space<vmem>>
    %dma_start3A_17 = arith.constant 0 : i32
    %dma_start3A_18 = arith.constant 0 : i32
    %dma_start3A_19 = tpu.memref_slice %arg2[%dma_start3A_17, %dma_start3A_18] : memref<10240x128xf32, #tpu.memory_space<hbm>> -> memref<10240x128xf32, #tpu.memory_space<hbm>>
    tpu.enqueue_indirect_dma source(%dma_start3A_19 : memref<10240x128xf32, #tpu.memory_space<hbm>>) target(%dma_start3A_13 : memref<128x128xf32, #tpu.memory_space<vmem>>) offsets(%dma_start3A_16 : memref<128xi32, #tpu.memory_space<vmem>>) semaphore(%arg11 : memref<!tpu.dma_semaphore, #tpu.memory_space<semaphore_mem>>)
    %scan3A = arith.constant 0 : i32
    %scan3A_20 = arith.constant 0 : i32
    %scan3A_21 = arith.constant 20 : i32
    %scan3A_22 = arith.addi %scan3A_20, %scan3A_21 : i32
    %scan3A_23 = arith.constant 1 : i32
    scf.for %scan3A_30 = %scan3A_20 to %scan3A_22 step %scan3A_23  : i32 {
      %mul3A_31 = arith.constant 2 : i32
      %mul3A_32 = arith.muli %scan3A_30, %mul3A_31 : i32
      %add3A = arith.constant 0 : i32
      %add3A_33 = arith.addi %mul3A_32, %add3A : i32
      %dma_wait3A = arith.constant 0 : i32
      %dma_wait3A_34 = arith.constant 0 : i32
      %dma_wait3A_35 = tpu.memref_slice %arg9[%dma_wait3A, %dma_wait3A_34] : memref<256x128xf32, #tpu.memory_space<vmem>> -> memref<128x128xf32, #tpu.memory_space<vmem>>
      %dma_wait3A_36 = arith.constant 0 : i32
      %dma_wait3A_37 = tpu.memref_slice %arg7[%add3A_33, %dma_wait3A_36] : memref<40x128xi32, #tpu.memory_space<vmem>> -> memref<1x128xi32, #tpu.memory_space<vmem>>
      %dma_wait3A_38 = tpu.memref_squeeze %dma_wait3A_37 : memref<1x128xi32, #tpu.memory_space<vmem>> -> memref<128xi32, #tpu.memory_space<vmem>>
      %dma_wait3A_39 = arith.constant 0 : i32
      %dma_wait3A_40 = arith.constant 0 : i32
      %dma_wait3A_41 = tpu.memref_slice %arg2[%dma_wait3A_39, %dma_wait3A_40] : memref<10240x128xf32, #tpu.memory_space<hbm>> -> memref<10240x128xf32, #tpu.memory_space<hbm>>
      tpu.wait_indirect_dma semaphore(%arg11 : memref<!tpu.dma_semaphore, #tpu.memory_space<semaphore_mem>>) src(%dma_wait3A_41 : memref<10240x128xf32, #tpu.memory_space<hbm>>) dst(%dma_wait3A_35 : memref<128x128xf32, #tpu.memory_space<vmem>>)
      "tpu.region"() ({
        %run_scoped3A = tpu.sem_alloc : memref<!tpu.dma_semaphore, #tpu.memory_space<semaphore_mem>>
        %dma_start3A_62 = arith.constant 0 : i32
        %dma_start3A_63 = arith.constant 0 : i32
        %dma_start3A_64 = tpu.memref_slice %arg9[%dma_start3A_62, %dma_start3A_63] : memref<256x128xf32, #tpu.memory_space<vmem>> -> memref<128x128xf32, #tpu.memory_space<vmem>>
        %dma_start3A_65 = arith.constant 0 : i32
        %dma_start3A_66 = tpu.memref_slice %arg8[%add3A_33, %dma_start3A_65] : memref<40x128xi32, #tpu.memory_space<vmem>> -> memref<1x128xi32, #tpu.memory_space<vmem>>
        %dma_start3A_67 = tpu.memref_squeeze %dma_start3A_66 : memref<1x128xi32, #tpu.memory_space<vmem>> -> memref<128xi32, #tpu.memory_space<vmem>>
        %dma_start3A_68 = arith.constant 0 : i32
        %dma_start3A_69 = arith.constant 0 : i32
        %dma_start3A_70 = tpu.memref_slice %arg10[%dma_start3A_68, %dma_start3A_69] : memref<10240x128xf32, #tpu.memory_space<vmem_shared>> -> memref<10240x128xf32, #tpu.memory_space<vmem_shared>>
        tpu.enqueue_indirect_dma source(%dma_start3A_64 : memref<128x128xf32, #tpu.memory_space<vmem>>) target(%dma_start3A_70 : memref<10240x128xf32, #tpu.memory_space<vmem_shared>>) offsets(%dma_start3A_67 : memref<128xi32, #tpu.memory_space<vmem>>) semaphore(%run_scoped3A : memref<!tpu.dma_semaphore, #tpu.memory_space<semaphore_mem>>) {add = true}
        %dma_wait3A_71 = arith.constant 0 : i32
        %dma_wait3A_72 = arith.constant 0 : i32
        %dma_wait3A_73 = tpu.memref_slice %arg9[%dma_wait3A_71, %dma_wait3A_72] : memref<256x128xf32, #tpu.memory_space<vmem>> -> memref<128x128xf32, #tpu.memory_space<vmem>>
        %dma_wait3A_74 = arith.constant 0 : i32
        %dma_wait3A_75 = tpu.memref_slice %arg8[%add3A_33, %dma_wait3A_74] : memref<40x128xi32, #tpu.memory_space<vmem>> -> memref<1x128xi32, #tpu.memory_space<vmem>>
        %dma_wait3A_76 = tpu.memref_squeeze %dma_wait3A_75 : memref<1x128xi32, #tpu.memory_space<vmem>> -> memref<128xi32, #tpu.memory_space<vmem>>
        %dma_wait3A_77 = arith.constant 0 : i32
        %dma_wait3A_78 = arith.constant 0 : i32
        %dma_wait3A_79 = tpu.memref_slice %arg10[%dma_wait3A_77, %dma_wait3A_78] : memref<10240x128xf32, #tpu.memory_space<vmem_shared>> -> memref<10240x128xf32, #tpu.memory_space<vmem_shared>>
        tpu.wait_indirect_dma semaphore(%run_scoped3A : memref<!tpu.dma_semaphore, #tpu.memory_space<semaphore_mem>>) src(%dma_wait3A_73 : memref<128x128xf32, #tpu.memory_space<vmem>>) dst(%dma_wait3A_79 : memref<10240x128xf32, #tpu.memory_space<vmem_shared>>)
        tpu.yield
      }) : () -> ()
      %lt3A = arith.constant 19 : i32
      %lt3A_42 = arith.cmpi slt, %scan3A_30, %lt3A : i32
      %convert_element_type3A = arith.extui %lt3A_42 : i1 to i32
      %cond3A = arith.constant 0 : i32
      %cond3A_43 = arith.cmpi ne, %convert_element_type3A, %cond3A : i32
      scf.if %cond3A_43 {
        %add3A_62 = arith.constant 2 : i32
        %add3A_63 = arith.addi %add3A_33, %add3A_62 : i32
        %dma_start3A_64 = arith.constant 0 : i32
        %dma_start3A_65 = arith.constant 0 : i32
        %dma_start3A_66 = tpu.memref_slice %arg9[%dma_start3A_64, %dma_start3A_65] : memref<256x128xf32, #tpu.memory_space<vmem>> -> memref<128x128xf32, #tpu.memory_space<vmem>>
        %dma_start3A_67 = arith.constant 0 : i32
        %dma_start3A_68 = tpu.memref_slice %arg7[%add3A_63, %dma_start3A_67] : memref<40x128xi32, #tpu.memory_space<vmem>> -> memref<1x128xi32, #tpu.memory_space<vmem>>
        %dma_start3A_69 = tpu.memref_squeeze %dma_start3A_68 : memref<1x128xi32, #tpu.memory_space<vmem>> -> memref<128xi32, #tpu.memory_space<vmem>>
        %dma_start3A_70 = arith.constant 0 : i32
        %dma_start3A_71 = arith.constant 0 : i32
        %dma_start3A_72 = tpu.memref_slice %arg2[%dma_start3A_70, %dma_start3A_71] : memref<10240x128xf32, #tpu.memory_space<hbm>> -> memref<10240x128xf32, #tpu.memory_space<hbm>>
        tpu.enqueue_indirect_dma source(%dma_start3A_72 : memref<10240x128xf32, #tpu.memory_space<hbm>>) target(%dma_start3A_66 : memref<128x128xf32, #tpu.memory_space<vmem>>) offsets(%dma_start3A_69 : memref<128xi32, #tpu.memory_space<vmem>>) semaphore(%arg11 : memref<!tpu.dma_semaphore, #tpu.memory_space<semaphore_mem>>)
      } else {
      }
      %mul3A_44 = arith.constant 2 : i32
      %mul3A_45 = arith.muli %scan3A_30, %mul3A_44 : i32
      %add3A_46 = arith.constant 1 : i32
      %add3A_47 = arith.addi %mul3A_45, %add3A_46 : i32
      %dma_wait3A_48 = arith.constant 128 : i32
      %dma_wait3A_49 = arith.constant 0 : i32
      %dma_wait3A_50 = tpu.memref_slice %arg9[%dma_wait3A_48, %dma_wait3A_49] : memref<256x128xf32, #tpu.memory_space<vmem>> -> memref<128x128xf32, #tpu.memory_space<vmem>>
      %dma_wait3A_51 = arith.constant 0 : i32
      %dma_wait3A_52 = tpu.memref_slice %arg7[%add3A_47, %dma_wait3A_51] : memref<40x128xi32, #tpu.memory_space<vmem>> -> memref<1x128xi32, #tpu.memory_space<vmem>>
      %dma_wait3A_53 = tpu.memref_squeeze %dma_wait3A_52 : memref<1x128xi32, #tpu.memory_space<vmem>> -> memref<128xi32, #tpu.memory_space<vmem>>
      %dma_wait3A_54 = arith.constant 0 : i32
      %dma_wait3A_55 = arith.constant 0 : i32
      %dma_wait3A_56 = tpu.memref_slice %arg2[%dma_wait3A_54, %dma_wait3A_55] : memref<10240x128xf32, #tpu.memory_space<hbm>> -> memref<10240x128xf32, #tpu.memory_space<hbm>>
      tpu.wait_indirect_dma semaphore(%arg11 : memref<!tpu.dma_semaphore, #tpu.memory_space<semaphore_mem>>) src(%dma_wait3A_56 : memref<10240x128xf32, #tpu.memory_space<hbm>>) dst(%dma_wait3A_50 : memref<128x128xf32, #tpu.memory_space<vmem>>)
      "tpu.region"() ({
        %run_scoped3A = tpu.sem_alloc : memref<!tpu.dma_semaphore, #tpu.memory_space<semaphore_mem>>
        %dma_start3A_62 = arith.constant 128 : i32
        %dma_start3A_63 = arith.constant 0 : i32
        %dma_start3A_64 = tpu.memref_slice %arg9[%dma_start3A_62, %dma_start3A_63] : memref<256x128xf32, #tpu.memory_space<vmem>> -> memref<128x128xf32, #tpu.memory_space<vmem>>
        %dma_start3A_65 = arith.constant 0 : i32
        %dma_start3A_66 = tpu.memref_slice %arg8[%add3A_47, %dma_start3A_65] : memref<40x128xi32, #tpu.memory_space<vmem>> -> memref<1x128xi32, #tpu.memory_space<vmem>>
        %dma_start3A_67 = tpu.memref_squeeze %dma_start3A_66 : memref<1x128xi32, #tpu.memory_space<vmem>> -> memref<128xi32, #tpu.memory_space<vmem>>
        %dma_start3A_68 = arith.constant 0 : i32
        %dma_start3A_69 = arith.constant 0 : i32
        %dma_start3A_70 = tpu.memref_slice %arg10[%dma_start3A_68, %dma_start3A_69] : memref<10240x128xf32, #tpu.memory_space<vmem_shared>> -> memref<10240x128xf32, #tpu.memory_space<vmem_shared>>
        tpu.enqueue_indirect_dma source(%dma_start3A_64 : memref<128x128xf32, #tpu.memory_space<vmem>>) target(%dma_start3A_70 : memref<10240x128xf32, #tpu.memory_space<vmem_shared>>) offsets(%dma_start3A_67 : memref<128xi32, #tpu.memory_space<vmem>>) semaphore(%run_scoped3A : memref<!tpu.dma_semaphore, #tpu.memory_space<semaphore_mem>>) {add = true}
        %dma_wait3A_71 = arith.constant 128 : i32
        %dma_wait3A_72 = arith.constant 0 : i32
        %dma_wait3A_73 = tpu.memref_slice %arg9[%dma_wait3A_71, %dma_wait3A_72] : memref<256x128xf32, #tpu.memory_space<vmem>> -> memref<128x128xf32, #tpu.memory_space<vmem>>
        %dma_wait3A_74 = arith.constant 0 : i32
        %dma_wait3A_75 = tpu.memref_slice %arg8[%add3A_47, %dma_wait3A_74] : memref<40x128xi32, #tpu.memory_space<vmem>> -> memref<1x128xi32, #tpu.memory_space<vmem>>
        %dma_wait3A_76 = tpu.memref_squeeze %dma_wait3A_75 : memref<1x128xi32, #tpu.memory_space<vmem>> -> memref<128xi32, #tpu.memory_space<vmem>>
        %dma_wait3A_77 = arith.constant 0 : i32
        %dma_wait3A_78 = arith.constant 0 : i32
        %dma_wait3A_79 = tpu.memref_slice %arg10[%dma_wait3A_77, %dma_wait3A_78] : memref<10240x128xf32, #tpu.memory_space<vmem_shared>> -> memref<10240x128xf32, #tpu.memory_space<vmem_shared>>
        tpu.wait_indirect_dma semaphore(%run_scoped3A : memref<!tpu.dma_semaphore, #tpu.memory_space<semaphore_mem>>) src(%dma_wait3A_73 : memref<128x128xf32, #tpu.memory_space<vmem>>) dst(%dma_wait3A_79 : memref<10240x128xf32, #tpu.memory_space<vmem_shared>>)
        tpu.yield
      }) : () -> ()
      %lt3A_57 = arith.constant 19 : i32
      %lt3A_58 = arith.cmpi slt, %scan3A_30, %lt3A_57 : i32
      %convert_element_type3A_59 = arith.extui %lt3A_58 : i1 to i32
      %cond3A_60 = arith.constant 0 : i32
      %cond3A_61 = arith.cmpi ne, %convert_element_type3A_59, %cond3A_60 : i32
      scf.if %cond3A_61 {
        %add3A_62 = arith.constant 2 : i32
        %add3A_63 = arith.addi %add3A_47, %add3A_62 : i32
        %dma_start3A_64 = arith.constant 128 : i32
        %dma_start3A_65 = arith.constant 0 : i32
        %dma_start3A_66 = tpu.memref_slice %arg9[%dma_start3A_64, %dma_start3A_65] : memref<256x128xf32, #tpu.memory_space<vmem>> -> memref<128x128xf32, #tpu.memory_space<vmem>>
        %dma_start3A_67 = arith.constant 0 : i32
        %dma_start3A_68 = tpu.memref_slice %arg7[%add3A_63, %dma_start3A_67] : memref<40x128xi32, #tpu.memory_space<vmem>> -> memref<1x128xi32, #tpu.memory_space<vmem>>
        %dma_start3A_69 = tpu.memref_squeeze %dma_start3A_68 : memref<1x128xi32, #tpu.memory_space<vmem>> -> memref<128xi32, #tpu.memory_space<vmem>>
        %dma_start3A_70 = arith.constant 0 : i32
        %dma_start3A_71 = arith.constant 0 : i32
        %dma_start3A_72 = tpu.memref_slice %arg2[%dma_start3A_70, %dma_start3A_71] : memref<10240x128xf32, #tpu.memory_space<hbm>> -> memref<10240x128xf32, #tpu.memory_space<hbm>>
        tpu.enqueue_indirect_dma source(%dma_start3A_72 : memref<10240x128xf32, #tpu.memory_space<hbm>>) target(%dma_start3A_66 : memref<128x128xf32, #tpu.memory_space<vmem>>) offsets(%dma_start3A_69 : memref<128xi32, #tpu.memory_space<vmem>>) semaphore(%arg11 : memref<!tpu.dma_semaphore, #tpu.memory_space<semaphore_mem>>)
      } else {
      }
    }
    %scan3A_24 = arith.constant 20 : i32
    %barrier3A_25 = arith.constant 0 : index
    tpu.barrier barrier_id(%barrier3A_25)
    %mul3A_26 = arith.constant 640 : i32
    %mul3A_27 = arith.muli %arg1, %mul3A_26 : i32
    %mul3A_28 = arith.constant 640 : i32
    %mul3A_29 = arith.muli %arg1, %mul3A_28 : i32
    "tpu.region"() ({
      %run_scoped3A = tpu.sem_alloc : memref<!tpu.dma_semaphore, #tpu.memory_space<semaphore_mem>>
      %dma_start3A_30 = arith.constant 0 : i32
      %dma_start3A_31 = tpu.memref_slice %arg6[%arg0, %mul3A_29, %dma_start3A_30] : memref<2x10240x128xf32, #tpu.memory_space<hbm>> -> memref<1x640x128xf32, #tpu.memory_space<hbm>>
      %dma_start3A_32 = tpu.memref_squeeze %dma_start3A_31 : memref<1x640x128xf32, #tpu.memory_space<hbm>> -> memref<640x128xf32, #tpu.memory_space<hbm>>
      %dma_start3A_33 = arith.constant 0 : i32
      %dma_start3A_34 = tpu.memref_slice %arg10[%mul3A_27, %dma_start3A_33] : memref<10240x128xf32, #tpu.memory_space<vmem_shared>> -> memref<640x128xf32, #tpu.memory_space<vmem_shared>>
      tpu.enqueue_dma source(%dma_start3A_34 : memref<640x128xf32, #tpu.memory_space<vmem_shared>>) target(%dma_start3A_32 : memref<640x128xf32, #tpu.memory_space<hbm>>) target_semaphore(%run_scoped3A : memref<!tpu.dma_semaphore, #tpu.memory_space<semaphore_mem>>)
      %dma_wait3A = arith.constant 0 : i32
      %dma_wait3A_35 = tpu.memref_slice %arg6[%arg0, %mul3A_29, %dma_wait3A] : memref<2x10240x128xf32, #tpu.memory_space<hbm>> -> memref<1x640x128xf32, #tpu.memory_space<hbm>>
      %dma_wait3A_36 = tpu.memref_squeeze %dma_wait3A_35 : memref<1x640x128xf32, #tpu.memory_space<hbm>> -> memref<640x128xf32, #tpu.memory_space<hbm>>
      %dma_wait3A_37 = arith.constant 0 : i32
      %dma_wait3A_38 = tpu.memref_slice %arg10[%mul3A_27, %dma_wait3A_37] : memref<10240x128xf32, #tpu.memory_space<vmem_shared>> -> memref<640x128xf32, #tpu.memory_space<vmem_shared>>
      tpu.wait_dma2 semaphore(%run_scoped3A : memref<!tpu.dma_semaphore, #tpu.memory_space<semaphore_mem>>) src(%dma_wait3A_38 : memref<640x128xf32, #tpu.memory_space<vmem_shared>>) dst(%dma_wait3A_36 : memref<640x128xf32, #tpu.memory_space<hbm>>)
      tpu.yield
    }) : () -> ()
    return
  }
}

#map = affine_map<(d0, d1) -> (0, 0)>
#map1 = affine_map<(d0, d1) -> (0, 0, 0, 0)>
#map2 = affine_map<(d0, d1) -> (0, 0, 0)>
module attributes {stable_mosaic.version = 14 : i64} {
  func.func @body_fn(%arg0: i32, %arg1: i32, %arg2: memref<10240x128xf32, #tpu.memory_space<hbm>>, %arg3: memref<2x16x40x128xi32, #tpu.memory_space<hbm>>, %arg4: memref<2x16x40x128xi32, #tpu.memory_space<hbm>>, %arg5: memref<640x128xf32, #tpu.memory_space<hbm>>, %arg6: memref<2x10240x128xf32, #tpu.memory_space<hbm>>, %arg7: memref<40x128xi32, #tpu.memory_space<vmem>>, %arg8: memref<40x128xi32, #tpu.memory_space<vmem>>, %arg9: memref<256x128xf32, #tpu.memory_space<vmem>>, %arg10: memref<10240x128xf32, #tpu.memory_space<vmem_shared>>, %arg11: memref<!tpu.dma_semaphore, #tpu.memory_space<semaphore_mem>>) attributes {dimension_semantics = [#tpu.dimension_semantics<core_parallel>, #tpu.dimension_semantics<subcore_parallel>], iteration_bounds = array<i64: 2, 16>, scalar_prefetch = 0 : i64, scratch_operands = 5 : i64, tpu.core_type = #tpu.core_type<sc_vector_subcore>, window_params = [{transform_indices = #map}, {transform_indices = #map1}, {transform_indices = #map1}, {transform_indices = #map}, {transform_indices = #map2}]} {
    "tpu.region"() ({
      %run_scoped3A = tpu.sem_alloc : memref<!tpu.dma_semaphore, #tpu.memory_space<semaphore_mem>>
      %dma_start3A_30 = arith.constant 0 : i32
      %dma_start3A_31 = arith.constant 0 : i32
      %dma_start3A_32 = tpu.memref_slice %arg3[%arg0, %arg1, %dma_start3A_30, %dma_start3A_31] : memref<2x16x40x128xi32, #tpu.memory_space<hbm>> -> memref<1x1x40x128xi32, #tpu.memory_space<hbm>>
      %dma_start3A_33 = tpu.memref_squeeze %dma_start3A_32 : memref<1x1x40x128xi32, #tpu.memory_space<hbm>> -> memref<40x128xi32, #tpu.memory_space<hbm>>
      %dma_start3A_34 = arith.constant 0 : i32
      %dma_start3A_35 = arith.constant 0 : i32
      %dma_start3A_36 = tpu.memref_slice %arg3[%arg0, %arg1, %dma_start3A_34, %dma_start3A_35] : memref<2x16x40x128xi32, #tpu.memory_space<hbm>> -> memref<1x1x40x128xi32, #tpu.memory_space<hbm>>
      %dma_start3A_37 = tpu.memref_squeeze %dma_start3A_36 : memref<1x1x40x128xi32, #tpu.memory_space<hbm>> -> memref<40x128xi32, #tpu.memory_space<hbm>>
      tpu.enqueue_dma source(%dma_start3A_37 : memref<40x128xi32, #tpu.memory_space<hbm>>) target(%arg7 : memref<40x128xi32, #tpu.memory_space<vmem>>) target_semaphore(%run_scoped3A : memref<!tpu.dma_semaphore, #tpu.memory_space<semaphore_mem>>)
      %dma_wait3A = arith.constant 0 : i32
      %dma_wait3A_38 = arith.constant 0 : i32
      %dma_wait3A_39 = tpu.memref_slice %arg3[%arg0, %arg1, %dma_wait3A, %dma_wait3A_38] : memref<2x16x40x128xi32, #tpu.memory_space<hbm>> -> memref<1x1x40x128xi32, #tpu.memory_space<hbm>>
      %dma_wait3A_40 = tpu.memref_squeeze %dma_wait3A_39 : memref<1x1x40x128xi32, #tpu.memory_space<hbm>> -> memref<40x128xi32, #tpu.memory_space<hbm>>
      %dma_wait3A_41 = arith.constant 0 : i32
      %dma_wait3A_42 = arith.constant 0 : i32
      %dma_wait3A_43 = tpu.memref_slice %arg3[%arg0, %arg1, %dma_wait3A_41, %dma_wait3A_42] : memref<2x16x40x128xi32, #tpu.memory_space<hbm>> -> memref<1x1x40x128xi32, #tpu.memory_space<hbm>>
      %dma_wait3A_44 = tpu.memref_squeeze %dma_wait3A_43 : memref<1x1x40x128xi32, #tpu.memory_space<hbm>> -> memref<40x128xi32, #tpu.memory_space<hbm>>
      tpu.wait_dma2 semaphore(%run_scoped3A : memref<!tpu.dma_semaphore, #tpu.memory_space<semaphore_mem>>) src(%dma_wait3A_44 : memref<40x128xi32, #tpu.memory_space<hbm>>) dst(%arg7 : memref<40x128xi32, #tpu.memory_space<vmem>>)
      tpu.yield
    }) : () -> ()
    "tpu.region"() ({
      %run_scoped3A = tpu.sem_alloc : memref<!tpu.dma_semaphore, #tpu.memory_space<semaphore_mem>>
      %dma_start3A_30 = arith.constant 0 : i32
      %dma_start3A_31 = arith.constant 0 : i32
      %dma_start3A_32 = tpu.memref_slice %arg4[%arg0, %arg1, %dma_start3A_30, %dma_start3A_31] : memref<2x16x40x128xi32, #tpu.memory_space<hbm>> -> memref<1x1x40x128xi32, #tpu.memory_space<hbm>>
      %dma_start3A_33 = tpu.memref_squeeze %dma_start3A_32 : memref<1x1x40x128xi32, #tpu.memory_space<hbm>> -> memref<40x128xi32, #tpu.memory_space<hbm>>
      %dma_start3A_34 = arith.constant 0 : i32
      %dma_start3A_35 = arith.constant 0 : i32
      %dma_start3A_36 = tpu.memref_slice %arg4[%arg0, %arg1, %dma_start3A_34, %dma_start3A_35] : memref<2x16x40x128xi32, #tpu.memory_space<hbm>> -> memref<1x1x40x128xi32, #tpu.memory_space<hbm>>
      %dma_start3A_37 = tpu.memref_squeeze %dma_start3A_36 : memref<1x1x40x128xi32, #tpu.memory_space<hbm>> -> memref<40x128xi32, #tpu.memory_space<hbm>>
      tpu.enqueue_dma source(%dma_start3A_37 : memref<40x128xi32, #tpu.memory_space<hbm>>) target(%arg8 : memref<40x128xi32, #tpu.memory_space<vmem>>) target_semaphore(%run_scoped3A : memref<!tpu.dma_semaphore, #tpu.memory_space<semaphore_mem>>)
      %dma_wait3A = arith.constant 0 : i32
      %dma_wait3A_38 = arith.constant 0 : i32
      %dma_wait3A_39 = tpu.memref_slice %arg4[%arg0, %arg1, %dma_wait3A, %dma_wait3A_38] : memref<2x16x40x128xi32, #tpu.memory_space<hbm>> -> memref<1x1x40x128xi32, #tpu.memory_space<hbm>>
      %dma_wait3A_40 = tpu.memref_squeeze %dma_wait3A_39 : memref<1x1x40x128xi32, #tpu.memory_space<hbm>> -> memref<40x128xi32, #tpu.memory_space<hbm>>
      %dma_wait3A_41 = arith.constant 0 : i32
      %dma_wait3A_42 = arith.constant 0 : i32
      %dma_wait3A_43 = tpu.memref_slice %arg4[%arg0, %arg1, %dma_wait3A_41, %dma_wait3A_42] : memref<2x16x40x128xi32, #tpu.memory_space<hbm>> -> memref<1x1x40x128xi32, #tpu.memory_space<hbm>>
      %dma_wait3A_44 = tpu.memref_squeeze %dma_wait3A_43 : memref<1x1x40x128xi32, #tpu.memory_space<hbm>> -> memref<40x128xi32, #tpu.memory_space<hbm>>
      tpu.wait_dma2 semaphore(%run_scoped3A : memref<!tpu.dma_semaphore, #tpu.memory_space<semaphore_mem>>) src(%dma_wait3A_44 : memref<40x128xi32, #tpu.memory_space<hbm>>) dst(%arg8 : memref<40x128xi32, #tpu.memory_space<vmem>>)
      tpu.yield
    }) : () -> ()
    %mul3A = arith.constant 640 : i32
    %mul3A_0 = arith.muli %arg1, %mul3A : i32
    "tpu.region"() ({
      %run_scoped3A = tpu.sem_alloc : memref<!tpu.dma_semaphore, #tpu.memory_space<semaphore_mem>>
      %dma_start3A_30 = arith.constant 0 : i32
      %dma_start3A_31 = tpu.memref_slice %arg10[%mul3A_0, %dma_start3A_30] : memref<10240x128xf32, #tpu.memory_space<vmem_shared>> -> memref<640x128xf32, #tpu.memory_space<vmem_shared>>
      tpu.enqueue_dma source(%arg5 : memref<640x128xf32, #tpu.memory_space<hbm>>) target(%dma_start3A_31 : memref<640x128xf32, #tpu.memory_space<vmem_shared>>) target_semaphore(%run_scoped3A : memref<!tpu.dma_semaphore, #tpu.memory_space<semaphore_mem>>)
      %dma_wait3A = arith.constant 0 : i32
      %dma_wait3A_32 = tpu.memref_slice %arg10[%mul3A_0, %dma_wait3A] : memref<10240x128xf32, #tpu.memory_space<vmem_shared>> -> memref<640x128xf32, #tpu.memory_space<vmem_shared>>
      tpu.wait_dma2 semaphore(%run_scoped3A : memref<!tpu.dma_semaphore, #tpu.memory_space<semaphore_mem>>) src(%arg5 : memref<640x128xf32, #tpu.memory_space<hbm>>) dst(%dma_wait3A_32 : memref<640x128xf32, #tpu.memory_space<vmem_shared>>)
      tpu.yield
    }) : () -> ()
    %barrier3A = arith.constant 0 : index
    tpu.barrier barrier_id(%barrier3A)
    %dma_start3A = arith.constant 0 : i32
    %dma_start3A_1 = arith.constant 0 : i32
    %dma_start3A_2 = arith.constant 0 : i32
    %dma_start3A_3 = tpu.memref_slice %arg9[%dma_start3A_1, %dma_start3A_2] : memref<256x128xf32, #tpu.memory_space<vmem>> -> memref<128x128xf32, #tpu.memory_space<vmem>>
    %dma_start3A_4 = arith.constant 0 : i32
    %dma_start3A_5 = tpu.memref_slice %arg7[%dma_start3A, %dma_start3A_4] : memref<40x128xi32, #tpu.memory_space<vmem>> -> memref<1x128xi32, #tpu.memory_space<vmem>>
    %dma_start3A_6 = tpu.memref_squeeze %dma_start3A_5 : memref<1x128xi32, #tpu.memory_space<vmem>> -> memref<128xi32, #tpu.memory_space<vmem>>
    %dma_start3A_7 = arith.constant 0 : i32
    %dma_start3A_8 = arith.constant 0 : i32
    %dma_start3A_9 = tpu.memref_slice %arg2[%dma_start3A_7, %dma_start3A_8] : memref<10240x128xf32, #tpu.memory_space<hbm>> -> memref<10240x128xf32, #tpu.memory_space<hbm>>
    tpu.enqueue_indirect_dma source(%dma_start3A_9 : memref<10240x128xf32, #tpu.memory_space<hbm>>) target(%dma_start3A_3 : memref<128x128xf32, #tpu.memory_space<vmem>>) offsets(%dma_start3A_6 : memref<128xi32, #tpu.memory_space<vmem>>) semaphore(%arg11 : memref<!tpu.dma_semaphore, #tpu.memory_space<semaphore_mem>>)
    %dma_start3A_10 = arith.constant 1 : i32
    %dma_start3A_11 = arith.constant 128 : i32
    %dma_start3A_12 = arith.constant 0 : i32
    %dma_start3A_13 = tpu.memref_slice %arg9[%dma_start3A_11, %dma_start3A_12] : memref<256x128xf32, #tpu.memory_space<vmem>> -> memref<128x128xf32, #tpu.memory_space<vmem>>
    %dma_start3A_14 = arith.constant 0 : i32
    %dma_start3A_15 = tpu.memref_slice %arg7[%dma_start3A_10, %dma_start3A_14] : memref<40x128xi32, #tpu.memory_space<vmem>> -> memref<1x128xi32, #tpu.memory_space<vmem>>
    %dma_start3A_16 = tpu.memref_squeeze %dma_start3A_15 : memref<1x128xi32, #tpu.memory_space<vmem>> -> memref<128xi32, #tpu.memory_space<vmem>>
    %dma_start3A_17 = arith.constant 0 : i32
    %dma_start3A_18 = arith.constant 0 : i32
    %dma_start3A_19 = tpu.memref_slice %arg2[%dma_start3A_17, %dma_start3A_18] : memref<10240x128xf32, #tpu.memory_space<hbm>> -> memref<10240x128xf32, #tpu.memory_space<hbm>>
    tpu.enqueue_indirect_dma source(%dma_start3A_19 : memref<10240x128xf32, #tpu.memory_space<hbm>>) target(%dma_start3A_13 : memref<128x128xf32, #tpu.memory_space<vmem>>) offsets(%dma_start3A_16 : memref<128xi32, #tpu.memory_space<vmem>>) semaphore(%arg11 : memref<!tpu.dma_semaphore, #tpu.memory_space<semaphore_mem>>)
    %scan3A = arith.constant 0 : i32
    %scan3A_20 = arith.constant 0 : i32
    %scan3A_21 = arith.constant 20 : i32
    %scan3A_22 = arith.addi %scan3A_20, %scan3A_21 : i32
    %scan3A_23 = arith.constant 1 : i32
    scf.for %scan3A_30 = %scan3A_20 to %scan3A_22 step %scan3A_23  : i32 {
      %mul3A_31 = arith.constant 2 : i32
      %mul3A_32 = arith.muli %scan3A_30, %mul3A_31 : i32
      %add3A = arith.constant 0 : i32
      %add3A_33 = arith.addi %mul3A_32, %add3A : i32
      %dma_wait3A = arith.constant 0 : i32
      %dma_wait3A_34 = arith.constant 0 : i32
      %dma_wait3A_35 = tpu.memref_slice %arg9[%dma_wait3A, %dma_wait3A_34] : memref<256x128xf32, #tpu.memory_space<vmem>> -> memref<128x128xf32, #tpu.memory_space<vmem>>
      %dma_wait3A_36 = arith.constant 0 : i32
      %dma_wait3A_37 = tpu.memref_slice %arg7[%add3A_33, %dma_wait3A_36] : memref<40x128xi32, #tpu.memory_space<vmem>> -> memref<1x128xi32, #tpu.memory_space<vmem>>
      %dma_wait3A_38 = tpu.memref_squeeze %dma_wait3A_37 : memref<1x128xi32, #tpu.memory_space<vmem>> -> memref<128xi32, #tpu.memory_space<vmem>>
      %dma_wait3A_39 = arith.constant 0 : i32
      %dma_wait3A_40 = arith.constant 0 : i32
      %dma_wait3A_41 = tpu.memref_slice %arg2[%dma_wait3A_39, %dma_wait3A_40] : memref<10240x128xf32, #tpu.memory_space<hbm>> -> memref<10240x128xf32, #tpu.memory_space<hbm>>
      tpu.wait_indirect_dma semaphore(%arg11 : memref<!tpu.dma_semaphore, #tpu.memory_space<semaphore_mem>>) src(%dma_wait3A_41 : memref<10240x128xf32, #tpu.memory_space<hbm>>) dst(%dma_wait3A_35 : memref<128x128xf32, #tpu.memory_space<vmem>>)
      "tpu.region"() ({
        %run_scoped3A = tpu.sem_alloc : memref<!tpu.dma_semaphore, #tpu.memory_space<semaphore_mem>>
        %dma_start3A_62 = arith.constant 0 : i32
        %dma_start3A_63 = arith.constant 0 : i32
        %dma_start3A_64 = tpu.memref_slice %arg9[%dma_start3A_62, %dma_start3A_63] : memref<256x128xf32, #tpu.memory_space<vmem>> -> memref<128x128xf32, #tpu.memory_space<vmem>>
        %dma_start3A_65 = arith.constant 0 : i32
        %dma_start3A_66 = tpu.memref_slice %arg8[%add3A_33, %dma_start3A_65] : memref<40x128xi32, #tpu.memory_space<vmem>> -> memref<1x128xi32, #tpu.memory_space<vmem>>
        %dma_start3A_67 = tpu.memref_squeeze %dma_start3A_66 : memref<1x128xi32, #tpu.memory_space<vmem>> -> memref<128xi32, #tpu.memory_space<vmem>>
        %dma_start3A_68 = arith.constant 0 : i32
        %dma_start3A_69 = arith.constant 0 : i32
        %dma_start3A_70 = tpu.memref_slice %arg10[%dma_start3A_68, %dma_start3A_69] : memref<10240x128xf32, #tpu.memory_space<vmem_shared>> -> memref<10240x128xf32, #tpu.memory_space<vmem_shared>>
        tpu.enqueue_indirect_dma source(%dma_start3A_64 : memref<128x128xf32, #tpu.memory_space<vmem>>) target(%dma_start3A_70 : memref<10240x128xf32, #tpu.memory_space<vmem_shared>>) offsets(%dma_start3A_67 : memref<128xi32, #tpu.memory_space<vmem>>) semaphore(%run_scoped3A : memref<!tpu.dma_semaphore, #tpu.memory_space<semaphore_mem>>) {add = true}
        %dma_wait3A_71 = arith.constant 0 : i32
        %dma_wait3A_72 = arith.constant 0 : i32
        %dma_wait3A_73 = tpu.memref_slice %arg9[%dma_wait3A_71, %dma_wait3A_72] : memref<256x128xf32, #tpu.memory_space<vmem>> -> memref<128x128xf32, #tpu.memory_space<vmem>>
        %dma_wait3A_74 = arith.constant 0 : i32
        %dma_wait3A_75 = tpu.memref_slice %arg8[%add3A_33, %dma_wait3A_74] : memref<40x128xi32, #tpu.memory_space<vmem>> -> memref<1x128xi32, #tpu.memory_space<vmem>>
        %dma_wait3A_76 = tpu.memref_squeeze %dma_wait3A_75 : memref<1x128xi32, #tpu.memory_space<vmem>> -> memref<128xi32, #tpu.memory_space<vmem>>
        %dma_wait3A_77 = arith.constant 0 : i32
        %dma_wait3A_78 = arith.constant 0 : i32
        %dma_wait3A_79 = tpu.memref_slice %arg10[%dma_wait3A_77, %dma_wait3A_78] : memref<10240x128xf32, #tpu.memory_space<vmem_shared>> -> memref<10240x128xf32, #tpu.memory_space<vmem_shared>>
        tpu.wait_indirect_dma semaphore(%run_scoped3A : memref<!tpu.dma_semaphore, #tpu.memory_space<semaphore_mem>>) src(%dma_wait3A_73 : memref<128x128xf32, #tpu.memory_space<vmem>>) dst(%dma_wait3A_79 : memref<10240x128xf32, #tpu.memory_space<vmem_shared>>)
        tpu.yield
      }) : () -> ()
      %lt3A = arith.constant 19 : i32
      %lt3A_42 = arith.cmpi slt, %scan3A_30, %lt3A : i32
      %convert_element_type3A = arith.extui %lt3A_42 : i1 to i32
      %cond3A = arith.constant 0 : i32
      %cond3A_43 = arith.cmpi ne, %convert_element_type3A, %cond3A : i32
      scf.if %cond3A_43 {
        %add3A_62 = arith.constant 2 : i32
        %add3A_63 = arith.addi %add3A_33, %add3A_62 : i32
        %dma_start3A_64 = arith.constant 0 : i32
        %dma_start3A_65 = arith.constant 0 : i32
        %dma_start3A_66 = tpu.memref_slice %arg9[%dma_start3A_64, %dma_start3A_65] : memref<256x128xf32, #tpu.memory_space<vmem>> -> memref<128x128xf32, #tpu.memory_space<vmem>>
        %dma_start3A_67 = arith.constant 0 : i32
        %dma_start3A_68 = tpu.memref_slice %arg7[%add3A_63, %dma_start3A_67] : memref<40x128xi32, #tpu.memory_space<vmem>> -> memref<1x128xi32, #tpu.memory_space<vmem>>
        %dma_start3A_69 = tpu.memref_squeeze %dma_start3A_68 : memref<1x128xi32, #tpu.memory_space<vmem>> -> memref<128xi32, #tpu.memory_space<vmem>>
        %dma_start3A_70 = arith.constant 0 : i32
        %dma_start3A_71 = arith.constant 0 : i32
        %dma_start3A_72 = tpu.memref_slice %arg2[%dma_start3A_70, %dma_start3A_71] : memref<10240x128xf32, #tpu.memory_space<hbm>> -> memref<10240x128xf32, #tpu.memory_space<hbm>>
        tpu.enqueue_indirect_dma source(%dma_start3A_72 : memref<10240x128xf32, #tpu.memory_space<hbm>>) target(%dma_start3A_66 : memref<128x128xf32, #tpu.memory_space<vmem>>) offsets(%dma_start3A_69 : memref<128xi32, #tpu.memory_space<vmem>>) semaphore(%arg11 : memref<!tpu.dma_semaphore, #tpu.memory_space<semaphore_mem>>)
      } else {
      }
      %mul3A_44 = arith.constant 2 : i32
      %mul3A_45 = arith.muli %scan3A_30, %mul3A_44 : i32
      %add3A_46 = arith.constant 1 : i32
      %add3A_47 = arith.addi %mul3A_45, %add3A_46 : i32
      %dma_wait3A_48 = arith.constant 128 : i32
      %dma_wait3A_49 = arith.constant 0 : i32
      %dma_wait3A_50 = tpu.memref_slice %arg9[%dma_wait3A_48, %dma_wait3A_49] : memref<256x128xf32, #tpu.memory_space<vmem>> -> memref<128x128xf32, #tpu.memory_space<vmem>>
      %dma_wait3A_51 = arith.constant 0 : i32
      %dma_wait3A_52 = tpu.memref_slice %arg7[%add3A_47, %dma_wait3A_51] : memref<40x128xi32, #tpu.memory_space<vmem>> -> memref<1x128xi32, #tpu.memory_space<vmem>>
      %dma_wait3A_53 = tpu.memref_squeeze %dma_wait3A_52 : memref<1x128xi32, #tpu.memory_space<vmem>> -> memref<128xi32, #tpu.memory_space<vmem>>
      %dma_wait3A_54 = arith.constant 0 : i32
      %dma_wait3A_55 = arith.constant 0 : i32
      %dma_wait3A_56 = tpu.memref_slice %arg2[%dma_wait3A_54, %dma_wait3A_55] : memref<10240x128xf32, #tpu.memory_space<hbm>> -> memref<10240x128xf32, #tpu.memory_space<hbm>>
      tpu.wait_indirect_dma semaphore(%arg11 : memref<!tpu.dma_semaphore, #tpu.memory_space<semaphore_mem>>) src(%dma_wait3A_56 : memref<10240x128xf32, #tpu.memory_space<hbm>>) dst(%dma_wait3A_50 : memref<128x128xf32, #tpu.memory_space<vmem>>)
      "tpu.region"() ({
        %run_scoped3A = tpu.sem_alloc : memref<!tpu.dma_semaphore, #tpu.memory_space<semaphore_mem>>
        %dma_start3A_62 = arith.constant 128 : i32
        %dma_start3A_63 = arith.constant 0 : i32
        %dma_start3A_64 = tpu.memref_slice %arg9[%dma_start3A_62, %dma_start3A_63] : memref<256x128xf32, #tpu.memory_space<vmem>> -> memref<128x128xf32, #tpu.memory_space<vmem>>
        %dma_start3A_65 = arith.constant 0 : i32
        %dma_start3A_66 = tpu.memref_slice %arg8[%add3A_47, %dma_start3A_65] : memref<40x128xi32, #tpu.memory_space<vmem>> -> memref<1x128xi32, #tpu.memory_space<vmem>>
        %dma_start3A_67 = tpu.memref_squeeze %dma_start3A_66 : memref<1x128xi32, #tpu.memory_space<vmem>> -> memref<128xi32, #tpu.memory_space<vmem>>
        %dma_start3A_68 = arith.constant 0 : i32
        %dma_start3A_69 = arith.constant 0 : i32
        %dma_start3A_70 = tpu.memref_slice %arg10[%dma_start3A_68, %dma_start3A_69] : memref<10240x128xf32, #tpu.memory_space<vmem_shared>> -> memref<10240x128xf32, #tpu.memory_space<vmem_shared>>
        tpu.enqueue_indirect_dma source(%dma_start3A_64 : memref<128x128xf32, #tpu.memory_space<vmem>>) target(%dma_start3A_70 : memref<10240x128xf32, #tpu.memory_space<vmem_shared>>) offsets(%dma_start3A_67 : memref<128xi32, #tpu.memory_space<vmem>>) semaphore(%run_scoped3A : memref<!tpu.dma_semaphore, #tpu.memory_space<semaphore_mem>>) {add = true}
        %dma_wait3A_71 = arith.constant 128 : i32
        %dma_wait3A_72 = arith.constant 0 : i32
        %dma_wait3A_73 = tpu.memref_slice %arg9[%dma_wait3A_71, %dma_wait3A_72] : memref<256x128xf32, #tpu.memory_space<vmem>> -> memref<128x128xf32, #tpu.memory_space<vmem>>
        %dma_wait3A_74 = arith.constant 0 : i32
        %dma_wait3A_75 = tpu.memref_slice %arg8[%add3A_47, %dma_wait3A_74] : memref<40x128xi32, #tpu.memory_space<vmem>> -> memref<1x128xi32, #tpu.memory_space<vmem>>
        %dma_wait3A_76 = tpu.memref_squeeze %dma_wait3A_75 : memref<1x128xi32, #tpu.memory_space<vmem>> -> memref<128xi32, #tpu.memory_space<vmem>>
        %dma_wait3A_77 = arith.constant 0 : i32
        %dma_wait3A_78 = arith.constant 0 : i32
        %dma_wait3A_79 = tpu.memref_slice %arg10[%dma_wait3A_77, %dma_wait3A_78] : memref<10240x128xf32, #tpu.memory_space<vmem_shared>> -> memref<10240x128xf32, #tpu.memory_space<vmem_shared>>
        tpu.wait_indirect_dma semaphore(%run_scoped3A : memref<!tpu.dma_semaphore, #tpu.memory_space<semaphore_mem>>) src(%dma_wait3A_73 : memref<128x128xf32, #tpu.memory_space<vmem>>) dst(%dma_wait3A_79 : memref<10240x128xf32, #tpu.memory_space<vmem_shared>>)
        tpu.yield
      }) : () -> ()
      %lt3A_57 = arith.constant 19 : i32
      %lt3A_58 = arith.cmpi slt, %scan3A_30, %lt3A_57 : i32
      %convert_element_type3A_59 = arith.extui %lt3A_58 : i1 to i32
      %cond3A_60 = arith.constant 0 : i32
      %cond3A_61 = arith.cmpi ne, %convert_element_type3A_59, %cond3A_60 : i32
      scf.if %cond3A_61 {
        %add3A_62 = arith.constant 2 : i32
        %add3A_63 = arith.addi %add3A_47, %add3A_62 : i32
        %dma_start3A_64 = arith.constant 128 : i32
        %dma_start3A_65 = arith.constant 0 : i32
        %dma_start3A_66 = tpu.memref_slice %arg9[%dma_start3A_64, %dma_start3A_65] : memref<256x128xf32, #tpu.memory_space<vmem>> -> memref<128x128xf32, #tpu.memory_space<vmem>>
        %dma_start3A_67 = arith.constant 0 : i32
        %dma_start3A_68 = tpu.memref_slice %arg7[%add3A_63, %dma_start3A_67] : memref<40x128xi32, #tpu.memory_space<vmem>> -> memref<1x128xi32, #tpu.memory_space<vmem>>
        %dma_start3A_69 = tpu.memref_squeeze %dma_start3A_68 : memref<1x128xi32, #tpu.memory_space<vmem>> -> memref<128xi32, #tpu.memory_space<vmem>>
        %dma_start3A_70 = arith.constant 0 : i32
        %dma_start3A_71 = arith.constant 0 : i32
        %dma_start3A_72 = tpu.memref_slice %arg2[%dma_start3A_70, %dma_start3A_71] : memref<10240x128xf32, #tpu.memory_space<hbm>> -> memref<10240x128xf32, #tpu.memory_space<hbm>>
        tpu.enqueue_indirect_dma source(%dma_start3A_72 : memref<10240x128xf32, #tpu.memory_space<hbm>>) target(%dma_start3A_66 : memref<128x128xf32, #tpu.memory_space<vmem>>) offsets(%dma_start3A_69 : memref<128xi32, #tpu.memory_space<vmem>>) semaphore(%arg11 : memref<!tpu.dma_semaphore, #tpu.memory_space<semaphore_mem>>)
      } else {
      }
    }
    %scan3A_24 = arith.constant 20 : i32
    %barrier3A_25 = arith.constant 0 : index
    tpu.barrier barrier_id(%barrier3A_25)
    %mul3A_26 = arith.constant 640 : i32
    %mul3A_27 = arith.muli %arg1, %mul3A_26 : i32
    %mul3A_28 = arith.constant 640 : i32
    %mul3A_29 = arith.muli %arg1, %mul3A_28 : i32
    "tpu.region"() ({
      %run_scoped3A = tpu.sem_alloc : memref<!tpu.dma_semaphore, #tpu.memory_space<semaphore_mem>>
      %dma_start3A_30 = arith.constant 0 : i32
      %dma_start3A_31 = tpu.memref_slice %arg6[%arg0, %mul3A_29, %dma_start3A_30] : memref<2x10240x128xf32, #tpu.memory_space<hbm>> -> memref<1x640x128xf32, #tpu.memory_space<hbm>>
      %dma_start3A_32 = tpu.memref_squeeze %dma_start3A_31 : memref<1x640x128xf32, #tpu.memory_space<hbm>> -> memref<640x128xf32, #tpu.memory_space<hbm>>
      %dma_start3A_33 = arith.constant 0 : i32
      %dma_start3A_34 = tpu.memref_slice %arg10[%mul3A_27, %dma_start3A_33] : memref<10240x128xf32, #tpu.memory_space<vmem_shared>> -> memref<640x128xf32, #tpu.memory_space<vmem_shared>>
      tpu.enqueue_dma source(%dma_start3A_34 : memref<640x128xf32, #tpu.memory_space<vmem_shared>>) target(%dma_start3A_32 : memref<640x128xf32, #tpu.memory_space<hbm>>) target_semaphore(%run_scoped3A : memref<!tpu.dma_semaphore, #tpu.memory_space<semaphore_mem>>)
      %dma_wait3A = arith.constant 0 : i32
      %dma_wait3A_35 = tpu.memref_slice %arg6[%arg0, %mul3A_29, %dma_wait3A] : memref<2x10240x128xf32, #tpu.memory_space<hbm>> -> memref<1x640x128xf32, #tpu.memory_space<hbm>>
      %dma_wait3A_36 = tpu.memref_squeeze %dma_wait3A_35 : memref<1x640x128xf32, #tpu.memory_space<hbm>> -> memref<640x128xf32, #tpu.memory_space<hbm>>
      %dma_wait3A_37 = arith.constant 0 : i32
      %dma_wait3A_38 = tpu.memref_slice %arg10[%mul3A_27, %dma_wait3A_37] : memref<10240x128xf32, #tpu.memory_space<vmem_shared>> -> memref<640x128xf32, #tpu.memory_space<vmem_shared>>
      tpu.wait_dma2 semaphore(%run_scoped3A : memref<!tpu.dma_semaphore, #tpu.memory_space<semaphore_mem>>) src(%dma_wait3A_38 : memref<640x128xf32, #tpu.memory_space<vmem_shared>>) dst(%dma_wait3A_36 : memref<640x128xf32, #tpu.memory_space<hbm>>)
      tpu.yield
    }) : () -> ()
    return
  }
}

#map = affine_map<(d0, d1) -> (0, 0)>
#map1 = affine_map<(d0, d1) -> (0, 0, 0, 0)>
#map2 = affine_map<(d0, d1) -> (0, 0, 0)>
module attributes {stable_mosaic.version = 14 : i64} {
  func.func @body_fn(%arg0: i32, %arg1: i32, %arg2: memref<10240x128xf32, #tpu.memory_space<hbm>>, %arg3: memref<2x16x40x128xi32, #tpu.memory_space<hbm>>, %arg4: memref<2x16x40x128xi32, #tpu.memory_space<hbm>>, %arg5: memref<640x128xf32, #tpu.memory_space<hbm>>, %arg6: memref<2x10240x128xf32, #tpu.memory_space<hbm>>, %arg7: memref<40x128xi32, #tpu.memory_space<vmem>>, %arg8: memref<40x128xi32, #tpu.memory_space<vmem>>, %arg9: memref<256x128xf32, #tpu.memory_space<vmem>>, %arg10: memref<10240x128xf32, #tpu.memory_space<vmem_shared>>, %arg11: memref<!tpu.dma_semaphore, #tpu.memory_space<semaphore_mem>>) attributes {dimension_semantics = [#tpu.dimension_semantics<core_parallel>, #tpu.dimension_semantics<subcore_parallel>], iteration_bounds = array<i64: 2, 16>, scalar_prefetch = 0 : i64, scratch_operands = 5 : i64, tpu.core_type = #tpu.core_type<sc_vector_subcore>, window_params = [{transform_indices = #map}, {transform_indices = #map1}, {transform_indices = #map1}, {transform_indices = #map}, {transform_indices = #map2}]} {
    "tpu.region"() ({
      %run_scoped3A = tpu.sem_alloc : memref<!tpu.dma_semaphore, #tpu.memory_space<semaphore_mem>>
      %dma_start3A_30 = arith.constant 0 : i32
      %dma_start3A_31 = arith.constant 0 : i32
      %dma_start3A_32 = tpu.memref_slice %arg3[%arg0, %arg1, %dma_start3A_30, %dma_start3A_31] : memref<2x16x40x128xi32, #tpu.memory_space<hbm>> -> memref<1x1x40x128xi32, #tpu.memory_space<hbm>>
      %dma_start3A_33 = tpu.memref_squeeze %dma_start3A_32 : memref<1x1x40x128xi32, #tpu.memory_space<hbm>> -> memref<40x128xi32, #tpu.memory_space<hbm>>
      %dma_start3A_34 = arith.constant 0 : i32
      %dma_start3A_35 = arith.constant 0 : i32
      %dma_start3A_36 = tpu.memref_slice %arg3[%arg0, %arg1, %dma_start3A_34, %dma_start3A_35] : memref<2x16x40x128xi32, #tpu.memory_space<hbm>> -> memref<1x1x40x128xi32, #tpu.memory_space<hbm>>
      %dma_start3A_37 = tpu.memref_squeeze %dma_start3A_36 : memref<1x1x40x128xi32, #tpu.memory_space<hbm>> -> memref<40x128xi32, #tpu.memory_space<hbm>>
      tpu.enqueue_dma source(%dma_start3A_37 : memref<40x128xi32, #tpu.memory_space<hbm>>) target(%arg7 : memref<40x128xi32, #tpu.memory_space<vmem>>) target_semaphore(%run_scoped3A : memref<!tpu.dma_semaphore, #tpu.memory_space<semaphore_mem>>)
      %dma_wait3A = arith.constant 0 : i32
      %dma_wait3A_38 = arith.constant 0 : i32
      %dma_wait3A_39 = tpu.memref_slice %arg3[%arg0, %arg1, %dma_wait3A, %dma_wait3A_38] : memref<2x16x40x128xi32, #tpu.memory_space<hbm>> -> memref<1x1x40x128xi32, #tpu.memory_space<hbm>>
      %dma_wait3A_40 = tpu.memref_squeeze %dma_wait3A_39 : memref<1x1x40x128xi32, #tpu.memory_space<hbm>> -> memref<40x128xi32, #tpu.memory_space<hbm>>
      %dma_wait3A_41 = arith.constant 0 : i32
      %dma_wait3A_42 = arith.constant 0 : i32
      %dma_wait3A_43 = tpu.memref_slice %arg3[%arg0, %arg1, %dma_wait3A_41, %dma_wait3A_42] : memref<2x16x40x128xi32, #tpu.memory_space<hbm>> -> memref<1x1x40x128xi32, #tpu.memory_space<hbm>>
      %dma_wait3A_44 = tpu.memref_squeeze %dma_wait3A_43 : memref<1x1x40x128xi32, #tpu.memory_space<hbm>> -> memref<40x128xi32, #tpu.memory_space<hbm>>
      tpu.wait_dma2 semaphore(%run_scoped3A : memref<!tpu.dma_semaphore, #tpu.memory_space<semaphore_mem>>) src(%dma_wait3A_44 : memref<40x128xi32, #tpu.memory_space<hbm>>) dst(%arg7 : memref<40x128xi32, #tpu.memory_space<vmem>>)
      tpu.yield
    }) : () -> ()
    "tpu.region"() ({
      %run_scoped3A = tpu.sem_alloc : memref<!tpu.dma_semaphore, #tpu.memory_space<semaphore_mem>>
      %dma_start3A_30 = arith.constant 0 : i32
      %dma_start3A_31 = arith.constant 0 : i32
      %dma_start3A_32 = tpu.memref_slice %arg4[%arg0, %arg1, %dma_start3A_30, %dma_start3A_31] : memref<2x16x40x128xi32, #tpu.memory_space<hbm>> -> memref<1x1x40x128xi32, #tpu.memory_space<hbm>>
      %dma_start3A_33 = tpu.memref_squeeze %dma_start3A_32 : memref<1x1x40x128xi32, #tpu.memory_space<hbm>> -> memref<40x128xi32, #tpu.memory_space<hbm>>
      %dma_start3A_34 = arith.constant 0 : i32
      %dma_start3A_35 = arith.constant 0 : i32
      %dma_start3A_36 = tpu.memref_slice %arg4[%arg0, %arg1, %dma_start3A_34, %dma_start3A_35] : memref<2x16x40x128xi32, #tpu.memory_space<hbm>> -> memref<1x1x40x128xi32, #tpu.memory_space<hbm>>
      %dma_start3A_37 = tpu.memref_squeeze %dma_start3A_36 : memref<1x1x40x128xi32, #tpu.memory_space<hbm>> -> memref<40x128xi32, #tpu.memory_space<hbm>>
      tpu.enqueue_dma source(%dma_start3A_37 : memref<40x128xi32, #tpu.memory_space<hbm>>) target(%arg8 : memref<40x128xi32, #tpu.memory_space<vmem>>) target_semaphore(%run_scoped3A : memref<!tpu.dma_semaphore, #tpu.memory_space<semaphore_mem>>)
      %dma_wait3A = arith.constant 0 : i32
      %dma_wait3A_38 = arith.constant 0 : i32
      %dma_wait3A_39 = tpu.memref_slice %arg4[%arg0, %arg1, %dma_wait3A, %dma_wait3A_38] : memref<2x16x40x128xi32, #tpu.memory_space<hbm>> -> memref<1x1x40x128xi32, #tpu.memory_space<hbm>>
      %dma_wait3A_40 = tpu.memref_squeeze %dma_wait3A_39 : memref<1x1x40x128xi32, #tpu.memory_space<hbm>> -> memref<40x128xi32, #tpu.memory_space<hbm>>
      %dma_wait3A_41 = arith.constant 0 : i32
      %dma_wait3A_42 = arith.constant 0 : i32
      %dma_wait3A_43 = tpu.memref_slice %arg4[%arg0, %arg1, %dma_wait3A_41, %dma_wait3A_42] : memref<2x16x40x128xi32, #tpu.memory_space<hbm>> -> memref<1x1x40x128xi32, #tpu.memory_space<hbm>>
      %dma_wait3A_44 = tpu.memref_squeeze %dma_wait3A_43 : memref<1x1x40x128xi32, #tpu.memory_space<hbm>> -> memref<40x128xi32, #tpu.memory_space<hbm>>
      tpu.wait_dma2 semaphore(%run_scoped3A : memref<!tpu.dma_semaphore, #tpu.memory_space<semaphore_mem>>) src(%dma_wait3A_44 : memref<40x128xi32, #tpu.memory_space<hbm>>) dst(%arg8 : memref<40x128xi32, #tpu.memory_space<vmem>>)
      tpu.yield
    }) : () -> ()
    %mul3A = arith.constant 640 : i32
    %mul3A_0 = arith.muli %arg1, %mul3A : i32
    "tpu.region"() ({
      %run_scoped3A = tpu.sem_alloc : memref<!tpu.dma_semaphore, #tpu.memory_space<semaphore_mem>>
      %dma_start3A_30 = arith.constant 0 : i32
      %dma_start3A_31 = tpu.memref_slice %arg10[%mul3A_0, %dma_start3A_30] : memref<10240x128xf32, #tpu.memory_space<vmem_shared>> -> memref<640x128xf32, #tpu.memory_space<vmem_shared>>
      tpu.enqueue_dma source(%arg5 : memref<640x128xf32, #tpu.memory_space<hbm>>) target(%dma_start3A_31 : memref<640x128xf32, #tpu.memory_space<vmem_shared>>) target_semaphore(%run_scoped3A : memref<!tpu.dma_semaphore, #tpu.memory_space<semaphore_mem>>)
      %dma_wait3A = arith.constant 0 : i32
      %dma_wait3A_32 = tpu.memref_slice %arg10[%mul3A_0, %dma_wait3A] : memref<10240x128xf32, #tpu.memory_space<vmem_shared>> -> memref<640x128xf32, #tpu.memory_space<vmem_shared>>
      tpu.wait_dma2 semaphore(%run_scoped3A : memref<!tpu.dma_semaphore, #tpu.memory_space<semaphore_mem>>) src(%arg5 : memref<640x128xf32, #tpu.memory_space<hbm>>) dst(%dma_wait3A_32 : memref<640x128xf32, #tpu.memory_space<vmem_shared>>)
      tpu.yield
    }) : () -> ()
    %barrier3A = arith.constant 0 : index
    tpu.barrier barrier_id(%barrier3A)
    %dma_start3A = arith.constant 0 : i32
    %dma_start3A_1 = arith.constant 0 : i32
    %dma_start3A_2 = arith.constant 0 : i32
    %dma_start3A_3 = tpu.memref_slice %arg9[%dma_start3A_1, %dma_start3A_2] : memref<256x128xf32, #tpu.memory_space<vmem>> -> memref<128x128xf32, #tpu.memory_space<vmem>>
    %dma_start3A_4 = arith.constant 0 : i32
    %dma_start3A_5 = tpu.memref_slice %arg7[%dma_start3A, %dma_start3A_4] : memref<40x128xi32, #tpu.memory_space<vmem>> -> memref<1x128xi32, #tpu.memory_space<vmem>>
    %dma_start3A_6 = tpu.memref_squeeze %dma_start3A_5 : memref<1x128xi32, #tpu.memory_space<vmem>> -> memref<128xi32, #tpu.memory_space<vmem>>
    %dma_start3A_7 = arith.constant 0 : i32
    %dma_start3A_8 = arith.constant 0 : i32
    %dma_start3A_9 = tpu.memref_slice %arg2[%dma_start3A_7, %dma_start3A_8] : memref<10240x128xf32, #tpu.memory_space<hbm>> -> memref<10240x128xf32, #tpu.memory_space<hbm>>
    tpu.enqueue_indirect_dma source(%dma_start3A_9 : memref<10240x128xf32, #tpu.memory_space<hbm>>) target(%dma_start3A_3 : memref<128x128xf32, #tpu.memory_space<vmem>>) offsets(%dma_start3A_6 : memref<128xi32, #tpu.memory_space<vmem>>) semaphore(%arg11 : memref<!tpu.dma_semaphore, #tpu.memory_space<semaphore_mem>>)
    %dma_start3A_10 = arith.constant 1 : i32
    %dma_start3A_11 = arith.constant 128 : i32
    %dma_start3A_12 = arith.constant 0 : i32
    %dma_start3A_13 = tpu.memref_slice %arg9[%dma_start3A_11, %dma_start3A_12] : memref<256x128xf32, #tpu.memory_space<vmem>> -> memref<128x128xf32, #tpu.memory_space<vmem>>
    %dma_start3A_14 = arith.constant 0 : i32
    %dma_start3A_15 = tpu.memref_slice %arg7[%dma_start3A_10, %dma_start3A_14] : memref<40x128xi32, #tpu.memory_space<vmem>> -> memref<1x128xi32, #tpu.memory_space<vmem>>
    %dma_start3A_16 = tpu.memref_squeeze %dma_start3A_15 : memref<1x128xi32, #tpu.memory_space<vmem>> -> memref<128xi32, #tpu.memory_space<vmem>>
    %dma_start3A_17 = arith.constant 0 : i32
    %dma_start3A_18 = arith.constant 0 : i32
    %dma_start3A_19 = tpu.memref_slice %arg2[%dma_start3A_17, %dma_start3A_18] : memref<10240x128xf32, #tpu.memory_space<hbm>> -> memref<10240x128xf32, #tpu.memory_space<hbm>>
    tpu.enqueue_indirect_dma source(%dma_start3A_19 : memref<10240x128xf32, #tpu.memory_space<hbm>>) target(%dma_start3A_13 : memref<128x128xf32, #tpu.memory_space<vmem>>) offsets(%dma_start3A_16 : memref<128xi32, #tpu.memory_space<vmem>>) semaphore(%arg11 : memref<!tpu.dma_semaphore, #tpu.memory_space<semaphore_mem>>)
    %scan3A = arith.constant 0 : i32
    %scan3A_20 = arith.constant 0 : i32
    %scan3A_21 = arith.constant 20 : i32
    %scan3A_22 = arith.addi %scan3A_20, %scan3A_21 : i32
    %scan3A_23 = arith.constant 1 : i32
    scf.for %scan3A_30 = %scan3A_20 to %scan3A_22 step %scan3A_23  : i32 {
      %mul3A_31 = arith.constant 2 : i32
      %mul3A_32 = arith.muli %scan3A_30, %mul3A_31 : i32
      %add3A = arith.constant 0 : i32
      %add3A_33 = arith.addi %mul3A_32, %add3A : i32
      %dma_wait3A = arith.constant 0 : i32
      %dma_wait3A_34 = arith.constant 0 : i32
      %dma_wait3A_35 = tpu.memref_slice %arg9[%dma_wait3A, %dma_wait3A_34] : memref<256x128xf32, #tpu.memory_space<vmem>> -> memref<128x128xf32, #tpu.memory_space<vmem>>
      %dma_wait3A_36 = arith.constant 0 : i32
      %dma_wait3A_37 = tpu.memref_slice %arg7[%add3A_33, %dma_wait3A_36] : memref<40x128xi32, #tpu.memory_space<vmem>> -> memref<1x128xi32, #tpu.memory_space<vmem>>
      %dma_wait3A_38 = tpu.memref_squeeze %dma_wait3A_37 : memref<1x128xi32, #tpu.memory_space<vmem>> -> memref<128xi32, #tpu.memory_space<vmem>>
      %dma_wait3A_39 = arith.constant 0 : i32
      %dma_wait3A_40 = arith.constant 0 : i32
      %dma_wait3A_41 = tpu.memref_slice %arg2[%dma_wait3A_39, %dma_wait3A_40] : memref<10240x128xf32, #tpu.memory_space<hbm>> -> memref<10240x128xf32, #tpu.memory_space<hbm>>
      tpu.wait_indirect_dma semaphore(%arg11 : memref<!tpu.dma_semaphore, #tpu.memory_space<semaphore_mem>>) src(%dma_wait3A_41 : memref<10240x128xf32, #tpu.memory_space<hbm>>) dst(%dma_wait3A_35 : memref<128x128xf32, #tpu.memory_space<vmem>>)
      "tpu.region"() ({
        %run_scoped3A = tpu.sem_alloc : memref<!tpu.dma_semaphore, #tpu.memory_space<semaphore_mem>>
        %dma_start3A_62 = arith.constant 0 : i32
        %dma_start3A_63 = arith.constant 0 : i32
        %dma_start3A_64 = tpu.memref_slice %arg9[%dma_start3A_62, %dma_start3A_63] : memref<256x128xf32, #tpu.memory_space<vmem>> -> memref<128x128xf32, #tpu.memory_space<vmem>>
        %dma_start3A_65 = arith.constant 0 : i32
        %dma_start3A_66 = tpu.memref_slice %arg8[%add3A_33, %dma_start3A_65] : memref<40x128xi32, #tpu.memory_space<vmem>> -> memref<1x128xi32, #tpu.memory_space<vmem>>
        %dma_start3A_67 = tpu.memref_squeeze %dma_start3A_66 : memref<1x128xi32, #tpu.memory_space<vmem>> -> memref<128xi32, #tpu.memory_space<vmem>>
        %dma_start3A_68 = arith.constant 0 : i32
        %dma_start3A_69 = arith.constant 0 : i32
        %dma_start3A_70 = tpu.memref_slice %arg10[%dma_start3A_68, %dma_start3A_69] : memref<10240x128xf32, #tpu.memory_space<vmem_shared>> -> memref<10240x128xf32, #tpu.memory_space<vmem_shared>>
        tpu.enqueue_indirect_dma source(%dma_start3A_64 : memref<128x128xf32, #tpu.memory_space<vmem>>) target(%dma_start3A_70 : memref<10240x128xf32, #tpu.memory_space<vmem_shared>>) offsets(%dma_start3A_67 : memref<128xi32, #tpu.memory_space<vmem>>) semaphore(%run_scoped3A : memref<!tpu.dma_semaphore, #tpu.memory_space<semaphore_mem>>) {add = true}
        %dma_wait3A_71 = arith.constant 0 : i32
        %dma_wait3A_72 = arith.constant 0 : i32
        %dma_wait3A_73 = tpu.memref_slice %arg9[%dma_wait3A_71, %dma_wait3A_72] : memref<256x128xf32, #tpu.memory_space<vmem>> -> memref<128x128xf32, #tpu.memory_space<vmem>>
        %dma_wait3A_74 = arith.constant 0 : i32
        %dma_wait3A_75 = tpu.memref_slice %arg8[%add3A_33, %dma_wait3A_74] : memref<40x128xi32, #tpu.memory_space<vmem>> -> memref<1x128xi32, #tpu.memory_space<vmem>>
        %dma_wait3A_76 = tpu.memref_squeeze %dma_wait3A_75 : memref<1x128xi32, #tpu.memory_space<vmem>> -> memref<128xi32, #tpu.memory_space<vmem>>
        %dma_wait3A_77 = arith.constant 0 : i32
        %dma_wait3A_78 = arith.constant 0 : i32
        %dma_wait3A_79 = tpu.memref_slice %arg10[%dma_wait3A_77, %dma_wait3A_78] : memref<10240x128xf32, #tpu.memory_space<vmem_shared>> -> memref<10240x128xf32, #tpu.memory_space<vmem_shared>>
        tpu.wait_indirect_dma semaphore(%run_scoped3A : memref<!tpu.dma_semaphore, #tpu.memory_space<semaphore_mem>>) src(%dma_wait3A_73 : memref<128x128xf32, #tpu.memory_space<vmem>>) dst(%dma_wait3A_79 : memref<10240x128xf32, #tpu.memory_space<vmem_shared>>)
        tpu.yield
      }) : () -> ()
      %lt3A = arith.constant 19 : i32
      %lt3A_42 = arith.cmpi slt, %scan3A_30, %lt3A : i32
      %convert_element_type3A = arith.extui %lt3A_42 : i1 to i32
      %cond3A = arith.constant 0 : i32
      %cond3A_43 = arith.cmpi ne, %convert_element_type3A, %cond3A : i32
      scf.if %cond3A_43 {
        %add3A_62 = arith.constant 2 : i32
        %add3A_63 = arith.addi %add3A_33, %add3A_62 : i32
        %dma_start3A_64 = arith.constant 0 : i32
        %dma_start3A_65 = arith.constant 0 : i32
        %dma_start3A_66 = tpu.memref_slice %arg9[%dma_start3A_64, %dma_start3A_65] : memref<256x128xf32, #tpu.memory_space<vmem>> -> memref<128x128xf32, #tpu.memory_space<vmem>>
        %dma_start3A_67 = arith.constant 0 : i32
        %dma_start3A_68 = tpu.memref_slice %arg7[%add3A_63, %dma_start3A_67] : memref<40x128xi32, #tpu.memory_space<vmem>> -> memref<1x128xi32, #tpu.memory_space<vmem>>
        %dma_start3A_69 = tpu.memref_squeeze %dma_start3A_68 : memref<1x128xi32, #tpu.memory_space<vmem>> -> memref<128xi32, #tpu.memory_space<vmem>>
        %dma_start3A_70 = arith.constant 0 : i32
        %dma_start3A_71 = arith.constant 0 : i32
        %dma_start3A_72 = tpu.memref_slice %arg2[%dma_start3A_70, %dma_start3A_71] : memref<10240x128xf32, #tpu.memory_space<hbm>> -> memref<10240x128xf32, #tpu.memory_space<hbm>>
        tpu.enqueue_indirect_dma source(%dma_start3A_72 : memref<10240x128xf32, #tpu.memory_space<hbm>>) target(%dma_start3A_66 : memref<128x128xf32, #tpu.memory_space<vmem>>) offsets(%dma_start3A_69 : memref<128xi32, #tpu.memory_space<vmem>>) semaphore(%arg11 : memref<!tpu.dma_semaphore, #tpu.memory_space<semaphore_mem>>)
      } else {
      }
      %mul3A_44 = arith.constant 2 : i32
      %mul3A_45 = arith.muli %scan3A_30, %mul3A_44 : i32
      %add3A_46 = arith.constant 1 : i32
      %add3A_47 = arith.addi %mul3A_45, %add3A_46 : i32
      %dma_wait3A_48 = arith.constant 128 : i32
      %dma_wait3A_49 = arith.constant 0 : i32
      %dma_wait3A_50 = tpu.memref_slice %arg9[%dma_wait3A_48, %dma_wait3A_49] : memref<256x128xf32, #tpu.memory_space<vmem>> -> memref<128x128xf32, #tpu.memory_space<vmem>>
      %dma_wait3A_51 = arith.constant 0 : i32
      %dma_wait3A_52 = tpu.memref_slice %arg7[%add3A_47, %dma_wait3A_51] : memref<40x128xi32, #tpu.memory_space<vmem>> -> memref<1x128xi32, #tpu.memory_space<vmem>>
      %dma_wait3A_53 = tpu.memref_squeeze %dma_wait3A_52 : memref<1x128xi32, #tpu.memory_space<vmem>> -> memref<128xi32, #tpu.memory_space<vmem>>
      %dma_wait3A_54 = arith.constant 0 : i32
      %dma_wait3A_55 = arith.constant 0 : i32
      %dma_wait3A_56 = tpu.memref_slice %arg2[%dma_wait3A_54, %dma_wait3A_55] : memref<10240x128xf32, #tpu.memory_space<hbm>> -> memref<10240x128xf32, #tpu.memory_space<hbm>>
      tpu.wait_indirect_dma semaphore(%arg11 : memref<!tpu.dma_semaphore, #tpu.memory_space<semaphore_mem>>) src(%dma_wait3A_56 : memref<10240x128xf32, #tpu.memory_space<hbm>>) dst(%dma_wait3A_50 : memref<128x128xf32, #tpu.memory_space<vmem>>)
      "tpu.region"() ({
        %run_scoped3A = tpu.sem_alloc : memref<!tpu.dma_semaphore, #tpu.memory_space<semaphore_mem>>
        %dma_start3A_62 = arith.constant 128 : i32
        %dma_start3A_63 = arith.constant 0 : i32
        %dma_start3A_64 = tpu.memref_slice %arg9[%dma_start3A_62, %dma_start3A_63] : memref<256x128xf32, #tpu.memory_space<vmem>> -> memref<128x128xf32, #tpu.memory_space<vmem>>
        %dma_start3A_65 = arith.constant 0 : i32
        %dma_start3A_66 = tpu.memref_slice %arg8[%add3A_47, %dma_start3A_65] : memref<40x128xi32, #tpu.memory_space<vmem>> -> memref<1x128xi32, #tpu.memory_space<vmem>>
        %dma_start3A_67 = tpu.memref_squeeze %dma_start3A_66 : memref<1x128xi32, #tpu.memory_space<vmem>> -> memref<128xi32, #tpu.memory_space<vmem>>
        %dma_start3A_68 = arith.constant 0 : i32
        %dma_start3A_69 = arith.constant 0 : i32
        %dma_start3A_70 = tpu.memref_slice %arg10[%dma_start3A_68, %dma_start3A_69] : memref<10240x128xf32, #tpu.memory_space<vmem_shared>> -> memref<10240x128xf32, #tpu.memory_space<vmem_shared>>
        tpu.enqueue_indirect_dma source(%dma_start3A_64 : memref<128x128xf32, #tpu.memory_space<vmem>>) target(%dma_start3A_70 : memref<10240x128xf32, #tpu.memory_space<vmem_shared>>) offsets(%dma_start3A_67 : memref<128xi32, #tpu.memory_space<vmem>>) semaphore(%run_scoped3A : memref<!tpu.dma_semaphore, #tpu.memory_space<semaphore_mem>>) {add = true}
        %dma_wait3A_71 = arith.constant 128 : i32
        %dma_wait3A_72 = arith.constant 0 : i32
        %dma_wait3A_73 = tpu.memref_slice %arg9[%dma_wait3A_71, %dma_wait3A_72] : memref<256x128xf32, #tpu.memory_space<vmem>> -> memref<128x128xf32, #tpu.memory_space<vmem>>
        %dma_wait3A_74 = arith.constant 0 : i32
        %dma_wait3A_75 = tpu.memref_slice %arg8[%add3A_47, %dma_wait3A_74] : memref<40x128xi32, #tpu.memory_space<vmem>> -> memref<1x128xi32, #tpu.memory_space<vmem>>
        %dma_wait3A_76 = tpu.memref_squeeze %dma_wait3A_75 : memref<1x128xi32, #tpu.memory_space<vmem>> -> memref<128xi32, #tpu.memory_space<vmem>>
        %dma_wait3A_77 = arith.constant 0 : i32
        %dma_wait3A_78 = arith.constant 0 : i32
        %dma_wait3A_79 = tpu.memref_slice %arg10[%dma_wait3A_77, %dma_wait3A_78] : memref<10240x128xf32, #tpu.memory_space<vmem_shared>> -> memref<10240x128xf32, #tpu.memory_space<vmem_shared>>
        tpu.wait_indirect_dma semaphore(%run_scoped3A : memref<!tpu.dma_semaphore, #tpu.memory_space<semaphore_mem>>) src(%dma_wait3A_73 : memref<128x128xf32, #tpu.memory_space<vmem>>) dst(%dma_wait3A_79 : memref<10240x128xf32, #tpu.memory_space<vmem_shared>>)
        tpu.yield
      }) : () -> ()
      %lt3A_57 = arith.constant 19 : i32
      %lt3A_58 = arith.cmpi slt, %scan3A_30, %lt3A_57 : i32
      %convert_element_type3A_59 = arith.extui %lt3A_58 : i1 to i32
      %cond3A_60 = arith.constant 0 : i32
      %cond3A_61 = arith.cmpi ne, %convert_element_type3A_59, %cond3A_60 : i32
      scf.if %cond3A_61 {
        %add3A_62 = arith.constant 2 : i32
        %add3A_63 = arith.addi %add3A_47, %add3A_62 : i32
        %dma_start3A_64 = arith.constant 128 : i32
        %dma_start3A_65 = arith.constant 0 : i32
        %dma_start3A_66 = tpu.memref_slice %arg9[%dma_start3A_64, %dma_start3A_65] : memref<256x128xf32, #tpu.memory_space<vmem>> -> memref<128x128xf32, #tpu.memory_space<vmem>>
        %dma_start3A_67 = arith.constant 0 : i32
        %dma_start3A_68 = tpu.memref_slice %arg7[%add3A_63, %dma_start3A_67] : memref<40x128xi32, #tpu.memory_space<vmem>> -> memref<1x128xi32, #tpu.memory_space<vmem>>
        %dma_start3A_69 = tpu.memref_squeeze %dma_start3A_68 : memref<1x128xi32, #tpu.memory_space<vmem>> -> memref<128xi32, #tpu.memory_space<vmem>>
        %dma_start3A_70 = arith.constant 0 : i32
        %dma_start3A_71 = arith.constant 0 : i32
        %dma_start3A_72 = tpu.memref_slice %arg2[%dma_start3A_70, %dma_start3A_71] : memref<10240x128xf32, #tpu.memory_space<hbm>> -> memref<10240x128xf32, #tpu.memory_space<hbm>>
        tpu.enqueue_indirect_dma source(%dma_start3A_72 : memref<10240x128xf32, #tpu.memory_space<hbm>>) target(%dma_start3A_66 : memref<128x128xf32, #tpu.memory_space<vmem>>) offsets(%dma_start3A_69 : memref<128xi32, #tpu.memory_space<vmem>>) semaphore(%arg11 : memref<!tpu.dma_semaphore, #tpu.memory_space<semaphore_mem>>)
      } else {
      }
    }
    %scan3A_24 = arith.constant 20 : i32
    %barrier3A_25 = arith.constant 0 : index
    tpu.barrier barrier_id(%barrier3A_25)
    %mul3A_26 = arith.constant 640 : i32
    %mul3A_27 = arith.muli %arg1, %mul3A_26 : i32
    %mul3A_28 = arith.constant 640 : i32
    %mul3A_29 = arith.muli %arg1, %mul3A_28 : i32
    "tpu.region"() ({
      %run_scoped3A = tpu.sem_alloc : memref<!tpu.dma_semaphore, #tpu.memory_space<semaphore_mem>>
      %dma_start3A_30 = arith.constant 0 : i32
      %dma_start3A_31 = tpu.memref_slice %arg6[%arg0, %mul3A_29, %dma_start3A_30] : memref<2x10240x128xf32, #tpu.memory_space<hbm>> -> memref<1x640x128xf32, #tpu.memory_space<hbm>>
      %dma_start3A_32 = tpu.memref_squeeze %dma_start3A_31 : memref<1x640x128xf32, #tpu.memory_space<hbm>> -> memref<640x128xf32, #tpu.memory_space<hbm>>
      %dma_start3A_33 = arith.constant 0 : i32
      %dma_start3A_34 = tpu.memref_slice %arg10[%mul3A_27, %dma_start3A_33] : memref<10240x128xf32, #tpu.memory_space<vmem_shared>> -> memref<640x128xf32, #tpu.memory_space<vmem_shared>>
      tpu.enqueue_dma source(%dma_start3A_34 : memref<640x128xf32, #tpu.memory_space<vmem_shared>>) target(%dma_start3A_32 : memref<640x128xf32, #tpu.memory_space<hbm>>) target_semaphore(%run_scoped3A : memref<!tpu.dma_semaphore, #tpu.memory_space<semaphore_mem>>)
      %dma_wait3A = arith.constant 0 : i32
      %dma_wait3A_35 = tpu.memref_slice %arg6[%arg0, %mul3A_29, %dma_wait3A] : memref<2x10240x128xf32, #tpu.memory_space<hbm>> -> memref<1x640x128xf32, #tpu.memory_space<hbm>>
      %dma_wait3A_36 = tpu.memref_squeeze %dma_wait3A_35 : memref<1x640x128xf32, #tpu.memory_space<hbm>> -> memref<640x128xf32, #tpu.memory_space<hbm>>
      %dma_wait3A_37 = arith.constant 0 : i32
      %dma_wait3A_38 = tpu.memref_slice %arg10[%mul3A_27, %dma_wait3A_37] : memref<10240x128xf32, #tpu.memory_space<vmem_shared>> -> memref<640x128xf32, #tpu.memory_space<vmem_shared>>
      tpu.wait_dma2 semaphore(%run_scoped3A : memref<!tpu.dma_semaphore, #tpu.memory_space<semaphore_mem>>) src(%dma_wait3A_38 : memref<640x128xf32, #tpu.memory_space<vmem_shared>>) dst(%dma_wait3A_36 : memref<640x128xf32, #tpu.memory_space<hbm>>)
      tpu.yield
    }) : () -> ()
    return
  }
}

#map = affine_map<(d0, d1) -> (0, 0)>
#map1 = affine_map<(d0, d1) -> (0, 0, 0, 0)>
#map2 = affine_map<(d0, d1) -> (0, 0, 0)>
module attributes {stable_mosaic.version = 14 : i64} {
  func.func @body_fn(%arg0: i32, %arg1: i32, %arg2: memref<10240x128xf32, #tpu.memory_space<hbm>>, %arg3: memref<2x16x40x128xi32, #tpu.memory_space<hbm>>, %arg4: memref<2x16x40x128xi32, #tpu.memory_space<hbm>>, %arg5: memref<640x128xf32, #tpu.memory_space<hbm>>, %arg6: memref<2x10240x128xf32, #tpu.memory_space<hbm>>, %arg7: memref<40x128xi32, #tpu.memory_space<vmem>>, %arg8: memref<40x128xi32, #tpu.memory_space<vmem>>, %arg9: memref<256x128xf32, #tpu.memory_space<vmem>>, %arg10: memref<10240x128xf32, #tpu.memory_space<vmem_shared>>, %arg11: memref<!tpu.dma_semaphore, #tpu.memory_space<semaphore_mem>>) attributes {dimension_semantics = [#tpu.dimension_semantics<core_parallel>, #tpu.dimension_semantics<subcore_parallel>], iteration_bounds = array<i64: 2, 16>, scalar_prefetch = 0 : i64, scratch_operands = 5 : i64, tpu.core_type = #tpu.core_type<sc_vector_subcore>, window_params = [{transform_indices = #map}, {transform_indices = #map1}, {transform_indices = #map1}, {transform_indices = #map}, {transform_indices = #map2}]} {
    "tpu.region"() ({
      %run_scoped3A = tpu.sem_alloc : memref<!tpu.dma_semaphore, #tpu.memory_space<semaphore_mem>>
      %dma_start3A_30 = arith.constant 0 : i32
      %dma_start3A_31 = arith.constant 0 : i32
      %dma_start3A_32 = tpu.memref_slice %arg3[%arg0, %arg1, %dma_start3A_30, %dma_start3A_31] : memref<2x16x40x128xi32, #tpu.memory_space<hbm>> -> memref<1x1x40x128xi32, #tpu.memory_space<hbm>>
      %dma_start3A_33 = tpu.memref_squeeze %dma_start3A_32 : memref<1x1x40x128xi32, #tpu.memory_space<hbm>> -> memref<40x128xi32, #tpu.memory_space<hbm>>
      %dma_start3A_34 = arith.constant 0 : i32
      %dma_start3A_35 = arith.constant 0 : i32
      %dma_start3A_36 = tpu.memref_slice %arg3[%arg0, %arg1, %dma_start3A_34, %dma_start3A_35] : memref<2x16x40x128xi32, #tpu.memory_space<hbm>> -> memref<1x1x40x128xi32, #tpu.memory_space<hbm>>
      %dma_start3A_37 = tpu.memref_squeeze %dma_start3A_36 : memref<1x1x40x128xi32, #tpu.memory_space<hbm>> -> memref<40x128xi32, #tpu.memory_space<hbm>>
      tpu.enqueue_dma source(%dma_start3A_37 : memref<40x128xi32, #tpu.memory_space<hbm>>) target(%arg7 : memref<40x128xi32, #tpu.memory_space<vmem>>) target_semaphore(%run_scoped3A : memref<!tpu.dma_semaphore, #tpu.memory_space<semaphore_mem>>)
      %dma_wait3A = arith.constant 0 : i32
      %dma_wait3A_38 = arith.constant 0 : i32
      %dma_wait3A_39 = tpu.memref_slice %arg3[%arg0, %arg1, %dma_wait3A, %dma_wait3A_38] : memref<2x16x40x128xi32, #tpu.memory_space<hbm>> -> memref<1x1x40x128xi32, #tpu.memory_space<hbm>>
      %dma_wait3A_40 = tpu.memref_squeeze %dma_wait3A_39 : memref<1x1x40x128xi32, #tpu.memory_space<hbm>> -> memref<40x128xi32, #tpu.memory_space<hbm>>
      %dma_wait3A_41 = arith.constant 0 : i32
      %dma_wait3A_42 = arith.constant 0 : i32
      %dma_wait3A_43 = tpu.memref_slice %arg3[%arg0, %arg1, %dma_wait3A_41, %dma_wait3A_42] : memref<2x16x40x128xi32, #tpu.memory_space<hbm>> -> memref<1x1x40x128xi32, #tpu.memory_space<hbm>>
      %dma_wait3A_44 = tpu.memref_squeeze %dma_wait3A_43 : memref<1x1x40x128xi32, #tpu.memory_space<hbm>> -> memref<40x128xi32, #tpu.memory_space<hbm>>
      tpu.wait_dma2 semaphore(%run_scoped3A : memref<!tpu.dma_semaphore, #tpu.memory_space<semaphore_mem>>) src(%dma_wait3A_44 : memref<40x128xi32, #tpu.memory_space<hbm>>) dst(%arg7 : memref<40x128xi32, #tpu.memory_space<vmem>>)
      tpu.yield
    }) : () -> ()
    "tpu.region"() ({
      %run_scoped3A = tpu.sem_alloc : memref<!tpu.dma_semaphore, #tpu.memory_space<semaphore_mem>>
      %dma_start3A_30 = arith.constant 0 : i32
      %dma_start3A_31 = arith.constant 0 : i32
      %dma_start3A_32 = tpu.memref_slice %arg4[%arg0, %arg1, %dma_start3A_30, %dma_start3A_31] : memref<2x16x40x128xi32, #tpu.memory_space<hbm>> -> memref<1x1x40x128xi32, #tpu.memory_space<hbm>>
      %dma_start3A_33 = tpu.memref_squeeze %dma_start3A_32 : memref<1x1x40x128xi32, #tpu.memory_space<hbm>> -> memref<40x128xi32, #tpu.memory_space<hbm>>
      %dma_start3A_34 = arith.constant 0 : i32
      %dma_start3A_35 = arith.constant 0 : i32
      %dma_start3A_36 = tpu.memref_slice %arg4[%arg0, %arg1, %dma_start3A_34, %dma_start3A_35] : memref<2x16x40x128xi32, #tpu.memory_space<hbm>> -> memref<1x1x40x128xi32, #tpu.memory_space<hbm>>
      %dma_start3A_37 = tpu.memref_squeeze %dma_start3A_36 : memref<1x1x40x128xi32, #tpu.memory_space<hbm>> -> memref<40x128xi32, #tpu.memory_space<hbm>>
      tpu.enqueue_dma source(%dma_start3A_37 : memref<40x128xi32, #tpu.memory_space<hbm>>) target(%arg8 : memref<40x128xi32, #tpu.memory_space<vmem>>) target_semaphore(%run_scoped3A : memref<!tpu.dma_semaphore, #tpu.memory_space<semaphore_mem>>)
      %dma_wait3A = arith.constant 0 : i32
      %dma_wait3A_38 = arith.constant 0 : i32
      %dma_wait3A_39 = tpu.memref_slice %arg4[%arg0, %arg1, %dma_wait3A, %dma_wait3A_38] : memref<2x16x40x128xi32, #tpu.memory_space<hbm>> -> memref<1x1x40x128xi32, #tpu.memory_space<hbm>>
      %dma_wait3A_40 = tpu.memref_squeeze %dma_wait3A_39 : memref<1x1x40x128xi32, #tpu.memory_space<hbm>> -> memref<40x128xi32, #tpu.memory_space<hbm>>
      %dma_wait3A_41 = arith.constant 0 : i32
      %dma_wait3A_42 = arith.constant 0 : i32
      %dma_wait3A_43 = tpu.memref_slice %arg4[%arg0, %arg1, %dma_wait3A_41, %dma_wait3A_42] : memref<2x16x40x128xi32, #tpu.memory_space<hbm>> -> memref<1x1x40x128xi32, #tpu.memory_space<hbm>>
      %dma_wait3A_44 = tpu.memref_squeeze %dma_wait3A_43 : memref<1x1x40x128xi32, #tpu.memory_space<hbm>> -> memref<40x128xi32, #tpu.memory_space<hbm>>
      tpu.wait_dma2 semaphore(%run_scoped3A : memref<!tpu.dma_semaphore, #tpu.memory_space<semaphore_mem>>) src(%dma_wait3A_44 : memref<40x128xi32, #tpu.memory_space<hbm>>) dst(%arg8 : memref<40x128xi32, #tpu.memory_space<vmem>>)
      tpu.yield
    }) : () -> ()
    %mul3A = arith.constant 640 : i32
    %mul3A_0 = arith.muli %arg1, %mul3A : i32
    "tpu.region"() ({
      %run_scoped3A = tpu.sem_alloc : memref<!tpu.dma_semaphore, #tpu.memory_space<semaphore_mem>>
      %dma_start3A_30 = arith.constant 0 : i32
      %dma_start3A_31 = tpu.memref_slice %arg10[%mul3A_0, %dma_start3A_30] : memref<10240x128xf32, #tpu.memory_space<vmem_shared>> -> memref<640x128xf32, #tpu.memory_space<vmem_shared>>
      tpu.enqueue_dma source(%arg5 : memref<640x128xf32, #tpu.memory_space<hbm>>) target(%dma_start3A_31 : memref<640x128xf32, #tpu.memory_space<vmem_shared>>) target_semaphore(%run_scoped3A : memref<!tpu.dma_semaphore, #tpu.memory_space<semaphore_mem>>)
      %dma_wait3A = arith.constant 0 : i32
      %dma_wait3A_32 = tpu.memref_slice %arg10[%mul3A_0, %dma_wait3A] : memref<10240x128xf32, #tpu.memory_space<vmem_shared>> -> memref<640x128xf32, #tpu.memory_space<vmem_shared>>
      tpu.wait_dma2 semaphore(%run_scoped3A : memref<!tpu.dma_semaphore, #tpu.memory_space<semaphore_mem>>) src(%arg5 : memref<640x128xf32, #tpu.memory_space<hbm>>) dst(%dma_wait3A_32 : memref<640x128xf32, #tpu.memory_space<vmem_shared>>)
      tpu.yield
    }) : () -> ()
    %barrier3A = arith.constant 0 : index
    tpu.barrier barrier_id(%barrier3A)
    %dma_start3A = arith.constant 0 : i32
    %dma_start3A_1 = arith.constant 0 : i32
    %dma_start3A_2 = arith.constant 0 : i32
    %dma_start3A_3 = tpu.memref_slice %arg9[%dma_start3A_1, %dma_start3A_2] : memref<256x128xf32, #tpu.memory_space<vmem>> -> memref<128x128xf32, #tpu.memory_space<vmem>>
    %dma_start3A_4 = arith.constant 0 : i32
    %dma_start3A_5 = tpu.memref_slice %arg7[%dma_start3A, %dma_start3A_4] : memref<40x128xi32, #tpu.memory_space<vmem>> -> memref<1x128xi32, #tpu.memory_space<vmem>>
    %dma_start3A_6 = tpu.memref_squeeze %dma_start3A_5 : memref<1x128xi32, #tpu.memory_space<vmem>> -> memref<128xi32, #tpu.memory_space<vmem>>
    %dma_start3A_7 = arith.constant 0 : i32
    %dma_start3A_8 = arith.constant 0 : i32
    %dma_start3A_9 = tpu.memref_slice %arg2[%dma_start3A_7, %dma_start3A_8] : memref<10240x128xf32, #tpu.memory_space<hbm>> -> memref<10240x128xf32, #tpu.memory_space<hbm>>
    tpu.enqueue_indirect_dma source(%dma_start3A_9 : memref<10240x128xf32, #tpu.memory_space<hbm>>) target(%dma_start3A_3 : memref<128x128xf32, #tpu.memory_space<vmem>>) offsets(%dma_start3A_6 : memref<128xi32, #tpu.memory_space<vmem>>) semaphore(%arg11 : memref<!tpu.dma_semaphore, #tpu.memory_space<semaphore_mem>>)
    %dma_start3A_10 = arith.constant 1 : i32
    %dma_start3A_11 = arith.constant 128 : i32
    %dma_start3A_12 = arith.constant 0 : i32
    %dma_start3A_13 = tpu.memref_slice %arg9[%dma_start3A_11, %dma_start3A_12] : memref<256x128xf32, #tpu.memory_space<vmem>> -> memref<128x128xf32, #tpu.memory_space<vmem>>
    %dma_start3A_14 = arith.constant 0 : i32
    %dma_start3A_15 = tpu.memref_slice %arg7[%dma_start3A_10, %dma_start3A_14] : memref<40x128xi32, #tpu.memory_space<vmem>> -> memref<1x128xi32, #tpu.memory_space<vmem>>
    %dma_start3A_16 = tpu.memref_squeeze %dma_start3A_15 : memref<1x128xi32, #tpu.memory_space<vmem>> -> memref<128xi32, #tpu.memory_space<vmem>>
    %dma_start3A_17 = arith.constant 0 : i32
    %dma_start3A_18 = arith.constant 0 : i32
    %dma_start3A_19 = tpu.memref_slice %arg2[%dma_start3A_17, %dma_start3A_18] : memref<10240x128xf32, #tpu.memory_space<hbm>> -> memref<10240x128xf32, #tpu.memory_space<hbm>>
    tpu.enqueue_indirect_dma source(%dma_start3A_19 : memref<10240x128xf32, #tpu.memory_space<hbm>>) target(%dma_start3A_13 : memref<128x128xf32, #tpu.memory_space<vmem>>) offsets(%dma_start3A_16 : memref<128xi32, #tpu.memory_space<vmem>>) semaphore(%arg11 : memref<!tpu.dma_semaphore, #tpu.memory_space<semaphore_mem>>)
    %scan3A = arith.constant 0 : i32
    %scan3A_20 = arith.constant 0 : i32
    %scan3A_21 = arith.constant 20 : i32
    %scan3A_22 = arith.addi %scan3A_20, %scan3A_21 : i32
    %scan3A_23 = arith.constant 1 : i32
    scf.for %scan3A_30 = %scan3A_20 to %scan3A_22 step %scan3A_23  : i32 {
      %mul3A_31 = arith.constant 2 : i32
      %mul3A_32 = arith.muli %scan3A_30, %mul3A_31 : i32
      %add3A = arith.constant 0 : i32
      %add3A_33 = arith.addi %mul3A_32, %add3A : i32
      %dma_wait3A = arith.constant 0 : i32
      %dma_wait3A_34 = arith.constant 0 : i32
      %dma_wait3A_35 = tpu.memref_slice %arg9[%dma_wait3A, %dma_wait3A_34] : memref<256x128xf32, #tpu.memory_space<vmem>> -> memref<128x128xf32, #tpu.memory_space<vmem>>
      %dma_wait3A_36 = arith.constant 0 : i32
      %dma_wait3A_37 = tpu.memref_slice %arg7[%add3A_33, %dma_wait3A_36] : memref<40x128xi32, #tpu.memory_space<vmem>> -> memref<1x128xi32, #tpu.memory_space<vmem>>
      %dma_wait3A_38 = tpu.memref_squeeze %dma_wait3A_37 : memref<1x128xi32, #tpu.memory_space<vmem>> -> memref<128xi32, #tpu.memory_space<vmem>>
      %dma_wait3A_39 = arith.constant 0 : i32
      %dma_wait3A_40 = arith.constant 0 : i32
      %dma_wait3A_41 = tpu.memref_slice %arg2[%dma_wait3A_39, %dma_wait3A_40] : memref<10240x128xf32, #tpu.memory_space<hbm>> -> memref<10240x128xf32, #tpu.memory_space<hbm>>
      tpu.wait_indirect_dma semaphore(%arg11 : memref<!tpu.dma_semaphore, #tpu.memory_space<semaphore_mem>>) src(%dma_wait3A_41 : memref<10240x128xf32, #tpu.memory_space<hbm>>) dst(%dma_wait3A_35 : memref<128x128xf32, #tpu.memory_space<vmem>>)
      "tpu.region"() ({
        %run_scoped3A = tpu.sem_alloc : memref<!tpu.dma_semaphore, #tpu.memory_space<semaphore_mem>>
        %dma_start3A_62 = arith.constant 0 : i32
        %dma_start3A_63 = arith.constant 0 : i32
        %dma_start3A_64 = tpu.memref_slice %arg9[%dma_start3A_62, %dma_start3A_63] : memref<256x128xf32, #tpu.memory_space<vmem>> -> memref<128x128xf32, #tpu.memory_space<vmem>>
        %dma_start3A_65 = arith.constant 0 : i32
        %dma_start3A_66 = tpu.memref_slice %arg8[%add3A_33, %dma_start3A_65] : memref<40x128xi32, #tpu.memory_space<vmem>> -> memref<1x128xi32, #tpu.memory_space<vmem>>
        %dma_start3A_67 = tpu.memref_squeeze %dma_start3A_66 : memref<1x128xi32, #tpu.memory_space<vmem>> -> memref<128xi32, #tpu.memory_space<vmem>>
        %dma_start3A_68 = arith.constant 0 : i32
        %dma_start3A_69 = arith.constant 0 : i32
        %dma_start3A_70 = tpu.memref_slice %arg10[%dma_start3A_68, %dma_start3A_69] : memref<10240x128xf32, #tpu.memory_space<vmem_shared>> -> memref<10240x128xf32, #tpu.memory_space<vmem_shared>>
        tpu.enqueue_indirect_dma source(%dma_start3A_64 : memref<128x128xf32, #tpu.memory_space<vmem>>) target(%dma_start3A_70 : memref<10240x128xf32, #tpu.memory_space<vmem_shared>>) offsets(%dma_start3A_67 : memref<128xi32, #tpu.memory_space<vmem>>) semaphore(%run_scoped3A : memref<!tpu.dma_semaphore, #tpu.memory_space<semaphore_mem>>) {add = true}
        %dma_wait3A_71 = arith.constant 0 : i32
        %dma_wait3A_72 = arith.constant 0 : i32
        %dma_wait3A_73 = tpu.memref_slice %arg9[%dma_wait3A_71, %dma_wait3A_72] : memref<256x128xf32, #tpu.memory_space<vmem>> -> memref<128x128xf32, #tpu.memory_space<vmem>>
        %dma_wait3A_74 = arith.constant 0 : i32
        %dma_wait3A_75 = tpu.memref_slice %arg8[%add3A_33, %dma_wait3A_74] : memref<40x128xi32, #tpu.memory_space<vmem>> -> memref<1x128xi32, #tpu.memory_space<vmem>>
        %dma_wait3A_76 = tpu.memref_squeeze %dma_wait3A_75 : memref<1x128xi32, #tpu.memory_space<vmem>> -> memref<128xi32, #tpu.memory_space<vmem>>
        %dma_wait3A_77 = arith.constant 0 : i32
        %dma_wait3A_78 = arith.constant 0 : i32
        %dma_wait3A_79 = tpu.memref_slice %arg10[%dma_wait3A_77, %dma_wait3A_78] : memref<10240x128xf32, #tpu.memory_space<vmem_shared>> -> memref<10240x128xf32, #tpu.memory_space<vmem_shared>>
        tpu.wait_indirect_dma semaphore(%run_scoped3A : memref<!tpu.dma_semaphore, #tpu.memory_space<semaphore_mem>>) src(%dma_wait3A_73 : memref<128x128xf32, #tpu.memory_space<vmem>>) dst(%dma_wait3A_79 : memref<10240x128xf32, #tpu.memory_space<vmem_shared>>)
        tpu.yield
      }) : () -> ()
      %lt3A = arith.constant 19 : i32
      %lt3A_42 = arith.cmpi slt, %scan3A_30, %lt3A : i32
      %convert_element_type3A = arith.extui %lt3A_42 : i1 to i32
      %cond3A = arith.constant 0 : i32
      %cond3A_43 = arith.cmpi ne, %convert_element_type3A, %cond3A : i32
      scf.if %cond3A_43 {
        %add3A_62 = arith.constant 2 : i32
        %add3A_63 = arith.addi %add3A_33, %add3A_62 : i32
        %dma_start3A_64 = arith.constant 0 : i32
        %dma_start3A_65 = arith.constant 0 : i32
        %dma_start3A_66 = tpu.memref_slice %arg9[%dma_start3A_64, %dma_start3A_65] : memref<256x128xf32, #tpu.memory_space<vmem>> -> memref<128x128xf32, #tpu.memory_space<vmem>>
        %dma_start3A_67 = arith.constant 0 : i32
        %dma_start3A_68 = tpu.memref_slice %arg7[%add3A_63, %dma_start3A_67] : memref<40x128xi32, #tpu.memory_space<vmem>> -> memref<1x128xi32, #tpu.memory_space<vmem>>
        %dma_start3A_69 = tpu.memref_squeeze %dma_start3A_68 : memref<1x128xi32, #tpu.memory_space<vmem>> -> memref<128xi32, #tpu.memory_space<vmem>>
        %dma_start3A_70 = arith.constant 0 : i32
        %dma_start3A_71 = arith.constant 0 : i32
        %dma_start3A_72 = tpu.memref_slice %arg2[%dma_start3A_70, %dma_start3A_71] : memref<10240x128xf32, #tpu.memory_space<hbm>> -> memref<10240x128xf32, #tpu.memory_space<hbm>>
        tpu.enqueue_indirect_dma source(%dma_start3A_72 : memref<10240x128xf32, #tpu.memory_space<hbm>>) target(%dma_start3A_66 : memref<128x128xf32, #tpu.memory_space<vmem>>) offsets(%dma_start3A_69 : memref<128xi32, #tpu.memory_space<vmem>>) semaphore(%arg11 : memref<!tpu.dma_semaphore, #tpu.memory_space<semaphore_mem>>)
      } else {
      }
      %mul3A_44 = arith.constant 2 : i32
      %mul3A_45 = arith.muli %scan3A_30, %mul3A_44 : i32
      %add3A_46 = arith.constant 1 : i32
      %add3A_47 = arith.addi %mul3A_45, %add3A_46 : i32
      %dma_wait3A_48 = arith.constant 128 : i32
      %dma_wait3A_49 = arith.constant 0 : i32
      %dma_wait3A_50 = tpu.memref_slice %arg9[%dma_wait3A_48, %dma_wait3A_49] : memref<256x128xf32, #tpu.memory_space<vmem>> -> memref<128x128xf32, #tpu.memory_space<vmem>>
      %dma_wait3A_51 = arith.constant 0 : i32
      %dma_wait3A_52 = tpu.memref_slice %arg7[%add3A_47, %dma_wait3A_51] : memref<40x128xi32, #tpu.memory_space<vmem>> -> memref<1x128xi32, #tpu.memory_space<vmem>>
      %dma_wait3A_53 = tpu.memref_squeeze %dma_wait3A_52 : memref<1x128xi32, #tpu.memory_space<vmem>> -> memref<128xi32, #tpu.memory_space<vmem>>
      %dma_wait3A_54 = arith.constant 0 : i32
      %dma_wait3A_55 = arith.constant 0 : i32
      %dma_wait3A_56 = tpu.memref_slice %arg2[%dma_wait3A_54, %dma_wait3A_55] : memref<10240x128xf32, #tpu.memory_space<hbm>> -> memref<10240x128xf32, #tpu.memory_space<hbm>>
      tpu.wait_indirect_dma semaphore(%arg11 : memref<!tpu.dma_semaphore, #tpu.memory_space<semaphore_mem>>) src(%dma_wait3A_56 : memref<10240x128xf32, #tpu.memory_space<hbm>>) dst(%dma_wait3A_50 : memref<128x128xf32, #tpu.memory_space<vmem>>)
      "tpu.region"() ({
        %run_scoped3A = tpu.sem_alloc : memref<!tpu.dma_semaphore, #tpu.memory_space<semaphore_mem>>
        %dma_start3A_62 = arith.constant 128 : i32
        %dma_start3A_63 = arith.constant 0 : i32
        %dma_start3A_64 = tpu.memref_slice %arg9[%dma_start3A_62, %dma_start3A_63] : memref<256x128xf32, #tpu.memory_space<vmem>> -> memref<128x128xf32, #tpu.memory_space<vmem>>
        %dma_start3A_65 = arith.constant 0 : i32
        %dma_start3A_66 = tpu.memref_slice %arg8[%add3A_47, %dma_start3A_65] : memref<40x128xi32, #tpu.memory_space<vmem>> -> memref<1x128xi32, #tpu.memory_space<vmem>>
        %dma_start3A_67 = tpu.memref_squeeze %dma_start3A_66 : memref<1x128xi32, #tpu.memory_space<vmem>> -> memref<128xi32, #tpu.memory_space<vmem>>
        %dma_start3A_68 = arith.constant 0 : i32
        %dma_start3A_69 = arith.constant 0 : i32
        %dma_start3A_70 = tpu.memref_slice %arg10[%dma_start3A_68, %dma_start3A_69] : memref<10240x128xf32, #tpu.memory_space<vmem_shared>> -> memref<10240x128xf32, #tpu.memory_space<vmem_shared>>
        tpu.enqueue_indirect_dma source(%dma_start3A_64 : memref<128x128xf32, #tpu.memory_space<vmem>>) target(%dma_start3A_70 : memref<10240x128xf32, #tpu.memory_space<vmem_shared>>) offsets(%dma_start3A_67 : memref<128xi32, #tpu.memory_space<vmem>>) semaphore(%run_scoped3A : memref<!tpu.dma_semaphore, #tpu.memory_space<semaphore_mem>>) {add = true}
        %dma_wait3A_71 = arith.constant 128 : i32
        %dma_wait3A_72 = arith.constant 0 : i32
        %dma_wait3A_73 = tpu.memref_slice %arg9[%dma_wait3A_71, %dma_wait3A_72] : memref<256x128xf32, #tpu.memory_space<vmem>> -> memref<128x128xf32, #tpu.memory_space<vmem>>
        %dma_wait3A_74 = arith.constant 0 : i32
        %dma_wait3A_75 = tpu.memref_slice %arg8[%add3A_47, %dma_wait3A_74] : memref<40x128xi32, #tpu.memory_space<vmem>> -> memref<1x128xi32, #tpu.memory_space<vmem>>
        %dma_wait3A_76 = tpu.memref_squeeze %dma_wait3A_75 : memref<1x128xi32, #tpu.memory_space<vmem>> -> memref<128xi32, #tpu.memory_space<vmem>>
        %dma_wait3A_77 = arith.constant 0 : i32
        %dma_wait3A_78 = arith.constant 0 : i32
        %dma_wait3A_79 = tpu.memref_slice %arg10[%dma_wait3A_77, %dma_wait3A_78] : memref<10240x128xf32, #tpu.memory_space<vmem_shared>> -> memref<10240x128xf32, #tpu.memory_space<vmem_shared>>
        tpu.wait_indirect_dma semaphore(%run_scoped3A : memref<!tpu.dma_semaphore, #tpu.memory_space<semaphore_mem>>) src(%dma_wait3A_73 : memref<128x128xf32, #tpu.memory_space<vmem>>) dst(%dma_wait3A_79 : memref<10240x128xf32, #tpu.memory_space<vmem_shared>>)
        tpu.yield
      }) : () -> ()
      %lt3A_57 = arith.constant 19 : i32
      %lt3A_58 = arith.cmpi slt, %scan3A_30, %lt3A_57 : i32
      %convert_element_type3A_59 = arith.extui %lt3A_58 : i1 to i32
      %cond3A_60 = arith.constant 0 : i32
      %cond3A_61 = arith.cmpi ne, %convert_element_type3A_59, %cond3A_60 : i32
      scf.if %cond3A_61 {
        %add3A_62 = arith.constant 2 : i32
        %add3A_63 = arith.addi %add3A_47, %add3A_62 : i32
        %dma_start3A_64 = arith.constant 128 : i32
        %dma_start3A_65 = arith.constant 0 : i32
        %dma_start3A_66 = tpu.memref_slice %arg9[%dma_start3A_64, %dma_start3A_65] : memref<256x128xf32, #tpu.memory_space<vmem>> -> memref<128x128xf32, #tpu.memory_space<vmem>>
        %dma_start3A_67 = arith.constant 0 : i32
        %dma_start3A_68 = tpu.memref_slice %arg7[%add3A_63, %dma_start3A_67] : memref<40x128xi32, #tpu.memory_space<vmem>> -> memref<1x128xi32, #tpu.memory_space<vmem>>
        %dma_start3A_69 = tpu.memref_squeeze %dma_start3A_68 : memref<1x128xi32, #tpu.memory_space<vmem>> -> memref<128xi32, #tpu.memory_space<vmem>>
        %dma_start3A_70 = arith.constant 0 : i32
        %dma_start3A_71 = arith.constant 0 : i32
        %dma_start3A_72 = tpu.memref_slice %arg2[%dma_start3A_70, %dma_start3A_71] : memref<10240x128xf32, #tpu.memory_space<hbm>> -> memref<10240x128xf32, #tpu.memory_space<hbm>>
        tpu.enqueue_indirect_dma source(%dma_start3A_72 : memref<10240x128xf32, #tpu.memory_space<hbm>>) target(%dma_start3A_66 : memref<128x128xf32, #tpu.memory_space<vmem>>) offsets(%dma_start3A_69 : memref<128xi32, #tpu.memory_space<vmem>>) semaphore(%arg11 : memref<!tpu.dma_semaphore, #tpu.memory_space<semaphore_mem>>)
      } else {
      }
    }
    %scan3A_24 = arith.constant 20 : i32
    %barrier3A_25 = arith.constant 0 : index
    tpu.barrier barrier_id(%barrier3A_25)
    %mul3A_26 = arith.constant 640 : i32
    %mul3A_27 = arith.muli %arg1, %mul3A_26 : i32
    %mul3A_28 = arith.constant 640 : i32
    %mul3A_29 = arith.muli %arg1, %mul3A_28 : i32
    "tpu.region"() ({
      %run_scoped3A = tpu.sem_alloc : memref<!tpu.dma_semaphore, #tpu.memory_space<semaphore_mem>>
      %dma_start3A_30 = arith.constant 0 : i32
      %dma_start3A_31 = tpu.memref_slice %arg6[%arg0, %mul3A_29, %dma_start3A_30] : memref<2x10240x128xf32, #tpu.memory_space<hbm>> -> memref<1x640x128xf32, #tpu.memory_space<hbm>>
      %dma_start3A_32 = tpu.memref_squeeze %dma_start3A_31 : memref<1x640x128xf32, #tpu.memory_space<hbm>> -> memref<640x128xf32, #tpu.memory_space<hbm>>
      %dma_start3A_33 = arith.constant 0 : i32
      %dma_start3A_34 = tpu.memref_slice %arg10[%mul3A_27, %dma_start3A_33] : memref<10240x128xf32, #tpu.memory_space<vmem_shared>> -> memref<640x128xf32, #tpu.memory_space<vmem_shared>>
      tpu.enqueue_dma source(%dma_start3A_34 : memref<640x128xf32, #tpu.memory_space<vmem_shared>>) target(%dma_start3A_32 : memref<640x128xf32, #tpu.memory_space<hbm>>) target_semaphore(%run_scoped3A : memref<!tpu.dma_semaphore, #tpu.memory_space<semaphore_mem>>)
      %dma_wait3A = arith.constant 0 : i32
      %dma_wait3A_35 = tpu.memref_slice %arg6[%arg0, %mul3A_29, %dma_wait3A] : memref<2x10240x128xf32, #tpu.memory_space<hbm>> -> memref<1x640x128xf32, #tpu.memory_space<hbm>>
      %dma_wait3A_36 = tpu.memref_squeeze %dma_wait3A_35 : memref<1x640x128xf32, #tpu.memory_space<hbm>> -> memref<640x128xf32, #tpu.memory_space<hbm>>
      %dma_wait3A_37 = arith.constant 0 : i32
      %dma_wait3A_38 = tpu.memref_slice %arg10[%mul3A_27, %dma_wait3A_37] : memref<10240x128xf32, #tpu.memory_space<vmem_shared>> -> memref<640x128xf32, #tpu.memory_space<vmem_shared>>
      tpu.wait_dma2 semaphore(%run_scoped3A : memref<!tpu.dma_semaphore, #tpu.memory_space<semaphore_mem>>) src(%dma_wait3A_38 : memref<640x128xf32, #tpu.memory_space<vmem_shared>>) dst(%dma_wait3A_36 : memref<640x128xf32, #tpu.memory_space<hbm>>)
      tpu.yield
    }) : () -> ()
    return
  }
}

#map = affine_map<(d0, d1) -> (0, 0)>
#map1 = affine_map<(d0, d1) -> (0, 0, 0, 0)>
#map2 = affine_map<(d0, d1) -> (0, 0, 0)>
module attributes {stable_mosaic.version = 14 : i64} {
  func.func @body_fn(%arg0: i32, %arg1: i32, %arg2: memref<10240x128xf32, #tpu.memory_space<hbm>>, %arg3: memref<2x16x40x128xi32, #tpu.memory_space<hbm>>, %arg4: memref<2x16x40x128xi32, #tpu.memory_space<hbm>>, %arg5: memref<640x128xf32, #tpu.memory_space<hbm>>, %arg6: memref<2x10240x128xf32, #tpu.memory_space<hbm>>, %arg7: memref<40x128xi32, #tpu.memory_space<vmem>>, %arg8: memref<40x128xi32, #tpu.memory_space<vmem>>, %arg9: memref<256x128xf32, #tpu.memory_space<vmem>>, %arg10: memref<10240x128xf32, #tpu.memory_space<vmem_shared>>, %arg11: memref<!tpu.dma_semaphore, #tpu.memory_space<semaphore_mem>>) attributes {dimension_semantics = [#tpu.dimension_semantics<core_parallel>, #tpu.dimension_semantics<subcore_parallel>], iteration_bounds = array<i64: 2, 16>, scalar_prefetch = 0 : i64, scratch_operands = 5 : i64, tpu.core_type = #tpu.core_type<sc_vector_subcore>, window_params = [{transform_indices = #map}, {transform_indices = #map1}, {transform_indices = #map1}, {transform_indices = #map}, {transform_indices = #map2}]} {
    "tpu.region"() ({
      %run_scoped3A = tpu.sem_alloc : memref<!tpu.dma_semaphore, #tpu.memory_space<semaphore_mem>>
      %dma_start3A_30 = arith.constant 0 : i32
      %dma_start3A_31 = arith.constant 0 : i32
      %dma_start3A_32 = tpu.memref_slice %arg3[%arg0, %arg1, %dma_start3A_30, %dma_start3A_31] : memref<2x16x40x128xi32, #tpu.memory_space<hbm>> -> memref<1x1x40x128xi32, #tpu.memory_space<hbm>>
      %dma_start3A_33 = tpu.memref_squeeze %dma_start3A_32 : memref<1x1x40x128xi32, #tpu.memory_space<hbm>> -> memref<40x128xi32, #tpu.memory_space<hbm>>
      %dma_start3A_34 = arith.constant 0 : i32
      %dma_start3A_35 = arith.constant 0 : i32
      %dma_start3A_36 = tpu.memref_slice %arg3[%arg0, %arg1, %dma_start3A_34, %dma_start3A_35] : memref<2x16x40x128xi32, #tpu.memory_space<hbm>> -> memref<1x1x40x128xi32, #tpu.memory_space<hbm>>
      %dma_start3A_37 = tpu.memref_squeeze %dma_start3A_36 : memref<1x1x40x128xi32, #tpu.memory_space<hbm>> -> memref<40x128xi32, #tpu.memory_space<hbm>>
      tpu.enqueue_dma source(%dma_start3A_37 : memref<40x128xi32, #tpu.memory_space<hbm>>) target(%arg7 : memref<40x128xi32, #tpu.memory_space<vmem>>) target_semaphore(%run_scoped3A : memref<!tpu.dma_semaphore, #tpu.memory_space<semaphore_mem>>)
      %dma_wait3A = arith.constant 0 : i32
      %dma_wait3A_38 = arith.constant 0 : i32
      %dma_wait3A_39 = tpu.memref_slice %arg3[%arg0, %arg1, %dma_wait3A, %dma_wait3A_38] : memref<2x16x40x128xi32, #tpu.memory_space<hbm>> -> memref<1x1x40x128xi32, #tpu.memory_space<hbm>>
      %dma_wait3A_40 = tpu.memref_squeeze %dma_wait3A_39 : memref<1x1x40x128xi32, #tpu.memory_space<hbm>> -> memref<40x128xi32, #tpu.memory_space<hbm>>
      %dma_wait3A_41 = arith.constant 0 : i32
      %dma_wait3A_42 = arith.constant 0 : i32
      %dma_wait3A_43 = tpu.memref_slice %arg3[%arg0, %arg1, %dma_wait3A_41, %dma_wait3A_42] : memref<2x16x40x128xi32, #tpu.memory_space<hbm>> -> memref<1x1x40x128xi32, #tpu.memory_space<hbm>>
      %dma_wait3A_44 = tpu.memref_squeeze %dma_wait3A_43 : memref<1x1x40x128xi32, #tpu.memory_space<hbm>> -> memref<40x128xi32, #tpu.memory_space<hbm>>
      tpu.wait_dma2 semaphore(%run_scoped3A : memref<!tpu.dma_semaphore, #tpu.memory_space<semaphore_mem>>) src(%dma_wait3A_44 : memref<40x128xi32, #tpu.memory_space<hbm>>) dst(%arg7 : memref<40x128xi32, #tpu.memory_space<vmem>>)
      tpu.yield
    }) : () -> ()
    "tpu.region"() ({
      %run_scoped3A = tpu.sem_alloc : memref<!tpu.dma_semaphore, #tpu.memory_space<semaphore_mem>>
      %dma_start3A_30 = arith.constant 0 : i32
      %dma_start3A_31 = arith.constant 0 : i32
      %dma_start3A_32 = tpu.memref_slice %arg4[%arg0, %arg1, %dma_start3A_30, %dma_start3A_31] : memref<2x16x40x128xi32, #tpu.memory_space<hbm>> -> memref<1x1x40x128xi32, #tpu.memory_space<hbm>>
      %dma_start3A_33 = tpu.memref_squeeze %dma_start3A_32 : memref<1x1x40x128xi32, #tpu.memory_space<hbm>> -> memref<40x128xi32, #tpu.memory_space<hbm>>
      %dma_start3A_34 = arith.constant 0 : i32
      %dma_start3A_35 = arith.constant 0 : i32
      %dma_start3A_36 = tpu.memref_slice %arg4[%arg0, %arg1, %dma_start3A_34, %dma_start3A_35] : memref<2x16x40x128xi32, #tpu.memory_space<hbm>> -> memref<1x1x40x128xi32, #tpu.memory_space<hbm>>
      %dma_start3A_37 = tpu.memref_squeeze %dma_start3A_36 : memref<1x1x40x128xi32, #tpu.memory_space<hbm>> -> memref<40x128xi32, #tpu.memory_space<hbm>>
      tpu.enqueue_dma source(%dma_start3A_37 : memref<40x128xi32, #tpu.memory_space<hbm>>) target(%arg8 : memref<40x128xi32, #tpu.memory_space<vmem>>) target_semaphore(%run_scoped3A : memref<!tpu.dma_semaphore, #tpu.memory_space<semaphore_mem>>)
      %dma_wait3A = arith.constant 0 : i32
      %dma_wait3A_38 = arith.constant 0 : i32
      %dma_wait3A_39 = tpu.memref_slice %arg4[%arg0, %arg1, %dma_wait3A, %dma_wait3A_38] : memref<2x16x40x128xi32, #tpu.memory_space<hbm>> -> memref<1x1x40x128xi32, #tpu.memory_space<hbm>>
      %dma_wait3A_40 = tpu.memref_squeeze %dma_wait3A_39 : memref<1x1x40x128xi32, #tpu.memory_space<hbm>> -> memref<40x128xi32, #tpu.memory_space<hbm>>
      %dma_wait3A_41 = arith.constant 0 : i32
      %dma_wait3A_42 = arith.constant 0 : i32
      %dma_wait3A_43 = tpu.memref_slice %arg4[%arg0, %arg1, %dma_wait3A_41, %dma_wait3A_42] : memref<2x16x40x128xi32, #tpu.memory_space<hbm>> -> memref<1x1x40x128xi32, #tpu.memory_space<hbm>>
      %dma_wait3A_44 = tpu.memref_squeeze %dma_wait3A_43 : memref<1x1x40x128xi32, #tpu.memory_space<hbm>> -> memref<40x128xi32, #tpu.memory_space<hbm>>
      tpu.wait_dma2 semaphore(%run_scoped3A : memref<!tpu.dma_semaphore, #tpu.memory_space<semaphore_mem>>) src(%dma_wait3A_44 : memref<40x128xi32, #tpu.memory_space<hbm>>) dst(%arg8 : memref<40x128xi32, #tpu.memory_space<vmem>>)
      tpu.yield
    }) : () -> ()
    %mul3A = arith.constant 640 : i32
    %mul3A_0 = arith.muli %arg1, %mul3A : i32
    "tpu.region"() ({
      %run_scoped3A = tpu.sem_alloc : memref<!tpu.dma_semaphore, #tpu.memory_space<semaphore_mem>>
      %dma_start3A_30 = arith.constant 0 : i32
      %dma_start3A_31 = tpu.memref_slice %arg10[%mul3A_0, %dma_start3A_30] : memref<10240x128xf32, #tpu.memory_space<vmem_shared>> -> memref<640x128xf32, #tpu.memory_space<vmem_shared>>
      tpu.enqueue_dma source(%arg5 : memref<640x128xf32, #tpu.memory_space<hbm>>) target(%dma_start3A_31 : memref<640x128xf32, #tpu.memory_space<vmem_shared>>) target_semaphore(%run_scoped3A : memref<!tpu.dma_semaphore, #tpu.memory_space<semaphore_mem>>)
      %dma_wait3A = arith.constant 0 : i32
      %dma_wait3A_32 = tpu.memref_slice %arg10[%mul3A_0, %dma_wait3A] : memref<10240x128xf32, #tpu.memory_space<vmem_shared>> -> memref<640x128xf32, #tpu.memory_space<vmem_shared>>
      tpu.wait_dma2 semaphore(%run_scoped3A : memref<!tpu.dma_semaphore, #tpu.memory_space<semaphore_mem>>) src(%arg5 : memref<640x128xf32, #tpu.memory_space<hbm>>) dst(%dma_wait3A_32 : memref<640x128xf32, #tpu.memory_space<vmem_shared>>)
      tpu.yield
    }) : () -> ()
    %barrier3A = arith.constant 0 : index
    tpu.barrier barrier_id(%barrier3A)
    %dma_start3A = arith.constant 0 : i32
    %dma_start3A_1 = arith.constant 0 : i32
    %dma_start3A_2 = arith.constant 0 : i32
    %dma_start3A_3 = tpu.memref_slice %arg9[%dma_start3A_1, %dma_start3A_2] : memref<256x128xf32, #tpu.memory_space<vmem>> -> memref<128x128xf32, #tpu.memory_space<vmem>>
    %dma_start3A_4 = arith.constant 0 : i32
    %dma_start3A_5 = tpu.memref_slice %arg7[%dma_start3A, %dma_start3A_4] : memref<40x128xi32, #tpu.memory_space<vmem>> -> memref<1x128xi32, #tpu.memory_space<vmem>>
    %dma_start3A_6 = tpu.memref_squeeze %dma_start3A_5 : memref<1x128xi32, #tpu.memory_space<vmem>> -> memref<128xi32, #tpu.memory_space<vmem>>
    %dma_start3A_7 = arith.constant 0 : i32
    %dma_start3A_8 = arith.constant 0 : i32
    %dma_start3A_9 = tpu.memref_slice %arg2[%dma_start3A_7, %dma_start3A_8] : memref<10240x128xf32, #tpu.memory_space<hbm>> -> memref<10240x128xf32, #tpu.memory_space<hbm>>
    tpu.enqueue_indirect_dma source(%dma_start3A_9 : memref<10240x128xf32, #tpu.memory_space<hbm>>) target(%dma_start3A_3 : memref<128x128xf32, #tpu.memory_space<vmem>>) offsets(%dma_start3A_6 : memref<128xi32, #tpu.memory_space<vmem>>) semaphore(%arg11 : memref<!tpu.dma_semaphore, #tpu.memory_space<semaphore_mem>>)
    %dma_start3A_10 = arith.constant 1 : i32
    %dma_start3A_11 = arith.constant 128 : i32
    %dma_start3A_12 = arith.constant 0 : i32
    %dma_start3A_13 = tpu.memref_slice %arg9[%dma_start3A_11, %dma_start3A_12] : memref<256x128xf32, #tpu.memory_space<vmem>> -> memref<128x128xf32, #tpu.memory_space<vmem>>
    %dma_start3A_14 = arith.constant 0 : i32
    %dma_start3A_15 = tpu.memref_slice %arg7[%dma_start3A_10, %dma_start3A_14] : memref<40x128xi32, #tpu.memory_space<vmem>> -> memref<1x128xi32, #tpu.memory_space<vmem>>
    %dma_start3A_16 = tpu.memref_squeeze %dma_start3A_15 : memref<1x128xi32, #tpu.memory_space<vmem>> -> memref<128xi32, #tpu.memory_space<vmem>>
    %dma_start3A_17 = arith.constant 0 : i32
    %dma_start3A_18 = arith.constant 0 : i32
    %dma_start3A_19 = tpu.memref_slice %arg2[%dma_start3A_17, %dma_start3A_18] : memref<10240x128xf32, #tpu.memory_space<hbm>> -> memref<10240x128xf32, #tpu.memory_space<hbm>>
    tpu.enqueue_indirect_dma source(%dma_start3A_19 : memref<10240x128xf32, #tpu.memory_space<hbm>>) target(%dma_start3A_13 : memref<128x128xf32, #tpu.memory_space<vmem>>) offsets(%dma_start3A_16 : memref<128xi32, #tpu.memory_space<vmem>>) semaphore(%arg11 : memref<!tpu.dma_semaphore, #tpu.memory_space<semaphore_mem>>)
    %scan3A = arith.constant 0 : i32
    %scan3A_20 = arith.constant 0 : i32
    %scan3A_21 = arith.constant 20 : i32
    %scan3A_22 = arith.addi %scan3A_20, %scan3A_21 : i32
    %scan3A_23 = arith.constant 1 : i32
    scf.for %scan3A_30 = %scan3A_20 to %scan3A_22 step %scan3A_23  : i32 {
      %mul3A_31 = arith.constant 2 : i32
      %mul3A_32 = arith.muli %scan3A_30, %mul3A_31 : i32
      %add3A = arith.constant 0 : i32
      %add3A_33 = arith.addi %mul3A_32, %add3A : i32
      %dma_wait3A = arith.constant 0 : i32
      %dma_wait3A_34 = arith.constant 0 : i32
      %dma_wait3A_35 = tpu.memref_slice %arg9[%dma_wait3A, %dma_wait3A_34] : memref<256x128xf32, #tpu.memory_space<vmem>> -> memref<128x128xf32, #tpu.memory_space<vmem>>
      %dma_wait3A_36 = arith.constant 0 : i32
      %dma_wait3A_37 = tpu.memref_slice %arg7[%add3A_33, %dma_wait3A_36] : memref<40x128xi32, #tpu.memory_space<vmem>> -> memref<1x128xi32, #tpu.memory_space<vmem>>
      %dma_wait3A_38 = tpu.memref_squeeze %dma_wait3A_37 : memref<1x128xi32, #tpu.memory_space<vmem>> -> memref<128xi32, #tpu.memory_space<vmem>>
      %dma_wait3A_39 = arith.constant 0 : i32
      %dma_wait3A_40 = arith.constant 0 : i32
      %dma_wait3A_41 = tpu.memref_slice %arg2[%dma_wait3A_39, %dma_wait3A_40] : memref<10240x128xf32, #tpu.memory_space<hbm>> -> memref<10240x128xf32, #tpu.memory_space<hbm>>
      tpu.wait_indirect_dma semaphore(%arg11 : memref<!tpu.dma_semaphore, #tpu.memory_space<semaphore_mem>>) src(%dma_wait3A_41 : memref<10240x128xf32, #tpu.memory_space<hbm>>) dst(%dma_wait3A_35 : memref<128x128xf32, #tpu.memory_space<vmem>>)
      "tpu.region"() ({
        %run_scoped3A = tpu.sem_alloc : memref<!tpu.dma_semaphore, #tpu.memory_space<semaphore_mem>>
        %dma_start3A_62 = arith.constant 0 : i32
        %dma_start3A_63 = arith.constant 0 : i32
        %dma_start3A_64 = tpu.memref_slice %arg9[%dma_start3A_62, %dma_start3A_63] : memref<256x128xf32, #tpu.memory_space<vmem>> -> memref<128x128xf32, #tpu.memory_space<vmem>>
        %dma_start3A_65 = arith.constant 0 : i32
        %dma_start3A_66 = tpu.memref_slice %arg8[%add3A_33, %dma_start3A_65] : memref<40x128xi32, #tpu.memory_space<vmem>> -> memref<1x128xi32, #tpu.memory_space<vmem>>
        %dma_start3A_67 = tpu.memref_squeeze %dma_start3A_66 : memref<1x128xi32, #tpu.memory_space<vmem>> -> memref<128xi32, #tpu.memory_space<vmem>>
        %dma_start3A_68 = arith.constant 0 : i32
        %dma_start3A_69 = arith.constant 0 : i32
        %dma_start3A_70 = tpu.memref_slice %arg10[%dma_start3A_68, %dma_start3A_69] : memref<10240x128xf32, #tpu.memory_space<vmem_shared>> -> memref<10240x128xf32, #tpu.memory_space<vmem_shared>>
        tpu.enqueue_indirect_dma source(%dma_start3A_64 : memref<128x128xf32, #tpu.memory_space<vmem>>) target(%dma_start3A_70 : memref<10240x128xf32, #tpu.memory_space<vmem_shared>>) offsets(%dma_start3A_67 : memref<128xi32, #tpu.memory_space<vmem>>) semaphore(%run_scoped3A : memref<!tpu.dma_semaphore, #tpu.memory_space<semaphore_mem>>) {add = true}
        %dma_wait3A_71 = arith.constant 0 : i32
        %dma_wait3A_72 = arith.constant 0 : i32
        %dma_wait3A_73 = tpu.memref_slice %arg9[%dma_wait3A_71, %dma_wait3A_72] : memref<256x128xf32, #tpu.memory_space<vmem>> -> memref<128x128xf32, #tpu.memory_space<vmem>>
        %dma_wait3A_74 = arith.constant 0 : i32
        %dma_wait3A_75 = tpu.memref_slice %arg8[%add3A_33, %dma_wait3A_74] : memref<40x128xi32, #tpu.memory_space<vmem>> -> memref<1x128xi32, #tpu.memory_space<vmem>>
        %dma_wait3A_76 = tpu.memref_squeeze %dma_wait3A_75 : memref<1x128xi32, #tpu.memory_space<vmem>> -> memref<128xi32, #tpu.memory_space<vmem>>
        %dma_wait3A_77 = arith.constant 0 : i32
        %dma_wait3A_78 = arith.constant 0 : i32
        %dma_wait3A_79 = tpu.memref_slice %arg10[%dma_wait3A_77, %dma_wait3A_78] : memref<10240x128xf32, #tpu.memory_space<vmem_shared>> -> memref<10240x128xf32, #tpu.memory_space<vmem_shared>>
        tpu.wait_indirect_dma semaphore(%run_scoped3A : memref<!tpu.dma_semaphore, #tpu.memory_space<semaphore_mem>>) src(%dma_wait3A_73 : memref<128x128xf32, #tpu.memory_space<vmem>>) dst(%dma_wait3A_79 : memref<10240x128xf32, #tpu.memory_space<vmem_shared>>)
        tpu.yield
      }) : () -> ()
      %lt3A = arith.constant 19 : i32
      %lt3A_42 = arith.cmpi slt, %scan3A_30, %lt3A : i32
      %convert_element_type3A = arith.extui %lt3A_42 : i1 to i32
      %cond3A = arith.constant 0 : i32
      %cond3A_43 = arith.cmpi ne, %convert_element_type3A, %cond3A : i32
      scf.if %cond3A_43 {
        %add3A_62 = arith.constant 2 : i32
        %add3A_63 = arith.addi %add3A_33, %add3A_62 : i32
        %dma_start3A_64 = arith.constant 0 : i32
        %dma_start3A_65 = arith.constant 0 : i32
        %dma_start3A_66 = tpu.memref_slice %arg9[%dma_start3A_64, %dma_start3A_65] : memref<256x128xf32, #tpu.memory_space<vmem>> -> memref<128x128xf32, #tpu.memory_space<vmem>>
        %dma_start3A_67 = arith.constant 0 : i32
        %dma_start3A_68 = tpu.memref_slice %arg7[%add3A_63, %dma_start3A_67] : memref<40x128xi32, #tpu.memory_space<vmem>> -> memref<1x128xi32, #tpu.memory_space<vmem>>
        %dma_start3A_69 = tpu.memref_squeeze %dma_start3A_68 : memref<1x128xi32, #tpu.memory_space<vmem>> -> memref<128xi32, #tpu.memory_space<vmem>>
        %dma_start3A_70 = arith.constant 0 : i32
        %dma_start3A_71 = arith.constant 0 : i32
        %dma_start3A_72 = tpu.memref_slice %arg2[%dma_start3A_70, %dma_start3A_71] : memref<10240x128xf32, #tpu.memory_space<hbm>> -> memref<10240x128xf32, #tpu.memory_space<hbm>>
        tpu.enqueue_indirect_dma source(%dma_start3A_72 : memref<10240x128xf32, #tpu.memory_space<hbm>>) target(%dma_start3A_66 : memref<128x128xf32, #tpu.memory_space<vmem>>) offsets(%dma_start3A_69 : memref<128xi32, #tpu.memory_space<vmem>>) semaphore(%arg11 : memref<!tpu.dma_semaphore, #tpu.memory_space<semaphore_mem>>)
      } else {
      }
      %mul3A_44 = arith.constant 2 : i32
      %mul3A_45 = arith.muli %scan3A_30, %mul3A_44 : i32
      %add3A_46 = arith.constant 1 : i32
      %add3A_47 = arith.addi %mul3A_45, %add3A_46 : i32
      %dma_wait3A_48 = arith.constant 128 : i32
      %dma_wait3A_49 = arith.constant 0 : i32
      %dma_wait3A_50 = tpu.memref_slice %arg9[%dma_wait3A_48, %dma_wait3A_49] : memref<256x128xf32, #tpu.memory_space<vmem>> -> memref<128x128xf32, #tpu.memory_space<vmem>>
      %dma_wait3A_51 = arith.constant 0 : i32
      %dma_wait3A_52 = tpu.memref_slice %arg7[%add3A_47, %dma_wait3A_51] : memref<40x128xi32, #tpu.memory_space<vmem>> -> memref<1x128xi32, #tpu.memory_space<vmem>>
      %dma_wait3A_53 = tpu.memref_squeeze %dma_wait3A_52 : memref<1x128xi32, #tpu.memory_space<vmem>> -> memref<128xi32, #tpu.memory_space<vmem>>
      %dma_wait3A_54 = arith.constant 0 : i32
      %dma_wait3A_55 = arith.constant 0 : i32
      %dma_wait3A_56 = tpu.memref_slice %arg2[%dma_wait3A_54, %dma_wait3A_55] : memref<10240x128xf32, #tpu.memory_space<hbm>> -> memref<10240x128xf32, #tpu.memory_space<hbm>>
      tpu.wait_indirect_dma semaphore(%arg11 : memref<!tpu.dma_semaphore, #tpu.memory_space<semaphore_mem>>) src(%dma_wait3A_56 : memref<10240x128xf32, #tpu.memory_space<hbm>>) dst(%dma_wait3A_50 : memref<128x128xf32, #tpu.memory_space<vmem>>)
      "tpu.region"() ({
        %run_scoped3A = tpu.sem_alloc : memref<!tpu.dma_semaphore, #tpu.memory_space<semaphore_mem>>
        %dma_start3A_62 = arith.constant 128 : i32
        %dma_start3A_63 = arith.constant 0 : i32
        %dma_start3A_64 = tpu.memref_slice %arg9[%dma_start3A_62, %dma_start3A_63] : memref<256x128xf32, #tpu.memory_space<vmem>> -> memref<128x128xf32, #tpu.memory_space<vmem>>
        %dma_start3A_65 = arith.constant 0 : i32
        %dma_start3A_66 = tpu.memref_slice %arg8[%add3A_47, %dma_start3A_65] : memref<40x128xi32, #tpu.memory_space<vmem>> -> memref<1x128xi32, #tpu.memory_space<vmem>>
        %dma_start3A_67 = tpu.memref_squeeze %dma_start3A_66 : memref<1x128xi32, #tpu.memory_space<vmem>> -> memref<128xi32, #tpu.memory_space<vmem>>
        %dma_start3A_68 = arith.constant 0 : i32
        %dma_start3A_69 = arith.constant 0 : i32
        %dma_start3A_70 = tpu.memref_slice %arg10[%dma_start3A_68, %dma_start3A_69] : memref<10240x128xf32, #tpu.memory_space<vmem_shared>> -> memref<10240x128xf32, #tpu.memory_space<vmem_shared>>
        tpu.enqueue_indirect_dma source(%dma_start3A_64 : memref<128x128xf32, #tpu.memory_space<vmem>>) target(%dma_start3A_70 : memref<10240x128xf32, #tpu.memory_space<vmem_shared>>) offsets(%dma_start3A_67 : memref<128xi32, #tpu.memory_space<vmem>>) semaphore(%run_scoped3A : memref<!tpu.dma_semaphore, #tpu.memory_space<semaphore_mem>>) {add = true}
        %dma_wait3A_71 = arith.constant 128 : i32
        %dma_wait3A_72 = arith.constant 0 : i32
        %dma_wait3A_73 = tpu.memref_slice %arg9[%dma_wait3A_71, %dma_wait3A_72] : memref<256x128xf32, #tpu.memory_space<vmem>> -> memref<128x128xf32, #tpu.memory_space<vmem>>
        %dma_wait3A_74 = arith.constant 0 : i32
        %dma_wait3A_75 = tpu.memref_slice %arg8[%add3A_47, %dma_wait3A_74] : memref<40x128xi32, #tpu.memory_space<vmem>> -> memref<1x128xi32, #tpu.memory_space<vmem>>
        %dma_wait3A_76 = tpu.memref_squeeze %dma_wait3A_75 : memref<1x128xi32, #tpu.memory_space<vmem>> -> memref<128xi32, #tpu.memory_space<vmem>>
        %dma_wait3A_77 = arith.constant 0 : i32
        %dma_wait3A_78 = arith.constant 0 : i32
        %dma_wait3A_79 = tpu.memref_slice %arg10[%dma_wait3A_77, %dma_wait3A_78] : memref<10240x128xf32, #tpu.memory_space<vmem_shared>> -> memref<10240x128xf32, #tpu.memory_space<vmem_shared>>
        tpu.wait_indirect_dma semaphore(%run_scoped3A : memref<!tpu.dma_semaphore, #tpu.memory_space<semaphore_mem>>) src(%dma_wait3A_73 : memref<128x128xf32, #tpu.memory_space<vmem>>) dst(%dma_wait3A_79 : memref<10240x128xf32, #tpu.memory_space<vmem_shared>>)
        tpu.yield
      }) : () -> ()
      %lt3A_57 = arith.constant 19 : i32
      %lt3A_58 = arith.cmpi slt, %scan3A_30, %lt3A_57 : i32
      %convert_element_type3A_59 = arith.extui %lt3A_58 : i1 to i32
      %cond3A_60 = arith.constant 0 : i32
      %cond3A_61 = arith.cmpi ne, %convert_element_type3A_59, %cond3A_60 : i32
      scf.if %cond3A_61 {
        %add3A_62 = arith.constant 2 : i32
        %add3A_63 = arith.addi %add3A_47, %add3A_62 : i32
        %dma_start3A_64 = arith.constant 128 : i32
        %dma_start3A_65 = arith.constant 0 : i32
        %dma_start3A_66 = tpu.memref_slice %arg9[%dma_start3A_64, %dma_start3A_65] : memref<256x128xf32, #tpu.memory_space<vmem>> -> memref<128x128xf32, #tpu.memory_space<vmem>>
        %dma_start3A_67 = arith.constant 0 : i32
        %dma_start3A_68 = tpu.memref_slice %arg7[%add3A_63, %dma_start3A_67] : memref<40x128xi32, #tpu.memory_space<vmem>> -> memref<1x128xi32, #tpu.memory_space<vmem>>
        %dma_start3A_69 = tpu.memref_squeeze %dma_start3A_68 : memref<1x128xi32, #tpu.memory_space<vmem>> -> memref<128xi32, #tpu.memory_space<vmem>>
        %dma_start3A_70 = arith.constant 0 : i32
        %dma_start3A_71 = arith.constant 0 : i32
        %dma_start3A_72 = tpu.memref_slice %arg2[%dma_start3A_70, %dma_start3A_71] : memref<10240x128xf32, #tpu.memory_space<hbm>> -> memref<10240x128xf32, #tpu.memory_space<hbm>>
        tpu.enqueue_indirect_dma source(%dma_start3A_72 : memref<10240x128xf32, #tpu.memory_space<hbm>>) target(%dma_start3A_66 : memref<128x128xf32, #tpu.memory_space<vmem>>) offsets(%dma_start3A_69 : memref<128xi32, #tpu.memory_space<vmem>>) semaphore(%arg11 : memref<!tpu.dma_semaphore, #tpu.memory_space<semaphore_mem>>)
      } else {
      }
    }
    %scan3A_24 = arith.constant 20 : i32
    %barrier3A_25 = arith.constant 0 : index
    tpu.barrier barrier_id(%barrier3A_25)
    %mul3A_26 = arith.constant 640 : i32
    %mul3A_27 = arith.muli %arg1, %mul3A_26 : i32
    %mul3A_28 = arith.constant 640 : i32
    %mul3A_29 = arith.muli %arg1, %mul3A_28 : i32
    "tpu.region"() ({
      %run_scoped3A = tpu.sem_alloc : memref<!tpu.dma_semaphore, #tpu.memory_space<semaphore_mem>>
      %dma_start3A_30 = arith.constant 0 : i32
      %dma_start3A_31 = tpu.memref_slice %arg6[%arg0, %mul3A_29, %dma_start3A_30] : memref<2x10240x128xf32, #tpu.memory_space<hbm>> -> memref<1x640x128xf32, #tpu.memory_space<hbm>>
      %dma_start3A_32 = tpu.memref_squeeze %dma_start3A_31 : memref<1x640x128xf32, #tpu.memory_space<hbm>> -> memref<640x128xf32, #tpu.memory_space<hbm>>
      %dma_start3A_33 = arith.constant 0 : i32
      %dma_start3A_34 = tpu.memref_slice %arg10[%mul3A_27, %dma_start3A_33] : memref<10240x128xf32, #tpu.memory_space<vmem_shared>> -> memref<640x128xf32, #tpu.memory_space<vmem_shared>>
      tpu.enqueue_dma source(%dma_start3A_34 : memref<640x128xf32, #tpu.memory_space<vmem_shared>>) target(%dma_start3A_32 : memref<640x128xf32, #tpu.memory_space<hbm>>) target_semaphore(%run_scoped3A : memref<!tpu.dma_semaphore, #tpu.memory_space<semaphore_mem>>)
      %dma_wait3A = arith.constant 0 : i32
      %dma_wait3A_35 = tpu.memref_slice %arg6[%arg0, %mul3A_29, %dma_wait3A] : memref<2x10240x128xf32, #tpu.memory_space<hbm>> -> memref<1x640x128xf32, #tpu.memory_space<hbm>>
      %dma_wait3A_36 = tpu.memref_squeeze %dma_wait3A_35 : memref<1x640x128xf32, #tpu.memory_space<hbm>> -> memref<640x128xf32, #tpu.memory_space<hbm>>
      %dma_wait3A_37 = arith.constant 0 : i32
      %dma_wait3A_38 = tpu.memref_slice %arg10[%mul3A_27, %dma_wait3A_37] : memref<10240x128xf32, #tpu.memory_space<vmem_shared>> -> memref<640x128xf32, #tpu.memory_space<vmem_shared>>
      tpu.wait_dma2 semaphore(%run_scoped3A : memref<!tpu.dma_semaphore, #tpu.memory_space<semaphore_mem>>) src(%dma_wait3A_38 : memref<640x128xf32, #tpu.memory_space<vmem_shared>>) dst(%dma_wait3A_36 : memref<640x128xf32, #tpu.memory_space<hbm>>)
      tpu.yield
    }) : () -> ()
    return
  }
}

module attributes {stable_mosaic.version = 14 : i64} {
  func.func @_gru_body(%arg0: i32, %arg1: memref<400x16x128xf32, #tpu.memory_space<vmem>>, %arg2: memref<400x1xi32, #tpu.memory_space<vmem>>, %arg3: memref<128x384xf32, #tpu.memory_space<vmem>>, %arg4: memref<128x384xf32, #tpu.memory_space<vmem>>, %arg5: memref<1x384xf32, #tpu.memory_space<vmem>>, %arg6: memref<1x384xf32, #tpu.memory_space<vmem>>, %arg7: memref<1x128xf32, #tpu.memory_space<vmem>>, %arg8: memref<128x128xf32, #tpu.memory_space<vmem>>, %arg9: memref<400x128xf32, #tpu.memory_space<vmem>>, %arg10: memref<400x128xf32, #tpu.memory_space<vmem>>) attributes {dimension_semantics = [#tpu.dimension_semantics<arbitrary>], iteration_bounds = array<i64: 25>, scalar_prefetch = 0 : i64, scratch_operands = 0 : i64, tpu.core_type = #tpu.core_type<tc>, window_params = [{transform_indices = @transform_0, window_bounds = array<i64: 400, 16, 128>}, {transform_indices = @transform_1, window_bounds = array<i64: 400, 1>}, {pipeline_mode = #tpu.pipeline_mode<synchronous>, transform_indices = @transform_2, window_bounds = array<i64: 128, 384>}, {pipeline_mode = #tpu.pipeline_mode<synchronous>, transform_indices = @transform_3, window_bounds = array<i64: 128, 384>}, {pipeline_mode = #tpu.pipeline_mode<synchronous>, transform_indices = @transform_4, window_bounds = array<i64: 1, 384>}, {pipeline_mode = #tpu.pipeline_mode<synchronous>, transform_indices = @transform_5, window_bounds = array<i64: 1, 384>}, {pipeline_mode = #tpu.pipeline_mode<synchronous>, transform_indices = @transform_6, window_bounds = array<i64: 1, 128>}, {pipeline_mode = #tpu.pipeline_mode<synchronous>, transform_indices = @transform_7, window_bounds = array<i64: 128, 128>}, {transform_indices = @transform_8, window_bounds = array<i64: 400, 128>}, {transform_indices = @transform_9, window_bounds = array<i64: 400, 128>}]} {
    %get3A = arith.constant 0 : index
    %get3A_0 = arith.constant 0 : index
    %get3A_1 = arith.constant 0 : index
    %get3A_2 = vector.load %arg1[%get3A, %get3A_0, %get3A_1] : memref<400x16x128xf32, #tpu.memory_space<vmem>>, vector<400x16x128xf32>
    %reshape3A = vector.shape_cast %get3A_2 : vector<400x16x128xf32> to vector<6400x128xf32>
    %get3A_3 = arith.constant 0 : index
    %get3A_4 = arith.constant 0 : index
    %get3A_5 = vector.load %arg3[%get3A_3, %get3A_4] : memref<128x384xf32, #tpu.memory_space<vmem>>, vector<128x384xf32>
    %dot_general3A = arith.constant dense<0.000000e+00> : vector<6400x384xf32>
    %dot_general3A_6 = tpu.matmul %reshape3A, %get3A_5, %dot_general3A {dimension_numbers = #tpu.dot_dimension_numbers<[1], [0], [0], [1], [0, 0, 1, 1], [], []>, transpose_lhs_hint = false} : vector<6400x128xf32>, vector<128x384xf32>, vector<6400x384xf32> -> vector<6400x384xf32>
    %get3A_7 = arith.constant 0 : index
    %get3A_8 = arith.constant 0 : index
    %get3A_9 = vector.load %arg5[%get3A_7, %get3A_8] : memref<1x384xf32, #tpu.memory_space<vmem>>, vector<1x384xf32>
    %add3A = vector.broadcast %get3A_9 : vector<1x384xf32> to vector<6400x384xf32>
    %add3A_10 = arith.addf %dot_general3A_6, %add3A : vector<6400x384xf32>
    %reshape3A_11 = vector.shape_cast %add3A_10 : vector<6400x384xf32> to vector<400x16x384xf32>
    %get3A_12 = arith.constant 0 : index
    %get3A_13 = arith.constant 0 : index
    %get3A_14 = vector.load %arg2[%get3A_12, %get3A_13] : memref<400x1xi32, #tpu.memory_space<vmem>>, vector<400x1xi32>
    %le3A = arith.constant 0 : i32
    %le3A_15 = vector.broadcast %le3A : i32 to vector<400x1xi32>
    %le3A_16 = arith.cmpi sle, %get3A_14, %le3A_15 : vector<400x1xi32>
    %sub3A = arith.constant 1 : i32
    %sub3A_17 = vector.broadcast %sub3A : i32 to vector<400x1xi32>
    %sub3A_18 = arith.subi %get3A_14, %sub3A_17 : vector<400x1xi32>
    %jit3A = arith.constant 15 : i32
    %broadcast_in_dim3A = vector.broadcast %jit3A : i32 to vector<400x1xi32>
    %select_n3A = arith.select %le3A_16, %broadcast_in_dim3A, %sub3A_18 : vector<400x1xi1>, vector<400x1xi32>
    %get3A_19 = arith.constant 0 : index
    %get3A_20 = arith.constant 0 : index
    %get3A_21 = vector.load %arg7[%get3A_19, %get3A_20] : memref<1x128xf32, #tpu.memory_space<vmem>>, vector<1x128xf32>
    %broadcast_in_dim3A_22 = vector.shape_cast %get3A_21 : vector<1x128xf32> to vector<1x128xf32>
    %broadcast_in_dim3A_23 = vector.broadcast %broadcast_in_dim3A_22 : vector<1x128xf32> to vector<400x128xf32>
    %broadcast_in_dim3A_24 = arith.constant 0.000000e+00 : f32
    %broadcast_in_dim3A_25 = vector.broadcast %broadcast_in_dim3A_24 : f32 to vector<400x128xf32>
    %get3A_26 = arith.constant 0 : index
    %get3A_27 = arith.constant 0 : index
    %get3A_28 = vector.load %arg4[%get3A_26, %get3A_27] : memref<128x384xf32, #tpu.memory_space<vmem>>, vector<128x384xf32>
    %dot_general3A_29 = arith.constant dense<0.000000e+00> : vector<400x384xf32>
    %dot_general3A_30 = tpu.matmul %broadcast_in_dim3A_23, %get3A_28, %dot_general3A_29 {dimension_numbers = #tpu.dot_dimension_numbers<[1], [0], [0], [1], [0, 0, 1, 1], [], []>, transpose_lhs_hint = false} : vector<400x128xf32>, vector<128x384xf32>, vector<400x384xf32> -> vector<400x384xf32>
    %get3A_31 = arith.constant 0 : index
    %get3A_32 = arith.constant 0 : index
    %get3A_33 = vector.load %arg6[%get3A_31, %get3A_32] : memref<1x384xf32, #tpu.memory_space<vmem>>, vector<1x384xf32>
    %add3A_34 = vector.broadcast %get3A_33 : vector<1x384xf32> to vector<400x384xf32>
    %add3A_35 = arith.addf %dot_general3A_30, %add3A_34 : vector<400x384xf32>
    %slice3A = vector.extract_strided_slice %reshape3A_11 {offsets = [0, 0, 0], sizes = [400, 1, 384], strides = [1, 1, 1]} : vector<400x16x384xf32> to vector<400x1x384xf32>
    %squeeze3A = vector.shape_cast %slice3A : vector<400x1x384xf32> to vector<400x384xf32>
    %slice3A_36 = vector.extract_strided_slice %squeeze3A {offsets = [0, 0], sizes = [400, 128], strides = [1, 1]} : vector<400x384xf32> to vector<400x128xf32>
    %slice3A_37 = vector.extract_strided_slice %add3A_35 {offsets = [0, 0], sizes = [400, 128], strides = [1, 1]} : vector<400x384xf32> to vector<400x128xf32>
    %add3A_38 = arith.addf %slice3A_36, %slice3A_37 : vector<400x128xf32>
    %logistic3A = arith.negf %add3A_38 : vector<400x128xf32>
    %logistic3A_39 = math.exp %logistic3A : vector<400x128xf32>
    %logistic3A_40 = arith.constant 1.000000e+00 : f32
    %logistic3A_41 = vector.broadcast %logistic3A_40 : f32 to vector<400x128xf32>
    %logistic3A_42 = arith.addf %logistic3A_41, %logistic3A_39 : vector<400x128xf32>
    %logistic3A_43 = arith.divf %logistic3A_41, %logistic3A_42 : vector<400x128xf32>
    %slice3A_44 = vector.extract_strided_slice %squeeze3A {offsets = [0, 128], sizes = [400, 128], strides = [1, 1]} : vector<400x384xf32> to vector<400x128xf32>
    %slice3A_45 = vector.extract_strided_slice %add3A_35 {offsets = [0, 128], sizes = [400, 128], strides = [1, 1]} : vector<400x384xf32> to vector<400x128xf32>
    %add3A_46 = arith.addf %slice3A_44, %slice3A_45 : vector<400x128xf32>
    %logistic3A_47 = arith.negf %add3A_46 : vector<400x128xf32>
    %logistic3A_48 = math.exp %logistic3A_47 : vector<400x128xf32>
    %logistic3A_49 = arith.constant 1.000000e+00 : f32
    %logistic3A_50 = vector.broadcast %logistic3A_49 : f32 to vector<400x128xf32>
    %logistic3A_51 = arith.addf %logistic3A_50, %logistic3A_48 : vector<400x128xf32>
    %logistic3A_52 = arith.divf %logistic3A_50, %logistic3A_51 : vector<400x128xf32>
    %slice3A_53 = vector.extract_strided_slice %squeeze3A {offsets = [0, 256], sizes = [400, 128], strides = [1, 1]} : vector<400x384xf32> to vector<400x128xf32>
    %slice3A_54 = vector.extract_strided_slice %add3A_35 {offsets = [0, 256], sizes = [400, 128], strides = [1, 1]} : vector<400x384xf32> to vector<400x128xf32>
    %mul3A = arith.mulf %logistic3A_43, %slice3A_54 : vector<400x128xf32>
    %add3A_55 = arith.addf %slice3A_53, %mul3A : vector<400x128xf32>
    %tanh3A = math.tanh %add3A_55 : vector<400x128xf32>
    %sub3A_56 = arith.constant 1.000000e+00 : f32
    %sub3A_57 = vector.broadcast %sub3A_56 : f32 to vector<400x128xf32>
    %sub3A_58 = arith.subf %sub3A_57, %logistic3A_52 : vector<400x128xf32>
    %mul3A_59 = arith.mulf %sub3A_58, %tanh3A : vector<400x128xf32>
    %mul3A_60 = arith.mulf %logistic3A_52, %broadcast_in_dim3A_23 : vector<400x128xf32>
    %add3A_61 = arith.addf %mul3A_59, %mul3A_60 : vector<400x128xf32>
    %eq3A = arith.constant 0 : i32
    %eq3A_62 = vector.broadcast %eq3A : i32 to vector<400x1xi32>
    %eq3A_63 = arith.cmpi eq, %select_n3A, %eq3A_62 : vector<400x1xi32>
    %broadcast_in_dim3A_64 = vector.shape_cast %eq3A_63 : vector<400x1xi1> to vector<400x1xi1>
    %broadcast_in_dim3A_65 = vector.broadcast %broadcast_in_dim3A_64 : vector<400x1xi1> to vector<400x128xi1>
    %select_n3A_66 = arith.select %broadcast_in_dim3A_65, %add3A_61, %broadcast_in_dim3A_25 : vector<400x128xi1>, vector<400x128xf32>
    %get3A_67 = arith.constant 0 : index
    %get3A_68 = arith.constant 0 : index
    %get3A_69 = vector.load %arg4[%get3A_67, %get3A_68] : memref<128x384xf32, #tpu.memory_space<vmem>>, vector<128x384xf32>
    %dot_general3A_70 = arith.constant dense<0.000000e+00> : vector<400x384xf32>
    %dot_general3A_71 = tpu.matmul %add3A_61, %get3A_69, %dot_general3A_70 {dimension_numbers = #tpu.dot_dimension_numbers<[1], [0], [0], [1], [0, 0, 1, 1], [], []>, transpose_lhs_hint = false} : vector<400x128xf32>, vector<128x384xf32>, vector<400x384xf32> -> vector<400x384xf32>
    %get3A_72 = arith.constant 0 : index
    %get3A_73 = arith.constant 0 : index
    %get3A_74 = vector.load %arg6[%get3A_72, %get3A_73] : memref<1x384xf32, #tpu.memory_space<vmem>>, vector<1x384xf32>
    %add3A_75 = vector.broadcast %get3A_74 : vector<1x384xf32> to vector<400x384xf32>
    %add3A_76 = arith.addf %dot_general3A_71, %add3A_75 : vector<400x384xf32>
    %slice3A_77 = vector.extract_strided_slice %reshape3A_11 {offsets = [0, 1, 0], sizes = [400, 1, 384], strides = [1, 1, 1]} : vector<400x16x384xf32> to vector<400x1x384xf32>
    %squeeze3A_78 = vector.shape_cast %slice3A_77 : vector<400x1x384xf32> to vector<400x384xf32>
    %slice3A_79 = vector.extract_strided_slice %squeeze3A_78 {offsets = [0, 0], sizes = [400, 128], strides = [1, 1]} : vector<400x384xf32> to vector<400x128xf32>
    %slice3A_80 = vector.extract_strided_slice %add3A_76 {offsets = [0, 0], sizes = [400, 128], strides = [1, 1]} : vector<400x384xf32> to vector<400x128xf32>
    %add3A_81 = arith.addf %slice3A_79, %slice3A_80 : vector<400x128xf32>
    %logistic3A_82 = arith.negf %add3A_81 : vector<400x128xf32>
    %logistic3A_83 = math.exp %logistic3A_82 : vector<400x128xf32>
    %logistic3A_84 = arith.constant 1.000000e+00 : f32
    %logistic3A_85 = vector.broadcast %logistic3A_84 : f32 to vector<400x128xf32>
    %logistic3A_86 = arith.addf %logistic3A_85, %logistic3A_83 : vector<400x128xf32>
    %logistic3A_87 = arith.divf %logistic3A_85, %logistic3A_86 : vector<400x128xf32>
    %slice3A_88 = vector.extract_strided_slice %squeeze3A_78 {offsets = [0, 128], sizes = [400, 128], strides = [1, 1]} : vector<400x384xf32> to vector<400x128xf32>
    %slice3A_89 = vector.extract_strided_slice %add3A_76 {offsets = [0, 128], sizes = [400, 128], strides = [1, 1]} : vector<400x384xf32> to vector<400x128xf32>
    %add3A_90 = arith.addf %slice3A_88, %slice3A_89 : vector<400x128xf32>
    %logistic3A_91 = arith.negf %add3A_90 : vector<400x128xf32>
    %logistic3A_92 = math.exp %logistic3A_91 : vector<400x128xf32>
    %logistic3A_93 = arith.constant 1.000000e+00 : f32
    %logistic3A_94 = vector.broadcast %logistic3A_93 : f32 to vector<400x128xf32>
    %logistic3A_95 = arith.addf %logistic3A_94, %logistic3A_92 : vector<400x128xf32>
    %logistic3A_96 = arith.divf %logistic3A_94, %logistic3A_95 : vector<400x128xf32>
    %slice3A_97 = vector.extract_strided_slice %squeeze3A_78 {offsets = [0, 256], sizes = [400, 128], strides = [1, 1]} : vector<400x384xf32> to vector<400x128xf32>
    %slice3A_98 = vector.extract_strided_slice %add3A_76 {offsets = [0, 256], sizes = [400, 128], strides = [1, 1]} : vector<400x384xf32> to vector<400x128xf32>
    %mul3A_99 = arith.mulf %logistic3A_87, %slice3A_98 : vector<400x128xf32>
    %add3A_100 = arith.addf %slice3A_97, %mul3A_99 : vector<400x128xf32>
    %tanh3A_101 = math.tanh %add3A_100 : vector<400x128xf32>
    %sub3A_102 = arith.constant 1.000000e+00 : f32
    %sub3A_103 = vector.broadcast %sub3A_102 : f32 to vector<400x128xf32>
    %sub3A_104 = arith.subf %sub3A_103, %logistic3A_96 : vector<400x128xf32>
    %mul3A_105 = arith.mulf %sub3A_104, %tanh3A_101 : vector<400x128xf32>
    %mul3A_106 = arith.mulf %logistic3A_96, %add3A_61 : vector<400x128xf32>
    %add3A_107 = arith.addf %mul3A_105, %mul3A_106 : vector<400x128xf32>
    %eq3A_108 = arith.constant 1 : i32
    %eq3A_109 = vector.broadcast %eq3A_108 : i32 to vector<400x1xi32>
    %eq3A_110 = arith.cmpi eq, %select_n3A, %eq3A_109 : vector<400x1xi32>
    %broadcast_in_dim3A_111 = vector.shape_cast %eq3A_110 : vector<400x1xi1> to vector<400x1xi1>
    %broadcast_in_dim3A_112 = vector.broadcast %broadcast_in_dim3A_111 : vector<400x1xi1> to vector<400x128xi1>
    %select_n3A_113 = arith.select %broadcast_in_dim3A_112, %add3A_107, %select_n3A_66 : vector<400x128xi1>, vector<400x128xf32>
    %get3A_114 = arith.constant 0 : index
    %get3A_115 = arith.constant 0 : index
    %get3A_116 = vector.load %arg4[%get3A_114, %get3A_115] : memref<128x384xf32, #tpu.memory_space<vmem>>, vector<128x384xf32>
    %dot_general3A_117 = arith.constant dense<0.000000e+00> : vector<400x384xf32>
    %dot_general3A_118 = tpu.matmul %add3A_107, %get3A_116, %dot_general3A_117 {dimension_numbers = #tpu.dot_dimension_numbers<[1], [0], [0], [1], [0, 0, 1, 1], [], []>, transpose_lhs_hint = false} : vector<400x128xf32>, vector<128x384xf32>, vector<400x384xf32> -> vector<400x384xf32>
    %get3A_119 = arith.constant 0 : index
    %get3A_120 = arith.constant 0 : index
    %get3A_121 = vector.load %arg6[%get3A_119, %get3A_120] : memref<1x384xf32, #tpu.memory_space<vmem>>, vector<1x384xf32>
    %add3A_122 = vector.broadcast %get3A_121 : vector<1x384xf32> to vector<400x384xf32>
    %add3A_123 = arith.addf %dot_general3A_118, %add3A_122 : vector<400x384xf32>
    %slice3A_124 = vector.extract_strided_slice %reshape3A_11 {offsets = [0, 2, 0], sizes = [400, 1, 384], strides = [1, 1, 1]} : vector<400x16x384xf32> to vector<400x1x384xf32>
    %squeeze3A_125 = vector.shape_cast %slice3A_124 : vector<400x1x384xf32> to vector<400x384xf32>
    %slice3A_126 = vector.extract_strided_slice %squeeze3A_125 {offsets = [0, 0], sizes = [400, 128], strides = [1, 1]} : vector<400x384xf32> to vector<400x128xf32>
    %slice3A_127 = vector.extract_strided_slice %add3A_123 {offsets = [0, 0], sizes = [400, 128], strides = [1, 1]} : vector<400x384xf32> to vector<400x128xf32>
    %add3A_128 = arith.addf %slice3A_126, %slice3A_127 : vector<400x128xf32>
    %logistic3A_129 = arith.negf %add3A_128 : vector<400x128xf32>
    %logistic3A_130 = math.exp %logistic3A_129 : vector<400x128xf32>
    %logistic3A_131 = arith.constant 1.000000e+00 : f32
    %logistic3A_132 = vector.broadcast %logistic3A_131 : f32 to vector<400x128xf32>
    %logistic3A_133 = arith.addf %logistic3A_132, %logistic3A_130 : vector<400x128xf32>
    %logistic3A_134 = arith.divf %logistic3A_132, %logistic3A_133 : vector<400x128xf32>
    %slice3A_135 = vector.extract_strided_slice %squeeze3A_125 {offsets = [0, 128], sizes = [400, 128], strides = [1, 1]} : vector<400x384xf32> to vector<400x128xf32>
    %slice3A_136 = vector.extract_strided_slice %add3A_123 {offsets = [0, 128], sizes = [400, 128], strides = [1, 1]} : vector<400x384xf32> to vector<400x128xf32>
    %add3A_137 = arith.addf %slice3A_135, %slice3A_136 : vector<400x128xf32>
    %logistic3A_138 = arith.negf %add3A_137 : vector<400x128xf32>
    %logistic3A_139 = math.exp %logistic3A_138 : vector<400x128xf32>
    %logistic3A_140 = arith.constant 1.000000e+00 : f32
    %logistic3A_141 = vector.broadcast %logistic3A_140 : f32 to vector<400x128xf32>
    %logistic3A_142 = arith.addf %logistic3A_141, %logistic3A_139 : vector<400x128xf32>
    %logistic3A_143 = arith.divf %logistic3A_141, %logistic3A_142 : vector<400x128xf32>
    %slice3A_144 = vector.extract_strided_slice %squeeze3A_125 {offsets = [0, 256], sizes = [400, 128], strides = [1, 1]} : vector<400x384xf32> to vector<400x128xf32>
    %slice3A_145 = vector.extract_strided_slice %add3A_123 {offsets = [0, 256], sizes = [400, 128], strides = [1, 1]} : vector<400x384xf32> to vector<400x128xf32>
    %mul3A_146 = arith.mulf %logistic3A_134, %slice3A_145 : vector<400x128xf32>
    %add3A_147 = arith.addf %slice3A_144, %mul3A_146 : vector<400x128xf32>
    %tanh3A_148 = math.tanh %add3A_147 : vector<400x128xf32>
    %sub3A_149 = arith.constant 1.000000e+00 : f32
    %sub3A_150 = vector.broadcast %sub3A_149 : f32 to vector<400x128xf32>
    %sub3A_151 = arith.subf %sub3A_150, %logistic3A_143 : vector<400x128xf32>
    %mul3A_152 = arith.mulf %sub3A_151, %tanh3A_148 : vector<400x128xf32>
    %mul3A_153 = arith.mulf %logistic3A_143, %add3A_107 : vector<400x128xf32>
    %add3A_154 = arith.addf %mul3A_152, %mul3A_153 : vector<400x128xf32>
    %eq3A_155 = arith.constant 2 : i32
    %eq3A_156 = vector.broadcast %eq3A_155 : i32 to vector<400x1xi32>
    %eq3A_157 = arith.cmpi eq, %select_n3A, %eq3A_156 : vector<400x1xi32>
    %broadcast_in_dim3A_158 = vector.shape_cast %eq3A_157 : vector<400x1xi1> to vector<400x1xi1>
    %broadcast_in_dim3A_159 = vector.broadcast %broadcast_in_dim3A_158 : vector<400x1xi1> to vector<400x128xi1>
    %select_n3A_160 = arith.select %broadcast_in_dim3A_159, %add3A_154, %select_n3A_113 : vector<400x128xi1>, vector<400x128xf32>
    %get3A_161 = arith.constant 0 : index
    %get3A_162 = arith.constant 0 : index
    %get3A_163 = vector.load %arg4[%get3A_161, %get3A_162] : memref<128x384xf32, #tpu.memory_space<vmem>>, vector<128x384xf32>
    %dot_general3A_164 = arith.constant dense<0.000000e+00> : vector<400x384xf32>
    %dot_general3A_165 = tpu.matmul %add3A_154, %get3A_163, %dot_general3A_164 {dimension_numbers = #tpu.dot_dimension_numbers<[1], [0], [0], [1], [0, 0, 1, 1], [], []>, transpose_lhs_hint = false} : vector<400x128xf32>, vector<128x384xf32>, vector<400x384xf32> -> vector<400x384xf32>
    %get3A_166 = arith.constant 0 : index
    %get3A_167 = arith.constant 0 : index
    %get3A_168 = vector.load %arg6[%get3A_166, %get3A_167] : memref<1x384xf32, #tpu.memory_space<vmem>>, vector<1x384xf32>
    %add3A_169 = vector.broadcast %get3A_168 : vector<1x384xf32> to vector<400x384xf32>
    %add3A_170 = arith.addf %dot_general3A_165, %add3A_169 : vector<400x384xf32>
    %slice3A_171 = vector.extract_strided_slice %reshape3A_11 {offsets = [0, 3, 0], sizes = [400, 1, 384], strides = [1, 1, 1]} : vector<400x16x384xf32> to vector<400x1x384xf32>
    %squeeze3A_172 = vector.shape_cast %slice3A_171 : vector<400x1x384xf32> to vector<400x384xf32>
    %slice3A_173 = vector.extract_strided_slice %squeeze3A_172 {offsets = [0, 0], sizes = [400, 128], strides = [1, 1]} : vector<400x384xf32> to vector<400x128xf32>
    %slice3A_174 = vector.extract_strided_slice %add3A_170 {offsets = [0, 0], sizes = [400, 128], strides = [1, 1]} : vector<400x384xf32> to vector<400x128xf32>
    %add3A_175 = arith.addf %slice3A_173, %slice3A_174 : vector<400x128xf32>
    %logistic3A_176 = arith.negf %add3A_175 : vector<400x128xf32>
    %logistic3A_177 = math.exp %logistic3A_176 : vector<400x128xf32>
    %logistic3A_178 = arith.constant 1.000000e+00 : f32
    %logistic3A_179 = vector.broadcast %logistic3A_178 : f32 to vector<400x128xf32>
    %logistic3A_180 = arith.addf %logistic3A_179, %logistic3A_177 : vector<400x128xf32>
    %logistic3A_181 = arith.divf %logistic3A_179, %logistic3A_180 : vector<400x128xf32>
    %slice3A_182 = vector.extract_strided_slice %squeeze3A_172 {offsets = [0, 128], sizes = [400, 128], strides = [1, 1]} : vector<400x384xf32> to vector<400x128xf32>
    %slice3A_183 = vector.extract_strided_slice %add3A_170 {offsets = [0, 128], sizes = [400, 128], strides = [1, 1]} : vector<400x384xf32> to vector<400x128xf32>
    %add3A_184 = arith.addf %slice3A_182, %slice3A_183 : vector<400x128xf32>
    %logistic3A_185 = arith.negf %add3A_184 : vector<400x128xf32>
    %logistic3A_186 = math.exp %logistic3A_185 : vector<400x128xf32>
    %logistic3A_187 = arith.constant 1.000000e+00 : f32
    %logistic3A_188 = vector.broadcast %logistic3A_187 : f32 to vector<400x128xf32>
    %logistic3A_189 = arith.addf %logistic3A_188, %logistic3A_186 : vector<400x128xf32>
    %logistic3A_190 = arith.divf %logistic3A_188, %logistic3A_189 : vector<400x128xf32>
    %slice3A_191 = vector.extract_strided_slice %squeeze3A_172 {offsets = [0, 256], sizes = [400, 128], strides = [1, 1]} : vector<400x384xf32> to vector<400x128xf32>
    %slice3A_192 = vector.extract_strided_slice %add3A_170 {offsets = [0, 256], sizes = [400, 128], strides = [1, 1]} : vector<400x384xf32> to vector<400x128xf32>
    %mul3A_193 = arith.mulf %logistic3A_181, %slice3A_192 : vector<400x128xf32>
    %add3A_194 = arith.addf %slice3A_191, %mul3A_193 : vector<400x128xf32>
    %tanh3A_195 = math.tanh %add3A_194 : vector<400x128xf32>
    %sub3A_196 = arith.constant 1.000000e+00 : f32
    %sub3A_197 = vector.broadcast %sub3A_196 : f32 to vector<400x128xf32>
    %sub3A_198 = arith.subf %sub3A_197, %logistic3A_190 : vector<400x128xf32>
    %mul3A_199 = arith.mulf %sub3A_198, %tanh3A_195 : vector<400x128xf32>
    %mul3A_200 = arith.mulf %logistic3A_190, %add3A_154 : vector<400x128xf32>
    %add3A_201 = arith.addf %mul3A_199, %mul3A_200 : vector<400x128xf32>
    %eq3A_202 = arith.constant 3 : i32
    %eq3A_203 = vector.broadcast %eq3A_202 : i32 to vector<400x1xi32>
    %eq3A_204 = arith.cmpi eq, %select_n3A, %eq3A_203 : vector<400x1xi32>
    %broadcast_in_dim3A_205 = vector.shape_cast %eq3A_204 : vector<400x1xi1> to vector<400x1xi1>
    %broadcast_in_dim3A_206 = vector.broadcast %broadcast_in_dim3A_205 : vector<400x1xi1> to vector<400x128xi1>
    %select_n3A_207 = arith.select %broadcast_in_dim3A_206, %add3A_201, %select_n3A_160 : vector<400x128xi1>, vector<400x128xf32>
    %get3A_208 = arith.constant 0 : index
    %get3A_209 = arith.constant 0 : index
    %get3A_210 = vector.load %arg4[%get3A_208, %get3A_209] : memref<128x384xf32, #tpu.memory_space<vmem>>, vector<128x384xf32>
    %dot_general3A_211 = arith.constant dense<0.000000e+00> : vector<400x384xf32>
    %dot_general3A_212 = tpu.matmul %add3A_201, %get3A_210, %dot_general3A_211 {dimension_numbers = #tpu.dot_dimension_numbers<[1], [0], [0], [1], [0, 0, 1, 1], [], []>, transpose_lhs_hint = false} : vector<400x128xf32>, vector<128x384xf32>, vector<400x384xf32> -> vector<400x384xf32>
    %get3A_213 = arith.constant 0 : index
    %get3A_214 = arith.constant 0 : index
    %get3A_215 = vector.load %arg6[%get3A_213, %get3A_214] : memref<1x384xf32, #tpu.memory_space<vmem>>, vector<1x384xf32>
    %add3A_216 = vector.broadcast %get3A_215 : vector<1x384xf32> to vector<400x384xf32>
    %add3A_217 = arith.addf %dot_general3A_212, %add3A_216 : vector<400x384xf32>
    %slice3A_218 = vector.extract_strided_slice %reshape3A_11 {offsets = [0, 4, 0], sizes = [400, 1, 384], strides = [1, 1, 1]} : vector<400x16x384xf32> to vector<400x1x384xf32>
    %squeeze3A_219 = vector.shape_cast %slice3A_218 : vector<400x1x384xf32> to vector<400x384xf32>
    %slice3A_220 = vector.extract_strided_slice %squeeze3A_219 {offsets = [0, 0], sizes = [400, 128], strides = [1, 1]} : vector<400x384xf32> to vector<400x128xf32>
    %slice3A_221 = vector.extract_strided_slice %add3A_217 {offsets = [0, 0], sizes = [400, 128], strides = [1, 1]} : vector<400x384xf32> to vector<400x128xf32>
    %add3A_222 = arith.addf %slice3A_220, %slice3A_221 : vector<400x128xf32>
    %logistic3A_223 = arith.negf %add3A_222 : vector<400x128xf32>
    %logistic3A_224 = math.exp %logistic3A_223 : vector<400x128xf32>
    %logistic3A_225 = arith.constant 1.000000e+00 : f32
    %logistic3A_226 = vector.broadcast %logistic3A_225 : f32 to vector<400x128xf32>
    %logistic3A_227 = arith.addf %logistic3A_226, %logistic3A_224 : vector<400x128xf32>
    %logistic3A_228 = arith.divf %logistic3A_226, %logistic3A_227 : vector<400x128xf32>
    %slice3A_229 = vector.extract_strided_slice %squeeze3A_219 {offsets = [0, 128], sizes = [400, 128], strides = [1, 1]} : vector<400x384xf32> to vector<400x128xf32>
    %slice3A_230 = vector.extract_strided_slice %add3A_217 {offsets = [0, 128], sizes = [400, 128], strides = [1, 1]} : vector<400x384xf32> to vector<400x128xf32>
    %add3A_231 = arith.addf %slice3A_229, %slice3A_230 : vector<400x128xf32>
    %logistic3A_232 = arith.negf %add3A_231 : vector<400x128xf32>
    %logistic3A_233 = math.exp %logistic3A_232 : vector<400x128xf32>
    %logistic3A_234 = arith.constant 1.000000e+00 : f32
    %logistic3A_235 = vector.broadcast %logistic3A_234 : f32 to vector<400x128xf32>
    %logistic3A_236 = arith.addf %logistic3A_235, %logistic3A_233 : vector<400x128xf32>
    %logistic3A_237 = arith.divf %logistic3A_235, %logistic3A_236 : vector<400x128xf32>
    %slice3A_238 = vector.extract_strided_slice %squeeze3A_219 {offsets = [0, 256], sizes = [400, 128], strides = [1, 1]} : vector<400x384xf32> to vector<400x128xf32>
    %slice3A_239 = vector.extract_strided_slice %add3A_217 {offsets = [0, 256], sizes = [400, 128], strides = [1, 1]} : vector<400x384xf32> to vector<400x128xf32>
    %mul3A_240 = arith.mulf %logistic3A_228, %slice3A_239 : vector<400x128xf32>
    %add3A_241 = arith.addf %slice3A_238, %mul3A_240 : vector<400x128xf32>
    %tanh3A_242 = math.tanh %add3A_241 : vector<400x128xf32>
    %sub3A_243 = arith.constant 1.000000e+00 : f32
    %sub3A_244 = vector.broadcast %sub3A_243 : f32 to vector<400x128xf32>
    %sub3A_245 = arith.subf %sub3A_244, %logistic3A_237 : vector<400x128xf32>
    %mul3A_246 = arith.mulf %sub3A_245, %tanh3A_242 : vector<400x128xf32>
    %mul3A_247 = arith.mulf %logistic3A_237, %add3A_201 : vector<400x128xf32>
    %add3A_248 = arith.addf %mul3A_246, %mul3A_247 : vector<400x128xf32>
    %eq3A_249 = arith.constant 4 : i32
    %eq3A_250 = vector.broadcast %eq3A_249 : i32 to vector<400x1xi32>
    %eq3A_251 = arith.cmpi eq, %select_n3A, %eq3A_250 : vector<400x1xi32>
    %broadcast_in_dim3A_252 = vector.shape_cast %eq3A_251 : vector<400x1xi1> to vector<400x1xi1>
    %broadcast_in_dim3A_253 = vector.broadcast %broadcast_in_dim3A_252 : vector<400x1xi1> to vector<400x128xi1>
    %select_n3A_254 = arith.select %broadcast_in_dim3A_253, %add3A_248, %select_n3A_207 : vector<400x128xi1>, vector<400x128xf32>
    %get3A_255 = arith.constant 0 : index
    %get3A_256 = arith.constant 0 : index
    %get3A_257 = vector.load %arg4[%get3A_255, %get3A_256] : memref<128x384xf32, #tpu.memory_space<vmem>>, vector<128x384xf32>
    %dot_general3A_258 = arith.constant dense<0.000000e+00> : vector<400x384xf32>
    %dot_general3A_259 = tpu.matmul %add3A_248, %get3A_257, %dot_general3A_258 {dimension_numbers = #tpu.dot_dimension_numbers<[1], [0], [0], [1], [0, 0, 1, 1], [], []>, transpose_lhs_hint = false} : vector<400x128xf32>, vector<128x384xf32>, vector<400x384xf32> -> vector<400x384xf32>
    %get3A_260 = arith.constant 0 : index
    %get3A_261 = arith.constant 0 : index
    %get3A_262 = vector.load %arg6[%get3A_260, %get3A_261] : memref<1x384xf32, #tpu.memory_space<vmem>>, vector<1x384xf32>
    %add3A_263 = vector.broadcast %get3A_262 : vector<1x384xf32> to vector<400x384xf32>
    %add3A_264 = arith.addf %dot_general3A_259, %add3A_263 : vector<400x384xf32>
    %slice3A_265 = vector.extract_strided_slice %reshape3A_11 {offsets = [0, 5, 0], sizes = [400, 1, 384], strides = [1, 1, 1]} : vector<400x16x384xf32> to vector<400x1x384xf32>
    %squeeze3A_266 = vector.shape_cast %slice3A_265 : vector<400x1x384xf32> to vector<400x384xf32>
    %slice3A_267 = vector.extract_strided_slice %squeeze3A_266 {offsets = [0, 0], sizes = [400, 128], strides = [1, 1]} : vector<400x384xf32> to vector<400x128xf32>
    %slice3A_268 = vector.extract_strided_slice %add3A_264 {offsets = [0, 0], sizes = [400, 128], strides = [1, 1]} : vector<400x384xf32> to vector<400x128xf32>
    %add3A_269 = arith.addf %slice3A_267, %slice3A_268 : vector<400x128xf32>
    %logistic3A_270 = arith.negf %add3A_269 : vector<400x128xf32>
    %logistic3A_271 = math.exp %logistic3A_270 : vector<400x128xf32>
    %logistic3A_272 = arith.constant 1.000000e+00 : f32
    %logistic3A_273 = vector.broadcast %logistic3A_272 : f32 to vector<400x128xf32>
    %logistic3A_274 = arith.addf %logistic3A_273, %logistic3A_271 : vector<400x128xf32>
    %logistic3A_275 = arith.divf %logistic3A_273, %logistic3A_274 : vector<400x128xf32>
    %slice3A_276 = vector.extract_strided_slice %squeeze3A_266 {offsets = [0, 128], sizes = [400, 128], strides = [1, 1]} : vector<400x384xf32> to vector<400x128xf32>
    %slice3A_277 = vector.extract_strided_slice %add3A_264 {offsets = [0, 128], sizes = [400, 128], strides = [1, 1]} : vector<400x384xf32> to vector<400x128xf32>
    %add3A_278 = arith.addf %slice3A_276, %slice3A_277 : vector<400x128xf32>
    %logistic3A_279 = arith.negf %add3A_278 : vector<400x128xf32>
    %logistic3A_280 = math.exp %logistic3A_279 : vector<400x128xf32>
    %logistic3A_281 = arith.constant 1.000000e+00 : f32
    %logistic3A_282 = vector.broadcast %logistic3A_281 : f32 to vector<400x128xf32>
    %logistic3A_283 = arith.addf %logistic3A_282, %logistic3A_280 : vector<400x128xf32>
    %logistic3A_284 = arith.divf %logistic3A_282, %logistic3A_283 : vector<400x128xf32>
    %slice3A_285 = vector.extract_strided_slice %squeeze3A_266 {offsets = [0, 256], sizes = [400, 128], strides = [1, 1]} : vector<400x384xf32> to vector<400x128xf32>
    %slice3A_286 = vector.extract_strided_slice %add3A_264 {offsets = [0, 256], sizes = [400, 128], strides = [1, 1]} : vector<400x384xf32> to vector<400x128xf32>
    %mul3A_287 = arith.mulf %logistic3A_275, %slice3A_286 : vector<400x128xf32>
    %add3A_288 = arith.addf %slice3A_285, %mul3A_287 : vector<400x128xf32>
    %tanh3A_289 = math.tanh %add3A_288 : vector<400x128xf32>
    %sub3A_290 = arith.constant 1.000000e+00 : f32
    %sub3A_291 = vector.broadcast %sub3A_290 : f32 to vector<400x128xf32>
    %sub3A_292 = arith.subf %sub3A_291, %logistic3A_284 : vector<400x128xf32>
    %mul3A_293 = arith.mulf %sub3A_292, %tanh3A_289 : vector<400x128xf32>
    %mul3A_294 = arith.mulf %logistic3A_284, %add3A_248 : vector<400x128xf32>
    %add3A_295 = arith.addf %mul3A_293, %mul3A_294 : vector<400x128xf32>
    %eq3A_296 = arith.constant 5 : i32
    %eq3A_297 = vector.broadcast %eq3A_296 : i32 to vector<400x1xi32>
    %eq3A_298 = arith.cmpi eq, %select_n3A, %eq3A_297 : vector<400x1xi32>
    %broadcast_in_dim3A_299 = vector.shape_cast %eq3A_298 : vector<400x1xi1> to vector<400x1xi1>
    %broadcast_in_dim3A_300 = vector.broadcast %broadcast_in_dim3A_299 : vector<400x1xi1> to vector<400x128xi1>
    %select_n3A_301 = arith.select %broadcast_in_dim3A_300, %add3A_295, %select_n3A_254 : vector<400x128xi1>, vector<400x128xf32>
    %get3A_302 = arith.constant 0 : index
    %get3A_303 = arith.constant 0 : index
    %get3A_304 = vector.load %arg4[%get3A_302, %get3A_303] : memref<128x384xf32, #tpu.memory_space<vmem>>, vector<128x384xf32>
    %dot_general3A_305 = arith.constant dense<0.000000e+00> : vector<400x384xf32>
    %dot_general3A_306 = tpu.matmul %add3A_295, %get3A_304, %dot_general3A_305 {dimension_numbers = #tpu.dot_dimension_numbers<[1], [0], [0], [1], [0, 0, 1, 1], [], []>, transpose_lhs_hint = false} : vector<400x128xf32>, vector<128x384xf32>, vector<400x384xf32> -> vector<400x384xf32>
    %get3A_307 = arith.constant 0 : index
    %get3A_308 = arith.constant 0 : index
    %get3A_309 = vector.load %arg6[%get3A_307, %get3A_308] : memref<1x384xf32, #tpu.memory_space<vmem>>, vector<1x384xf32>
    %add3A_310 = vector.broadcast %get3A_309 : vector<1x384xf32> to vector<400x384xf32>
    %add3A_311 = arith.addf %dot_general3A_306, %add3A_310 : vector<400x384xf32>
    %slice3A_312 = vector.extract_strided_slice %reshape3A_11 {offsets = [0, 6, 0], sizes = [400, 1, 384], strides = [1, 1, 1]} : vector<400x16x384xf32> to vector<400x1x384xf32>
    %squeeze3A_313 = vector.shape_cast %slice3A_312 : vector<400x1x384xf32> to vector<400x384xf32>
    %slice3A_314 = vector.extract_strided_slice %squeeze3A_313 {offsets = [0, 0], sizes = [400, 128], strides = [1, 1]} : vector<400x384xf32> to vector<400x128xf32>
    %slice3A_315 = vector.extract_strided_slice %add3A_311 {offsets = [0, 0], sizes = [400, 128], strides = [1, 1]} : vector<400x384xf32> to vector<400x128xf32>
    %add3A_316 = arith.addf %slice3A_314, %slice3A_315 : vector<400x128xf32>
    %logistic3A_317 = arith.negf %add3A_316 : vector<400x128xf32>
    %logistic3A_318 = math.exp %logistic3A_317 : vector<400x128xf32>
    %logistic3A_319 = arith.constant 1.000000e+00 : f32
    %logistic3A_320 = vector.broadcast %logistic3A_319 : f32 to vector<400x128xf32>
    %logistic3A_321 = arith.addf %logistic3A_320, %logistic3A_318 : vector<400x128xf32>
    %logistic3A_322 = arith.divf %logistic3A_320, %logistic3A_321 : vector<400x128xf32>
    %slice3A_323 = vector.extract_strided_slice %squeeze3A_313 {offsets = [0, 128], sizes = [400, 128], strides = [1, 1]} : vector<400x384xf32> to vector<400x128xf32>
    %slice3A_324 = vector.extract_strided_slice %add3A_311 {offsets = [0, 128], sizes = [400, 128], strides = [1, 1]} : vector<400x384xf32> to vector<400x128xf32>
    %add3A_325 = arith.addf %slice3A_323, %slice3A_324 : vector<400x128xf32>
    %logistic3A_326 = arith.negf %add3A_325 : vector<400x128xf32>
    %logistic3A_327 = math.exp %logistic3A_326 : vector<400x128xf32>
    %logistic3A_328 = arith.constant 1.000000e+00 : f32
    %logistic3A_329 = vector.broadcast %logistic3A_328 : f32 to vector<400x128xf32>
    %logistic3A_330 = arith.addf %logistic3A_329, %logistic3A_327 : vector<400x128xf32>
    %logistic3A_331 = arith.divf %logistic3A_329, %logistic3A_330 : vector<400x128xf32>
    %slice3A_332 = vector.extract_strided_slice %squeeze3A_313 {offsets = [0, 256], sizes = [400, 128], strides = [1, 1]} : vector<400x384xf32> to vector<400x128xf32>
    %slice3A_333 = vector.extract_strided_slice %add3A_311 {offsets = [0, 256], sizes = [400, 128], strides = [1, 1]} : vector<400x384xf32> to vector<400x128xf32>
    %mul3A_334 = arith.mulf %logistic3A_322, %slice3A_333 : vector<400x128xf32>
    %add3A_335 = arith.addf %slice3A_332, %mul3A_334 : vector<400x128xf32>
    %tanh3A_336 = math.tanh %add3A_335 : vector<400x128xf32>
    %sub3A_337 = arith.constant 1.000000e+00 : f32
    %sub3A_338 = vector.broadcast %sub3A_337 : f32 to vector<400x128xf32>
    %sub3A_339 = arith.subf %sub3A_338, %logistic3A_331 : vector<400x128xf32>
    %mul3A_340 = arith.mulf %sub3A_339, %tanh3A_336 : vector<400x128xf32>
    %mul3A_341 = arith.mulf %logistic3A_331, %add3A_295 : vector<400x128xf32>
    %add3A_342 = arith.addf %mul3A_340, %mul3A_341 : vector<400x128xf32>
    %eq3A_343 = arith.constant 6 : i32
    %eq3A_344 = vector.broadcast %eq3A_343 : i32 to vector<400x1xi32>
    %eq3A_345 = arith.cmpi eq, %select_n3A, %eq3A_344 : vector<400x1xi32>
    %broadcast_in_dim3A_346 = vector.shape_cast %eq3A_345 : vector<400x1xi1> to vector<400x1xi1>
    %broadcast_in_dim3A_347 = vector.broadcast %broadcast_in_dim3A_346 : vector<400x1xi1> to vector<400x128xi1>
    %select_n3A_348 = arith.select %broadcast_in_dim3A_347, %add3A_342, %select_n3A_301 : vector<400x128xi1>, vector<400x128xf32>
    %get3A_349 = arith.constant 0 : index
    %get3A_350 = arith.constant 0 : index
    %get3A_351 = vector.load %arg4[%get3A_349, %get3A_350] : memref<128x384xf32, #tpu.memory_space<vmem>>, vector<128x384xf32>
    %dot_general3A_352 = arith.constant dense<0.000000e+00> : vector<400x384xf32>
    %dot_general3A_353 = tpu.matmul %add3A_342, %get3A_351, %dot_general3A_352 {dimension_numbers = #tpu.dot_dimension_numbers<[1], [0], [0], [1], [0, 0, 1, 1], [], []>, transpose_lhs_hint = false} : vector<400x128xf32>, vector<128x384xf32>, vector<400x384xf32> -> vector<400x384xf32>
    %get3A_354 = arith.constant 0 : index
    %get3A_355 = arith.constant 0 : index
    %get3A_356 = vector.load %arg6[%get3A_354, %get3A_355] : memref<1x384xf32, #tpu.memory_space<vmem>>, vector<1x384xf32>
    %add3A_357 = vector.broadcast %get3A_356 : vector<1x384xf32> to vector<400x384xf32>
    %add3A_358 = arith.addf %dot_general3A_353, %add3A_357 : vector<400x384xf32>
    %slice3A_359 = vector.extract_strided_slice %reshape3A_11 {offsets = [0, 7, 0], sizes = [400, 1, 384], strides = [1, 1, 1]} : vector<400x16x384xf32> to vector<400x1x384xf32>
    %squeeze3A_360 = vector.shape_cast %slice3A_359 : vector<400x1x384xf32> to vector<400x384xf32>
    %slice3A_361 = vector.extract_strided_slice %squeeze3A_360 {offsets = [0, 0], sizes = [400, 128], strides = [1, 1]} : vector<400x384xf32> to vector<400x128xf32>
    %slice3A_362 = vector.extract_strided_slice %add3A_358 {offsets = [0, 0], sizes = [400, 128], strides = [1, 1]} : vector<400x384xf32> to vector<400x128xf32>
    %add3A_363 = arith.addf %slice3A_361, %slice3A_362 : vector<400x128xf32>
    %logistic3A_364 = arith.negf %add3A_363 : vector<400x128xf32>
    %logistic3A_365 = math.exp %logistic3A_364 : vector<400x128xf32>
    %logistic3A_366 = arith.constant 1.000000e+00 : f32
    %logistic3A_367 = vector.broadcast %logistic3A_366 : f32 to vector<400x128xf32>
    %logistic3A_368 = arith.addf %logistic3A_367, %logistic3A_365 : vector<400x128xf32>
    %logistic3A_369 = arith.divf %logistic3A_367, %logistic3A_368 : vector<400x128xf32>
    %slice3A_370 = vector.extract_strided_slice %squeeze3A_360 {offsets = [0, 128], sizes = [400, 128], strides = [1, 1]} : vector<400x384xf32> to vector<400x128xf32>
    %slice3A_371 = vector.extract_strided_slice %add3A_358 {offsets = [0, 128], sizes = [400, 128], strides = [1, 1]} : vector<400x384xf32> to vector<400x128xf32>
    %add3A_372 = arith.addf %slice3A_370, %slice3A_371 : vector<400x128xf32>
    %logistic3A_373 = arith.negf %add3A_372 : vector<400x128xf32>
    %logistic3A_374 = math.exp %logistic3A_373 : vector<400x128xf32>
    %logistic3A_375 = arith.constant 1.000000e+00 : f32
    %logistic3A_376 = vector.broadcast %logistic3A_375 : f32 to vector<400x128xf32>
    %logistic3A_377 = arith.addf %logistic3A_376, %logistic3A_374 : vector<400x128xf32>
    %logistic3A_378 = arith.divf %logistic3A_376, %logistic3A_377 : vector<400x128xf32>
    %slice3A_379 = vector.extract_strided_slice %squeeze3A_360 {offsets = [0, 256], sizes = [400, 128], strides = [1, 1]} : vector<400x384xf32> to vector<400x128xf32>
    %slice3A_380 = vector.extract_strided_slice %add3A_358 {offsets = [0, 256], sizes = [400, 128], strides = [1, 1]} : vector<400x384xf32> to vector<400x128xf32>
    %mul3A_381 = arith.mulf %logistic3A_369, %slice3A_380 : vector<400x128xf32>
    %add3A_382 = arith.addf %slice3A_379, %mul3A_381 : vector<400x128xf32>
    %tanh3A_383 = math.tanh %add3A_382 : vector<400x128xf32>
    %sub3A_384 = arith.constant 1.000000e+00 : f32
    %sub3A_385 = vector.broadcast %sub3A_384 : f32 to vector<400x128xf32>
    %sub3A_386 = arith.subf %sub3A_385, %logistic3A_378 : vector<400x128xf32>
    %mul3A_387 = arith.mulf %sub3A_386, %tanh3A_383 : vector<400x128xf32>
    %mul3A_388 = arith.mulf %logistic3A_378, %add3A_342 : vector<400x128xf32>
    %add3A_389 = arith.addf %mul3A_387, %mul3A_388 : vector<400x128xf32>
    %eq3A_390 = arith.constant 7 : i32
    %eq3A_391 = vector.broadcast %eq3A_390 : i32 to vector<400x1xi32>
    %eq3A_392 = arith.cmpi eq, %select_n3A, %eq3A_391 : vector<400x1xi32>
    %broadcast_in_dim3A_393 = vector.shape_cast %eq3A_392 : vector<400x1xi1> to vector<400x1xi1>
    %broadcast_in_dim3A_394 = vector.broadcast %broadcast_in_dim3A_393 : vector<400x1xi1> to vector<400x128xi1>
    %select_n3A_395 = arith.select %broadcast_in_dim3A_394, %add3A_389, %select_n3A_348 : vector<400x128xi1>, vector<400x128xf32>
    %get3A_396 = arith.constant 0 : index
    %get3A_397 = arith.constant 0 : index
    %get3A_398 = vector.load %arg4[%get3A_396, %get3A_397] : memref<128x384xf32, #tpu.memory_space<vmem>>, vector<128x384xf32>
    %dot_general3A_399 = arith.constant dense<0.000000e+00> : vector<400x384xf32>
    %dot_general3A_400 = tpu.matmul %add3A_389, %get3A_398, %dot_general3A_399 {dimension_numbers = #tpu.dot_dimension_numbers<[1], [0], [0], [1], [0, 0, 1, 1], [], []>, transpose_lhs_hint = false} : vector<400x128xf32>, vector<128x384xf32>, vector<400x384xf32> -> vector<400x384xf32>
    %get3A_401 = arith.constant 0 : index
    %get3A_402 = arith.constant 0 : index
    %get3A_403 = vector.load %arg6[%get3A_401, %get3A_402] : memref<1x384xf32, #tpu.memory_space<vmem>>, vector<1x384xf32>
    %add3A_404 = vector.broadcast %get3A_403 : vector<1x384xf32> to vector<400x384xf32>
    %add3A_405 = arith.addf %dot_general3A_400, %add3A_404 : vector<400x384xf32>
    %slice3A_406 = vector.extract_strided_slice %reshape3A_11 {offsets = [0, 8, 0], sizes = [400, 1, 384], strides = [1, 1, 1]} : vector<400x16x384xf32> to vector<400x1x384xf32>
    %squeeze3A_407 = vector.shape_cast %slice3A_406 : vector<400x1x384xf32> to vector<400x384xf32>
    %slice3A_408 = vector.extract_strided_slice %squeeze3A_407 {offsets = [0, 0], sizes = [400, 128], strides = [1, 1]} : vector<400x384xf32> to vector<400x128xf32>
    %slice3A_409 = vector.extract_strided_slice %add3A_405 {offsets = [0, 0], sizes = [400, 128], strides = [1, 1]} : vector<400x384xf32> to vector<400x128xf32>
    %add3A_410 = arith.addf %slice3A_408, %slice3A_409 : vector<400x128xf32>
    %logistic3A_411 = arith.negf %add3A_410 : vector<400x128xf32>
    %logistic3A_412 = math.exp %logistic3A_411 : vector<400x128xf32>
    %logistic3A_413 = arith.constant 1.000000e+00 : f32
    %logistic3A_414 = vector.broadcast %logistic3A_413 : f32 to vector<400x128xf32>
    %logistic3A_415 = arith.addf %logistic3A_414, %logistic3A_412 : vector<400x128xf32>
    %logistic3A_416 = arith.divf %logistic3A_414, %logistic3A_415 : vector<400x128xf32>
    %slice3A_417 = vector.extract_strided_slice %squeeze3A_407 {offsets = [0, 128], sizes = [400, 128], strides = [1, 1]} : vector<400x384xf32> to vector<400x128xf32>
    %slice3A_418 = vector.extract_strided_slice %add3A_405 {offsets = [0, 128], sizes = [400, 128], strides = [1, 1]} : vector<400x384xf32> to vector<400x128xf32>
    %add3A_419 = arith.addf %slice3A_417, %slice3A_418 : vector<400x128xf32>
    %logistic3A_420 = arith.negf %add3A_419 : vector<400x128xf32>
    %logistic3A_421 = math.exp %logistic3A_420 : vector<400x128xf32>
    %logistic3A_422 = arith.constant 1.000000e+00 : f32
    %logistic3A_423 = vector.broadcast %logistic3A_422 : f32 to vector<400x128xf32>
    %logistic3A_424 = arith.addf %logistic3A_423, %logistic3A_421 : vector<400x128xf32>
    %logistic3A_425 = arith.divf %logistic3A_423, %logistic3A_424 : vector<400x128xf32>
    %slice3A_426 = vector.extract_strided_slice %squeeze3A_407 {offsets = [0, 256], sizes = [400, 128], strides = [1, 1]} : vector<400x384xf32> to vector<400x128xf32>
    %slice3A_427 = vector.extract_strided_slice %add3A_405 {offsets = [0, 256], sizes = [400, 128], strides = [1, 1]} : vector<400x384xf32> to vector<400x128xf32>
    %mul3A_428 = arith.mulf %logistic3A_416, %slice3A_427 : vector<400x128xf32>
    %add3A_429 = arith.addf %slice3A_426, %mul3A_428 : vector<400x128xf32>
    %tanh3A_430 = math.tanh %add3A_429 : vector<400x128xf32>
    %sub3A_431 = arith.constant 1.000000e+00 : f32
    %sub3A_432 = vector.broadcast %sub3A_431 : f32 to vector<400x128xf32>
    %sub3A_433 = arith.subf %sub3A_432, %logistic3A_425 : vector<400x128xf32>
    %mul3A_434 = arith.mulf %sub3A_433, %tanh3A_430 : vector<400x128xf32>
    %mul3A_435 = arith.mulf %logistic3A_425, %add3A_389 : vector<400x128xf32>
    %add3A_436 = arith.addf %mul3A_434, %mul3A_435 : vector<400x128xf32>
    %eq3A_437 = arith.constant 8 : i32
    %eq3A_438 = vector.broadcast %eq3A_437 : i32 to vector<400x1xi32>
    %eq3A_439 = arith.cmpi eq, %select_n3A, %eq3A_438 : vector<400x1xi32>
    %broadcast_in_dim3A_440 = vector.shape_cast %eq3A_439 : vector<400x1xi1> to vector<400x1xi1>
    %broadcast_in_dim3A_441 = vector.broadcast %broadcast_in_dim3A_440 : vector<400x1xi1> to vector<400x128xi1>
    %select_n3A_442 = arith.select %broadcast_in_dim3A_441, %add3A_436, %select_n3A_395 : vector<400x128xi1>, vector<400x128xf32>
    %get3A_443 = arith.constant 0 : index
    %get3A_444 = arith.constant 0 : index
    %get3A_445 = vector.load %arg4[%get3A_443, %get3A_444] : memref<128x384xf32, #tpu.memory_space<vmem>>, vector<128x384xf32>
    %dot_general3A_446 = arith.constant dense<0.000000e+00> : vector<400x384xf32>
    %dot_general3A_447 = tpu.matmul %add3A_436, %get3A_445, %dot_general3A_446 {dimension_numbers = #tpu.dot_dimension_numbers<[1], [0], [0], [1], [0, 0, 1, 1], [], []>, transpose_lhs_hint = false} : vector<400x128xf32>, vector<128x384xf32>, vector<400x384xf32> -> vector<400x384xf32>
    %get3A_448 = arith.constant 0 : index
    %get3A_449 = arith.constant 0 : index
    %get3A_450 = vector.load %arg6[%get3A_448, %get3A_449] : memref<1x384xf32, #tpu.memory_space<vmem>>, vector<1x384xf32>
    %add3A_451 = vector.broadcast %get3A_450 : vector<1x384xf32> to vector<400x384xf32>
    %add3A_452 = arith.addf %dot_general3A_447, %add3A_451 : vector<400x384xf32>
    %slice3A_453 = vector.extract_strided_slice %reshape3A_11 {offsets = [0, 9, 0], sizes = [400, 1, 384], strides = [1, 1, 1]} : vector<400x16x384xf32> to vector<400x1x384xf32>
    %squeeze3A_454 = vector.shape_cast %slice3A_453 : vector<400x1x384xf32> to vector<400x384xf32>
    %slice3A_455 = vector.extract_strided_slice %squeeze3A_454 {offsets = [0, 0], sizes = [400, 128], strides = [1, 1]} : vector<400x384xf32> to vector<400x128xf32>
    %slice3A_456 = vector.extract_strided_slice %add3A_452 {offsets = [0, 0], sizes = [400, 128], strides = [1, 1]} : vector<400x384xf32> to vector<400x128xf32>
    %add3A_457 = arith.addf %slice3A_455, %slice3A_456 : vector<400x128xf32>
    %logistic3A_458 = arith.negf %add3A_457 : vector<400x128xf32>
    %logistic3A_459 = math.exp %logistic3A_458 : vector<400x128xf32>
    %logistic3A_460 = arith.constant 1.000000e+00 : f32
    %logistic3A_461 = vector.broadcast %logistic3A_460 : f32 to vector<400x128xf32>
    %logistic3A_462 = arith.addf %logistic3A_461, %logistic3A_459 : vector<400x128xf32>
    %logistic3A_463 = arith.divf %logistic3A_461, %logistic3A_462 : vector<400x128xf32>
    %slice3A_464 = vector.extract_strided_slice %squeeze3A_454 {offsets = [0, 128], sizes = [400, 128], strides = [1, 1]} : vector<400x384xf32> to vector<400x128xf32>
    %slice3A_465 = vector.extract_strided_slice %add3A_452 {offsets = [0, 128], sizes = [400, 128], strides = [1, 1]} : vector<400x384xf32> to vector<400x128xf32>
    %add3A_466 = arith.addf %slice3A_464, %slice3A_465 : vector<400x128xf32>
    %logistic3A_467 = arith.negf %add3A_466 : vector<400x128xf32>
    %logistic3A_468 = math.exp %logistic3A_467 : vector<400x128xf32>
    %logistic3A_469 = arith.constant 1.000000e+00 : f32
    %logistic3A_470 = vector.broadcast %logistic3A_469 : f32 to vector<400x128xf32>
    %logistic3A_471 = arith.addf %logistic3A_470, %logistic3A_468 : vector<400x128xf32>
    %logistic3A_472 = arith.divf %logistic3A_470, %logistic3A_471 : vector<400x128xf32>
    %slice3A_473 = vector.extract_strided_slice %squeeze3A_454 {offsets = [0, 256], sizes = [400, 128], strides = [1, 1]} : vector<400x384xf32> to vector<400x128xf32>
    %slice3A_474 = vector.extract_strided_slice %add3A_452 {offsets = [0, 256], sizes = [400, 128], strides = [1, 1]} : vector<400x384xf32> to vector<400x128xf32>
    %mul3A_475 = arith.mulf %logistic3A_463, %slice3A_474 : vector<400x128xf32>
    %add3A_476 = arith.addf %slice3A_473, %mul3A_475 : vector<400x128xf32>
    %tanh3A_477 = math.tanh %add3A_476 : vector<400x128xf32>
    %sub3A_478 = arith.constant 1.000000e+00 : f32
    %sub3A_479 = vector.broadcast %sub3A_478 : f32 to vector<400x128xf32>
    %sub3A_480 = arith.subf %sub3A_479, %logistic3A_472 : vector<400x128xf32>
    %mul3A_481 = arith.mulf %sub3A_480, %tanh3A_477 : vector<400x128xf32>
    %mul3A_482 = arith.mulf %logistic3A_472, %add3A_436 : vector<400x128xf32>
    %add3A_483 = arith.addf %mul3A_481, %mul3A_482 : vector<400x128xf32>
    %eq3A_484 = arith.constant 9 : i32
    %eq3A_485 = vector.broadcast %eq3A_484 : i32 to vector<400x1xi32>
    %eq3A_486 = arith.cmpi eq, %select_n3A, %eq3A_485 : vector<400x1xi32>
    %broadcast_in_dim3A_487 = vector.shape_cast %eq3A_486 : vector<400x1xi1> to vector<400x1xi1>
    %broadcast_in_dim3A_488 = vector.broadcast %broadcast_in_dim3A_487 : vector<400x1xi1> to vector<400x128xi1>
    %select_n3A_489 = arith.select %broadcast_in_dim3A_488, %add3A_483, %select_n3A_442 : vector<400x128xi1>, vector<400x128xf32>
    %get3A_490 = arith.constant 0 : index
    %get3A_491 = arith.constant 0 : index
    %get3A_492 = vector.load %arg4[%get3A_490, %get3A_491] : memref<128x384xf32, #tpu.memory_space<vmem>>, vector<128x384xf32>
    %dot_general3A_493 = arith.constant dense<0.000000e+00> : vector<400x384xf32>
    %dot_general3A_494 = tpu.matmul %add3A_483, %get3A_492, %dot_general3A_493 {dimension_numbers = #tpu.dot_dimension_numbers<[1], [0], [0], [1], [0, 0, 1, 1], [], []>, transpose_lhs_hint = false} : vector<400x128xf32>, vector<128x384xf32>, vector<400x384xf32> -> vector<400x384xf32>
    %get3A_495 = arith.constant 0 : index
    %get3A_496 = arith.constant 0 : index
    %get3A_497 = vector.load %arg6[%get3A_495, %get3A_496] : memref<1x384xf32, #tpu.memory_space<vmem>>, vector<1x384xf32>
    %add3A_498 = vector.broadcast %get3A_497 : vector<1x384xf32> to vector<400x384xf32>
    %add3A_499 = arith.addf %dot_general3A_494, %add3A_498 : vector<400x384xf32>
    %slice3A_500 = vector.extract_strided_slice %reshape3A_11 {offsets = [0, 10, 0], sizes = [400, 1, 384], strides = [1, 1, 1]} : vector<400x16x384xf32> to vector<400x1x384xf32>
    %squeeze3A_501 = vector.shape_cast %slice3A_500 : vector<400x1x384xf32> to vector<400x384xf32>
    %slice3A_502 = vector.extract_strided_slice %squeeze3A_501 {offsets = [0, 0], sizes = [400, 128], strides = [1, 1]} : vector<400x384xf32> to vector<400x128xf32>
    %slice3A_503 = vector.extract_strided_slice %add3A_499 {offsets = [0, 0], sizes = [400, 128], strides = [1, 1]} : vector<400x384xf32> to vector<400x128xf32>
    %add3A_504 = arith.addf %slice3A_502, %slice3A_503 : vector<400x128xf32>
    %logistic3A_505 = arith.negf %add3A_504 : vector<400x128xf32>
    %logistic3A_506 = math.exp %logistic3A_505 : vector<400x128xf32>
    %logistic3A_507 = arith.constant 1.000000e+00 : f32
    %logistic3A_508 = vector.broadcast %logistic3A_507 : f32 to vector<400x128xf32>
    %logistic3A_509 = arith.addf %logistic3A_508, %logistic3A_506 : vector<400x128xf32>
    %logistic3A_510 = arith.divf %logistic3A_508, %logistic3A_509 : vector<400x128xf32>
    %slice3A_511 = vector.extract_strided_slice %squeeze3A_501 {offsets = [0, 128], sizes = [400, 128], strides = [1, 1]} : vector<400x384xf32> to vector<400x128xf32>
    %slice3A_512 = vector.extract_strided_slice %add3A_499 {offsets = [0, 128], sizes = [400, 128], strides = [1, 1]} : vector<400x384xf32> to vector<400x128xf32>
    %add3A_513 = arith.addf %slice3A_511, %slice3A_512 : vector<400x128xf32>
    %logistic3A_514 = arith.negf %add3A_513 : vector<400x128xf32>
    %logistic3A_515 = math.exp %logistic3A_514 : vector<400x128xf32>
    %logistic3A_516 = arith.constant 1.000000e+00 : f32
    %logistic3A_517 = vector.broadcast %logistic3A_516 : f32 to vector<400x128xf32>
    %logistic3A_518 = arith.addf %logistic3A_517, %logistic3A_515 : vector<400x128xf32>
    %logistic3A_519 = arith.divf %logistic3A_517, %logistic3A_518 : vector<400x128xf32>
    %slice3A_520 = vector.extract_strided_slice %squeeze3A_501 {offsets = [0, 256], sizes = [400, 128], strides = [1, 1]} : vector<400x384xf32> to vector<400x128xf32>
    %slice3A_521 = vector.extract_strided_slice %add3A_499 {offsets = [0, 256], sizes = [400, 128], strides = [1, 1]} : vector<400x384xf32> to vector<400x128xf32>
    %mul3A_522 = arith.mulf %logistic3A_510, %slice3A_521 : vector<400x128xf32>
    %add3A_523 = arith.addf %slice3A_520, %mul3A_522 : vector<400x128xf32>
    %tanh3A_524 = math.tanh %add3A_523 : vector<400x128xf32>
    %sub3A_525 = arith.constant 1.000000e+00 : f32
    %sub3A_526 = vector.broadcast %sub3A_525 : f32 to vector<400x128xf32>
    %sub3A_527 = arith.subf %sub3A_526, %logistic3A_519 : vector<400x128xf32>
    %mul3A_528 = arith.mulf %sub3A_527, %tanh3A_524 : vector<400x128xf32>
    %mul3A_529 = arith.mulf %logistic3A_519, %add3A_483 : vector<400x128xf32>
    %add3A_530 = arith.addf %mul3A_528, %mul3A_529 : vector<400x128xf32>
    %eq3A_531 = arith.constant 10 : i32
    %eq3A_532 = vector.broadcast %eq3A_531 : i32 to vector<400x1xi32>
    %eq3A_533 = arith.cmpi eq, %select_n3A, %eq3A_532 : vector<400x1xi32>
    %broadcast_in_dim3A_534 = vector.shape_cast %eq3A_533 : vector<400x1xi1> to vector<400x1xi1>
    %broadcast_in_dim3A_535 = vector.broadcast %broadcast_in_dim3A_534 : vector<400x1xi1> to vector<400x128xi1>
    %select_n3A_536 = arith.select %broadcast_in_dim3A_535, %add3A_530, %select_n3A_489 : vector<400x128xi1>, vector<400x128xf32>
    %get3A_537 = arith.constant 0 : index
    %get3A_538 = arith.constant 0 : index
    %get3A_539 = vector.load %arg4[%get3A_537, %get3A_538] : memref<128x384xf32, #tpu.memory_space<vmem>>, vector<128x384xf32>
    %dot_general3A_540 = arith.constant dense<0.000000e+00> : vector<400x384xf32>
    %dot_general3A_541 = tpu.matmul %add3A_530, %get3A_539, %dot_general3A_540 {dimension_numbers = #tpu.dot_dimension_numbers<[1], [0], [0], [1], [0, 0, 1, 1], [], []>, transpose_lhs_hint = false} : vector<400x128xf32>, vector<128x384xf32>, vector<400x384xf32> -> vector<400x384xf32>
    %get3A_542 = arith.constant 0 : index
    %get3A_543 = arith.constant 0 : index
    %get3A_544 = vector.load %arg6[%get3A_542, %get3A_543] : memref<1x384xf32, #tpu.memory_space<vmem>>, vector<1x384xf32>
    %add3A_545 = vector.broadcast %get3A_544 : vector<1x384xf32> to vector<400x384xf32>
    %add3A_546 = arith.addf %dot_general3A_541, %add3A_545 : vector<400x384xf32>
    %slice3A_547 = vector.extract_strided_slice %reshape3A_11 {offsets = [0, 11, 0], sizes = [400, 1, 384], strides = [1, 1, 1]} : vector<400x16x384xf32> to vector<400x1x384xf32>
    %squeeze3A_548 = vector.shape_cast %slice3A_547 : vector<400x1x384xf32> to vector<400x384xf32>
    %slice3A_549 = vector.extract_strided_slice %squeeze3A_548 {offsets = [0, 0], sizes = [400, 128], strides = [1, 1]} : vector<400x384xf32> to vector<400x128xf32>
    %slice3A_550 = vector.extract_strided_slice %add3A_546 {offsets = [0, 0], sizes = [400, 128], strides = [1, 1]} : vector<400x384xf32> to vector<400x128xf32>
    %add3A_551 = arith.addf %slice3A_549, %slice3A_550 : vector<400x128xf32>
    %logistic3A_552 = arith.negf %add3A_551 : vector<400x128xf32>
    %logistic3A_553 = math.exp %logistic3A_552 : vector<400x128xf32>
    %logistic3A_554 = arith.constant 1.000000e+00 : f32
    %logistic3A_555 = vector.broadcast %logistic3A_554 : f32 to vector<400x128xf32>
    %logistic3A_556 = arith.addf %logistic3A_555, %logistic3A_553 : vector<400x128xf32>
    %logistic3A_557 = arith.divf %logistic3A_555, %logistic3A_556 : vector<400x128xf32>
    %slice3A_558 = vector.extract_strided_slice %squeeze3A_548 {offsets = [0, 128], sizes = [400, 128], strides = [1, 1]} : vector<400x384xf32> to vector<400x128xf32>
    %slice3A_559 = vector.extract_strided_slice %add3A_546 {offsets = [0, 128], sizes = [400, 128], strides = [1, 1]} : vector<400x384xf32> to vector<400x128xf32>
    %add3A_560 = arith.addf %slice3A_558, %slice3A_559 : vector<400x128xf32>
    %logistic3A_561 = arith.negf %add3A_560 : vector<400x128xf32>
    %logistic3A_562 = math.exp %logistic3A_561 : vector<400x128xf32>
    %logistic3A_563 = arith.constant 1.000000e+00 : f32
    %logistic3A_564 = vector.broadcast %logistic3A_563 : f32 to vector<400x128xf32>
    %logistic3A_565 = arith.addf %logistic3A_564, %logistic3A_562 : vector<400x128xf32>
    %logistic3A_566 = arith.divf %logistic3A_564, %logistic3A_565 : vector<400x128xf32>
    %slice3A_567 = vector.extract_strided_slice %squeeze3A_548 {offsets = [0, 256], sizes = [400, 128], strides = [1, 1]} : vector<400x384xf32> to vector<400x128xf32>
    %slice3A_568 = vector.extract_strided_slice %add3A_546 {offsets = [0, 256], sizes = [400, 128], strides = [1, 1]} : vector<400x384xf32> to vector<400x128xf32>
    %mul3A_569 = arith.mulf %logistic3A_557, %slice3A_568 : vector<400x128xf32>
    %add3A_570 = arith.addf %slice3A_567, %mul3A_569 : vector<400x128xf32>
    %tanh3A_571 = math.tanh %add3A_570 : vector<400x128xf32>
    %sub3A_572 = arith.constant 1.000000e+00 : f32
    %sub3A_573 = vector.broadcast %sub3A_572 : f32 to vector<400x128xf32>
    %sub3A_574 = arith.subf %sub3A_573, %logistic3A_566 : vector<400x128xf32>
    %mul3A_575 = arith.mulf %sub3A_574, %tanh3A_571 : vector<400x128xf32>
    %mul3A_576 = arith.mulf %logistic3A_566, %add3A_530 : vector<400x128xf32>
    %add3A_577 = arith.addf %mul3A_575, %mul3A_576 : vector<400x128xf32>
    %eq3A_578 = arith.constant 11 : i32
    %eq3A_579 = vector.broadcast %eq3A_578 : i32 to vector<400x1xi32>
    %eq3A_580 = arith.cmpi eq, %select_n3A, %eq3A_579 : vector<400x1xi32>
    %broadcast_in_dim3A_581 = vector.shape_cast %eq3A_580 : vector<400x1xi1> to vector<400x1xi1>
    %broadcast_in_dim3A_582 = vector.broadcast %broadcast_in_dim3A_581 : vector<400x1xi1> to vector<400x128xi1>
    %select_n3A_583 = arith.select %broadcast_in_dim3A_582, %add3A_577, %select_n3A_536 : vector<400x128xi1>, vector<400x128xf32>
    %get3A_584 = arith.constant 0 : index
    %get3A_585 = arith.constant 0 : index
    %get3A_586 = vector.load %arg4[%get3A_584, %get3A_585] : memref<128x384xf32, #tpu.memory_space<vmem>>, vector<128x384xf32>
    %dot_general3A_587 = arith.constant dense<0.000000e+00> : vector<400x384xf32>
    %dot_general3A_588 = tpu.matmul %add3A_577, %get3A_586, %dot_general3A_587 {dimension_numbers = #tpu.dot_dimension_numbers<[1], [0], [0], [1], [0, 0, 1, 1], [], []>, transpose_lhs_hint = false} : vector<400x128xf32>, vector<128x384xf32>, vector<400x384xf32> -> vector<400x384xf32>
    %get3A_589 = arith.constant 0 : index
    %get3A_590 = arith.constant 0 : index
    %get3A_591 = vector.load %arg6[%get3A_589, %get3A_590] : memref<1x384xf32, #tpu.memory_space<vmem>>, vector<1x384xf32>
    %add3A_592 = vector.broadcast %get3A_591 : vector<1x384xf32> to vector<400x384xf32>
    %add3A_593 = arith.addf %dot_general3A_588, %add3A_592 : vector<400x384xf32>
    %slice3A_594 = vector.extract_strided_slice %reshape3A_11 {offsets = [0, 12, 0], sizes = [400, 1, 384], strides = [1, 1, 1]} : vector<400x16x384xf32> to vector<400x1x384xf32>
    %squeeze3A_595 = vector.shape_cast %slice3A_594 : vector<400x1x384xf32> to vector<400x384xf32>
    %slice3A_596 = vector.extract_strided_slice %squeeze3A_595 {offsets = [0, 0], sizes = [400, 128], strides = [1, 1]} : vector<400x384xf32> to vector<400x128xf32>
    %slice3A_597 = vector.extract_strided_slice %add3A_593 {offsets = [0, 0], sizes = [400, 128], strides = [1, 1]} : vector<400x384xf32> to vector<400x128xf32>
    %add3A_598 = arith.addf %slice3A_596, %slice3A_597 : vector<400x128xf32>
    %logistic3A_599 = arith.negf %add3A_598 : vector<400x128xf32>
    %logistic3A_600 = math.exp %logistic3A_599 : vector<400x128xf32>
    %logistic3A_601 = arith.constant 1.000000e+00 : f32
    %logistic3A_602 = vector.broadcast %logistic3A_601 : f32 to vector<400x128xf32>
    %logistic3A_603 = arith.addf %logistic3A_602, %logistic3A_600 : vector<400x128xf32>
    %logistic3A_604 = arith.divf %logistic3A_602, %logistic3A_603 : vector<400x128xf32>
    %slice3A_605 = vector.extract_strided_slice %squeeze3A_595 {offsets = [0, 128], sizes = [400, 128], strides = [1, 1]} : vector<400x384xf32> to vector<400x128xf32>
    %slice3A_606 = vector.extract_strided_slice %add3A_593 {offsets = [0, 128], sizes = [400, 128], strides = [1, 1]} : vector<400x384xf32> to vector<400x128xf32>
    %add3A_607 = arith.addf %slice3A_605, %slice3A_606 : vector<400x128xf32>
    %logistic3A_608 = arith.negf %add3A_607 : vector<400x128xf32>
    %logistic3A_609 = math.exp %logistic3A_608 : vector<400x128xf32>
    %logistic3A_610 = arith.constant 1.000000e+00 : f32
    %logistic3A_611 = vector.broadcast %logistic3A_610 : f32 to vector<400x128xf32>
    %logistic3A_612 = arith.addf %logistic3A_611, %logistic3A_609 : vector<400x128xf32>
    %logistic3A_613 = arith.divf %logistic3A_611, %logistic3A_612 : vector<400x128xf32>
    %slice3A_614 = vector.extract_strided_slice %squeeze3A_595 {offsets = [0, 256], sizes = [400, 128], strides = [1, 1]} : vector<400x384xf32> to vector<400x128xf32>
    %slice3A_615 = vector.extract_strided_slice %add3A_593 {offsets = [0, 256], sizes = [400, 128], strides = [1, 1]} : vector<400x384xf32> to vector<400x128xf32>
    %mul3A_616 = arith.mulf %logistic3A_604, %slice3A_615 : vector<400x128xf32>
    %add3A_617 = arith.addf %slice3A_614, %mul3A_616 : vector<400x128xf32>
    %tanh3A_618 = math.tanh %add3A_617 : vector<400x128xf32>
    %sub3A_619 = arith.constant 1.000000e+00 : f32
    %sub3A_620 = vector.broadcast %sub3A_619 : f32 to vector<400x128xf32>
    %sub3A_621 = arith.subf %sub3A_620, %logistic3A_613 : vector<400x128xf32>
    %mul3A_622 = arith.mulf %sub3A_621, %tanh3A_618 : vector<400x128xf32>
    %mul3A_623 = arith.mulf %logistic3A_613, %add3A_577 : vector<400x128xf32>
    %add3A_624 = arith.addf %mul3A_622, %mul3A_623 : vector<400x128xf32>
    %eq3A_625 = arith.constant 12 : i32
    %eq3A_626 = vector.broadcast %eq3A_625 : i32 to vector<400x1xi32>
    %eq3A_627 = arith.cmpi eq, %select_n3A, %eq3A_626 : vector<400x1xi32>
    %broadcast_in_dim3A_628 = vector.shape_cast %eq3A_627 : vector<400x1xi1> to vector<400x1xi1>
    %broadcast_in_dim3A_629 = vector.broadcast %broadcast_in_dim3A_628 : vector<400x1xi1> to vector<400x128xi1>
    %select_n3A_630 = arith.select %broadcast_in_dim3A_629, %add3A_624, %select_n3A_583 : vector<400x128xi1>, vector<400x128xf32>
    %get3A_631 = arith.constant 0 : index
    %get3A_632 = arith.constant 0 : index
    %get3A_633 = vector.load %arg4[%get3A_631, %get3A_632] : memref<128x384xf32, #tpu.memory_space<vmem>>, vector<128x384xf32>
    %dot_general3A_634 = arith.constant dense<0.000000e+00> : vector<400x384xf32>
    %dot_general3A_635 = tpu.matmul %add3A_624, %get3A_633, %dot_general3A_634 {dimension_numbers = #tpu.dot_dimension_numbers<[1], [0], [0], [1], [0, 0, 1, 1], [], []>, transpose_lhs_hint = false} : vector<400x128xf32>, vector<128x384xf32>, vector<400x384xf32> -> vector<400x384xf32>
    %get3A_636 = arith.constant 0 : index
    %get3A_637 = arith.constant 0 : index
    %get3A_638 = vector.load %arg6[%get3A_636, %get3A_637] : memref<1x384xf32, #tpu.memory_space<vmem>>, vector<1x384xf32>
    %add3A_639 = vector.broadcast %get3A_638 : vector<1x384xf32> to vector<400x384xf32>
    %add3A_640 = arith.addf %dot_general3A_635, %add3A_639 : vector<400x384xf32>
    %slice3A_641 = vector.extract_strided_slice %reshape3A_11 {offsets = [0, 13, 0], sizes = [400, 1, 384], strides = [1, 1, 1]} : vector<400x16x384xf32> to vector<400x1x384xf32>
    %squeeze3A_642 = vector.shape_cast %slice3A_641 : vector<400x1x384xf32> to vector<400x384xf32>
    %slice3A_643 = vector.extract_strided_slice %squeeze3A_642 {offsets = [0, 0], sizes = [400, 128], strides = [1, 1]} : vector<400x384xf32> to vector<400x128xf32>
    %slice3A_644 = vector.extract_strided_slice %add3A_640 {offsets = [0, 0], sizes = [400, 128], strides = [1, 1]} : vector<400x384xf32> to vector<400x128xf32>
    %add3A_645 = arith.addf %slice3A_643, %slice3A_644 : vector<400x128xf32>
    %logistic3A_646 = arith.negf %add3A_645 : vector<400x128xf32>
    %logistic3A_647 = math.exp %logistic3A_646 : vector<400x128xf32>
    %logistic3A_648 = arith.constant 1.000000e+00 : f32
    %logistic3A_649 = vector.broadcast %logistic3A_648 : f32 to vector<400x128xf32>
    %logistic3A_650 = arith.addf %logistic3A_649, %logistic3A_647 : vector<400x128xf32>
    %logistic3A_651 = arith.divf %logistic3A_649, %logistic3A_650 : vector<400x128xf32>
    %slice3A_652 = vector.extract_strided_slice %squeeze3A_642 {offsets = [0, 128], sizes = [400, 128], strides = [1, 1]} : vector<400x384xf32> to vector<400x128xf32>
    %slice3A_653 = vector.extract_strided_slice %add3A_640 {offsets = [0, 128], sizes = [400, 128], strides = [1, 1]} : vector<400x384xf32> to vector<400x128xf32>
    %add3A_654 = arith.addf %slice3A_652, %slice3A_653 : vector<400x128xf32>
    %logistic3A_655 = arith.negf %add3A_654 : vector<400x128xf32>
    %logistic3A_656 = math.exp %logistic3A_655 : vector<400x128xf32>
    %logistic3A_657 = arith.constant 1.000000e+00 : f32
    %logistic3A_658 = vector.broadcast %logistic3A_657 : f32 to vector<400x128xf32>
    %logistic3A_659 = arith.addf %logistic3A_658, %logistic3A_656 : vector<400x128xf32>
    %logistic3A_660 = arith.divf %logistic3A_658, %logistic3A_659 : vector<400x128xf32>
    %slice3A_661 = vector.extract_strided_slice %squeeze3A_642 {offsets = [0, 256], sizes = [400, 128], strides = [1, 1]} : vector<400x384xf32> to vector<400x128xf32>
    %slice3A_662 = vector.extract_strided_slice %add3A_640 {offsets = [0, 256], sizes = [400, 128], strides = [1, 1]} : vector<400x384xf32> to vector<400x128xf32>
    %mul3A_663 = arith.mulf %logistic3A_651, %slice3A_662 : vector<400x128xf32>
    %add3A_664 = arith.addf %slice3A_661, %mul3A_663 : vector<400x128xf32>
    %tanh3A_665 = math.tanh %add3A_664 : vector<400x128xf32>
    %sub3A_666 = arith.constant 1.000000e+00 : f32
    %sub3A_667 = vector.broadcast %sub3A_666 : f32 to vector<400x128xf32>
    %sub3A_668 = arith.subf %sub3A_667, %logistic3A_660 : vector<400x128xf32>
    %mul3A_669 = arith.mulf %sub3A_668, %tanh3A_665 : vector<400x128xf32>
    %mul3A_670 = arith.mulf %logistic3A_660, %add3A_624 : vector<400x128xf32>
    %add3A_671 = arith.addf %mul3A_669, %mul3A_670 : vector<400x128xf32>
    %eq3A_672 = arith.constant 13 : i32
    %eq3A_673 = vector.broadcast %eq3A_672 : i32 to vector<400x1xi32>
    %eq3A_674 = arith.cmpi eq, %select_n3A, %eq3A_673 : vector<400x1xi32>
    %broadcast_in_dim3A_675 = vector.shape_cast %eq3A_674 : vector<400x1xi1> to vector<400x1xi1>
    %broadcast_in_dim3A_676 = vector.broadcast %broadcast_in_dim3A_675 : vector<400x1xi1> to vector<400x128xi1>
    %select_n3A_677 = arith.select %broadcast_in_dim3A_676, %add3A_671, %select_n3A_630 : vector<400x128xi1>, vector<400x128xf32>
    %get3A_678 = arith.constant 0 : index
    %get3A_679 = arith.constant 0 : index
    %get3A_680 = vector.load %arg4[%get3A_678, %get3A_679] : memref<128x384xf32, #tpu.memory_space<vmem>>, vector<128x384xf32>
    %dot_general3A_681 = arith.constant dense<0.000000e+00> : vector<400x384xf32>
    %dot_general3A_682 = tpu.matmul %add3A_671, %get3A_680, %dot_general3A_681 {dimension_numbers = #tpu.dot_dimension_numbers<[1], [0], [0], [1], [0, 0, 1, 1], [], []>, transpose_lhs_hint = false} : vector<400x128xf32>, vector<128x384xf32>, vector<400x384xf32> -> vector<400x384xf32>
    %get3A_683 = arith.constant 0 : index
    %get3A_684 = arith.constant 0 : index
    %get3A_685 = vector.load %arg6[%get3A_683, %get3A_684] : memref<1x384xf32, #tpu.memory_space<vmem>>, vector<1x384xf32>
    %add3A_686 = vector.broadcast %get3A_685 : vector<1x384xf32> to vector<400x384xf32>
    %add3A_687 = arith.addf %dot_general3A_682, %add3A_686 : vector<400x384xf32>
    %slice3A_688 = vector.extract_strided_slice %reshape3A_11 {offsets = [0, 14, 0], sizes = [400, 1, 384], strides = [1, 1, 1]} : vector<400x16x384xf32> to vector<400x1x384xf32>
    %squeeze3A_689 = vector.shape_cast %slice3A_688 : vector<400x1x384xf32> to vector<400x384xf32>
    %slice3A_690 = vector.extract_strided_slice %squeeze3A_689 {offsets = [0, 0], sizes = [400, 128], strides = [1, 1]} : vector<400x384xf32> to vector<400x128xf32>
    %slice3A_691 = vector.extract_strided_slice %add3A_687 {offsets = [0, 0], sizes = [400, 128], strides = [1, 1]} : vector<400x384xf32> to vector<400x128xf32>
    %add3A_692 = arith.addf %slice3A_690, %slice3A_691 : vector<400x128xf32>
    %logistic3A_693 = arith.negf %add3A_692 : vector<400x128xf32>
    %logistic3A_694 = math.exp %logistic3A_693 : vector<400x128xf32>
    %logistic3A_695 = arith.constant 1.000000e+00 : f32
    %logistic3A_696 = vector.broadcast %logistic3A_695 : f32 to vector<400x128xf32>
    %logistic3A_697 = arith.addf %logistic3A_696, %logistic3A_694 : vector<400x128xf32>
    %logistic3A_698 = arith.divf %logistic3A_696, %logistic3A_697 : vector<400x128xf32>
    %slice3A_699 = vector.extract_strided_slice %squeeze3A_689 {offsets = [0, 128], sizes = [400, 128], strides = [1, 1]} : vector<400x384xf32> to vector<400x128xf32>
    %slice3A_700 = vector.extract_strided_slice %add3A_687 {offsets = [0, 128], sizes = [400, 128], strides = [1, 1]} : vector<400x384xf32> to vector<400x128xf32>
    %add3A_701 = arith.addf %slice3A_699, %slice3A_700 : vector<400x128xf32>
    %logistic3A_702 = arith.negf %add3A_701 : vector<400x128xf32>
    %logistic3A_703 = math.exp %logistic3A_702 : vector<400x128xf32>
    %logistic3A_704 = arith.constant 1.000000e+00 : f32
    %logistic3A_705 = vector.broadcast %logistic3A_704 : f32 to vector<400x128xf32>
    %logistic3A_706 = arith.addf %logistic3A_705, %logistic3A_703 : vector<400x128xf32>
    %logistic3A_707 = arith.divf %logistic3A_705, %logistic3A_706 : vector<400x128xf32>
    %slice3A_708 = vector.extract_strided_slice %squeeze3A_689 {offsets = [0, 256], sizes = [400, 128], strides = [1, 1]} : vector<400x384xf32> to vector<400x128xf32>
    %slice3A_709 = vector.extract_strided_slice %add3A_687 {offsets = [0, 256], sizes = [400, 128], strides = [1, 1]} : vector<400x384xf32> to vector<400x128xf32>
    %mul3A_710 = arith.mulf %logistic3A_698, %slice3A_709 : vector<400x128xf32>
    %add3A_711 = arith.addf %slice3A_708, %mul3A_710 : vector<400x128xf32>
    %tanh3A_712 = math.tanh %add3A_711 : vector<400x128xf32>
    %sub3A_713 = arith.constant 1.000000e+00 : f32
    %sub3A_714 = vector.broadcast %sub3A_713 : f32 to vector<400x128xf32>
    %sub3A_715 = arith.subf %sub3A_714, %logistic3A_707 : vector<400x128xf32>
    %mul3A_716 = arith.mulf %sub3A_715, %tanh3A_712 : vector<400x128xf32>
    %mul3A_717 = arith.mulf %logistic3A_707, %add3A_671 : vector<400x128xf32>
    %add3A_718 = arith.addf %mul3A_716, %mul3A_717 : vector<400x128xf32>
    %eq3A_719 = arith.constant 14 : i32
    %eq3A_720 = vector.broadcast %eq3A_719 : i32 to vector<400x1xi32>
    %eq3A_721 = arith.cmpi eq, %select_n3A, %eq3A_720 : vector<400x1xi32>
    %broadcast_in_dim3A_722 = vector.shape_cast %eq3A_721 : vector<400x1xi1> to vector<400x1xi1>
    %broadcast_in_dim3A_723 = vector.broadcast %broadcast_in_dim3A_722 : vector<400x1xi1> to vector<400x128xi1>
    %select_n3A_724 = arith.select %broadcast_in_dim3A_723, %add3A_718, %select_n3A_677 : vector<400x128xi1>, vector<400x128xf32>
    %get3A_725 = arith.constant 0 : index
    %get3A_726 = arith.constant 0 : index
    %get3A_727 = vector.load %arg4[%get3A_725, %get3A_726] : memref<128x384xf32, #tpu.memory_space<vmem>>, vector<128x384xf32>
    %dot_general3A_728 = arith.constant dense<0.000000e+00> : vector<400x384xf32>
    %dot_general3A_729 = tpu.matmul %add3A_718, %get3A_727, %dot_general3A_728 {dimension_numbers = #tpu.dot_dimension_numbers<[1], [0], [0], [1], [0, 0, 1, 1], [], []>, transpose_lhs_hint = false} : vector<400x128xf32>, vector<128x384xf32>, vector<400x384xf32> -> vector<400x384xf32>
    %get3A_730 = arith.constant 0 : index
    %get3A_731 = arith.constant 0 : index
    %get3A_732 = vector.load %arg6[%get3A_730, %get3A_731] : memref<1x384xf32, #tpu.memory_space<vmem>>, vector<1x384xf32>
    %add3A_733 = vector.broadcast %get3A_732 : vector<1x384xf32> to vector<400x384xf32>
    %add3A_734 = arith.addf %dot_general3A_729, %add3A_733 : vector<400x384xf32>
    %slice3A_735 = vector.extract_strided_slice %reshape3A_11 {offsets = [0, 15, 0], sizes = [400, 1, 384], strides = [1, 1, 1]} : vector<400x16x384xf32> to vector<400x1x384xf32>
    %squeeze3A_736 = vector.shape_cast %slice3A_735 : vector<400x1x384xf32> to vector<400x384xf32>
    %slice3A_737 = vector.extract_strided_slice %squeeze3A_736 {offsets = [0, 0], sizes = [400, 128], strides = [1, 1]} : vector<400x384xf32> to vector<400x128xf32>
    %slice3A_738 = vector.extract_strided_slice %add3A_734 {offsets = [0, 0], sizes = [400, 128], strides = [1, 1]} : vector<400x384xf32> to vector<400x128xf32>
    %add3A_739 = arith.addf %slice3A_737, %slice3A_738 : vector<400x128xf32>
    %logistic3A_740 = arith.negf %add3A_739 : vector<400x128xf32>
    %logistic3A_741 = math.exp %logistic3A_740 : vector<400x128xf32>
    %logistic3A_742 = arith.constant 1.000000e+00 : f32
    %logistic3A_743 = vector.broadcast %logistic3A_742 : f32 to vector<400x128xf32>
    %logistic3A_744 = arith.addf %logistic3A_743, %logistic3A_741 : vector<400x128xf32>
    %logistic3A_745 = arith.divf %logistic3A_743, %logistic3A_744 : vector<400x128xf32>
    %slice3A_746 = vector.extract_strided_slice %squeeze3A_736 {offsets = [0, 128], sizes = [400, 128], strides = [1, 1]} : vector<400x384xf32> to vector<400x128xf32>
    %slice3A_747 = vector.extract_strided_slice %add3A_734 {offsets = [0, 128], sizes = [400, 128], strides = [1, 1]} : vector<400x384xf32> to vector<400x128xf32>
    %add3A_748 = arith.addf %slice3A_746, %slice3A_747 : vector<400x128xf32>
    %logistic3A_749 = arith.negf %add3A_748 : vector<400x128xf32>
    %logistic3A_750 = math.exp %logistic3A_749 : vector<400x128xf32>
    %logistic3A_751 = arith.constant 1.000000e+00 : f32
    %logistic3A_752 = vector.broadcast %logistic3A_751 : f32 to vector<400x128xf32>
    %logistic3A_753 = arith.addf %logistic3A_752, %logistic3A_750 : vector<400x128xf32>
    %logistic3A_754 = arith.divf %logistic3A_752, %logistic3A_753 : vector<400x128xf32>
    %slice3A_755 = vector.extract_strided_slice %squeeze3A_736 {offsets = [0, 256], sizes = [400, 128], strides = [1, 1]} : vector<400x384xf32> to vector<400x128xf32>
    %slice3A_756 = vector.extract_strided_slice %add3A_734 {offsets = [0, 256], sizes = [400, 128], strides = [1, 1]} : vector<400x384xf32> to vector<400x128xf32>
    %mul3A_757 = arith.mulf %logistic3A_745, %slice3A_756 : vector<400x128xf32>
    %add3A_758 = arith.addf %slice3A_755, %mul3A_757 : vector<400x128xf32>
    %tanh3A_759 = math.tanh %add3A_758 : vector<400x128xf32>
    %sub3A_760 = arith.constant 1.000000e+00 : f32
    %sub3A_761 = vector.broadcast %sub3A_760 : f32 to vector<400x128xf32>
    %sub3A_762 = arith.subf %sub3A_761, %logistic3A_754 : vector<400x128xf32>
    %mul3A_763 = arith.mulf %sub3A_762, %tanh3A_759 : vector<400x128xf32>
    %mul3A_764 = arith.mulf %logistic3A_754, %add3A_718 : vector<400x128xf32>
    %add3A_765 = arith.addf %mul3A_763, %mul3A_764 : vector<400x128xf32>
    %eq3A_766 = arith.constant 15 : i32
    %eq3A_767 = vector.broadcast %eq3A_766 : i32 to vector<400x1xi32>
    %eq3A_768 = arith.cmpi eq, %select_n3A, %eq3A_767 : vector<400x1xi32>
    %broadcast_in_dim3A_769 = vector.shape_cast %eq3A_768 : vector<400x1xi1> to vector<400x1xi1>
    %broadcast_in_dim3A_770 = vector.broadcast %broadcast_in_dim3A_769 : vector<400x1xi1> to vector<400x128xi1>
    %select_n3A_771 = arith.select %broadcast_in_dim3A_770, %add3A_765, %select_n3A_724 : vector<400x128xi1>, vector<400x128xf32>
    %swap3A = arith.constant 0 : index
    %swap3A_772 = arith.constant 0 : index
    %swap3A_773 = vector.load %arg9[%swap3A, %swap3A_772] : memref<400x128xf32, #tpu.memory_space<vmem>>, vector<400x128xf32>
    tpu.vector_store %arg9[%swap3A, %swap3A_772], %select_n3A_771 {strides = array<i32>} : memref<400x128xf32, #tpu.memory_space<vmem>>, vector<400x128xf32>,
    %get3A_774 = arith.constant 0 : index
    %get3A_775 = arith.constant 0 : index
    %get3A_776 = vector.load %arg8[%get3A_774, %get3A_775] : memref<128x128xf32, #tpu.memory_space<vmem>>, vector<128x128xf32>
    %dot_general3A_777 = arith.constant dense<0.000000e+00> : vector<400x128xf32>
    %dot_general3A_778 = tpu.matmul %select_n3A_771, %get3A_776, %dot_general3A_777 {dimension_numbers = #tpu.dot_dimension_numbers<[1], [0], [0], [1], [0, 0, 1, 1], [], []>, transpose_lhs_hint = false} : vector<400x128xf32>, vector<128x128xf32>, vector<400x128xf32> -> vector<400x128xf32>
    %swap3A_779 = arith.constant 0 : index
    %swap3A_780 = arith.constant 0 : index
    %swap3A_781 = vector.load %arg10[%swap3A_779, %swap3A_780] : memref<400x128xf32, #tpu.memory_space<vmem>>, vector<400x128xf32>
    tpu.vector_store %arg10[%swap3A_779, %swap3A_780], %dot_general3A_778 {strides = array<i32>} : memref<400x128xf32, #tpu.memory_space<vmem>>, vector<400x128xf32>,
    return
  }
  func.func @transform_0(%arg0: i32) -> (i32, i32, i32) {
    %c0_i32 = arith.constant 0 : i32
    %c0_i32_0 = arith.constant 0 : i32
    %c0_i32_1 = arith.constant 0 : i32
    return %arg0, %c0_i32, %c0_i32_0 : i32, i32, i32
  }
  func.func @transform_1(%arg0: i32) -> (i32, i32) {
    %c0_i32 = arith.constant 0 : i32
    %c0_i32_0 = arith.constant 0 : i32
    return %arg0, %c0_i32 : i32, i32
  }
  func.func @transform_2(%arg0: i32) -> (i32, i32) {
    %c0_i32 = arith.constant 0 : i32
    %c0_i32_0 = arith.constant 0 : i32
    %c0_i32_1 = arith.constant 0 : i32
    return %c0_i32, %c0_i32_0 : i32, i32
  }
  func.func @transform_3(%arg0: i32) -> (i32, i32) {
    %c0_i32 = arith.constant 0 : i32
    %c0_i32_0 = arith.constant 0 : i32
    %c0_i32_1 = arith.constant 0 : i32
    return %c0_i32, %c0_i32_0 : i32, i32
  }
  func.func @transform_4(%arg0: i32) -> (i32, i32) {
    %c0_i32 = arith.constant 0 : i32
    %c0_i32_0 = arith.constant 0 : i32
    %c0_i32_1 = arith.constant 0 : i32
    return %c0_i32, %c0_i32_0 : i32, i32
  }
  func.func @transform_5(%arg0: i32) -> (i32, i32) {
    %c0_i32 = arith.constant 0 : i32
    %c0_i32_0 = arith.constant 0 : i32
    %c0_i32_1 = arith.constant 0 : i32
    return %c0_i32, %c0_i32_0 : i32, i32
  }
  func.func @transform_6(%arg0: i32) -> (i32, i32) {
    %c0_i32 = arith.constant 0 : i32
    %c0_i32_0 = arith.constant 0 : i32
    %c0_i32_1 = arith.constant 0 : i32
    return %c0_i32, %c0_i32_0 : i32, i32
  }
  func.func @transform_7(%arg0: i32) -> (i32, i32) {
    %c0_i32 = arith.constant 0 : i32
    %c0_i32_0 = arith.constant 0 : i32
    %c0_i32_1 = arith.constant 0 : i32
    return %c0_i32, %c0_i32_0 : i32, i32
  }
  func.func @transform_8(%arg0: i32) -> (i32, i32) {
    %c0_i32 = arith.constant 0 : i32
    %c0_i32_0 = arith.constant 0 : i32
    return %arg0, %c0_i32 : i32, i32
  }
  func.func @transform_9(%arg0: i32) -> (i32, i32) {
    %c0_i32 = arith.constant 0 : i32
    %c0_i32_0 = arith.constant 0 : i32
    return %arg0, %c0_i32 : i32, i32
  }
}

module attributes {stable_mosaic.version = 14 : i64} {
  func.func @_scale_body(%arg0: i32, %arg1: memref<512x128xf32, #tpu.memory_space<vmem>>, %arg2: memref<512x128xf32, #tpu.memory_space<vmem>>, %arg3: memref<512x1xf32, #tpu.memory_space<vmem>>, %arg4: memref<512x128xf32, #tpu.memory_space<vmem>>) attributes {dimension_semantics = [#tpu.dimension_semantics<arbitrary>], iteration_bounds = array<i64: 20>, scalar_prefetch = 0 : i64, scratch_operands = 0 : i64, tpu.core_type = #tpu.core_type<tc>, window_params = [{transform_indices = @transform_0, window_bounds = array<i64: 512, 128>}, {transform_indices = @transform_1, window_bounds = array<i64: 512, 128>}, {transform_indices = @transform_2, window_bounds = array<i64: 512, 1>}, {transform_indices = @transform_3, window_bounds = array<i64: 512, 128>}]} {
    %get3A = arith.constant 0 : index
    %get3A_0 = arith.constant 0 : index
    %get3A_1 = vector.load %arg3[%get3A, %get3A_0] : memref<512x1xf32, #tpu.memory_space<vmem>>, vector<512x1xf32>
    %gt3A = arith.constant 0.000000e+00 : f32
    %gt3A_2 = vector.broadcast %gt3A : f32 to vector<512x1xf32>
    %gt3A_3 = arith.cmpf ogt, %get3A_1, %gt3A_2 : vector<512x1xf32>
    %div3A = arith.constant 1.000000e+00 : f32
    %div3A_4 = vector.broadcast %div3A : f32 to vector<512x1xf32>
    %div3A_5 = arith.divf %div3A_4, %get3A_1 : vector<512x1xf32>
    %jit3A = arith.constant 0.000000e+00 : f32
    %broadcast_in_dim3A = vector.broadcast %jit3A : f32 to vector<512x1xf32>
    %select_n3A = arith.select %gt3A_3, %div3A_5, %broadcast_in_dim3A : vector<512x1xi1>, vector<512x1xf32>
    %get3A_6 = arith.constant 0 : index
    %get3A_7 = arith.constant 0 : index
    %get3A_8 = vector.load %arg1[%get3A_6, %get3A_7] : memref<512x128xf32, #tpu.memory_space<vmem>>, vector<512x128xf32>
    %get3A_9 = arith.constant 0 : index
    %get3A_10 = arith.constant 0 : index
    %get3A_11 = vector.load %arg2[%get3A_9, %get3A_10] : memref<512x128xf32, #tpu.memory_space<vmem>>, vector<512x128xf32>
    %add3A = arith.addf %get3A_8, %get3A_11 : vector<512x128xf32>
    %mul3A = vector.broadcast %select_n3A : vector<512x1xf32> to vector<512x128xf32>
    %mul3A_12 = arith.mulf %add3A, %mul3A : vector<512x128xf32>
    %swap3A = arith.constant 0 : index
    %swap3A_13 = arith.constant 0 : index
    %swap3A_14 = vector.load %arg4[%swap3A, %swap3A_13] : memref<512x128xf32, #tpu.memory_space<vmem>>, vector<512x128xf32>
    tpu.vector_store %arg4[%swap3A, %swap3A_13], %mul3A_12 {strides = array<i32>} : memref<512x128xf32, #tpu.memory_space<vmem>>, vector<512x128xf32>,
    return
  }
  func.func @transform_0(%arg0: i32) -> (i32, i32) {
    %c0_i32 = arith.constant 0 : i32
    %c0_i32_0 = arith.constant 0 : i32
    return %arg0, %c0_i32 : i32, i32
  }
  func.func @transform_1(%arg0: i32) -> (i32, i32) {
    %c0_i32 = arith.constant 0 : i32
    %c0_i32_0 = arith.constant 0 : i32
    return %arg0, %c0_i32 : i32, i32
  }
  func.func @transform_2(%arg0: i32) -> (i32, i32) {
    %c0_i32 = arith.constant 0 : i32
    %c0_i32_0 = arith.constant 0 : i32
    return %arg0, %c0_i32 : i32, i32
  }
  func.func @transform_3(%arg0: i32) -> (i32, i32) {
    %c0_i32 = arith.constant 0 : i32
    %c0_i32_0 = arith.constant 0 : i32
    return %arg0, %c0_i32 : i32, i32
  }
}

module attributes {stable_mosaic.version = 14 : i64} {
  func.func @body(%arg0: i32, %arg1: memref<512x128xf32, #tpu.memory_space<vmem>>, %arg2: memref<512x128xf32, #tpu.memory_space<vmem>>, %arg3: memref<512x1xf32, #tpu.memory_space<vmem>>, %arg4: memref<1x128xf32, #tpu.memory_space<vmem>>, %arg5: memref<512x128xf32, #tpu.memory_space<vmem>>, %arg6: memref<128x128xf32, #tpu.memory_space<vmem>>, %arg7: memref<512x128xf32, #tpu.memory_space<vmem>>, %arg8: memref<512x128xf32, #tpu.memory_space<vmem>>) attributes {dimension_semantics = [#tpu.dimension_semantics<arbitrary>], iteration_bounds = array<i64: 20>, scalar_prefetch = 0 : i64, scratch_operands = 0 : i64, tpu.core_type = #tpu.core_type<tc>, window_params = [{transform_indices = @transform_0, window_bounds = array<i64: 512, 128>}, {transform_indices = @transform_1, window_bounds = array<i64: 512, 128>}, {transform_indices = @transform_2, window_bounds = array<i64: 512, 1>}, {pipeline_mode = #tpu.pipeline_mode<synchronous>, transform_indices = @transform_3, window_bounds = array<i64: 1, 128>}, {transform_indices = @transform_4, window_bounds = array<i64: 512, 128>}, {pipeline_mode = #tpu.pipeline_mode<synchronous>, transform_indices = @transform_5, window_bounds = array<i64: 128, 128>}, {transform_indices = @transform_6, window_bounds = array<i64: 512, 128>}, {transform_indices = @transform_7, window_bounds = array<i64: 512, 128>}]} {
    %get3A = arith.constant 0 : index
    %get3A_0 = arith.constant 0 : index
    %get3A_1 = vector.load %arg3[%get3A, %get3A_0] : memref<512x1xf32, #tpu.memory_space<vmem>>, vector<512x1xf32>
    %gt3A = arith.constant 0.000000e+00 : f32
    %gt3A_2 = vector.broadcast %gt3A : f32 to vector<512x1xf32>
    %gt3A_3 = arith.cmpf ogt, %get3A_1, %gt3A_2 : vector<512x1xf32>
    %div3A = arith.constant 1.000000e+00 : f32
    %div3A_4 = vector.broadcast %div3A : f32 to vector<512x1xf32>
    %div3A_5 = arith.divf %div3A_4, %get3A_1 : vector<512x1xf32>
    %jit3A = arith.constant 0.000000e+00 : f32
    %broadcast_in_dim3A = vector.broadcast %jit3A : f32 to vector<512x1xf32>
    %select_n3A = arith.select %gt3A_3, %div3A_5, %broadcast_in_dim3A : vector<512x1xi1>, vector<512x1xf32>
    %get3A_6 = arith.constant 0 : index
    %get3A_7 = arith.constant 0 : index
    %get3A_8 = vector.load %arg1[%get3A_6, %get3A_7] : memref<512x128xf32, #tpu.memory_space<vmem>>, vector<512x128xf32>
    %get3A_9 = arith.constant 0 : index
    %get3A_10 = arith.constant 0 : index
    %get3A_11 = vector.load %arg2[%get3A_9, %get3A_10] : memref<512x128xf32, #tpu.memory_space<vmem>>, vector<512x128xf32>
    %add3A = arith.addf %get3A_8, %get3A_11 : vector<512x128xf32>
    %mul3A = vector.broadcast %select_n3A : vector<512x1xf32> to vector<512x128xf32>
    %mul3A_12 = arith.mulf %add3A, %mul3A : vector<512x128xf32>
    %get3A_13 = arith.constant 0 : index
    %get3A_14 = arith.constant 0 : index
    %get3A_15 = vector.load %arg4[%get3A_13, %get3A_14] : memref<1x128xf32, #tpu.memory_space<vmem>>, vector<1x128xf32>
    %add3A_16 = vector.broadcast %get3A_15 : vector<1x128xf32> to vector<512x128xf32>
    %add3A_17 = arith.addf %mul3A_12, %add3A_16 : vector<512x128xf32>
    %get3A_18 = arith.constant 0 : index
    %get3A_19 = arith.constant 0 : index
    %get3A_20 = vector.load %arg5[%get3A_18, %get3A_19] : memref<512x128xf32, #tpu.memory_space<vmem>>, vector<512x128xf32>
    %add3A_21 = arith.addf %add3A_17, %get3A_20 : vector<512x128xf32>
    %swap3A = arith.constant 0 : index
    %swap3A_22 = arith.constant 0 : index
    %swap3A_23 = vector.load %arg7[%swap3A, %swap3A_22] : memref<512x128xf32, #tpu.memory_space<vmem>>, vector<512x128xf32>
    tpu.vector_store %arg7[%swap3A, %swap3A_22], %add3A_21 {strides = array<i32>} : memref<512x128xf32, #tpu.memory_space<vmem>>, vector<512x128xf32>,
    %get3A_24 = arith.constant 0 : index
    %get3A_25 = arith.constant 0 : index
    %get3A_26 = vector.load %arg6[%get3A_24, %get3A_25] : memref<128x128xf32, #tpu.memory_space<vmem>>, vector<128x128xf32>
    %dot_general3A = arith.constant dense<0.000000e+00> : vector<512x128xf32>
    %dot_general3A_27 = tpu.matmul %add3A_21, %get3A_26, %dot_general3A {dimension_numbers = #tpu.dot_dimension_numbers<[1], [0], [0], [1], [0, 0, 1, 1], [], []>, transpose_lhs_hint = false} : vector<512x128xf32>, vector<128x128xf32>, vector<512x128xf32> -> vector<512x128xf32>
    %swap3A_28 = arith.constant 0 : index
    %swap3A_29 = arith.constant 0 : index
    %swap3A_30 = vector.load %arg8[%swap3A_28, %swap3A_29] : memref<512x128xf32, #tpu.memory_space<vmem>>, vector<512x128xf32>
    tpu.vector_store %arg8[%swap3A_28, %swap3A_29], %dot_general3A_27 {strides = array<i32>} : memref<512x128xf32, #tpu.memory_space<vmem>>, vector<512x128xf32>,
    return
  }
  func.func @transform_0(%arg0: i32) -> (i32, i32) {
    %c0_i32 = arith.constant 0 : i32
    %c0_i32_0 = arith.constant 0 : i32
    return %arg0, %c0_i32 : i32, i32
  }
  func.func @transform_1(%arg0: i32) -> (i32, i32) {
    %c0_i32 = arith.constant 0 : i32
    %c0_i32_0 = arith.constant 0 : i32
    return %arg0, %c0_i32 : i32, i32
  }
  func.func @transform_2(%arg0: i32) -> (i32, i32) {
    %c0_i32 = arith.constant 0 : i32
    %c0_i32_0 = arith.constant 0 : i32
    return %arg0, %c0_i32 : i32, i32
  }
  func.func @transform_3(%arg0: i32) -> (i32, i32) {
    %c0_i32 = arith.constant 0 : i32
    %c0_i32_0 = arith.constant 0 : i32
    %c0_i32_1 = arith.constant 0 : i32
    return %c0_i32, %c0_i32_0 : i32, i32
  }
  func.func @transform_4(%arg0: i32) -> (i32, i32) {
    %c0_i32 = arith.constant 0 : i32
    %c0_i32_0 = arith.constant 0 : i32
    return %arg0, %c0_i32 : i32, i32
  }
  func.func @transform_5(%arg0: i32) -> (i32, i32) {
    %c0_i32 = arith.constant 0 : i32
    %c0_i32_0 = arith.constant 0 : i32
    %c0_i32_1 = arith.constant 0 : i32
    return %c0_i32, %c0_i32_0 : i32, i32
  }
  func.func @transform_6(%arg0: i32) -> (i32, i32) {
    %c0_i32 = arith.constant 0 : i32
    %c0_i32_0 = arith.constant 0 : i32
    return %arg0, %c0_i32 : i32, i32
  }
  func.func @transform_7(%arg0: i32) -> (i32, i32) {
    %c0_i32 = arith.constant 0 : i32
    %c0_i32_0 = arith.constant 0 : i32
    return %arg0, %c0_i32 : i32, i32
  }
}

module attributes {stable_mosaic.version = 14 : i64} {
  func.func @body(%arg0: i32, %arg1: memref<512x128xf32, #tpu.memory_space<vmem>>, %arg2: memref<512x128xf32, #tpu.memory_space<vmem>>, %arg3: memref<512x1xf32, #tpu.memory_space<vmem>>, %arg4: memref<1x128xf32, #tpu.memory_space<vmem>>, %arg5: memref<512x128xf32, #tpu.memory_space<vmem>>, %arg6: memref<128x128xf32, #tpu.memory_space<vmem>>, %arg7: memref<512x128xf32, #tpu.memory_space<vmem>>, %arg8: memref<512x128xf32, #tpu.memory_space<vmem>>) attributes {dimension_semantics = [#tpu.dimension_semantics<arbitrary>], iteration_bounds = array<i64: 20>, scalar_prefetch = 0 : i64, scratch_operands = 0 : i64, tpu.core_type = #tpu.core_type<tc>, window_params = [{transform_indices = @transform_0, window_bounds = array<i64: 512, 128>}, {transform_indices = @transform_1, window_bounds = array<i64: 512, 128>}, {transform_indices = @transform_2, window_bounds = array<i64: 512, 1>}, {pipeline_mode = #tpu.pipeline_mode<synchronous>, transform_indices = @transform_3, window_bounds = array<i64: 1, 128>}, {transform_indices = @transform_4, window_bounds = array<i64: 512, 128>}, {pipeline_mode = #tpu.pipeline_mode<synchronous>, transform_indices = @transform_5, window_bounds = array<i64: 128, 128>}, {transform_indices = @transform_6, window_bounds = array<i64: 512, 128>}, {transform_indices = @transform_7, window_bounds = array<i64: 512, 128>}]} {
    %get3A = arith.constant 0 : index
    %get3A_0 = arith.constant 0 : index
    %get3A_1 = vector.load %arg3[%get3A, %get3A_0] : memref<512x1xf32, #tpu.memory_space<vmem>>, vector<512x1xf32>
    %gt3A = arith.constant 0.000000e+00 : f32
    %gt3A_2 = vector.broadcast %gt3A : f32 to vector<512x1xf32>
    %gt3A_3 = arith.cmpf ogt, %get3A_1, %gt3A_2 : vector<512x1xf32>
    %div3A = arith.constant 1.000000e+00 : f32
    %div3A_4 = vector.broadcast %div3A : f32 to vector<512x1xf32>
    %div3A_5 = arith.divf %div3A_4, %get3A_1 : vector<512x1xf32>
    %jit3A = arith.constant 0.000000e+00 : f32
    %broadcast_in_dim3A = vector.broadcast %jit3A : f32 to vector<512x1xf32>
    %select_n3A = arith.select %gt3A_3, %div3A_5, %broadcast_in_dim3A : vector<512x1xi1>, vector<512x1xf32>
    %get3A_6 = arith.constant 0 : index
    %get3A_7 = arith.constant 0 : index
    %get3A_8 = vector.load %arg1[%get3A_6, %get3A_7] : memref<512x128xf32, #tpu.memory_space<vmem>>, vector<512x128xf32>
    %get3A_9 = arith.constant 0 : index
    %get3A_10 = arith.constant 0 : index
    %get3A_11 = vector.load %arg2[%get3A_9, %get3A_10] : memref<512x128xf32, #tpu.memory_space<vmem>>, vector<512x128xf32>
    %add3A = arith.addf %get3A_8, %get3A_11 : vector<512x128xf32>
    %mul3A = vector.broadcast %select_n3A : vector<512x1xf32> to vector<512x128xf32>
    %mul3A_12 = arith.mulf %add3A, %mul3A : vector<512x128xf32>
    %get3A_13 = arith.constant 0 : index
    %get3A_14 = arith.constant 0 : index
    %get3A_15 = vector.load %arg4[%get3A_13, %get3A_14] : memref<1x128xf32, #tpu.memory_space<vmem>>, vector<1x128xf32>
    %add3A_16 = vector.broadcast %get3A_15 : vector<1x128xf32> to vector<512x128xf32>
    %add3A_17 = arith.addf %mul3A_12, %add3A_16 : vector<512x128xf32>
    %get3A_18 = arith.constant 0 : index
    %get3A_19 = arith.constant 0 : index
    %get3A_20 = vector.load %arg5[%get3A_18, %get3A_19] : memref<512x128xf32, #tpu.memory_space<vmem>>, vector<512x128xf32>
    %add3A_21 = arith.addf %add3A_17, %get3A_20 : vector<512x128xf32>
    %iota3A = tpu.iota {dimensions = array<i32: 0>} : vector<512x1xi32>
    %mul3A_22 = arith.constant 512 : i32
    %mul3A_23 = arith.muli %arg0, %mul3A_22 : i32
    %add3A_24 = vector.broadcast %mul3A_23 : i32 to vector<512x1xi32>
    %add3A_25 = arith.addi %iota3A, %add3A_24 : vector<512x1xi32>
    %lt3A = arith.constant 10000 : i32
    %lt3A_26 = vector.broadcast %lt3A : i32 to vector<512x1xi32>
    %lt3A_27 = arith.cmpi slt, %add3A_25, %lt3A_26 : vector<512x1xi32>
    %jit3A_28 = arith.constant 0.000000e+00 : f32
    %broadcast_in_dim3A_29 = vector.shape_cast %lt3A_27 : vector<512x1xi1> to vector<512x1xi1>
    %broadcast_in_dim3A_30 = vector.broadcast %broadcast_in_dim3A_29 : vector<512x1xi1> to vector<512x128xi1>
    %broadcast_in_dim3A_31 = vector.broadcast %jit3A_28 : f32 to vector<512x128xf32>
    %select_n3A_32 = arith.select %broadcast_in_dim3A_30, %add3A_21, %broadcast_in_dim3A_31 : vector<512x128xi1>, vector<512x128xf32>
    %swap3A = arith.constant 0 : index
    %swap3A_33 = arith.constant 0 : index
    %swap3A_34 = vector.load %arg7[%swap3A, %swap3A_33] : memref<512x128xf32, #tpu.memory_space<vmem>>, vector<512x128xf32>
    tpu.vector_store %arg7[%swap3A, %swap3A_33], %select_n3A_32 {strides = array<i32>} : memref<512x128xf32, #tpu.memory_space<vmem>>, vector<512x128xf32>,
    %get3A_35 = arith.constant 0 : index
    %get3A_36 = arith.constant 0 : index
    %get3A_37 = vector.load %arg6[%get3A_35, %get3A_36] : memref<128x128xf32, #tpu.memory_space<vmem>>, vector<128x128xf32>
    %dot_general3A = arith.constant dense<0.000000e+00> : vector<512x128xf32>
    %dot_general3A_38 = tpu.matmul %select_n3A_32, %get3A_37, %dot_general3A {dimension_numbers = #tpu.dot_dimension_numbers<[1], [0], [0], [1], [0, 0, 1, 1], [], []>, transpose_lhs_hint = false} : vector<512x128xf32>, vector<128x128xf32>, vector<512x128xf32> -> vector<512x128xf32>
    %swap3A_39 = arith.constant 0 : index
    %swap3A_40 = arith.constant 0 : index
    %swap3A_41 = vector.load %arg8[%swap3A_39, %swap3A_40] : memref<512x128xf32, #tpu.memory_space<vmem>>, vector<512x128xf32>
    tpu.vector_store %arg8[%swap3A_39, %swap3A_40], %dot_general3A_38 {strides = array<i32>} : memref<512x128xf32, #tpu.memory_space<vmem>>, vector<512x128xf32>,
    return
  }
  func.func @transform_0(%arg0: i32) -> (i32, i32) {
    %c0_i32 = arith.constant 0 : i32
    %c0_i32_0 = arith.constant 0 : i32
    return %arg0, %c0_i32 : i32, i32
  }
  func.func @transform_1(%arg0: i32) -> (i32, i32) {
    %c0_i32 = arith.constant 0 : i32
    %c0_i32_0 = arith.constant 0 : i32
    return %arg0, %c0_i32 : i32, i32
  }
  func.func @transform_2(%arg0: i32) -> (i32, i32) {
    %c0_i32 = arith.constant 0 : i32
    %c0_i32_0 = arith.constant 0 : i32
    return %arg0, %c0_i32 : i32, i32
  }
  func.func @transform_3(%arg0: i32) -> (i32, i32) {
    %c0_i32 = arith.constant 0 : i32
    %c0_i32_0 = arith.constant 0 : i32
    %c0_i32_1 = arith.constant 0 : i32
    return %c0_i32, %c0_i32_0 : i32, i32
  }
  func.func @transform_4(%arg0: i32) -> (i32, i32) {
    %c0_i32 = arith.constant 0 : i32
    %c0_i32_0 = arith.constant 0 : i32
    return %arg0, %c0_i32 : i32, i32
  }
  func.func @transform_5(%arg0: i32) -> (i32, i32) {
    %c0_i32 = arith.constant 0 : i32
    %c0_i32_0 = arith.constant 0 : i32
    %c0_i32_1 = arith.constant 0 : i32
    return %c0_i32, %c0_i32_0 : i32, i32
  }
  func.func @transform_6(%arg0: i32) -> (i32, i32) {
    %c0_i32 = arith.constant 0 : i32
    %c0_i32_0 = arith.constant 0 : i32
    return %arg0, %c0_i32 : i32, i32
  }
  func.func @transform_7(%arg0: i32) -> (i32, i32) {
    %c0_i32 = arith.constant 0 : i32
    %c0_i32_0 = arith.constant 0 : i32
    return %arg0, %c0_i32 : i32, i32
  }
}

module attributes {stable_mosaic.version = 14 : i64} {
  func.func @_deg_body(%arg0: i32, %arg1: i32, %arg2: memref<512x128xf32, #tpu.memory_space<vmem>>, %arg3: memref<128x512xf32, #tpu.memory_space<vmem>>, %arg4: memref<1x1xf32, #tpu.memory_space<vmem>>, %arg5: memref<512x1xf32, #tpu.memory_space<vmem>>) attributes {dimension_semantics = [#tpu.dimension_semantics<arbitrary>, #tpu.dimension_semantics<arbitrary>], iteration_bounds = array<i64: 20, 20>, scalar_prefetch = 0 : i64, scratch_operands = 0 : i64, tpu.core_type = #tpu.core_type<tc>, window_params = [{transform_indices = @transform_0, window_bounds = array<i64: 512, 128>}, {transform_indices = @transform_1, window_bounds = array<i64: 128, 512>}, {pipeline_mode = #tpu.pipeline_mode<synchronous>, transform_indices = @transform_2, window_bounds = array<i64: 1, 1>}, {transform_indices = @transform_3, window_bounds = array<i64: 512, 1>}]} {
    %get3A = arith.constant 0 : index
    %get3A_0 = arith.constant 0 : index
    %get3A_1 = vector.load %arg2[%get3A, %get3A_0] : memref<512x128xf32, #tpu.memory_space<vmem>>, vector<512x128xf32>
    %get3A_2 = arith.constant 0 : index
    %get3A_3 = arith.constant 0 : index
    %get3A_4 = vector.load %arg3[%get3A_2, %get3A_3] : memref<128x512xf32, #tpu.memory_space<vmem>>, vector<128x512xf32>
    %dot_general3A = arith.constant dense<0.000000e+00> : vector<512x512xf32>
    %dot_general3A_5 = tpu.matmul %get3A_1, %get3A_4, %dot_general3A {dimension_numbers = #tpu.dot_dimension_numbers<[1], [0], [0], [1], [0, 0, 1, 1], [], []>, transpose_lhs_hint = false} : vector<512x128xf32>, vector<128x512xf32>, vector<512x512xf32> -> vector<512x512xf32>
    %mul3A = arith.constant 6.10351563E-5 : f32
    %mul3A_6 = vector.broadcast %mul3A : f32 to vector<512x512xf32>
    %mul3A_7 = arith.mulf %dot_general3A_5, %mul3A_6 : vector<512x512xf32>
    %get3A_8 = arith.constant 0 : index
    %get3A_9 = arith.constant 0 : index
    %get3A_10 = vector.load %arg4[%get3A_8, %get3A_9] : memref<1x1xf32, #tpu.memory_space<vmem>>, vector<1x1xf32>
    %get3A_11 = vector.extract %get3A_10[0, 0] : f32 from vector<1x1xf32>
    %ge3A = vector.broadcast %get3A_11 : f32 to vector<512x512xf32>
    %ge3A_12 = arith.cmpf oge, %mul3A_7, %ge3A : vector<512x512xf32>
    %convert_element_type3A = arith.extui %ge3A_12 : vector<512x512xi1> to vector<512x512xi32>
    %convert_element_type3A_13 = arith.sitofp %convert_element_type3A : vector<512x512xi32> to vector<512x512xf32>
    %reduce_sum3A = arith.constant dense<0.000000e+00> : vector<512xf32>
    %reduce_sum3A_14 = vector.multi_reduction <add>, %convert_element_type3A_13, %reduce_sum3A [1] : vector<512x512xf32> to vector<512xf32>
    %broadcast_in_dim3A = vector.shape_cast %reduce_sum3A_14 : vector<512xf32> to vector<512x1xf32>
    %eq3A = arith.constant 0 : i32
    %eq3A_15 = arith.cmpi eq, %arg1, %eq3A : i32
    %convert_element_type3A_16 = arith.extui %eq3A_15 : i1 to i32
    %cond3A = arith.constant 0 : i32
    %cond3A_17 = arith.cmpi ne, %convert_element_type3A_16, %cond3A : i32
    scf.if %cond3A_17 {
      %add3A = arith.constant 1.000000e+00 : f32
      %add3A_31 = vector.broadcast %add3A : f32 to vector<512x1xf32>
      %add3A_32 = arith.addf %broadcast_in_dim3A, %add3A_31 : vector<512x1xf32>
      %swap3A = arith.constant 0 : index
      %swap3A_33 = arith.constant 0 : index
      %swap3A_34 = vector.load %arg5[%swap3A, %swap3A_33] : memref<512x1xf32, #tpu.memory_space<vmem>>, vector<512x1xf32>
      tpu.vector_store %arg5[%swap3A, %swap3A_33], %add3A_32 {strides = array<i32>} : memref<512x1xf32, #tpu.memory_space<vmem>>, vector<512x1xf32>,
    } else {
    }
    %gt3A = arith.constant 0 : i32
    %gt3A_18 = arith.cmpi sgt, %arg1, %gt3A : i32
    %convert_element_type3A_19 = arith.extui %gt3A_18 : i1 to i32
    %cond3A_20 = arith.constant 0 : i32
    %cond3A_21 = arith.cmpi ne, %convert_element_type3A_19, %cond3A_20 : i32
    scf.if %cond3A_21 {
      %get3A_31 = arith.constant 0 : index
      %get3A_32 = arith.constant 0 : index
      %get3A_33 = vector.load %arg5[%get3A_31, %get3A_32] : memref<512x1xf32, #tpu.memory_space<vmem>>, vector<512x1xf32>
      %add3A = arith.addf %get3A_33, %broadcast_in_dim3A : vector<512x1xf32>
      %swap3A = arith.constant 0 : index
      %swap3A_34 = arith.constant 0 : index
      %swap3A_35 = vector.load %arg5[%swap3A, %swap3A_34] : memref<512x1xf32, #tpu.memory_space<vmem>>, vector<512x1xf32>
      tpu.vector_store %arg5[%swap3A, %swap3A_34], %add3A {strides = array<i32>} : memref<512x1xf32, #tpu.memory_space<vmem>>, vector<512x1xf32>,
    } else {
    }
    %eq3A_22 = arith.cmpi eq, %arg1, %arg0 : i32
    %convert_element_type3A_23 = arith.extui %eq3A_22 : i1 to i32
    %cond3A_24 = arith.constant 0 : i32
    %cond3A_25 = arith.cmpi ne, %convert_element_type3A_23, %cond3A_24 : i32
    scf.if %cond3A_25 {
      %iota3A = tpu.iota {dimensions = array<i32: 0>} : vector<512x512xi32>
      %iota3A_31 = tpu.iota {dimensions = array<i32: 1>} : vector<512x512xi32>
      %eq3A_32 = arith.cmpi eq, %iota3A, %iota3A_31 : vector<512x512xi32>
      %jit3A = arith.constant 0.000000e+00 : f32
      %broadcast_in_dim3A_33 = vector.broadcast %jit3A : f32 to vector<512x512xf32>
      %select_n3A = arith.select %eq3A_32, %convert_element_type3A_13, %broadcast_in_dim3A_33 : vector<512x512xi1>, vector<512x512xf32>
      %reduce_sum3A_34 = arith.constant dense<0.000000e+00> : vector<512xf32>
      %reduce_sum3A_35 = vector.multi_reduction <add>, %select_n3A, %reduce_sum3A_34 [1] : vector<512x512xf32> to vector<512xf32>
      %broadcast_in_dim3A_36 = vector.shape_cast %reduce_sum3A_35 : vector<512xf32> to vector<512x1xf32>
      %get3A_37 = arith.constant 0 : index
      %get3A_38 = arith.constant 0 : index
      %get3A_39 = vector.load %arg5[%get3A_37, %get3A_38] : memref<512x1xf32, #tpu.memory_space<vmem>>, vector<512x1xf32>
      %sub3A = arith.subf %get3A_39, %broadcast_in_dim3A_36 : vector<512x1xf32>
      %swap3A = arith.constant 0 : index
      %swap3A_40 = arith.constant 0 : index
      %swap3A_41 = vector.load %arg5[%swap3A, %swap3A_40] : memref<512x1xf32, #tpu.memory_space<vmem>>, vector<512x1xf32>
      tpu.vector_store %arg5[%swap3A, %swap3A_40], %sub3A {strides = array<i32>} : memref<512x1xf32, #tpu.memory_space<vmem>>, vector<512x1xf32>,
    } else {
    }
    %eq3A_26 = arith.constant 19 : i32
    %eq3A_27 = arith.cmpi eq, %arg1, %eq3A_26 : i32
    %convert_element_type3A_28 = arith.extui %eq3A_27 : i1 to i32
    %cond3A_29 = arith.constant 0 : i32
    %cond3A_30 = arith.cmpi ne, %convert_element_type3A_28, %cond3A_29 : i32
    scf.if %cond3A_30 {
      %get3A_31 = arith.constant 0 : index
      %get3A_32 = arith.constant 0 : index
      %get3A_33 = vector.load %arg5[%get3A_31, %get3A_32] : memref<512x1xf32, #tpu.memory_space<vmem>>, vector<512x1xf32>
      %rsqrt3A = math.rsqrt %get3A_33 : vector<512x1xf32>
      %swap3A = arith.constant 0 : index
      %swap3A_34 = arith.constant 0 : index
      %swap3A_35 = vector.load %arg5[%swap3A, %swap3A_34] : memref<512x1xf32, #tpu.memory_space<vmem>>, vector<512x1xf32>
      tpu.vector_store %arg5[%swap3A, %swap3A_34], %rsqrt3A {strides = array<i32>} : memref<512x1xf32, #tpu.memory_space<vmem>>, vector<512x1xf32>,
    } else {
    }
    return
  }
  func.func @transform_0(%arg0: i32, %arg1: i32) -> (i32, i32) {
    %c0_i32 = arith.constant 0 : i32
    %c0_i32_0 = arith.constant 0 : i32
    return %arg0, %c0_i32 : i32, i32
  }
  func.func @transform_1(%arg0: i32, %arg1: i32) -> (i32, i32) {
    %c0_i32 = arith.constant 0 : i32
    %c0_i32_0 = arith.constant 0 : i32
    return %c0_i32, %arg1 : i32, i32
  }
  func.func @transform_2(%arg0: i32, %arg1: i32) -> (i32, i32) {
    %c0_i32 = arith.constant 0 : i32
    %c0_i32_0 = arith.constant 0 : i32
    %c0_i32_1 = arith.constant 0 : i32
    return %c0_i32, %c0_i32_0 : i32, i32
  }
  func.func @transform_3(%arg0: i32, %arg1: i32) -> (i32, i32) {
    %c0_i32 = arith.constant 0 : i32
    %c0_i32_0 = arith.constant 0 : i32
    return %arg0, %c0_i32 : i32, i32
  }
}

module attributes {stable_mosaic.version = 14 : i64} {
  func.func @_gcn_body(%arg0: i32, %arg1: i32, %arg2: memref<512x128xf32, #tpu.memory_space<vmem>>, %arg3: memref<128x512xf32, #tpu.memory_space<vmem>>, %arg4: memref<512x128xf32, #tpu.memory_space<vmem>>, %arg5: memref<512x1xf32, #tpu.memory_space<vmem>>, %arg6: memref<512x1xf32, #tpu.memory_space<vmem>>, %arg7: memref<1x1xf32, #tpu.memory_space<vmem>>, %arg8: memref<1x128xf32, #tpu.memory_space<vmem>>, %arg9: memref<512x128xf32, #tpu.memory_space<vmem>>) attributes {dimension_semantics = [#tpu.dimension_semantics<arbitrary>, #tpu.dimension_semantics<arbitrary>], iteration_bounds = array<i64: 20, 20>, scalar_prefetch = 0 : i64, scratch_operands = 0 : i64, tpu.core_type = #tpu.core_type<tc>, window_params = [{transform_indices = @transform_0, window_bounds = array<i64: 512, 128>}, {transform_indices = @transform_1, window_bounds = array<i64: 128, 512>}, {transform_indices = @transform_2, window_bounds = array<i64: 512, 128>}, {transform_indices = @transform_3, window_bounds = array<i64: 512, 1>}, {transform_indices = @transform_4, window_bounds = array<i64: 512, 1>}, {pipeline_mode = #tpu.pipeline_mode<synchronous>, transform_indices = @transform_5, window_bounds = array<i64: 1, 1>}, {pipeline_mode = #tpu.pipeline_mode<synchronous>, transform_indices = @transform_6, window_bounds = array<i64: 1, 128>}, {transform_indices = @transform_7, window_bounds = array<i64: 512, 128>}]} {
    %get3A = arith.constant 0 : index
    %get3A_0 = arith.constant 0 : index
    %get3A_1 = vector.load %arg2[%get3A, %get3A_0] : memref<512x128xf32, #tpu.memory_space<vmem>>, vector<512x128xf32>
    %get3A_2 = arith.constant 0 : index
    %get3A_3 = arith.constant 0 : index
    %get3A_4 = vector.load %arg3[%get3A_2, %get3A_3] : memref<128x512xf32, #tpu.memory_space<vmem>>, vector<128x512xf32>
    %dot_general3A = arith.constant dense<0.000000e+00> : vector<512x512xf32>
    %dot_general3A_5 = tpu.matmul %get3A_1, %get3A_4, %dot_general3A {dimension_numbers = #tpu.dot_dimension_numbers<[1], [0], [0], [1], [0, 0, 1, 1], [], []>, transpose_lhs_hint = false} : vector<512x128xf32>, vector<128x512xf32>, vector<512x512xf32> -> vector<512x512xf32>
    %mul3A = arith.constant 6.10351563E-5 : f32
    %mul3A_6 = vector.broadcast %mul3A : f32 to vector<512x512xf32>
    %mul3A_7 = arith.mulf %dot_general3A_5, %mul3A_6 : vector<512x512xf32>
    %get3A_8 = arith.constant 0 : index
    %get3A_9 = arith.constant 0 : index
    %get3A_10 = vector.load %arg7[%get3A_8, %get3A_9] : memref<1x1xf32, #tpu.memory_space<vmem>>, vector<1x1xf32>
    %get3A_11 = vector.extract %get3A_10[0, 0] : f32 from vector<1x1xf32>
    %ge3A = vector.broadcast %get3A_11 : f32 to vector<512x512xf32>
    %ge3A_12 = arith.cmpf oge, %mul3A_7, %ge3A : vector<512x512xf32>
    %convert_element_type3A = arith.extui %ge3A_12 : vector<512x512xi1> to vector<512x512xi32>
    %convert_element_type3A_13 = arith.sitofp %convert_element_type3A : vector<512x512xi32> to vector<512x512xf32>
    %get3A_14 = arith.constant 0 : index
    %get3A_15 = arith.constant 0 : index
    %get3A_16 = vector.load %arg6[%get3A_14, %get3A_15] : memref<512x1xf32, #tpu.memory_space<vmem>>, vector<512x1xf32>
    %get3A_17 = arith.constant 0 : index
    %get3A_18 = arith.constant 0 : index
    %get3A_19 = vector.load %arg4[%get3A_17, %get3A_18] : memref<512x128xf32, #tpu.memory_space<vmem>>, vector<512x128xf32>
    %mul3A_20 = vector.broadcast %get3A_16 : vector<512x1xf32> to vector<512x128xf32>
    %mul3A_21 = arith.mulf %mul3A_20, %get3A_19 : vector<512x128xf32>
    %dot_general3A_22 = arith.constant dense<0.000000e+00> : vector<512x128xf32>
    %dot_general3A_23 = tpu.matmul %convert_element_type3A_13, %mul3A_21, %dot_general3A_22 {dimension_numbers = #tpu.dot_dimension_numbers<[1], [0], [0], [1], [0, 0, 1, 1], [], []>, transpose_lhs_hint = false} : vector<512x512xf32>, vector<512x128xf32>, vector<512x128xf32> -> vector<512x128xf32>
    %eq3A = arith.constant 0 : i32
    %eq3A_24 = arith.cmpi eq, %arg1, %eq3A : i32
    %convert_element_type3A_25 = arith.extui %eq3A_24 : i1 to i32
    %cond3A = arith.constant 0 : i32
    %cond3A_26 = arith.cmpi ne, %convert_element_type3A_25, %cond3A : i32
    scf.if %cond3A_26 {
      %swap3A = arith.constant 0 : index
      %swap3A_40 = arith.constant 0 : index
      %swap3A_41 = vector.load %arg9[%swap3A, %swap3A_40] : memref<512x128xf32, #tpu.memory_space<vmem>>, vector<512x128xf32>
      tpu.vector_store %arg9[%swap3A, %swap3A_40], %dot_general3A_23 {strides = array<i32>} : memref<512x128xf32, #tpu.memory_space<vmem>>, vector<512x128xf32>,
    } else {
    }
    %gt3A = arith.constant 0 : i32
    %gt3A_27 = arith.cmpi sgt, %arg1, %gt3A : i32
    %convert_element_type3A_28 = arith.extui %gt3A_27 : i1 to i32
    %cond3A_29 = arith.constant 0 : i32
    %cond3A_30 = arith.cmpi ne, %convert_element_type3A_28, %cond3A_29 : i32
    scf.if %cond3A_30 {
      %get3A_40 = arith.constant 0 : index
      %get3A_41 = arith.constant 0 : index
      %get3A_42 = vector.load %arg9[%get3A_40, %get3A_41] : memref<512x128xf32, #tpu.memory_space<vmem>>, vector<512x128xf32>
      %add3A = arith.addf %get3A_42, %dot_general3A_23 : vector<512x128xf32>
      %swap3A = arith.constant 0 : index
      %swap3A_43 = arith.constant 0 : index
      %swap3A_44 = vector.load %arg9[%swap3A, %swap3A_43] : memref<512x128xf32, #tpu.memory_space<vmem>>, vector<512x128xf32>
      tpu.vector_store %arg9[%swap3A, %swap3A_43], %add3A {strides = array<i32>} : memref<512x128xf32, #tpu.memory_space<vmem>>, vector<512x128xf32>,
    } else {
    }
    %eq3A_31 = arith.cmpi eq, %arg1, %arg0 : i32
    %convert_element_type3A_32 = arith.extui %eq3A_31 : i1 to i32
    %cond3A_33 = arith.constant 0 : i32
    %cond3A_34 = arith.cmpi ne, %convert_element_type3A_32, %cond3A_33 : i32
    scf.if %cond3A_34 {
      %iota3A = tpu.iota {dimensions = array<i32: 0>} : vector<512x512xi32>
      %iota3A_40 = tpu.iota {dimensions = array<i32: 1>} : vector<512x512xi32>
      %eq3A_41 = arith.cmpi eq, %iota3A, %iota3A_40 : vector<512x512xi32>
      %jit3A = arith.constant 0.000000e+00 : f32
      %broadcast_in_dim3A = vector.broadcast %jit3A : f32 to vector<512x512xf32>
      %select_n3A = arith.select %eq3A_41, %convert_element_type3A_13, %broadcast_in_dim3A : vector<512x512xi1>, vector<512x512xf32>
      %reduce_sum3A = arith.constant dense<0.000000e+00> : vector<512xf32>
      %reduce_sum3A_42 = vector.multi_reduction <add>, %select_n3A, %reduce_sum3A [1] : vector<512x512xf32> to vector<512xf32>
      %broadcast_in_dim3A_43 = vector.shape_cast %reduce_sum3A_42 : vector<512xf32> to vector<512x1xf32>
      %get3A_44 = arith.constant 0 : index
      %get3A_45 = arith.constant 0 : index
      %get3A_46 = vector.load %arg9[%get3A_44, %get3A_45] : memref<512x128xf32, #tpu.memory_space<vmem>>, vector<512x128xf32>
      %sub3A = arith.constant 1.000000e+00 : f32
      %sub3A_47 = vector.broadcast %sub3A : f32 to vector<512x1xf32>
      %sub3A_48 = arith.subf %sub3A_47, %broadcast_in_dim3A_43 : vector<512x1xf32>
      %mul3A_49 = vector.broadcast %sub3A_48 : vector<512x1xf32> to vector<512x128xf32>
      %mul3A_50 = arith.mulf %mul3A_49, %mul3A_21 : vector<512x128xf32>
      %add3A = arith.addf %get3A_46, %mul3A_50 : vector<512x128xf32>
      %swap3A = arith.constant 0 : index
      %swap3A_51 = arith.constant 0 : index
      %swap3A_52 = vector.load %arg9[%swap3A, %swap3A_51] : memref<512x128xf32, #tpu.memory_space<vmem>>, vector<512x128xf32>
      tpu.vector_store %arg9[%swap3A, %swap3A_51], %add3A {strides = array<i32>} : memref<512x128xf32, #tpu.memory_space<vmem>>, vector<512x128xf32>,
    } else {
    }
    %eq3A_35 = arith.constant 19 : i32
    %eq3A_36 = arith.cmpi eq, %arg1, %eq3A_35 : i32
    %convert_element_type3A_37 = arith.extui %eq3A_36 : i1 to i32
    %cond3A_38 = arith.constant 0 : i32
    %cond3A_39 = arith.cmpi ne, %convert_element_type3A_37, %cond3A_38 : i32
    scf.if %cond3A_39 {
      %get3A_40 = arith.constant 0 : index
      %get3A_41 = arith.constant 0 : index
      %get3A_42 = vector.load %arg5[%get3A_40, %get3A_41] : memref<512x1xf32, #tpu.memory_space<vmem>>, vector<512x1xf32>
      %get3A_43 = arith.constant 0 : index
      %get3A_44 = arith.constant 0 : index
      %get3A_45 = vector.load %arg9[%get3A_43, %get3A_44] : memref<512x128xf32, #tpu.memory_space<vmem>>, vector<512x128xf32>
      %mul3A_46 = vector.broadcast %get3A_42 : vector<512x1xf32> to vector<512x128xf32>
      %mul3A_47 = arith.mulf %mul3A_46, %get3A_45 : vector<512x128xf32>
      %get3A_48 = arith.constant 0 : index
      %get3A_49 = arith.constant 0 : index
      %get3A_50 = vector.load %arg8[%get3A_48, %get3A_49] : memref<1x128xf32, #tpu.memory_space<vmem>>, vector<1x128xf32>
      %add3A = vector.broadcast %get3A_50 : vector<1x128xf32> to vector<512x128xf32>
      %add3A_51 = arith.addf %mul3A_47, %add3A : vector<512x128xf32>
      %swap3A = arith.constant 0 : index
      %swap3A_52 = arith.constant 0 : index
      %swap3A_53 = vector.load %arg9[%swap3A, %swap3A_52] : memref<512x128xf32, #tpu.memory_space<vmem>>, vector<512x128xf32>
      tpu.vector_store %arg9[%swap3A, %swap3A_52], %add3A_51 {strides = array<i32>} : memref<512x128xf32, #tpu.memory_space<vmem>>, vector<512x128xf32>,
    } else {
    }
    return
  }
  func.func @transform_0(%arg0: i32, %arg1: i32) -> (i32, i32) {
    %c0_i32 = arith.constant 0 : i32
    %c0_i32_0 = arith.constant 0 : i32
    return %arg0, %c0_i32 : i32, i32
  }
  func.func @transform_1(%arg0: i32, %arg1: i32) -> (i32, i32) {
    %c0_i32 = arith.constant 0 : i32
    %c0_i32_0 = arith.constant 0 : i32
    return %c0_i32, %arg1 : i32, i32
  }
  func.func @transform_2(%arg0: i32, %arg1: i32) -> (i32, i32) {
    %c0_i32 = arith.constant 0 : i32
    %c0_i32_0 = arith.constant 0 : i32
    return %arg1, %c0_i32 : i32, i32
  }
  func.func @transform_3(%arg0: i32, %arg1: i32) -> (i32, i32) {
    %c0_i32 = arith.constant 0 : i32
    %c0_i32_0 = arith.constant 0 : i32
    return %arg0, %c0_i32 : i32, i32
  }
  func.func @transform_4(%arg0: i32, %arg1: i32) -> (i32, i32) {
    %c0_i32 = arith.constant 0 : i32
    %c0_i32_0 = arith.constant 0 : i32
    return %arg1, %c0_i32 : i32, i32
  }
  func.func @transform_5(%arg0: i32, %arg1: i32) -> (i32, i32) {
    %c0_i32 = arith.constant 0 : i32
    %c0_i32_0 = arith.constant 0 : i32
    %c0_i32_1 = arith.constant 0 : i32
    return %c0_i32, %c0_i32_0 : i32, i32
  }
  func.func @transform_6(%arg0: i32, %arg1: i32) -> (i32, i32) {
    %c0_i32 = arith.constant 0 : i32
    %c0_i32_0 = arith.constant 0 : i32
    %c0_i32_1 = arith.constant 0 : i32
    return %c0_i32, %c0_i32_0 : i32, i32
  }
  func.func @transform_7(%arg0: i32, %arg1: i32) -> (i32, i32) {
    %c0_i32 = arith.constant 0 : i32
    %c0_i32_0 = arith.constant 0 : i32
    return %arg0, %c0_i32 : i32, i32
  }
}

</mosaic_0001>

<sc_bundles>
// kernel: kernel.18.cloned.1.call-start
scs
__scs_entry_jumppad:
0x0: {  	(pc) =	sbr.rel $0x88, $3  }
0x1: {  	(tag) =	ssettag $0x0;
	lr =	simm.s32 $0x1  }
0x2: {  	[smem:$0x3F90] =	sst lr;
	_ =	strace $0xD0000000  }
0x3: {  	_ = 	snop  }
0x4: {  	_ = 	snop  }
0x5: {  	_ = 	snop  }
0x6: {  	_ = 	snop  }
0x7: {  	_ = 	snop  }
__scs_overlays_trampoline_lowered:
0x8: {  	[smem:$0x3F9F] =	sst s0  }
0x9: {  	[smem:$0x3FA0] =	sst s1  }
0xa: {  	[smem:$0x3FA1] =	sst s2  }
0xb: {  	[smem:$0x3FA2] =	sst s3  }
0xc: {  	[smem:$0x3FA3] =	sst s4  }
0xd: {  	[smem:$0x3FA4] =	sst s5  }
0xe: {  	[smem:$0x3FA5] =	sst s6  }
0xf: {  	[smem:$0x3FA6] =	sst s7  }
0x10: {  	[smem:$0x3FA7] =	sst s8  }
0x11: {  	[smem:$0x3FA8] =	sst s9;
	s0 =	simm.s32 @!p0 $0x0  }
0x12: {  	s1 =	sld [smem:$0x3F8E];
	s0 =	simm.s32 @p0 $0x1  }
0x13: {  	[smem:$0x3FA9] =	sst s0;
	s0 =	simm.s32 @!p1 $0x0  }
0x14: {  	s2 =	sld [smem:$0x3F8D];
	s0 =	simm.s32 @p1 $0x1  }
0x15: {  	[smem:$0x3FAA] =	sst s0;
	s0 =	simm.s32 @!p2 $0x0  }
0x16: {  	s3 =	sld [smem:$0x3FDB];
	s0 =	simm.s32 @p2 $0x1  }
0x17: {  	s4 =	simm.s32 $0x1BF5;
	[smem:$0x3FAC] =	sst s0  }
0x18: {  	s0 =	sld [smem:$0x3F8F];
	_ =	swait.ge [sflag:s4], $0x0  }
0x19: {  	s7 =	sld [smem:$0x3F90]  }
0x1a: {  	s8 =	sadd.s32 $0xFFFFE003, lr  }
0x1b: {  	s9 =	sadd.s32 $0xFFFFFEF7, lr;
	s5 =	simm.s32 $0xFFFFFFFF;
	p2 =	slt.u32 s8, $0xFFFFF086  }
0x1c: {  	p1 =	slt.u32 s9, $0xF7A;
	s5 =	simm.s32 @!p2 $0x0  }
0x1d: {  	s5 =	simm.s32 @p1 $0x1;
	p0 =	seq.s32 s7, s2  }
0x1e: {  	s7 =	smul.u32 @!p0 $0xF7A, s2;
	p2 =	seq.s32 @!p0 s5, $0x0  }
0x1f: {  	s9 =	smul.u32 $0xF7A, s1;
	s8 =	simm.s32 @!p0 $0x1BF5;
	p2 =	por !p2, p0  }
0x20: {  	[sflag:s8] =	ssyncset.s32 @!p0 $0xFFFFF086;
	s6 =	sadd.s32 @!p0 s3, s7;
	s7 =	simm.s32 @!p0 $0x108  }
0x21: {  	s3 =	sadd.s32 s3, s9;
	s6 =	sadd.s32 @!p0 $0x88, s6;
	s7 =	simm.s32 @p2 $0x1082  }
0x22: {  	[simem:s7], [sflag:s8] =	dma.local @!p0 [hbm:s6], $0xF7A  }
0x23: {  	s9 =	sor.u32 $0xD0000000, s2;
	s6 =	simm.s32 $0x108;
	_ =	swait.ge @!p0 [sflag:s8], $0x0  }
0x24: {  	s3 =	sadd.s32 $0x88, s3;
	s6 =	simm.s32 @!p1 $0x1082;
	[sflag:s4] =	ssyncset.s32 $0xFFFFF086  }
0x25: {  	[simem:s6], [sflag:s4] =	dma.local [hbm:s3], $0xF7A  }
0x26: {  	[smem:$0x3F90] =	sst s1;
	(tag) =	ssettag s2;
	_ =	strace s9  }
0x27: {  	s1 =	sld [smem:$0x3FA0]  }
0x28: {  	s2 =	sld [smem:$0x3FA1]  }
0x29: {  	s4 =	sld [smem:$0x3FA3]  }
0x2a: {  	p0 =	seq.s32 s5, $0x0;
	s5 =	sld [smem:$0x3FA4]  }
0x2b: {  	s6 =	sld [smem:$0x3FA5]  }
0x2c: {  	s7 =	sld [smem:$0x3FA6]  }
0x2d: {  	s3 =	simm.s32 $0x108;
	s8 =	sld [smem:$0x3FA7]  }
0x2e: {  	s3 =	simm.s32 @!p0 $0x1082;
	s9 =	sld [smem:$0x3FA8]  }
0x2f: {  	lr =	sadd.s32 s0, s3;
	s0 =	sld [smem:$0x3F9F]  }
0x30: {  	s3 =	sld [smem:$0x3FA2]  }
0x31: {  	[smem:$0x3FAB] =	sst s10  }
0x32: {  	s10 =	sld [smem:$0x3FA9];
	_ =	sdelay $0x3  }
0x33: {  	p0 =	seq.s32 s10, $0x1;
	s10 =	sld [smem:$0x3FAB];
	_ =	sdelay $0x3  }
0x34: {  	[smem:$0x3FAB] =	sst s10  }
0x35: {  	s10 =	sld [smem:$0x3FAA];
	_ =	sdelay $0x3  }
0x36: {  	p1 =	seq.s32 s10, $0x1;
	s10 =	sld [smem:$0x3FAB];
	_ =	sdelay $0x3  }
0x37: {  	[smem:$0x3FAB] =	sst s10  }
0x38: {  	s10 =	sld [smem:$0x3FAC]  }
0x39: {  	_ = 	snop;
	(pc) =	sbr.ind lr, $3  }
0x3a: {  	_ = 	snop  }
0x3b: {  	_ = 	snop  }
0x3c: {  	p2 =	seq.s32 s10, $0x1;
	s10 =	sld [smem:$0x3FAB]  }
0x3d: {  	_ =	shalt  }
0x3e: {  	_ =	shalt  }
0x3f: {  	_ =	shalt  }
0x40: {  	_ =	shalt  }
0x41: {  	_ =	shalt  }
0x42: {  	_ =	shalt  }
0x43: {  	_ =	shalt  }
0x44: {  	_ =	shalt  }
0x45: {  	_ =	shalt  }
0x46: {  	_ =	shalt  }
0x47: {  	_ =	shalt  }
0x48: {  	_ =	shalt  }
0x49: {  	_ =	shalt  }
0x4a: {  	_ =	shalt  }
0x4b: {  	_ =	shalt  }
0x4c: {  	_ =	shalt  }
0x4d: {  	_ =	shalt  }
0x4e: {  	_ =	shalt  }
0x4f: {  	_ =	shalt  }
0x50: {  	_ =	shalt  }
0x51: {  	_ =	shalt  }
0x52: {  	_ =	shalt  }
0x53: {  	_ =	shalt  }
0x54: {  	_ =	shalt  }
0x55: {  	_ =	shalt  }
0x56: {  	_ =	shalt  }
0x57: {  	_ =	shalt  }
0x58: {  	_ =	shalt  }
0x59: {  	_ =	shalt  }
0x5a: {  	_ =	shalt  }
0x5b: {  	_ =	shalt  }
0x5c: {  	_ =	shalt  }
0x5d: {  	_ =	shalt  }
0x5e: {  	_ =	shalt  }
0x5f: {  	_ =	shalt  }
0x60: {  	_ =	shalt  }
0x61: {  	_ =	shalt  }
0x62: {  	_ =	shalt  }
0x63: {  	_ =	shalt  }
0x64: {  	_ =	shalt  }
0x65: {  	_ =	shalt  }
0x66: {  	_ =	shalt  }
0x67: {  	_ =	shalt  }
0x68: {  	_ =	shalt  }
0x69: {  	_ =	shalt  }
0x6a: {  	_ =	shalt  }
0x6b: {  	_ =	shalt  }
0x6c: {  	_ =	shalt  }
0x6d: {  	_ =	shalt  }
0x6e: {  	_ =	shalt  }
0x6f: {  	_ =	shalt  }
0x70: {  	_ =	shalt  }
0x71: {  	_ =	shalt  }
0x72: {  	_ =	shalt  }
0x73: {  	_ =	shalt  }
0x74: {  	_ =	shalt  }
0x75: {  	_ =	shalt  }
0x76: {  	_ =	shalt  }
0x77: {  	_ =	shalt  }
0x78: {  	_ =	shalt  }
0x79: {  	_ =	shalt  }
0x7a: {  	_ =	shalt  }
0x7b: {  	_ =	shalt  }
0x7c: {  	_ =	shalt  }
0x7d: {  	_ =	shalt  }
0x7e: {  	_ =	shalt  }
0x7f: {  	_ =	shalt  }
0x80: {  	_ =	shalt  }
0x81: {  	_ =	shalt  }
0x82: {  	_ =	shalt  }
0x83: {  	_ =	shalt  }
0x84: {  	_ =	shalt  }
0x85: {  	_ =	shalt  }
0x86: {  	_ =	shalt  }
0x87: {  	_ =	shalt  }
.Lfunc_end0:
.L_simem_size_0:
called_computation_lowered:
.L_overlay_start_0:
0x88: {  	s2 =	sld [smem:$0x3FD9]  }
0x89: {  	s3 =	sld [smem:$0x3FFE];
	_ =	sdelay $0x1  }
0x8a: {  	s1 =	srdreg.scid  }
0x8b: {  	s0 =	sand.u32 $0x1, s1  }
0x8c: {  	s17 =	sshll.u32 s0, $0xA;
	s2 =	sadd.s32 s3, s2  }
0x8d: {  	s2 =	sadd.s32 s2, s17  }
0x8e: {  	[smem:$0x3FB7] =	sst s2  }
0x8f: {  	_ = 	snop  }
0x90: {  	s2 =	sld [smem:$0x3FD0];
	(tm) =	ssettm $0x1  }
0x91: {  	s18 =	sld [smem:$0x3FFB];
	_ =	sdelay $0x3  }
0x92: {  	_ =	strace s18  }
0x93: {  	s3 =	sld [smem:$0x3FFC];
	_ =	sdelay $0x3  }
0x94: {  	_ =	strace s3  }
0x95: {  	s3 =	sld [smem:$0x3FFD];
	_ =	sdelay $0x3  }
0x96: {  	_ =	strace s3  }
0x97: {  	_ =	strace $0x8FFFFFFF  }
0x98: {  	s19 =	sld [smem:$0x3FDB];
	_ =	sdelay $0x1  }
0x99: {  	s4 =	simm.s32 $_scs_section_size  }
0x9a: {  	s5 =	simm.s32 $_size__tile_overlayer_lowered;
	s6 =	simm.s32 $_tile_overlayer_lowered  }
0x9b: {  	s22 =	simm.s32 $0x1BFF;
	s21 =	sshll.u32 s6, $0x1;
	s3 =	sadd.s32 s4, s19  }
0x9c: {  	s7 =	simm.s32 $0x0;
	s20 =	sshll.u32 s5, $0x1;
	s5 =	sadd.s32 s21, s3  }
0x9d: {  	[timem:s7], [sflag:s22] =	dma.local [hbm:s5], s20  }
0x9e: {  	_ =	swait.ge [sflag:s22], s20  }
0x9f: {  	s4 =	ssub.s32 $0x0, s20;
	[sflag:s22] =	ssyncset.done $0x0  }
0xa0: {  	[sflag:s22] =	ssyncadd.s32 s4;
	_ =	sdelay $0x1  }
0xa1: {  	s23 =	simm.s32 $0x1B8B  }
0xa2: {  	_ =	swait.ge [sflag:s23], $0x1  }
0xa3: {  	[sflag:s23] =	ssyncset.done $0x0  }
0xa4: {  	s25 =	simm.s32 $0x1B8E;
	s24 =	sld [smem:$0x3FFE];
	[sflag:s23] =	ssyncadd.s32 $0xFFFFFFFF  }
0xa5: {  	s26 =	simm.s32 $execute0_lowered;
	[smem:$0x3FD2] =	sst s25  }
0xa6: {  	s5 =	sshll.u32 s26, $0x1;
	_ =	strace $0x80000046;
	[dreg:$0x1] =	wrdreg $0xFFFFFFFF  }
0xa7: {  	s28 =	simm.s32 $_size_execute0_lowered;
	s3 =	sadd.s32 s3, s5;
	[dreg:$0x0] =	wrdreg $0x0  }
0xa8: {  	s5 =	sshll.u32 s28, $0x1;
	[dreg:$0x2] =	wrdreg s3  }
0xa9: {  	[dreg:$0x3] =	wrdreg s5  }
0xaa: {  	[dreg:$0x4] =	wrdreg $0xC0  }
0xab: {  	_ =	task [dreg:s7], $0x5FFFF  }
0xac: {  	[dreg:$0x1] =	wrdreg $0xFFFFFFFF  }
0xad: {  	[dreg:$0x0] =	wrdreg $0x60  }
0xae: {  	[dreg:$0x2] =	wrdreg s2  }
0xaf: {  	[dreg:$0x3] =	wrdreg s24  }
0xb0: {  	[dreg:$0x4] =	wrdreg $0x28800  }
0xb1: {  	[dreg:$0x5] =	wrdreg $0x9  }
0xb2: {  	_ =	task.clear_ibuf [dreg:s7], $0x6FFFF;
	_ =	strace $0x90000046  }
0xb3: {  	s29 =	simm.s32 $0x9;
	_ =	strace $0x80000048  }
0xb4: {  	_ =	swait.ge [sflag:s29], $0x1  }
0xb5: {  	[sflag:s29] =	ssyncadd.s32 $0xFFFFFFFF  }
0xb6: {  	_ =	strace $0x90000048  }
0xb7: {  	_ =	sfence  }
0xb8: {  	s30 =	sld [smem:$0x0];
	_ =	sdelay $0x2  }
0xb9: {  	s31 =	sshll.u32 s1, $0xD;
	s1 =	sshrl.u32 s1, $0x2  }
0xba: {  	s3 =	sand.u32 $0x4000, s31;
	s1 =	sadd.s32 s1, s30  }
0xbb: {  	s0 =	sor.u32 s3, s0;
	s1 =	sshll.u32 s1, $0x11  }
0xbc: {  	s0 =	sor.u32 s1, s0  }
0xbd: {  	s0 =	sadd.s32 $0x8F2B, s0  }
0xbe: {  	[sflag:s0] =	ssyncadd.remote.s32 $0x1  }
0xbf: {  	_ =	sfence.sel $0xFFFF  }
0xc0: {  	[dreg:$0x0] =	wrdreg $0xFFFFFFFF;
	(pc) =	sbr.abs _section_cstart, $3  }
0xc1: {  	[dreg:$0x1] =	wrdreg $0xFFFFFFFF  }
0xc2: {  	_ =	task.clear_ibuf [dreg:s7], $0x2FFFF;
	_ =	strace $0x9FFFFFFF  }
0xc3: {  	(tm) =	ssettm $0x7FFFFFFF  }
tec
execute0_lowered:
.L_overlay_start_1:
0x0: {  	(tag) =	ssettag $0x1  }
0x1: {  	s6 =	rddreg [dreg:$0x0]  }
0x2: {  	s7 =	rddreg [dreg:$0x1]  }
0x3: {  	s2 =	rddreg [dreg:$0x2]  }
0x4: {  	s0 =	rddreg [dreg:$0x3]  }
0x5: {  	s4 =	srdreg.scid;
	s1 =	stileid.u32  }
0x6: {  	s3 =	simm.s32 $0x0;
	s13 =	simm.s32 $0x80;
	s14 =	simm.s32 $0x20  }
0x7: {  	s15 =	simm.s32 $0x10;
	s16 =	simm.s32 $0x0;
	s26 =	smul.u32 $0x500, s1  }
0x8: {  	s8 =	sand.u32 $0x1, s4;
	[smem:$0x7FF] =	sst s3;
	s11 =	smul.u32 $0x2800, s1  }
0x9: {  	s4 =	sadd.s32 $0x6200, s7;
	s28 =	smul.u32 $0xA00, s1;
	s31 =	sshll.u32 s1, $0x6  }
0xa: {  	s5 =	sshll.u32 s8, $0x7;
	s9 =	smul.u32 $0x28000, s8;
	_ =	strace $0x80000047  }
0xb: {  	s8 =	ssub.s32 $0x2, s8;
	s10 =	sor.u32 s5, s26;
	s5 =	sadd.s32 $0x6400, s7  }
0xc: {  	s29 =	sshrl.u32 s8, $0x1;
	s30 =	sshrl.u32 s28, $0x2;
	s10 =	sshrl.u32 s10, $0x3  }
0xd: {  	s9 =	sadd.s32 s11, s9;
	s8 =	ssub.s32 s8, s29;
	s12 =	sadd.s32 s30, s2  }
0xe: {  	s11 =	sor.u32 $0x1C01, s31;
	s7 =	sadd.s32 s10, s7;
	s9 =	sshrl.u32 s9, $0x3  }
0xf: {  	s8 =	smax.u32 s8, $0x1;
	s10 =	simm.s32 $0x2800;
	s12 =	sshrl.u32 s12, $0x3  }
0x10: {  	s6 =	sadd.s32 s6, s9;
	s7 =	sadd.s32 $0x6600, s7;
	s9 =	simm.s32 $0x1  }
.LBB2_1:
0x11: {  	[tilespmem:s3], [sflag:$0x1] =	stream.linear.gather [hbm4b:s6+s3], $0x2800, $0x38;
	[tilespmem:$0x2B00] =	vst v63  }
0x12: {  	_ =	swait.ge [sflag:s9], $0x2800  }
0x13: {  	[sflag:s9] =	ssyncset.done $0x0  }
0x14: {  	[sflag:s9] =	ssyncadd.s32 $0xFFFFD800  }
0x15: {  	[tilespmem:s10], [sflag:$0x1] =	stream.linear.gather [hbm4b:s5+s3], $0x80, $0x38;
	[tilespmem:$0x2B00] =	vst v63  }
0x16: {  	_ =	swait.ge [sflag:s9], $0x80  }
0x17: {  	[sflag:s9] =	ssyncset.done $0x0  }
0x18: {  	[sflag:s9] =	ssyncadd.s32 $0xFFFFFF80  }
0x19: {  	[spmem:s12], [sflag:s11] =	dma.local [hbm:s4], $0x50  }
0x1a: {  	_ =	swait.ge [sflag:s9], $0x50  }
0x1b: {  	[sflag:s9] =	ssyncset.done $0x0  }
0x1c: {  	[sflag:s9] =	ssyncadd.s32 $0xFFFFFFB0  }
0x1d: {  	s17 =	simm.s32 $0x0;
	[bflag:$0x0] =	sbarrier.arrive $0xFFFF  }
0x1e: {  	[spmem:s2] =	stream.indirect.scatter.add.f32 [tilespmem:s10], [sflag:$0x1], $0x1, s17, s13, $0xb8;
	[tilespmem:$0x2B00] =	vst v63  }
0x1f: {  	_ =	swait.ge [sflag:s9], $0x80  }
0x20: {  	s17 =	simm.s32 $0x200;
	[sflag:s9] =	ssyncset.done $0x0  }
.LBB2_2:
0x21: {  	s18 =	sshra.s32 s17, $0x2;
	[sflag:s9] =	ssyncadd.s32 $0xFFFFFF80;
	p0 =	sne.s32 s17, $0x9E00  }
0x22: {  	[spmem:s2] =	stream.indirect.scatter.add.f32 [tilespmem:s10], [sflag:$0x1], $0x1, s18, s13, $0xb8;
	[tilespmem:$0x2B00] =	vst v63  }
.Ltmp0:
0x23: {  	_ = 	snop;
	(pc) =	sbr.rel @p0 .LBB2_2-.Ltmp0, $4  }
0x24: {  	_ = 	snop  }
0x25: {  	s17 =	sadd.s32 $0x200, s17  }
0x26: {  	_ =	swait.ge [sflag:s9], $0x80  }
0x27: {  	[sflag:s9] =	ssyncset.done $0x0  }
0x28: {  	s16 =	sadd.s32 $0x1, s16  }
0x29: {  	[sflag:s9] =	ssyncadd.s32 $0xFFFFFF80;
	p0 =	sne.s32 s16, s8  }
.Ltmp1:
0x2a: {  	[bflag:$0x0] =	sbarrier.arrive $0xFFFF;
	(pc) =	sbr.rel @p0 .LBB2_1-.Ltmp1, $4  }
0x2b: {  	[hbm:s7@s14], [sflag:s11] =	dma.strided [spmem:s12@s15], $0x50, s9, $0x10   }
0x2c: {  	_ =	swait.ge [sflag:s9], $0x50  }
0x2d: {  	[sflag:s9] =	ssyncset.done $0x0  }
0x2e: {  	[sflag:s9] =	ssyncadd.s32 $0xFFFFFFB0  }
0x2f: {  	_ =	sfence.sel $0x180000  }
0x30: {  	[bflag:$0x0] =	sbarrier.arrive $0xFFFF  }
0x31: {  	p0 =	sne.s32 s1, $0x0;
	_ =	strace $0x90000047  }
0x32: {  	s0 =	sadd.s32 @!p0 $0x100000, s0;
	[bflag:$0x2] =	sbarrier.arrive $0xFFFF  }
0x33: {  	[sflag:s0] =	ssyncadd.tile.s32 @!p0 $0x1;
	_ =	shalt  }
.Lfunc_end2:
_tile_overlayer_lowered:
.L_overlay_start_2:
0x34: {  	(tag) =	ssettag $0x2  }
0x35: {  	s0 =	rddreg [dreg:$0x0];
	s2 =	stileid.u32  }
0x36: {  	s1 =	rddreg [dreg:$0x1];
	p0 =	sne.s32 s2, $0x0  }
0x37: {  	s3 =	rddreg [dreg:$0x2];
	[bflag:$0x3] =	sbarrier.arrive $0xFFFF;
	s2 =	simm.s32 @!p0 $0x1C01  }
0x38: {  	[timem:s3], [sflag:s2] =	dma.local @!p0 [hbm:s0], s1  }
0x39: {  	s0 =	simm.s32 @!p0 $0x1  }
0x3a: {  	_ =	swait.ge @!p0 [sflag:s0], s1  }
0x3b: {  	s1 =	ssub.s32 @!p0 $0x0, s1;
	[sflag:s0] =	ssyncset.done @!p0 $0x0  }
0x3c: {  	[sflag:s0] =	ssyncadd.s32 @!p0 s1  }
0x3d: {  	[bflag:$0x3] =	sbarrier.arrive $0xFFFF  }
0x3e: {  	_ =	shalt  }

// kernel: kernel.21.cloned.1.call-start
scs
__scs_entry_jumppad:
0x0: {  	(pc) =	sbr.rel $0x88, $3  }
0x1: {  	(tag) =	ssettag $0x0;
	lr =	simm.s32 $0x1  }
0x2: {  	[smem:$0x3F90] =	sst lr;
	_ =	strace $0xD0000000  }
0x3: {  	_ = 	snop  }
0x4: {  	_ = 	snop  }
0x5: {  	_ = 	snop  }
0x6: {  	_ = 	snop  }
0x7: {  	_ = 	snop  }
__scs_overlays_trampoline_lowered:
0x8: {  	[smem:$0x3F9F] =	sst s0  }
0x9: {  	[smem:$0x3FA0] =	sst s1  }
0xa: {  	[smem:$0x3FA1] =	sst s2  }
0xb: {  	[smem:$0x3FA2] =	sst s3  }
0xc: {  	[smem:$0x3FA3] =	sst s4  }
0xd: {  	[smem:$0x3FA4] =	sst s5  }
0xe: {  	[smem:$0x3FA5] =	sst s6  }
0xf: {  	[smem:$0x3FA6] =	sst s7  }
0x10: {  	[smem:$0x3FA7] =	sst s8  }
0x11: {  	[smem:$0x3FA8] =	sst s9;
	s0 =	simm.s32 @!p0 $0x0  }
0x12: {  	s1 =	sld [smem:$0x3F8E];
	s0 =	simm.s32 @p0 $0x1  }
0x13: {  	[smem:$0x3FA9] =	sst s0;
	s0 =	simm.s32 @!p1 $0x0  }
0x14: {  	s2 =	sld [smem:$0x3F8D];
	s0 =	simm.s32 @p1 $0x1  }
0x15: {  	[smem:$0x3FAA] =	sst s0;
	s0 =	simm.s32 @!p2 $0x0  }
0x16: {  	s3 =	sld [smem:$0x3FDB];
	s0 =	simm.s32 @p2 $0x1  }
0x17: {  	s4 =	simm.s32 $0x1BF5;
	[smem:$0x3FAC] =	sst s0  }
0x18: {  	s0 =	sld [smem:$0x3F8F];
	_ =	swait.ge [sflag:s4], $0x0  }
0x19: {  	s7 =	sld [smem:$0x3F90]  }
0x1a: {  	s8 =	sadd.s32 $0xFFFFE003, lr  }
0x1b: {  	s9 =	sadd.s32 $0xFFFFFEF7, lr;
	s5 =	simm.s32 $0xFFFFFFFF;
	p2 =	slt.u32 s8, $0xFFFFF086  }
0x1c: {  	p1 =	slt.u32 s9, $0xF7A;
	s5 =	simm.s32 @!p2 $0x0  }
0x1d: {  	s5 =	simm.s32 @p1 $0x1;
	p0 =	seq.s32 s7, s2  }
0x1e: {  	s7 =	smul.u32 @!p0 $0xF7A, s2;
	p2 =	seq.s32 @!p0 s5, $0x0  }
0x1f: {  	s9 =	smul.u32 $0xF7A, s1;
	s8 =	simm.s32 @!p0 $0x1BF5;
	p2 =	por !p2, p0  }
0x20: {  	[sflag:s8] =	ssyncset.s32 @!p0 $0xFFFFF086;
	s6 =	sadd.s32 @!p0 s3, s7;
	s7 =	simm.s32 @!p0 $0x108  }
0x21: {  	s3 =	sadd.s32 s3, s9;
	s6 =	sadd.s32 @!p0 $0x88, s6;
	s7 =	simm.s32 @p2 $0x1082  }
0x22: {  	[simem:s7], [sflag:s8] =	dma.local @!p0 [hbm:s6], $0xF7A  }
0x23: {  	s9 =	sor.u32 $0xD0000000, s2;
	s6 =	simm.s32 $0x108;
	_ =	swait.ge @!p0 [sflag:s8], $0x0  }
0x24: {  	s3 =	sadd.s32 $0x88, s3;
	s6 =	simm.s32 @!p1 $0x1082;
	[sflag:s4] =	ssyncset.s32 $0xFFFFF086  }
0x25: {  	[simem:s6], [sflag:s4] =	dma.local [hbm:s3], $0xF7A  }
0x26: {  	[smem:$0x3F90] =	sst s1;
	(tag) =	ssettag s2;
	_ =	strace s9  }
0x27: {  	s1 =	sld [smem:$0x3FA0]  }
0x28: {  	s2 =	sld [smem:$0x3FA1]  }
0x29: {  	s4 =	sld [smem:$0x3FA3]  }
0x2a: {  	p0 =	seq.s32 s5, $0x0;
	s5 =	sld [smem:$0x3FA4]  }
0x2b: {  	s6 =	sld [smem:$0x3FA5]  }
0x2c: {  	s7 =	sld [smem:$0x3FA6]  }
0x2d: {  	s3 =	simm.s32 $0x108;
	s8 =	sld [smem:$0x3FA7]  }
0x2e: {  	s3 =	simm.s32 @!p0 $0x1082;
	s9 =	sld [smem:$0x3FA8]  }
0x2f: {  	lr =	sadd.s32 s0, s3;
	s0 =	sld [smem:$0x3F9F]  }
0x30: {  	s3 =	sld [smem:$0x3FA2]  }
0x31: {  	[smem:$0x3FAB] =	sst s10  }
0x32: {  	s10 =	sld [smem:$0x3FA9];
	_ =	sdelay $0x3  }
0x33: {  	p0 =	seq.s32 s10, $0x1;
	s10 =	sld [smem:$0x3FAB];
	_ =	sdelay $0x3  }
0x34: {  	[smem:$0x3FAB] =	sst s10  }
0x35: {  	s10 =	sld [smem:$0x3FAA];
	_ =	sdelay $0x3  }
0x36: {  	p1 =	seq.s32 s10, $0x1;
	s10 =	sld [smem:$0x3FAB];
	_ =	sdelay $0x3  }
0x37: {  	[smem:$0x3FAB] =	sst s10  }
0x38: {  	s10 =	sld [smem:$0x3FAC]  }
0x39: {  	_ = 	snop;
	(pc) =	sbr.ind lr, $3  }
0x3a: {  	_ = 	snop  }
0x3b: {  	_ = 	snop  }
0x3c: {  	p2 =	seq.s32 s10, $0x1;
	s10 =	sld [smem:$0x3FAB]  }
0x3d: {  	_ =	shalt  }
0x3e: {  	_ =	shalt  }
0x3f: {  	_ =	shalt  }
0x40: {  	_ =	shalt  }
0x41: {  	_ =	shalt  }
0x42: {  	_ =	shalt  }
0x43: {  	_ =	shalt  }
0x44: {  	_ =	shalt  }
0x45: {  	_ =	shalt  }
0x46: {  	_ =	shalt  }
0x47: {  	_ =	shalt  }
0x48: {  	_ =	shalt  }
0x49: {  	_ =	shalt  }
0x4a: {  	_ =	shalt  }
0x4b: {  	_ =	shalt  }
0x4c: {  	_ =	shalt  }
0x4d: {  	_ =	shalt  }
0x4e: {  	_ =	shalt  }
0x4f: {  	_ =	shalt  }
0x50: {  	_ =	shalt  }
0x51: {  	_ =	shalt  }
0x52: {  	_ =	shalt  }
0x53: {  	_ =	shalt  }
0x54: {  	_ =	shalt  }
0x55: {  	_ =	shalt  }
0x56: {  	_ =	shalt  }
0x57: {  	_ =	shalt  }
0x58: {  	_ =	shalt  }
0x59: {  	_ =	shalt  }
0x5a: {  	_ =	shalt  }
0x5b: {  	_ =	shalt  }
0x5c: {  	_ =	shalt  }
0x5d: {  	_ =	shalt  }
0x5e: {  	_ =	shalt  }
0x5f: {  	_ =	shalt  }
0x60: {  	_ =	shalt  }
0x61: {  	_ =	shalt  }
0x62: {  	_ =	shalt  }
0x63: {  	_ =	shalt  }
0x64: {  	_ =	shalt  }
0x65: {  	_ =	shalt  }
0x66: {  	_ =	shalt  }
0x67: {  	_ =	shalt  }
0x68: {  	_ =	shalt  }
0x69: {  	_ =	shalt  }
0x6a: {  	_ =	shalt  }
0x6b: {  	_ =	shalt  }
0x6c: {  	_ =	shalt  }
0x6d: {  	_ =	shalt  }
0x6e: {  	_ =	shalt  }
0x6f: {  	_ =	shalt  }
0x70: {  	_ =	shalt  }
0x71: {  	_ =	shalt  }
0x72: {  	_ =	shalt  }
0x73: {  	_ =	shalt  }
0x74: {  	_ =	shalt  }
0x75: {  	_ =	shalt  }
0x76: {  	_ =	shalt  }
0x77: {  	_ =	shalt  }
0x78: {  	_ =	shalt  }
0x79: {  	_ =	shalt  }
0x7a: {  	_ =	shalt  }
0x7b: {  	_ =	shalt  }
0x7c: {  	_ =	shalt  }
0x7d: {  	_ =	shalt  }
0x7e: {  	_ =	shalt  }
0x7f: {  	_ =	shalt  }
0x80: {  	_ =	shalt  }
0x81: {  	_ =	shalt  }
0x82: {  	_ =	shalt  }
0x83: {  	_ =	shalt  }
0x84: {  	_ =	shalt  }
0x85: {  	_ =	shalt  }
0x86: {  	_ =	shalt  }
0x87: {  	_ =	shalt  }
.Lfunc_end0:
.L_simem_size_0:
called_computation.1_lowered:
.L_overlay_start_0:
0x88: {  	s2 =	sld [smem:$0x3FD9]  }
0x89: {  	s3 =	sld [smem:$0x3FFE];
	_ =	sdelay $0x1  }
0x8a: {  	s1 =	srdreg.scid  }
0x8b: {  	s0 =	sand.u32 $0x1, s1  }
0x8c: {  	s17 =	sshll.u32 s0, $0xA;
	s2 =	sadd.s32 s3, s2  }
0x8d: {  	s2 =	sadd.s32 s2, s17  }
0x8e: {  	[smem:$0x3FB7] =	sst s2  }
0x8f: {  	_ = 	snop  }
0x90: {  	(tm) =	ssettm $0x1  }
0x91: {  	s18 =	sld [smem:$0x3FFB];
	_ =	sdelay $0x3  }
0x92: {  	_ =	strace s18  }
0x93: {  	s2 =	sld [smem:$0x3FFC];
	_ =	sdelay $0x3  }
0x94: {  	_ =	strace s2  }
0x95: {  	s2 =	sld [smem:$0x3FFD];
	_ =	sdelay $0x3  }
0x96: {  	_ =	strace s2  }
0x97: {  	_ =	strace $0x8FFFFFFF  }
0x98: {  	s19 =	sld [smem:$0x3FDB];
	_ =	sdelay $0x1  }
0x99: {  	s20 =	simm.s32 $_scs_section_size  }
0x9a: {  	s4 =	simm.s32 $_size__tile_overlayer_lowered;
	s5 =	simm.s32 $_tile_overlayer_lowered  }
0x9b: {  	s6 =	simm.s32 $0x1BFF;
	s21 =	sshll.u32 s5, $0x1;
	s3 =	sadd.s32 s20, s19  }
0x9c: {  	s22 =	simm.s32 $0x0;
	s4 =	sshll.u32 s4, $0x1;
	s5 =	sadd.s32 s21, s3  }
0x9d: {  	[timem:s22], [sflag:s6] =	dma.local [hbm:s5], s4  }
0x9e: {  	_ =	swait.ge [sflag:s6], s4  }
0x9f: {  	s4 =	ssub.s32 $0x0, s4;
	[sflag:s6] =	ssyncset.done $0x0  }
0xa0: {  	[sflag:s6] =	ssyncadd.s32 s4;
	_ =	sdelay $0x1  }
0xa1: {  	s23 =	simm.s32 $0x1B8B  }
0xa2: {  	_ =	swait.ge [sflag:s23], $0x1  }
0xa3: {  	[sflag:s23] =	ssyncset.done $0x0  }
0xa4: {  	[sflag:s23] =	ssyncadd.s32 $0xFFFFFFFF  }
0xa5: {  	s4 =	sld [smem:$0x0]  }
0xa6: {  	s5 =	sand.u32 $0xFFFFFFFE, s1  }
0xa7: {  	p0 =	sne.s32 s1, s5  }
0xa8: {  	s5 =	sshll.u32 @p0 s5, $0xE  }
0xa9: {  	s5 =	sadd.s32 @p0 $0x11B8D, s5;
	s6 =	sshll.u32 @p0 s4, $0x11  }
0xaa: {  	s5 =	sor.u32 @p0 s6, s5  }
0xab: {  	[sflag:s5] =	ssyncadd.remote.s32 @p0 $0x1;
	_ =	sdelay $0x1  }
0xac: {  	s5 =	simm.s32 @p0 $0x1B8D  }
0xad: {  	_ =	swait.eq @p0 [sflag:s5], $0x1  }
0xae: {  	[sflag:s5] =	ssyncadd.s32 @p0 $0xFFFFFFFF  }
0xaf: {  	s6 =	sshll.u32 @!p0 s1, $0xE  }
0xb0: {  	s6 =	sor.u32 @!p0 $0x4000, s6;
	s5 =	simm.s32 @!p0 $0x1B8D  }
0xb1: {  	s4 =	sshll.u32 @!p0 s4, $0x11;
	s6 =	sadd.s32 @!p0 $0x11B8D, s6;
	_ =	swait.eq @!p0 [sflag:s5], $0x1  }
0xb2: {  	s4 =	sor.u32 @!p0 s4, s6;
	[sflag:s5] =	ssyncadd.s32 @!p0 $0xFFFFFFFF  }
0xb3: {  	s25 =	simm.s32 $0x1B8E;
	s24 =	sld [smem:$0x3FFE];
	[sflag:s4] =	ssyncadd.remote.s32 @!p0 $0x1  }
0xb4: {  	s26 =	simm.s32 $execute0_lowered;
	[smem:$0x3FD2] =	sst s25  }
0xb5: {  	s5 =	sshll.u32 s26, $0x1;
	_ =	strace $0x80000049;
	[dreg:$0x1] =	wrdreg $0xFFFFFFFF  }
0xb6: {  	s28 =	simm.s32 $_size_execute0_lowered;
	s3 =	sadd.s32 s3, s5;
	[dreg:$0x0] =	wrdreg $0x0  }
0xb7: {  	s5 =	sshll.u32 s28, $0x1;
	[dreg:$0x2] =	wrdreg s3  }
0xb8: {  	[dreg:$0x3] =	wrdreg s5  }
0xb9: {  	[dreg:$0x4] =	wrdreg $0xC0  }
0xba: {  	_ =	task [dreg:s22], $0x5FFFF  }
0xbb: {  	[dreg:$0x1] =	wrdreg $0xFFFFFFFF  }
0xbc: {  	[dreg:$0x0] =	wrdreg $0x60  }
0xbd: {  	[dreg:$0x2] =	wrdreg s24  }
0xbe: {  	[dreg:$0x3] =	wrdreg $0xA8000  }
0xbf: {  	[dreg:$0x4] =	wrdreg $0xA  }
0xc0: {  	_ =	task.clear_ibuf [dreg:s22], $0x5FFFF;
	_ =	strace $0x90000049  }
0xc1: {  	s29 =	simm.s32 $0xA;
	_ =	strace $0x8000004B  }
0xc2: {  	_ =	swait.ge [sflag:s29], $0x1  }
0xc3: {  	[sflag:s29] =	ssyncadd.s32 $0xFFFFFFFF  }
0xc4: {  	_ =	strace $0x9000004B  }
0xc5: {  	_ =	sfence  }
0xc6: {  	s30 =	sld [smem:$0x0];
	_ =	sdelay $0x2  }
0xc7: {  	s31 =	sshll.u32 s1, $0xD;
	s1 =	sshrl.u32 s1, $0x2  }
0xc8: {  	s4 =	sand.u32 $0x4000, s31;
	s1 =	sadd.s32 s1, s30  }
0xc9: {  	s0 =	sor.u32 s4, s0;
	s1 =	sshll.u32 s1, $0x11  }
0xca: {  	s0 =	sor.u32 s1, s0  }
0xcb: {  	s0 =	sadd.s32 $0x8F2B, s0  }
0xcc: {  	[sflag:s0] =	ssyncadd.remote.s32 $0x1  }
0xcd: {  	_ =	sfence.sel $0xFFFF  }
0xce: {  	[dreg:$0x0] =	wrdreg $0xFFFFFFFF;
	(pc) =	sbr.abs _section_cstart, $3  }
0xcf: {  	[dreg:$0x1] =	wrdreg $0xFFFFFFFF  }
0xd0: {  	_ =	task.clear_ibuf [dreg:s22], $0x2FFFF;
	_ =	strace $0x9FFFFFFF  }
0xd1: {  	(tm) =	ssettm $0x7FFFFFFF  }
tec
execute0_lowered:
.L_overlay_start_1:
0x0: {  	(tag) =	ssettag $0x1  }
0x1: {  	s6 =	rddreg [dreg:$0x0]  }
0x2: {  	s2 =	rddreg [dreg:$0x1]  }
0x3: {  	s0 =	srdreg.scid;
	s1 =	rddreg [dreg:$0x2]  }
0x4: {  	s3 =	simm.s32 $0x0;
	s14 =	simm.s32 $0x80;
	s5 =	sand.u32 $0x1, s0  }
0x5: {  	s15 =	simm.s32 $0x2800;
	s0 =	stileid.u32;
	s4 =	smul.u32 $0x14000, s5  }
0x6: {  	s16 =	simm.s32 $0x6800;
	s17 =	simm.s32 $0x1;
	s7 =	smul.u32 $0x1400, s0  }
0x7: {  	s18 =	simm.s32 $0x2700;
	s19 =	simm.s32 $0x2780;
	s8 =	smul.u32 $0x140000, s5  }
0x8: {  	s20 =	simm.s32 $0x0;
	[smem:$0x7FF] =	sst s3;
	s9 =	smul.u32 $0x14000, s0  }
0x9: {  	_ =	strace $0x8000004A;
	s30 =	ssub.s32 $0x2, s5;
	s11 =	smul.u32 $0x50000, s0  }
0xa: {  	s5 =	sadd.s32 $0x39000, s6;
	s12 =	sshll.u32 s0, $0x6;
	s10 =	sshrl.u32 s30, $0x1  }
0xb: {  	s12 =	sor.u32 $0x1C02, s12;
	s7 =	sadd.s32 s7, s4;
	s4 =	sadd.s32 $0x7000, s6  }
0xc: {  	s8 =	sadd.s32 s9, s8;
	s9 =	ssub.s32 s30, s10;
	s31 =	sshrl.u32 s11, $0x2  }
0xd: {  	s10 =	simm.s32 $0x2;
	s11 =	simm.s32 $0x1400;
	s7 =	sshrl.u32 s7, $0x3  }
0xe: {  	s8 =	sshrl.u32 s8, $0x3;
	s13 =	sadd.s32 s31, s2;
	s9 =	smax.u32 s9, $0x1  }
0xf: {  	s7 =	sadd.s32 s7, s6;
	s8 =	sadd.s32 s8, s6;
	s13 =	sshrl.u32 s13, $0x3  }
0x10: {  	s6 =	sadd.s32 $0x34000, s7;
	s7 =	sadd.s32 $0x2F000, s7;
	s8 =	sadd.s32 $0x3B800, s8  }
.LBB2_1:
0x11: {  	[tilespmem:s3], [sflag:$0x2] =	stream.linear.gather [hbm4b:s6+s3], $0x1400, $0x38;
	[tilespmem:$0x1E800] =	vst v63  }
0x12: {  	_ =	swait.ge [sflag:s10], $0x1400  }
0x13: {  	[sflag:s10] =	ssyncset.done $0x0  }
0x14: {  	[sflag:s10] =	ssyncadd.s32 $0xFFFFEC00  }
0x15: {  	[tilespmem:s11], [sflag:$0x2] =	stream.linear.gather [hbm4b:s7+s3], $0x1400, $0x38;
	[tilespmem:$0x1E800] =	vst v63  }
0x16: {  	_ =	swait.ge [sflag:s10], $0x1400  }
0x17: {  	[sflag:s10] =	ssyncset.done $0x0  }
0x18: {  	[sflag:s10] =	ssyncadd.s32 $0xFFFFEC00  }
0x19: {  	[spmem:s13], [sflag:s12] =	dma.local [hbm:s5], $0x2800  }
0x1a: {  	_ =	swait.ge [sflag:s10], $0x2800  }
0x1b: {  	[sflag:s10] =	ssyncset.done $0x0  }
0x1c: {  	[sflag:s10] =	ssyncadd.s32 $0xFFFFD800  }
0x1d: {  	[bflag:$0x0] =	sbarrier.arrive $0xFFFF  }
0x1e: {  	[tilespmem:s15], [sflag:$0x1] =	stream.indirect.gather [hbm4b:s4+s14], $0x80, s3, s14, $0xb8;
	[tilespmem:$0x1E800] =	vst v63  }
0x1f: {  	_ = 	snop  }
0x20: {  	[tilespmem:s16], [sflag:$0x1] =	stream.indirect.gather [hbm4b:s4+s14], $0x80, s14, s14, $0xb8;
	[tilespmem:$0x1E800] =	vst v63  }
0x21: {  	_ =	swait.ge [sflag:s17], $0x4000  }
0x22: {  	[sflag:s17] =	ssyncset.done $0x0  }
0x23: {  	s21 =	simm.s32 $0x1400;
	[sflag:s17] =	ssyncadd.s32 $0xFFFFC000  }
0x24: {  	[spmem:s2] =	stream.indirect.scatter.add.f32 [tilespmem:s15], [sflag:$0x2], $0x80, s21, s14, $0xb8;
	[tilespmem:$0x1E800] =	vst v63  }
0x25: {  	_ =	swait.ge [sflag:s10], $0x4000  }
0x26: {  	[sflag:s10] =	ssyncset.done $0x0  }
0x27: {  	s30 =	simm.s32 $0x100;
	[sflag:s10] =	ssyncadd.s32 $0xFFFFC000  }
0x28: {  	[tilespmem:s15], [sflag:$0x1] =	stream.indirect.gather [hbm4b:s4+s14], $0x80, s30, s14, $0xb8;
	[tilespmem:$0x1E800] =	vst v63  }
0x29: {  	_ =	swait.ge [sflag:s17], $0x4000  }
0x2a: {  	[sflag:s17] =	ssyncset.done $0x0  }
0x2b: {  	s31 =	simm.s32 $0x1480;
	[sflag:s17] =	ssyncadd.s32 $0xFFFFC000  }
0x2c: {  	[spmem:s2] =	stream.indirect.scatter.add.f32 [tilespmem:s16], [sflag:$0x2], $0x80, s31, s14, $0xb8;
	[tilespmem:$0x1E800] =	vst v63  }
0x2d: {  	_ =	swait.ge [sflag:s10], $0x4000  }
0x2e: {  	[sflag:s10] =	ssyncset.done $0x0  }
0x2f: {  	s22 =	simm.s32 $0x180;
	s21 =	simm.s32 $0x400;
	[sflag:s10] =	ssyncadd.s32 $0xFFFFC000  }
.LBB2_2:
0x30: {  	[tilespmem:s16], [sflag:$0x1] =	stream.indirect.gather [hbm4b:s4+s14], $0x80, s22, s14, $0xb8;
	[tilespmem:$0x1E800] =	vst v63  }
0x31: {  	s22 =	smov.u32 s21  }
0x32: {  	p0 =	sne.s32 s21, $0x4800;
	s21 =	sadd.s32 $0x400, s21;
	_ =	swait.ge [sflag:s17], $0x4000  }
0x33: {  	s22 =	sshra.s32 s22, $0x2;
	[sflag:s17] =	ssyncset.done $0x0  }
0x34: {  	s23 =	sadd.s32 $0x1400, s22;
	[sflag:s17] =	ssyncadd.s32 $0xFFFFC000  }
0x35: {  	[spmem:s2] =	stream.indirect.scatter.add.f32 [tilespmem:s15], [sflag:$0x2], $0x80, s23, s14, $0xb8;
	[tilespmem:$0x1E800] =	vst v63  }
0x36: {  	_ =	swait.ge [sflag:s10], $0x4000  }
0x37: {  	[sflag:s10] =	ssyncset.done $0x0  }
0x38: {  	s23 =	sadd.s32 $0x100, s22;
	[sflag:s10] =	ssyncadd.s32 $0xFFFFC000  }
0x39: {  	[tilespmem:s15], [sflag:$0x1] =	stream.indirect.gather [hbm4b:s4+s14], $0x80, s23, s14, $0xb8;
	[tilespmem:$0x1E800] =	vst v63  }
0x3a: {  	_ =	swait.ge [sflag:s17], $0x4000  }
0x3b: {  	[sflag:s17] =	ssyncset.done $0x0  }
.Ltmp0:
0x3c: {  	s23 =	sadd.s32 $0x1480, s22;
	[sflag:s17] =	ssyncadd.s32 $0xFFFFC000;
	(pc) =	sbr.rel @p0 .LBB2_2-.Ltmp0, $4  }
0x3d: {  	[spmem:s2] =	stream.indirect.scatter.add.f32 [tilespmem:s16], [sflag:$0x2], $0x80, s23, s14, $0xb8;
	[tilespmem:$0x1E800] =	vst v63  }
0x3e: {  	_ =	swait.ge [sflag:s10], $0x4000  }
0x3f: {  	[sflag:s10] =	ssyncset.done $0x0  }
0x40: {  	s22 =	sadd.s32 $0x180, s22;
	[sflag:s10] =	ssyncadd.s32 $0xFFFFC000  }
0x41: {  	[tilespmem:s16], [sflag:$0x1] =	stream.indirect.gather [hbm4b:s4+s14], $0x80, s22, s14, $0xb8;
	[tilespmem:$0x1E800] =	vst v63  }
0x42: {  	_ =	swait.ge [sflag:s17], $0x4000  }
0x43: {  	[sflag:s17] =	ssyncset.done $0x0  }
0x44: {  	[sflag:s17] =	ssyncadd.s32 $0xFFFFC000  }
0x45: {  	[spmem:s2] =	stream.indirect.scatter.add.f32 [tilespmem:s15], [sflag:$0x2], $0x80, s18, s14, $0xb8;
	[tilespmem:$0x1E800] =	vst v63  }
0x46: {  	_ =	swait.ge [sflag:s10], $0x4000  }
0x47: {  	[sflag:s10] =	ssyncset.done $0x0  }
0x48: {  	[sflag:s10] =	ssyncadd.s32 $0xFFFFC000  }
0x49: {  	_ =	swait.ge [sflag:s17], $0x4000  }
0x4a: {  	[sflag:s17] =	ssyncset.done $0x0  }
0x4b: {  	[sflag:s17] =	ssyncadd.s32 $0xFFFFC000  }
0x4c: {  	[spmem:s2] =	stream.indirect.scatter.add.f32 [tilespmem:s16], [sflag:$0x2], $0x80, s19, s14, $0xb8;
	[tilespmem:$0x1E800] =	vst v63  }
0x4d: {  	_ =	swait.ge [sflag:s10], $0x4000  }
0x4e: {  	s20 =	sadd.s32 $0x1, s20;
	[sflag:s10] =	ssyncset.done $0x0  }
0x4f: {  	p0 =	sne.s32 s20, s9;
	[sflag:s10] =	ssyncadd.s32 $0xFFFFC000  }
.Ltmp1:
0x50: {  	[bflag:$0x0] =	sbarrier.arrive $0xFFFF;
	(pc) =	sbr.rel @p0 .LBB2_1-.Ltmp1, $4  }
0x51: {  	[hbm:s8], [sflag:s12] =	dma.local [spmem:s13], $0x2800  }
0x52: {  	_ =	swait.ge [sflag:s10], $0x2800  }
0x53: {  	[sflag:s10] =	ssyncset.done $0x0  }
0x54: {  	[sflag:s10] =	ssyncadd.s32 $0xFFFFD800  }
0x55: {  	_ =	sfence.sel $0x180000  }
0x56: {  	[bflag:$0x0] =	sbarrier.arrive $0xFFFF  }
0x57: {  	p0 =	sne.s32 s0, $0x0;
	_ =	strace $0x9000004A  }
0x58: {  	s0 =	sadd.s32 @!p0 $0x100000, s1;
	[bflag:$0x2] =	sbarrier.arrive $0xFFFF  }
0x59: {  	[sflag:s0] =	ssyncadd.tile.s32 @!p0 $0x1;
	_ =	shalt  }
.Lfunc_end2:
_tile_overlayer_lowered:
.L_overlay_start_2:
0x5a: {  	(tag) =	ssettag $0x2  }
0x5b: {  	s0 =	rddreg [dreg:$0x0];
	s2 =	stileid.u32  }
0x5c: {  	s1 =	rddreg [dreg:$0x1];
	p0 =	sne.s32 s2, $0x0  }
0x5d: {  	s3 =	rddreg [dreg:$0x2];
	[bflag:$0x3] =	sbarrier.arrive $0xFFFF;
	s2 =	simm.s32 @!p0 $0x1C02  }
0x5e: {  	[timem:s3], [sflag:s2] =	dma.local @!p0 [hbm:s0], s1  }
0x5f: {  	s0 =	simm.s32 @!p0 $0x2  }
0x60: {  	_ =	swait.ge @!p0 [sflag:s0], s1  }
0x61: {  	s1 =	ssub.s32 @!p0 $0x0, s1;
	[sflag:s0] =	ssyncset.done @!p0 $0x0  }
0x62: {  	[sflag:s0] =	ssyncadd.s32 @!p0 s1  }
0x63: {  	[bflag:$0x3] =	sbarrier.arrive $0xFFFF  }
0x64: {  	_ =	shalt  }

// kernel: kernel.24.cloned.1.call-start
scs
__scs_entry_jumppad:
0x0: {  	(pc) =	sbr.rel $0x88, $3  }
0x1: {  	(tag) =	ssettag $0x0;
	lr =	simm.s32 $0x1  }
0x2: {  	[smem:$0x3F90] =	sst lr;
	_ =	strace $0xD0000000  }
0x3: {  	_ = 	snop  }
0x4: {  	_ = 	snop  }
0x5: {  	_ = 	snop  }
0x6: {  	_ = 	snop  }
0x7: {  	_ = 	snop  }
__scs_overlays_trampoline_lowered:
0x8: {  	[smem:$0x3F9F] =	sst s0  }
0x9: {  	[smem:$0x3FA0] =	sst s1  }
0xa: {  	[smem:$0x3FA1] =	sst s2  }
0xb: {  	[smem:$0x3FA2] =	sst s3  }
0xc: {  	[smem:$0x3FA3] =	sst s4  }
0xd: {  	[smem:$0x3FA4] =	sst s5  }
0xe: {  	[smem:$0x3FA5] =	sst s6  }
0xf: {  	[smem:$0x3FA6] =	sst s7  }
0x10: {  	[smem:$0x3FA7] =	sst s8  }
0x11: {  	[smem:$0x3FA8] =	sst s9;
	s0 =	simm.s32 @!p0 $0x0  }
0x12: {  	s1 =	sld [smem:$0x3F8E];
	s0 =	simm.s32 @p0 $0x1  }
0x13: {  	[smem:$0x3FA9] =	sst s0;
	s0 =	simm.s32 @!p1 $0x0  }
0x14: {  	s2 =	sld [smem:$0x3F8D];
	s0 =	simm.s32 @p1 $0x1  }
0x15: {  	[smem:$0x3FAA] =	sst s0;
	s0 =	simm.s32 @!p2 $0x0  }
0x16: {  	s3 =	sld [smem:$0x3FDB];
	s0 =	simm.s32 @p2 $0x1  }
0x17: {  	s4 =	simm.s32 $0x1BF5;
	[smem:$0x3FAC] =	sst s0  }
0x18: {  	s0 =	sld [smem:$0x3F8F];
	_ =	swait.ge [sflag:s4], $0x0  }
0x19: {  	s7 =	sld [smem:$0x3F90]  }
0x1a: {  	s8 =	sadd.s32 $0xFFFFE003, lr  }
0x1b: {  	s9 =	sadd.s32 $0xFFFFFEF7, lr;
	s5 =	simm.s32 $0xFFFFFFFF;
	p2 =	slt.u32 s8, $0xFFFFF086  }
0x1c: {  	p1 =	slt.u32 s9, $0xF7A;
	s5 =	simm.s32 @!p2 $0x0  }
0x1d: {  	s5 =	simm.s32 @p1 $0x1;
	p0 =	seq.s32 s7, s2  }
0x1e: {  	s7 =	smul.u32 @!p0 $0xF7A, s2;
	p2 =	seq.s32 @!p0 s5, $0x0  }
0x1f: {  	s9 =	smul.u32 $0xF7A, s1;
	s8 =	simm.s32 @!p0 $0x1BF5;
	p2 =	por !p2, p0  }
0x20: {  	[sflag:s8] =	ssyncset.s32 @!p0 $0xFFFFF086;
	s6 =	sadd.s32 @!p0 s3, s7;
	s7 =	simm.s32 @!p0 $0x108  }
0x21: {  	s3 =	sadd.s32 s3, s9;
	s6 =	sadd.s32 @!p0 $0x88, s6;
	s7 =	simm.s32 @p2 $0x1082  }
0x22: {  	[simem:s7], [sflag:s8] =	dma.local @!p0 [hbm:s6], $0xF7A  }
0x23: {  	s9 =	sor.u32 $0xD0000000, s2;
	s6 =	simm.s32 $0x108;
	_ =	swait.ge @!p0 [sflag:s8], $0x0  }
0x24: {  	s3 =	sadd.s32 $0x88, s3;
	s6 =	simm.s32 @!p1 $0x1082;
	[sflag:s4] =	ssyncset.s32 $0xFFFFF086  }
0x25: {  	[simem:s6], [sflag:s4] =	dma.local [hbm:s3], $0xF7A  }
0x26: {  	[smem:$0x3F90] =	sst s1;
	(tag) =	ssettag s2;
	_ =	strace s9  }
0x27: {  	s1 =	sld [smem:$0x3FA0]  }
0x28: {  	s2 =	sld [smem:$0x3FA1]  }
0x29: {  	s4 =	sld [smem:$0x3FA3]  }
0x2a: {  	p0 =	seq.s32 s5, $0x0;
	s5 =	sld [smem:$0x3FA4]  }
0x2b: {  	s6 =	sld [smem:$0x3FA5]  }
0x2c: {  	s7 =	sld [smem:$0x3FA6]  }
0x2d: {  	s3 =	simm.s32 $0x108;
	s8 =	sld [smem:$0x3FA7]  }
0x2e: {  	s3 =	simm.s32 @!p0 $0x1082;
	s9 =	sld [smem:$0x3FA8]  }
0x2f: {  	lr =	sadd.s32 s0, s3;
	s0 =	sld [smem:$0x3F9F]  }
0x30: {  	s3 =	sld [smem:$0x3FA2]  }
0x31: {  	[smem:$0x3FAB] =	sst s10  }
0x32: {  	s10 =	sld [smem:$0x3FA9];
	_ =	sdelay $0x3  }
0x33: {  	p0 =	seq.s32 s10, $0x1;
	s10 =	sld [smem:$0x3FAB];
	_ =	sdelay $0x3  }
0x34: {  	[smem:$0x3FAB] =	sst s10  }
0x35: {  	s10 =	sld [smem:$0x3FAA];
	_ =	sdelay $0x3  }
0x36: {  	p1 =	seq.s32 s10, $0x1;
	s10 =	sld [smem:$0x3FAB];
	_ =	sdelay $0x3  }
0x37: {  	[smem:$0x3FAB] =	sst s10  }
0x38: {  	s10 =	sld [smem:$0x3FAC]  }
0x39: {  	_ = 	snop;
	(pc) =	sbr.ind lr, $3  }
0x3a: {  	_ = 	snop  }
0x3b: {  	_ = 	snop  }
0x3c: {  	p2 =	seq.s32 s10, $0x1;
	s10 =	sld [smem:$0x3FAB]  }
0x3d: {  	_ =	shalt  }
0x3e: {  	_ =	shalt  }
0x3f: {  	_ =	shalt  }
0x40: {  	_ =	shalt  }
0x41: {  	_ =	shalt  }
0x42: {  	_ =	shalt  }
0x43: {  	_ =	shalt  }
0x44: {  	_ =	shalt  }
0x45: {  	_ =	shalt  }
0x46: {  	_ =	shalt  }
0x47: {  	_ =	shalt  }
0x48: {  	_ =	shalt  }
0x49: {  	_ =	shalt  }
0x4a: {  	_ =	shalt  }
0x4b: {  	_ =	shalt  }
0x4c: {  	_ =	shalt  }
0x4d: {  	_ =	shalt  }
0x4e: {  	_ =	shalt  }
0x4f: {  	_ =	shalt  }
0x50: {  	_ =	shalt  }
0x51: {  	_ =	shalt  }
0x52: {  	_ =	shalt  }
0x53: {  	_ =	shalt  }
0x54: {  	_ =	shalt  }
0x55: {  	_ =	shalt  }
0x56: {  	_ =	shalt  }
0x57: {  	_ =	shalt  }
0x58: {  	_ =	shalt  }
0x59: {  	_ =	shalt  }
0x5a: {  	_ =	shalt  }
0x5b: {  	_ =	shalt  }
0x5c: {  	_ =	shalt  }
0x5d: {  	_ =	shalt  }
0x5e: {  	_ =	shalt  }
0x5f: {  	_ =	shalt  }
0x60: {  	_ =	shalt  }
0x61: {  	_ =	shalt  }
0x62: {  	_ =	shalt  }
0x63: {  	_ =	shalt  }
0x64: {  	_ =	shalt  }
0x65: {  	_ =	shalt  }
0x66: {  	_ =	shalt  }
0x67: {  	_ =	shalt  }
0x68: {  	_ =	shalt  }
0x69: {  	_ =	shalt  }
0x6a: {  	_ =	shalt  }
0x6b: {  	_ =	shalt  }
0x6c: {  	_ =	shalt  }
0x6d: {  	_ =	shalt  }
0x6e: {  	_ =	shalt  }
0x6f: {  	_ =	shalt  }
0x70: {  	_ =	shalt  }
0x71: {  	_ =	shalt  }
0x72: {  	_ =	shalt  }
0x73: {  	_ =	shalt  }
0x74: {  	_ =	shalt  }
0x75: {  	_ =	shalt  }
0x76: {  	_ =	shalt  }
0x77: {  	_ =	shalt  }
0x78: {  	_ =	shalt  }
0x79: {  	_ =	shalt  }
0x7a: {  	_ =	shalt  }
0x7b: {  	_ =	shalt  }
0x7c: {  	_ =	shalt  }
0x7d: {  	_ =	shalt  }
0x7e: {  	_ =	shalt  }
0x7f: {  	_ =	shalt  }
0x80: {  	_ =	shalt  }
0x81: {  	_ =	shalt  }
0x82: {  	_ =	shalt  }
0x83: {  	_ =	shalt  }
0x84: {  	_ =	shalt  }
0x85: {  	_ =	shalt  }
0x86: {  	_ =	shalt  }
0x87: {  	_ =	shalt  }
.Lfunc_end0:
.L_simem_size_0:
called_computation.2_lowered:
.L_overlay_start_0:
0x88: {  	s2 =	sld [smem:$0x3FD9]  }
0x89: {  	s3 =	sld [smem:$0x3FFE];
	_ =	sdelay $0x1  }
0x8a: {  	s1 =	srdreg.scid  }
0x8b: {  	s0 =	sand.u32 $0x1, s1  }
0x8c: {  	s16 =	sshll.u32 s0, $0xA;
	s2 =	sadd.s32 s3, s2  }
0x8d: {  	s2 =	sadd.s32 s2, s16  }
0x8e: {  	[smem:$0x3FB7] =	sst s2  }
0x8f: {  	_ = 	snop  }
0x90: {  	(tm) =	ssettm $0x1  }
0x91: {  	s17 =	sld [smem:$0x3FFB];
	_ =	sdelay $0x3  }
0x92: {  	_ =	strace s17  }
0x93: {  	s2 =	sld [smem:$0x3FFC];
	_ =	sdelay $0x3  }
0x94: {  	_ =	strace s2  }
0x95: {  	s2 =	sld [smem:$0x3FFD];
	_ =	sdelay $0x3  }
0x96: {  	_ =	strace s2  }
0x97: {  	_ =	strace $0x8FFFFFFF  }
0x98: {  	s18 =	sld [smem:$0x3FDB];
	_ =	sdelay $0x1  }
0x99: {  	s19 =	simm.s32 $_scs_section_size  }
0x9a: {  	s4 =	simm.s32 $_size__tile_overlayer_lowered;
	s5 =	simm.s32 $_tile_overlayer_lowered  }
0x9b: {  	s22 =	simm.s32 $0x1BFF;
	s21 =	sshll.u32 s5, $0x1;
	s2 =	sadd.s32 s19, s18  }
0x9c: {  	s6 =	simm.s32 $0x0;
	s20 =	sshll.u32 s4, $0x1;
	s4 =	sadd.s32 s21, s2  }
0x9d: {  	[timem:s6], [sflag:s22] =	dma.local [hbm:s4], s20  }
0x9e: {  	_ =	swait.ge [sflag:s22], s20  }
0x9f: {  	s3 =	ssub.s32 $0x0, s20;
	[sflag:s22] =	ssyncset.done $0x0  }
0xa0: {  	[sflag:s22] =	ssyncadd.s32 s3;
	_ =	sdelay $0x1  }
0xa1: {  	s23 =	simm.s32 $0x1B8B  }
0xa2: {  	_ =	swait.ge [sflag:s23], $0x1  }
0xa3: {  	[sflag:s23] =	ssyncset.done $0x0  }
0xa4: {  	s25 =	simm.s32 $0x1B8E;
	s24 =	sld [smem:$0x3FFE];
	[sflag:s23] =	ssyncadd.s32 $0xFFFFFFFF  }
0xa5: {  	s26 =	simm.s32 $execute0_lowered;
	[smem:$0x3FD2] =	sst s25  }
0xa6: {  	s4 =	sshll.u32 s26, $0x1;
	_ =	strace $0x8000004C;
	[dreg:$0x1] =	wrdreg $0xFFFFFFFF  }
0xa7: {  	s28 =	simm.s32 $_size_execute0_lowered;
	s2 =	sadd.s32 s2, s4;
	[dreg:$0x0] =	wrdreg $0x0  }
0xa8: {  	s4 =	sshll.u32 s28, $0x1;
	[dreg:$0x2] =	wrdreg s2  }
0xa9: {  	[dreg:$0x3] =	wrdreg s4  }
0xaa: {  	[dreg:$0x4] =	wrdreg $0xC0  }
0xab: {  	_ =	task [dreg:s6], $0x5FFFF  }
0xac: {  	[dreg:$0x1] =	wrdreg $0xFFFFFFFF  }
0xad: {  	[dreg:$0x0] =	wrdreg $0x60  }
0xae: {  	[dreg:$0x2] =	wrdreg s24  }
0xaf: {  	[dreg:$0x3] =	wrdreg $0xA8000  }
0xb0: {  	[dreg:$0x4] =	wrdreg $0x9  }
0xb1: {  	_ =	task.clear_ibuf [dreg:s6], $0x5FFFF;
	_ =	strace $0x9000004C  }
0xb2: {  	s29 =	simm.s32 $0x9;
	_ =	strace $0x8000004E  }
0xb3: {  	_ =	swait.ge [sflag:s29], $0x1  }
0xb4: {  	[sflag:s29] =	ssyncadd.s32 $0xFFFFFFFF  }
0xb5: {  	_ =	strace $0x9000004E  }
0xb6: {  	_ =	sfence  }
0xb7: {  	s30 =	sld [smem:$0x0];
	_ =	sdelay $0x2  }
0xb8: {  	s31 =	sshll.u32 s1, $0xD;
	s1 =	sshrl.u32 s1, $0x2  }
0xb9: {  	s3 =	sand.u32 $0x4000, s31;
	s1 =	sadd.s32 s1, s30  }
0xba: {  	s0 =	sor.u32 s3, s0;
	s1 =	sshll.u32 s1, $0x11  }
0xbb: {  	s0 =	sor.u32 s1, s0  }
0xbc: {  	s0 =	sadd.s32 $0x8F2B, s0  }
0xbd: {  	[sflag:s0] =	ssyncadd.remote.s32 $0x1  }
0xbe: {  	_ =	sfence.sel $0xFFFF  }
0xbf: {  	[dreg:$0x0] =	wrdreg $0xFFFFFFFF;
	(pc) =	sbr.abs _section_cstart, $3  }
0xc0: {  	[dreg:$0x1] =	wrdreg $0xFFFFFFFF  }
0xc1: {  	_ =	task.clear_ibuf [dreg:s6], $0x2FFFF;
	_ =	strace $0x9FFFFFFF  }
0xc2: {  	(tm) =	ssettm $0x7FFFFFFF  }
0xc3: {  	_ =	shalt  }
tec
execute0_lowered:
.L_overlay_start_1:
0x0: {  	(tag) =	ssettag $0x1  }
0x1: {  	s6 =	rddreg [dreg:$0x0]  }
0x2: {  	s2 =	rddreg [dreg:$0x1]  }
0x3: {  	s0 =	srdreg.scid;
	s1 =	rddreg [dreg:$0x2]  }
0x4: {  	s3 =	simm.s32 $0x0;
	s14 =	simm.s32 $0x80;
	s5 =	sand.u32 $0x1, s0  }
0x5: {  	s15 =	simm.s32 $0x2800;
	s0 =	stileid.u32;
	s4 =	smul.u32 $0x14000, s5  }
0x6: {  	s16 =	simm.s32 $0x6800;
	s17 =	simm.s32 $0x1;
	s7 =	smul.u32 $0x1400, s0  }
0x7: {  	s18 =	simm.s32 $0x2700;
	s19 =	simm.s32 $0x2780;
	s8 =	smul.u32 $0x140000, s5  }
0x8: {  	s20 =	simm.s32 $0x0;
	[smem:$0x7FF] =	sst s3;
	s9 =	smul.u32 $0x14000, s0  }
0x9: {  	_ =	strace $0x8000004D;
	s30 =	ssub.s32 $0x2, s5;
	s11 =	smul.u32 $0x50000, s0  }
0xa: {  	s5 =	sadd.s32 $0x39000, s6;
	s12 =	sshll.u32 s0, $0x6;
	s10 =	sshrl.u32 s30, $0x1  }
0xb: {  	s12 =	sor.u32 $0x1C02, s12;
	s7 =	sadd.s32 s7, s4;
	s4 =	sadd.s32 $0x6200, s6  }
0xc: {  	s8 =	sadd.s32 s9, s8;
	s9 =	ssub.s32 s30, s10;
	s31 =	sshrl.u32 s11, $0x2  }
0xd: {  	s10 =	simm.s32 $0x2;
	s11 =	simm.s32 $0x1400;
	s7 =	sshrl.u32 s7, $0x3  }
0xe: {  	s8 =	sshrl.u32 s8, $0x3;
	s13 =	sadd.s32 s31, s2;
	s9 =	smax.u32 s9, $0x1  }
0xf: {  	s7 =	sadd.s32 s7, s6;
	s8 =	sadd.s32 s8, s6;
	s13 =	sshrl.u32 s13, $0x3  }
0x10: {  	s6 =	sadd.s32 $0x2F000, s7;
	s7 =	sadd.s32 $0x34000, s7;
	s8 =	sadd.s32 $0x3B800, s8  }
.LBB2_1:
0x11: {  	[tilespmem:s3], [sflag:$0x2] =	stream.linear.gather [hbm4b:s6+s3], $0x1400, $0x38;
	[tilespmem:$0x1E800] =	vst v63  }
0x12: {  	_ =	swait.ge [sflag:s10], $0x1400  }
0x13: {  	[sflag:s10] =	ssyncset.done $0x0  }
0x14: {  	[sflag:s10] =	ssyncadd.s32 $0xFFFFEC00  }
0x15: {  	[tilespmem:s11], [sflag:$0x2] =	stream.linear.gather [hbm4b:s7+s3], $0x1400, $0x38;
	[tilespmem:$0x1E800] =	vst v63  }
0x16: {  	_ =	swait.ge [sflag:s10], $0x1400  }
0x17: {  	[sflag:s10] =	ssyncset.done $0x0  }
0x18: {  	[sflag:s10] =	ssyncadd.s32 $0xFFFFEC00  }
0x19: {  	[spmem:s13], [sflag:s12] =	dma.local [hbm:s5], $0x2800  }
0x1a: {  	_ =	swait.ge [sflag:s10], $0x2800  }
0x1b: {  	[sflag:s10] =	ssyncset.done $0x0  }
0x1c: {  	[sflag:s10] =	ssyncadd.s32 $0xFFFFD800  }
0x1d: {  	[bflag:$0x0] =	sbarrier.arrive $0xFFFF  }
0x1e: {  	[tilespmem:s15], [sflag:$0x1] =	stream.indirect.gather [hbm4b:s4+s14], $0x80, s3, s14, $0xb8;
	[tilespmem:$0x1E800] =	vst v63  }
0x1f: {  	_ = 	snop  }
0x20: {  	[tilespmem:s16], [sflag:$0x1] =	stream.indirect.gather [hbm4b:s4+s14], $0x80, s14, s14, $0xb8;
	[tilespmem:$0x1E800] =	vst v63  }
0x21: {  	_ =	swait.ge [sflag:s17], $0x4000  }
0x22: {  	[sflag:s17] =	ssyncset.done $0x0  }
0x23: {  	s21 =	simm.s32 $0x1400;
	[sflag:s17] =	ssyncadd.s32 $0xFFFFC000  }
0x24: {  	[spmem:s2] =	stream.indirect.scatter.add.f32 [tilespmem:s15], [sflag:$0x2], $0x80, s21, s14, $0xb8;
	[tilespmem:$0x1E800] =	vst v63  }
0x25: {  	_ =	swait.ge [sflag:s10], $0x4000  }
0x26: {  	[sflag:s10] =	ssyncset.done $0x0  }
0x27: {  	s30 =	simm.s32 $0x100;
	[sflag:s10] =	ssyncadd.s32 $0xFFFFC000  }
0x28: {  	[tilespmem:s15], [sflag:$0x1] =	stream.indirect.gather [hbm4b:s4+s14], $0x80, s30, s14, $0xb8;
	[tilespmem:$0x1E800] =	vst v63  }
0x29: {  	_ =	swait.ge [sflag:s17], $0x4000  }
0x2a: {  	[sflag:s17] =	ssyncset.done $0x0  }
0x2b: {  	s31 =	simm.s32 $0x1480;
	[sflag:s17] =	ssyncadd.s32 $0xFFFFC000  }
0x2c: {  	[spmem:s2] =	stream.indirect.scatter.add.f32 [tilespmem:s16], [sflag:$0x2], $0x80, s31, s14, $0xb8;
	[tilespmem:$0x1E800] =	vst v63  }
0x2d: {  	_ =	swait.ge [sflag:s10], $0x4000  }
0x2e: {  	[sflag:s10] =	ssyncset.done $0x0  }
0x2f: {  	s22 =	simm.s32 $0x180;
	s21 =	simm.s32 $0x400;
	[sflag:s10] =	ssyncadd.s32 $0xFFFFC000  }
.LBB2_2:
0x30: {  	[tilespmem:s16], [sflag:$0x1] =	stream.indirect.gather [hbm4b:s4+s14], $0x80, s22, s14, $0xb8;
	[tilespmem:$0x1E800] =	vst v63  }
0x31: {  	s22 =	smov.u32 s21  }
0x32: {  	p0 =	sne.s32 s21, $0x4800;
	s21 =	sadd.s32 $0x400, s21;
	_ =	swait.ge [sflag:s17], $0x4000  }
0x33: {  	s22 =	sshra.s32 s22, $0x2;
	[sflag:s17] =	ssyncset.done $0x0  }
0x34: {  	s23 =	sadd.s32 $0x1400, s22;
	[sflag:s17] =	ssyncadd.s32 $0xFFFFC000  }
0x35: {  	[spmem:s2] =	stream.indirect.scatter.add.f32 [tilespmem:s15], [sflag:$0x2], $0x80, s23, s14, $0xb8;
	[tilespmem:$0x1E800] =	vst v63  }
0x36: {  	_ =	swait.ge [sflag:s10], $0x4000  }
0x37: {  	[sflag:s10] =	ssyncset.done $0x0  }
0x38: {  	s23 =	sadd.s32 $0x100, s22;
	[sflag:s10] =	ssyncadd.s32 $0xFFFFC000  }
0x39: {  	[tilespmem:s15], [sflag:$0x1] =	stream.indirect.gather [hbm4b:s4+s14], $0x80, s23, s14, $0xb8;
	[tilespmem:$0x1E800] =	vst v63  }
0x3a: {  	_ =	swait.ge [sflag:s17], $0x4000  }
0x3b: {  	[sflag:s17] =	ssyncset.done $0x0  }
.Ltmp0:
0x3c: {  	s23 =	sadd.s32 $0x1480, s22;
	[sflag:s17] =	ssyncadd.s32 $0xFFFFC000;
	(pc) =	sbr.rel @p0 .LBB2_2-.Ltmp0, $4  }
0x3d: {  	[spmem:s2] =	stream.indirect.scatter.add.f32 [tilespmem:s16], [sflag:$0x2], $0x80, s23, s14, $0xb8;
	[tilespmem:$0x1E800] =	vst v63  }
0x3e: {  	_ =	swait.ge [sflag:s10], $0x4000  }
0x3f: {  	[sflag:s10] =	ssyncset.done $0x0  }
0x40: {  	s22 =	sadd.s32 $0x180, s22;
	[sflag:s10] =	ssyncadd.s32 $0xFFFFC000  }
0x41: {  	[tilespmem:s16], [sflag:$0x1] =	stream.indirect.gather [hbm4b:s4+s14], $0x80, s22, s14, $0xb8;
	[tilespmem:$0x1E800] =	vst v63  }
0x42: {  	_ =	swait.ge [sflag:s17], $0x4000  }
0x43: {  	[sflag:s17] =	ssyncset.done $0x0  }
0x44: {  	[sflag:s17] =	ssyncadd.s32 $0xFFFFC000  }
0x45: {  	[spmem:s2] =	stream.indirect.scatter.add.f32 [tilespmem:s15], [sflag:$0x2], $0x80, s18, s14, $0xb8;
	[tilespmem:$0x1E800] =	vst v63  }
0x46: {  	_ =	swait.ge [sflag:s10], $0x4000  }
0x47: {  	[sflag:s10] =	ssyncset.done $0x0  }
0x48: {  	[sflag:s10] =	ssyncadd.s32 $0xFFFFC000  }
0x49: {  	_ =	swait.ge [sflag:s17], $0x4000  }
0x4a: {  	[sflag:s17] =	ssyncset.done $0x0  }
0x4b: {  	[sflag:s17] =	ssyncadd.s32 $0xFFFFC000  }
0x4c: {  	[spmem:s2] =	stream.indirect.scatter.add.f32 [tilespmem:s16], [sflag:$0x2], $0x80, s19, s14, $0xb8;
	[tilespmem:$0x1E800] =	vst v63  }
0x4d: {  	_ =	swait.ge [sflag:s10], $0x4000  }
0x4e: {  	s20 =	sadd.s32 $0x1, s20;
	[sflag:s10] =	ssyncset.done $0x0  }
0x4f: {  	p0 =	sne.s32 s20, s9;
	[sflag:s10] =	ssyncadd.s32 $0xFFFFC000  }
.Ltmp1:
0x50: {  	[bflag:$0x0] =	sbarrier.arrive $0xFFFF;
	(pc) =	sbr.rel @p0 .LBB2_1-.Ltmp1, $4  }
0x51: {  	[hbm:s8], [sflag:s12] =	dma.local [spmem:s13], $0x2800  }
0x52: {  	_ =	swait.ge [sflag:s10], $0x2800  }
0x53: {  	[sflag:s10] =	ssyncset.done $0x0  }
0x54: {  	[sflag:s10] =	ssyncadd.s32 $0xFFFFD800  }
0x55: {  	_ =	sfence.sel $0x180000  }
0x56: {  	[bflag:$0x0] =	sbarrier.arrive $0xFFFF  }
0x57: {  	p0 =	sne.s32 s0, $0x0;
	_ =	strace $0x9000004D  }
0x58: {  	s0 =	sadd.s32 @!p0 $0x100000, s1;
	[bflag:$0x2] =	sbarrier.arrive $0xFFFF  }
0x59: {  	[sflag:s0] =	ssyncadd.tile.s32 @!p0 $0x1;
	_ =	shalt  }
.Lfunc_end2:
_tile_overlayer_lowered:
.L_overlay_start_2:
0x5a: {  	(tag) =	ssettag $0x2  }
0x5b: {  	s0 =	rddreg [dreg:$0x0];
	s2 =	stileid.u32  }
0x5c: {  	s1 =	rddreg [dreg:$0x1];
	p0 =	sne.s32 s2, $0x0  }
0x5d: {  	s3 =	rddreg [dreg:$0x2];
	[bflag:$0x3] =	sbarrier.arrive $0xFFFF;
	s2 =	simm.s32 @!p0 $0x1C02  }
0x5e: {  	[timem:s3], [sflag:s2] =	dma.local @!p0 [hbm:s0], s1  }
0x5f: {  	s0 =	simm.s32 @!p0 $0x2  }
0x60: {  	_ =	swait.ge @!p0 [sflag:s0], s1  }
0x61: {  	s1 =	ssub.s32 @!p0 $0x0, s1;
	[sflag:s0] =	ssyncset.done @!p0 $0x0  }
0x62: {  	[sflag:s0] =	ssyncadd.s32 @!p0 s1  }
0x63: {  	[bflag:$0x3] =	sbarrier.arrive $0xFFFF  }
0x64: {  	_ =	shalt  }

// kernel: kernel.27.cloned.1.call-start
scs
__scs_entry_jumppad:
0x0: {  	(pc) =	sbr.rel $0x88, $3  }
0x1: {  	(tag) =	ssettag $0x0;
	lr =	simm.s32 $0x1  }
0x2: {  	[smem:$0x3F90] =	sst lr;
	_ =	strace $0xD0000000  }
0x3: {  	_ = 	snop  }
0x4: {  	_ = 	snop  }
0x5: {  	_ = 	snop  }
0x6: {  	_ = 	snop  }
0x7: {  	_ = 	snop  }
__scs_overlays_trampoline_lowered:
0x8: {  	[smem:$0x3F9F] =	sst s0  }
0x9: {  	[smem:$0x3FA0] =	sst s1  }
0xa: {  	[smem:$0x3FA1] =	sst s2  }
0xb: {  	[smem:$0x3FA2] =	sst s3  }
0xc: {  	[smem:$0x3FA3] =	sst s4  }
0xd: {  	[smem:$0x3FA4] =	sst s5  }
0xe: {  	[smem:$0x3FA5] =	sst s6  }
0xf: {  	[smem:$0x3FA6] =	sst s7  }
0x10: {  	[smem:$0x3FA7] =	sst s8  }
0x11: {  	[smem:$0x3FA8] =	sst s9;
	s0 =	simm.s32 @!p0 $0x0  }
0x12: {  	s1 =	sld [smem:$0x3F8E];
	s0 =	simm.s32 @p0 $0x1  }
0x13: {  	[smem:$0x3FA9] =	sst s0;
	s0 =	simm.s32 @!p1 $0x0  }
0x14: {  	s2 =	sld [smem:$0x3F8D];
	s0 =	simm.s32 @p1 $0x1  }
0x15: {  	[smem:$0x3FAA] =	sst s0;
	s0 =	simm.s32 @!p2 $0x0  }
0x16: {  	s3 =	sld [smem:$0x3FDB];
	s0 =	simm.s32 @p2 $0x1  }
0x17: {  	s4 =	simm.s32 $0x1BF5;
	[smem:$0x3FAC] =	sst s0  }
0x18: {  	s0 =	sld [smem:$0x3F8F];
	_ =	swait.ge [sflag:s4], $0x0  }
0x19: {  	s7 =	sld [smem:$0x3F90]  }
0x1a: {  	s8 =	sadd.s32 $0xFFFFE003, lr  }
0x1b: {  	s9 =	sadd.s32 $0xFFFFFEF7, lr;
	s5 =	simm.s32 $0xFFFFFFFF;
	p2 =	slt.u32 s8, $0xFFFFF086  }
0x1c: {  	p1 =	slt.u32 s9, $0xF7A;
	s5 =	simm.s32 @!p2 $0x0  }
0x1d: {  	s5 =	simm.s32 @p1 $0x1;
	p0 =	seq.s32 s7, s2  }
0x1e: {  	s7 =	smul.u32 @!p0 $0xF7A, s2;
	p2 =	seq.s32 @!p0 s5, $0x0  }
0x1f: {  	s9 =	smul.u32 $0xF7A, s1;
	s8 =	simm.s32 @!p0 $0x1BF5;
	p2 =	por !p2, p0  }
0x20: {  	[sflag:s8] =	ssyncset.s32 @!p0 $0xFFFFF086;
	s6 =	sadd.s32 @!p0 s3, s7;
	s7 =	simm.s32 @!p0 $0x108  }
0x21: {  	s3 =	sadd.s32 s3, s9;
	s6 =	sadd.s32 @!p0 $0x88, s6;
	s7 =	simm.s32 @p2 $0x1082  }
0x22: {  	[simem:s7], [sflag:s8] =	dma.local @!p0 [hbm:s6], $0xF7A  }
0x23: {  	s9 =	sor.u32 $0xD0000000, s2;
	s6 =	simm.s32 $0x108;
	_ =	swait.ge @!p0 [sflag:s8], $0x0  }
0x24: {  	s3 =	sadd.s32 $0x88, s3;
	s6 =	simm.s32 @!p1 $0x1082;
	[sflag:s4] =	ssyncset.s32 $0xFFFFF086  }
0x25: {  	[simem:s6], [sflag:s4] =	dma.local [hbm:s3], $0xF7A  }
0x26: {  	[smem:$0x3F90] =	sst s1;
	(tag) =	ssettag s2;
	_ =	strace s9  }
0x27: {  	s1 =	sld [smem:$0x3FA0]  }
0x28: {  	s2 =	sld [smem:$0x3FA1]  }
0x29: {  	s4 =	sld [smem:$0x3FA3]  }
0x2a: {  	p0 =	seq.s32 s5, $0x0;
	s5 =	sld [smem:$0x3FA4]  }
0x2b: {  	s6 =	sld [smem:$0x3FA5]  }
0x2c: {  	s7 =	sld [smem:$0x3FA6]  }
0x2d: {  	s3 =	simm.s32 $0x108;
	s8 =	sld [smem:$0x3FA7]  }
0x2e: {  	s3 =	simm.s32 @!p0 $0x1082;
	s9 =	sld [smem:$0x3FA8]  }
0x2f: {  	lr =	sadd.s32 s0, s3;
	s0 =	sld [smem:$0x3F9F]  }
0x30: {  	s3 =	sld [smem:$0x3FA2]  }
0x31: {  	[smem:$0x3FAB] =	sst s10  }
0x32: {  	s10 =	sld [smem:$0x3FA9];
	_ =	sdelay $0x3  }
0x33: {  	p0 =	seq.s32 s10, $0x1;
	s10 =	sld [smem:$0x3FAB];
	_ =	sdelay $0x3  }
0x34: {  	[smem:$0x3FAB] =	sst s10  }
0x35: {  	s10 =	sld [smem:$0x3FAA];
	_ =	sdelay $0x3  }
0x36: {  	p1 =	seq.s32 s10, $0x1;
	s10 =	sld [smem:$0x3FAB];
	_ =	sdelay $0x3  }
0x37: {  	[smem:$0x3FAB] =	sst s10  }
0x38: {  	s10 =	sld [smem:$0x3FAC]  }
0x39: {  	_ = 	snop;
	(pc) =	sbr.ind lr, $3  }
0x3a: {  	_ = 	snop  }
0x3b: {  	_ = 	snop  }
0x3c: {  	p2 =	seq.s32 s10, $0x1;
	s10 =	sld [smem:$0x3FAB]  }
0x3d: {  	_ =	shalt  }
0x3e: {  	_ =	shalt  }
0x3f: {  	_ =	shalt  }
0x40: {  	_ =	shalt  }
0x41: {  	_ =	shalt  }
0x42: {  	_ =	shalt  }
0x43: {  	_ =	shalt  }
0x44: {  	_ =	shalt  }
0x45: {  	_ =	shalt  }
0x46: {  	_ =	shalt  }
0x47: {  	_ =	shalt  }
0x48: {  	_ =	shalt  }
0x49: {  	_ =	shalt  }
0x4a: {  	_ =	shalt  }
0x4b: {  	_ =	shalt  }
0x4c: {  	_ =	shalt  }
0x4d: {  	_ =	shalt  }
0x4e: {  	_ =	shalt  }
0x4f: {  	_ =	shalt  }
0x50: {  	_ =	shalt  }
0x51: {  	_ =	shalt  }
0x52: {  	_ =	shalt  }
0x53: {  	_ =	shalt  }
0x54: {  	_ =	shalt  }
0x55: {  	_ =	shalt  }
0x56: {  	_ =	shalt  }
0x57: {  	_ =	shalt  }
0x58: {  	_ =	shalt  }
0x59: {  	_ =	shalt  }
0x5a: {  	_ =	shalt  }
0x5b: {  	_ =	shalt  }
0x5c: {  	_ =	shalt  }
0x5d: {  	_ =	shalt  }
0x5e: {  	_ =	shalt  }
0x5f: {  	_ =	shalt  }
0x60: {  	_ =	shalt  }
0x61: {  	_ =	shalt  }
0x62: {  	_ =	shalt  }
0x63: {  	_ =	shalt  }
0x64: {  	_ =	shalt  }
0x65: {  	_ =	shalt  }
0x66: {  	_ =	shalt  }
0x67: {  	_ =	shalt  }
0x68: {  	_ =	shalt  }
0x69: {  	_ =	shalt  }
0x6a: {  	_ =	shalt  }
0x6b: {  	_ =	shalt  }
0x6c: {  	_ =	shalt  }
0x6d: {  	_ =	shalt  }
0x6e: {  	_ =	shalt  }
0x6f: {  	_ =	shalt  }
0x70: {  	_ =	shalt  }
0x71: {  	_ =	shalt  }
0x72: {  	_ =	shalt  }
0x73: {  	_ =	shalt  }
0x74: {  	_ =	shalt  }
0x75: {  	_ =	shalt  }
0x76: {  	_ =	shalt  }
0x77: {  	_ =	shalt  }
0x78: {  	_ =	shalt  }
0x79: {  	_ =	shalt  }
0x7a: {  	_ =	shalt  }
0x7b: {  	_ =	shalt  }
0x7c: {  	_ =	shalt  }
0x7d: {  	_ =	shalt  }
0x7e: {  	_ =	shalt  }
0x7f: {  	_ =	shalt  }
0x80: {  	_ =	shalt  }
0x81: {  	_ =	shalt  }
0x82: {  	_ =	shalt  }
0x83: {  	_ =	shalt  }
0x84: {  	_ =	shalt  }
0x85: {  	_ =	shalt  }
0x86: {  	_ =	shalt  }
0x87: {  	_ =	shalt  }
.Lfunc_end0:
.L_simem_size_0:
called_computation.3_lowered:
.L_overlay_start_0:
0x88: {  	s2 =	sld [smem:$0x3FD9]  }
0x89: {  	s3 =	sld [smem:$0x3FFE];
	_ =	sdelay $0x1  }
0x8a: {  	s1 =	srdreg.scid  }
0x8b: {  	s0 =	sand.u32 $0x1, s1  }
0x8c: {  	s16 =	sshll.u32 s0, $0xA;
	s2 =	sadd.s32 s3, s2  }
0x8d: {  	s2 =	sadd.s32 s2, s16  }
0x8e: {  	[smem:$0x3FB7] =	sst s2  }
0x8f: {  	_ = 	snop  }
0x90: {  	(tm) =	ssettm $0x1  }
0x91: {  	s17 =	sld [smem:$0x3FFB];
	_ =	sdelay $0x3  }
0x92: {  	_ =	strace s17  }
0x93: {  	s2 =	sld [smem:$0x3FFC];
	_ =	sdelay $0x3  }
0x94: {  	_ =	strace s2  }
0x95: {  	s2 =	sld [smem:$0x3FFD];
	_ =	sdelay $0x3  }
0x96: {  	_ =	strace s2  }
0x97: {  	_ =	strace $0x8FFFFFFF  }
0x98: {  	s18 =	sld [smem:$0x3FDB];
	_ =	sdelay $0x1  }
0x99: {  	s19 =	simm.s32 $_scs_section_size  }
0x9a: {  	s4 =	simm.s32 $_size__tile_overlayer_lowered;
	s5 =	simm.s32 $_tile_overlayer_lowered  }
0x9b: {  	s22 =	simm.s32 $0x1BFF;
	s21 =	sshll.u32 s5, $0x1;
	s2 =	sadd.s32 s19, s18  }
0x9c: {  	s6 =	simm.s32 $0x0;
	s20 =	sshll.u32 s4, $0x1;
	s4 =	sadd.s32 s21, s2  }
0x9d: {  	[timem:s6], [sflag:s22] =	dma.local [hbm:s4], s20  }
0x9e: {  	_ =	swait.ge [sflag:s22], s20  }
0x9f: {  	s3 =	ssub.s32 $0x0, s20;
	[sflag:s22] =	ssyncset.done $0x0  }
0xa0: {  	[sflag:s22] =	ssyncadd.s32 s3;
	_ =	sdelay $0x1  }
0xa1: {  	s23 =	simm.s32 $0x1B8B  }
0xa2: {  	_ =	swait.ge [sflag:s23], $0x1  }
0xa3: {  	[sflag:s23] =	ssyncset.done $0x0  }
0xa4: {  	s25 =	simm.s32 $0x1B8E;
	s24 =	sld [smem:$0x3FFE];
	[sflag:s23] =	ssyncadd.s32 $0xFFFFFFFF  }
0xa5: {  	s26 =	simm.s32 $execute0_lowered;
	[smem:$0x3FD2] =	sst s25  }
0xa6: {  	s4 =	sshll.u32 s26, $0x1;
	_ =	strace $0x8000004F;
	[dreg:$0x1] =	wrdreg $0xFFFFFFFF  }
0xa7: {  	s28 =	simm.s32 $_size_execute0_lowered;
	s2 =	sadd.s32 s2, s4;
	[dreg:$0x0] =	wrdreg $0x0  }
0xa8: {  	s4 =	sshll.u32 s28, $0x1;
	[dreg:$0x2] =	wrdreg s2  }
0xa9: {  	[dreg:$0x3] =	wrdreg s4  }
0xaa: {  	[dreg:$0x4] =	wrdreg $0xC0  }
0xab: {  	_ =	task [dreg:s6], $0x5FFFF  }
0xac: {  	[dreg:$0x1] =	wrdreg $0xFFFFFFFF  }
0xad: {  	[dreg:$0x0] =	wrdreg $0x60  }
0xae: {  	[dreg:$0x2] =	wrdreg s24  }
0xaf: {  	[dreg:$0x3] =	wrdreg $0xA8000  }
0xb0: {  	[dreg:$0x4] =	wrdreg $0x9  }
0xb1: {  	_ =	task.clear_ibuf [dreg:s6], $0x5FFFF;
	_ =	strace $0x9000004F  }
0xb2: {  	s29 =	simm.s32 $0x9;
	_ =	strace $0x80000051  }
0xb3: {  	_ =	swait.ge [sflag:s29], $0x1  }
0xb4: {  	[sflag:s29] =	ssyncadd.s32 $0xFFFFFFFF  }
0xb5: {  	_ =	strace $0x90000051  }
0xb6: {  	_ =	sfence  }
0xb7: {  	s30 =	sld [smem:$0x0];
	_ =	sdelay $0x2  }
0xb8: {  	s31 =	sshll.u32 s1, $0xD;
	s1 =	sshrl.u32 s1, $0x2  }
0xb9: {  	s3 =	sand.u32 $0x4000, s31;
	s1 =	sadd.s32 s1, s30  }
0xba: {  	s0 =	sor.u32 s3, s0;
	s1 =	sshll.u32 s1, $0x11  }
0xbb: {  	s0 =	sor.u32 s1, s0  }
0xbc: {  	s0 =	sadd.s32 $0x8F2B, s0  }
0xbd: {  	[sflag:s0] =	ssyncadd.remote.s32 $0x1  }
0xbe: {  	_ =	sfence.sel $0xFFFF  }
0xbf: {  	[dreg:$0x0] =	wrdreg $0xFFFFFFFF;
	(pc) =	sbr.abs _section_cstart, $3  }
0xc0: {  	[dreg:$0x1] =	wrdreg $0xFFFFFFFF  }
0xc1: {  	_ =	task.clear_ibuf [dreg:s6], $0x2FFFF;
	_ =	strace $0x9FFFFFFF  }
0xc2: {  	(tm) =	ssettm $0x7FFFFFFF  }
0xc3: {  	_ =	shalt  }
tec
execute0_lowered:
.L_overlay_start_1:
0x0: {  	(tag) =	ssettag $0x1  }
0x1: {  	s6 =	rddreg [dreg:$0x0]  }
0x2: {  	s2 =	rddreg [dreg:$0x1]  }
0x3: {  	s0 =	srdreg.scid;
	s1 =	rddreg [dreg:$0x2]  }
0x4: {  	s3 =	simm.s32 $0x0;
	s14 =	simm.s32 $0x80;
	s5 =	sand.u32 $0x1, s0  }
0x5: {  	s15 =	simm.s32 $0x2800;
	s0 =	stileid.u32;
	s4 =	smul.u32 $0x14000, s5  }
0x6: {  	s16 =	simm.s32 $0x6800;
	s17 =	simm.s32 $0x1;
	s7 =	smul.u32 $0x1400, s0  }
0x7: {  	s18 =	simm.s32 $0x2700;
	s19 =	simm.s32 $0x2780;
	s8 =	smul.u32 $0x140000, s5  }
0x8: {  	s20 =	simm.s32 $0x0;
	[smem:$0x7FF] =	sst s3;
	s9 =	smul.u32 $0x14000, s0  }
0x9: {  	_ =	strace $0x80000050;
	s30 =	ssub.s32 $0x2, s5;
	s11 =	smul.u32 $0x50000, s0  }
0xa: {  	s5 =	sadd.s32 $0x39000, s6;
	s12 =	sshll.u32 s0, $0x6;
	s10 =	sshrl.u32 s30, $0x1  }
0xb: {  	s12 =	sor.u32 $0x1C02, s12;
	s7 =	sadd.s32 s7, s4;
	s4 =	sadd.s32 $0x6200, s6  }
0xc: {  	s8 =	sadd.s32 s9, s8;
	s9 =	ssub.s32 s30, s10;
	s31 =	sshrl.u32 s11, $0x2  }
0xd: {  	s10 =	simm.s32 $0x2;
	s11 =	simm.s32 $0x1400;
	s7 =	sshrl.u32 s7, $0x3  }
0xe: {  	s8 =	sshrl.u32 s8, $0x3;
	s13 =	sadd.s32 s31, s2;
	s9 =	smax.u32 s9, $0x1  }
0xf: {  	s7 =	sadd.s32 s7, s6;
	s8 =	sadd.s32 s8, s6;
	s13 =	sshrl.u32 s13, $0x3  }
0x10: {  	s6 =	sadd.s32 $0x34000, s7;
	s7 =	sadd.s32 $0x2F000, s7;
	s8 =	sadd.s32 $0x63800, s8  }
.LBB2_1:
0x11: {  	[tilespmem:s3], [sflag:$0x2] =	stream.linear.gather [hbm4b:s6+s3], $0x1400, $0x38;
	[tilespmem:$0x1E800] =	vst v63  }
0x12: {  	_ =	swait.ge [sflag:s10], $0x1400  }
0x13: {  	[sflag:s10] =	ssyncset.done $0x0  }
0x14: {  	[sflag:s10] =	ssyncadd.s32 $0xFFFFEC00  }
0x15: {  	[tilespmem:s11], [sflag:$0x2] =	stream.linear.gather [hbm4b:s7+s3], $0x1400, $0x38;
	[tilespmem:$0x1E800] =	vst v63  }
0x16: {  	_ =	swait.ge [sflag:s10], $0x1400  }
0x17: {  	[sflag:s10] =	ssyncset.done $0x0  }
0x18: {  	[sflag:s10] =	ssyncadd.s32 $0xFFFFEC00  }
0x19: {  	[spmem:s13], [sflag:s12] =	dma.local [hbm:s5], $0x2800  }
0x1a: {  	_ =	swait.ge [sflag:s10], $0x2800  }
0x1b: {  	[sflag:s10] =	ssyncset.done $0x0  }
0x1c: {  	[sflag:s10] =	ssyncadd.s32 $0xFFFFD800  }
0x1d: {  	[bflag:$0x0] =	sbarrier.arrive $0xFFFF  }
0x1e: {  	[tilespmem:s15], [sflag:$0x1] =	stream.indirect.gather [hbm4b:s4+s14], $0x80, s3, s14, $0xb8;
	[tilespmem:$0x1E800] =	vst v63  }
0x1f: {  	_ = 	snop  }
0x20: {  	[tilespmem:s16], [sflag:$0x1] =	stream.indirect.gather [hbm4b:s4+s14], $0x80, s14, s14, $0xb8;
	[tilespmem:$0x1E800] =	vst v63  }
0x21: {  	_ =	swait.ge [sflag:s17], $0x4000  }
0x22: {  	[sflag:s17] =	ssyncset.done $0x0  }
0x23: {  	s21 =	simm.s32 $0x1400;
	[sflag:s17] =	ssyncadd.s32 $0xFFFFC000  }
0x24: {  	[spmem:s2] =	stream.indirect.scatter.add.f32 [tilespmem:s15], [sflag:$0x2], $0x80, s21, s14, $0xb8;
	[tilespmem:$0x1E800] =	vst v63  }
0x25: {  	_ =	swait.ge [sflag:s10], $0x4000  }
0x26: {  	[sflag:s10] =	ssyncset.done $0x0  }
0x27: {  	s30 =	simm.s32 $0x100;
	[sflag:s10] =	ssyncadd.s32 $0xFFFFC000  }
0x28: {  	[tilespmem:s15], [sflag:$0x1] =	stream.indirect.gather [hbm4b:s4+s14], $0x80, s30, s14, $0xb8;
	[tilespmem:$0x1E800] =	vst v63  }
0x29: {  	_ =	swait.ge [sflag:s17], $0x4000  }
0x2a: {  	[sflag:s17] =	ssyncset.done $0x0  }
0x2b: {  	s31 =	simm.s32 $0x1480;
	[sflag:s17] =	ssyncadd.s32 $0xFFFFC000  }
0x2c: {  	[spmem:s2] =	stream.indirect.scatter.add.f32 [tilespmem:s16], [sflag:$0x2], $0x80, s31, s14, $0xb8;
	[tilespmem:$0x1E800] =	vst v63  }
0x2d: {  	_ =	swait.ge [sflag:s10], $0x4000  }
0x2e: {  	[sflag:s10] =	ssyncset.done $0x0  }
0x2f: {  	s22 =	simm.s32 $0x180;
	s21 =	simm.s32 $0x400;
	[sflag:s10] =	ssyncadd.s32 $0xFFFFC000  }
.LBB2_2:
0x30: {  	[tilespmem:s16], [sflag:$0x1] =	stream.indirect.gather [hbm4b:s4+s14], $0x80, s22, s14, $0xb8;
	[tilespmem:$0x1E800] =	vst v63  }
0x31: {  	s22 =	smov.u32 s21  }
0x32: {  	p0 =	sne.s32 s21, $0x4800;
	s21 =	sadd.s32 $0x400, s21;
	_ =	swait.ge [sflag:s17], $0x4000  }
0x33: {  	s22 =	sshra.s32 s22, $0x2;
	[sflag:s17] =	ssyncset.done $0x0  }
0x34: {  	s23 =	sadd.s32 $0x1400, s22;
	[sflag:s17] =	ssyncadd.s32 $0xFFFFC000  }
0x35: {  	[spmem:s2] =	stream.indirect.scatter.add.f32 [tilespmem:s15], [sflag:$0x2], $0x80, s23, s14, $0xb8;
	[tilespmem:$0x1E800] =	vst v63  }
0x36: {  	_ =	swait.ge [sflag:s10], $0x4000  }
0x37: {  	[sflag:s10] =	ssyncset.done $0x0  }
0x38: {  	s23 =	sadd.s32 $0x100, s22;
	[sflag:s10] =	ssyncadd.s32 $0xFFFFC000  }
0x39: {  	[tilespmem:s15], [sflag:$0x1] =	stream.indirect.gather [hbm4b:s4+s14], $0x80, s23, s14, $0xb8;
	[tilespmem:$0x1E800] =	vst v63  }
0x3a: {  	_ =	swait.ge [sflag:s17], $0x4000  }
0x3b: {  	[sflag:s17] =	ssyncset.done $0x0  }
.Ltmp0:
0x3c: {  	s23 =	sadd.s32 $0x1480, s22;
	[sflag:s17] =	ssyncadd.s32 $0xFFFFC000;
	(pc) =	sbr.rel @p0 .LBB2_2-.Ltmp0, $4  }
0x3d: {  	[spmem:s2] =	stream.indirect.scatter.add.f32 [tilespmem:s16], [sflag:$0x2], $0x80, s23, s14, $0xb8;
	[tilespmem:$0x1E800] =	vst v63  }
0x3e: {  	_ =	swait.ge [sflag:s10], $0x4000  }
0x3f: {  	[sflag:s10] =	ssyncset.done $0x0  }
0x40: {  	s22 =	sadd.s32 $0x180, s22;
	[sflag:s10] =	ssyncadd.s32 $0xFFFFC000  }
0x41: {  	[tilespmem:s16], [sflag:$0x1] =	stream.indirect.gather [hbm4b:s4+s14], $0x80, s22, s14, $0xb8;
	[tilespmem:$0x1E800] =	vst v63  }
0x42: {  	_ =	swait.ge [sflag:s17], $0x4000  }
0x43: {  	[sflag:s17] =	ssyncset.done $0x0  }
0x44: {  	[sflag:s17] =	ssyncadd.s32 $0xFFFFC000  }
0x45: {  	[spmem:s2] =	stream.indirect.scatter.add.f32 [tilespmem:s15], [sflag:$0x2], $0x80, s18, s14, $0xb8;
	[tilespmem:$0x1E800] =	vst v63  }
0x46: {  	_ =	swait.ge [sflag:s10], $0x4000  }
0x47: {  	[sflag:s10] =	ssyncset.done $0x0  }
0x48: {  	[sflag:s10] =	ssyncadd.s32 $0xFFFFC000  }
0x49: {  	_ =	swait.ge [sflag:s17], $0x4000  }
0x4a: {  	[sflag:s17] =	ssyncset.done $0x0  }
0x4b: {  	[sflag:s17] =	ssyncadd.s32 $0xFFFFC000  }
0x4c: {  	[spmem:s2] =	stream.indirect.scatter.add.f32 [tilespmem:s16], [sflag:$0x2], $0x80, s19, s14, $0xb8;
	[tilespmem:$0x1E800] =	vst v63  }
0x4d: {  	_ =	swait.ge [sflag:s10], $0x4000  }
0x4e: {  	s20 =	sadd.s32 $0x1, s20;
	[sflag:s10] =	ssyncset.done $0x0  }
0x4f: {  	p0 =	sne.s32 s20, s9;
	[sflag:s10] =	ssyncadd.s32 $0xFFFFC000  }
.Ltmp1:
0x50: {  	[bflag:$0x0] =	sbarrier.arrive $0xFFFF;
	(pc) =	sbr.rel @p0 .LBB2_1-.Ltmp1, $4  }
0x51: {  	[hbm:s8], [sflag:s12] =	dma.local [spmem:s13], $0x2800  }
0x52: {  	_ =	swait.ge [sflag:s10], $0x2800  }
0x53: {  	[sflag:s10] =	ssyncset.done $0x0  }
0x54: {  	[sflag:s10] =	ssyncadd.s32 $0xFFFFD800  }
0x55: {  	_ =	sfence.sel $0x180000  }
0x56: {  	[bflag:$0x0] =	sbarrier.arrive $0xFFFF  }
0x57: {  	p0 =	sne.s32 s0, $0x0;
	_ =	strace $0x90000050  }
0x58: {  	s0 =	sadd.s32 @!p0 $0x100000, s1;
	[bflag:$0x2] =	sbarrier.arrive $0xFFFF  }
0x59: {  	[sflag:s0] =	ssyncadd.tile.s32 @!p0 $0x1;
	_ =	shalt  }
.Lfunc_end2:
_tile_overlayer_lowered:
.L_overlay_start_2:
0x5a: {  	(tag) =	ssettag $0x2  }
0x5b: {  	s0 =	rddreg [dreg:$0x0];
	s2 =	stileid.u32  }
0x5c: {  	s1 =	rddreg [dreg:$0x1];
	p0 =	sne.s32 s2, $0x0  }
0x5d: {  	s3 =	rddreg [dreg:$0x2];
	[bflag:$0x3] =	sbarrier.arrive $0xFFFF;
	s2 =	simm.s32 @!p0 $0x1C02  }
0x5e: {  	[timem:s3], [sflag:s2] =	dma.local @!p0 [hbm:s0], s1  }
0x5f: {  	s0 =	simm.s32 @!p0 $0x2  }
0x60: {  	_ =	swait.ge @!p0 [sflag:s0], s1  }
0x61: {  	s1 =	ssub.s32 @!p0 $0x0, s1;
	[sflag:s0] =	ssyncset.done @!p0 $0x0  }
0x62: {  	[sflag:s0] =	ssyncadd.s32 @!p0 s1  }
0x63: {  	[bflag:$0x3] =	sbarrier.arrive $0xFFFF  }
0x64: {  	_ =	shalt  }

// kernel: kernel.30.cloned.1.call-start
scs
__scs_entry_jumppad:
0x0: {  	(pc) =	sbr.rel $0x88, $3  }
0x1: {  	(tag) =	ssettag $0x0;
	lr =	simm.s32 $0x1  }
0x2: {  	[smem:$0x3F90] =	sst lr;
	_ =	strace $0xD0000000  }
0x3: {  	_ = 	snop  }
0x4: {  	_ = 	snop  }
0x5: {  	_ = 	snop  }
0x6: {  	_ = 	snop  }
0x7: {  	_ = 	snop  }
__scs_overlays_trampoline_lowered:
0x8: {  	[smem:$0x3F9F] =	sst s0  }
0x9: {  	[smem:$0x3FA0] =	sst s1  }
0xa: {  	[smem:$0x3FA1] =	sst s2  }
0xb: {  	[smem:$0x3FA2] =	sst s3  }
0xc: {  	[smem:$0x3FA3] =	sst s4  }
0xd: {  	[smem:$0x3FA4] =	sst s5  }
0xe: {  	[smem:$0x3FA5] =	sst s6  }
0xf: {  	[smem:$0x3FA6] =	sst s7  }
0x10: {  	[smem:$0x3FA7] =	sst s8  }
0x11: {  	[smem:$0x3FA8] =	sst s9;
	s0 =	simm.s32 @!p0 $0x0  }
0x12: {  	s1 =	sld [smem:$0x3F8E];
	s0 =	simm.s32 @p0 $0x1  }
0x13: {  	[smem:$0x3FA9] =	sst s0;
	s0 =	simm.s32 @!p1 $0x0  }
0x14: {  	s2 =	sld [smem:$0x3F8D];
	s0 =	simm.s32 @p1 $0x1  }
0x15: {  	[smem:$0x3FAA] =	sst s0;
	s0 =	simm.s32 @!p2 $0x0  }
0x16: {  	s3 =	sld [smem:$0x3FDB];
	s0 =	simm.s32 @p2 $0x1  }
0x17: {  	s4 =	simm.s32 $0x1BF5;
	[smem:$0x3FAC] =	sst s0  }
0x18: {  	s0 =	sld [smem:$0x3F8F];
	_ =	swait.ge [sflag:s4], $0x0  }
0x19: {  	s7 =	sld [smem:$0x3F90]  }
0x1a: {  	s8 =	sadd.s32 $0xFFFFE003, lr  }
0x1b: {  	s9 =	sadd.s32 $0xFFFFFEF7, lr;
	s5 =	simm.s32 $0xFFFFFFFF;
	p2 =	slt.u32 s8, $0xFFFFF086  }
0x1c: {  	p1 =	slt.u32 s9, $0xF7A;
	s5 =	simm.s32 @!p2 $0x0  }
0x1d: {  	s5 =	simm.s32 @p1 $0x1;
	p0 =	seq.s32 s7, s2  }
0x1e: {  	s7 =	smul.u32 @!p0 $0xF7A, s2;
	p2 =	seq.s32 @!p0 s5, $0x0  }
0x1f: {  	s9 =	smul.u32 $0xF7A, s1;
	s8 =	simm.s32 @!p0 $0x1BF5;
	p2 =	por !p2, p0  }
0x20: {  	[sflag:s8] =	ssyncset.s32 @!p0 $0xFFFFF086;
	s6 =	sadd.s32 @!p0 s3, s7;
	s7 =	simm.s32 @!p0 $0x108  }
0x21: {  	s3 =	sadd.s32 s3, s9;
	s6 =	sadd.s32 @!p0 $0x88, s6;
	s7 =	simm.s32 @p2 $0x1082  }
0x22: {  	[simem:s7], [sflag:s8] =	dma.local @!p0 [hbm:s6], $0xF7A  }
0x23: {  	s9 =	sor.u32 $0xD0000000, s2;
	s6 =	simm.s32 $0x108;
	_ =	swait.ge @!p0 [sflag:s8], $0x0  }
0x24: {  	s3 =	sadd.s32 $0x88, s3;
	s6 =	simm.s32 @!p1 $0x1082;
	[sflag:s4] =	ssyncset.s32 $0xFFFFF086  }
0x25: {  	[simem:s6], [sflag:s4] =	dma.local [hbm:s3], $0xF7A  }
0x26: {  	[smem:$0x3F90] =	sst s1;
	(tag) =	ssettag s2;
	_ =	strace s9  }
0x27: {  	s1 =	sld [smem:$0x3FA0]  }
0x28: {  	s2 =	sld [smem:$0x3FA1]  }
0x29: {  	s4 =	sld [smem:$0x3FA3]  }
0x2a: {  	p0 =	seq.s32 s5, $0x0;
	s5 =	sld [smem:$0x3FA4]  }
0x2b: {  	s6 =	sld [smem:$0x3FA5]  }
0x2c: {  	s7 =	sld [smem:$0x3FA6]  }
0x2d: {  	s3 =	simm.s32 $0x108;
	s8 =	sld [smem:$0x3FA7]  }
0x2e: {  	s3 =	simm.s32 @!p0 $0x1082;
	s9 =	sld [smem:$0x3FA8]  }
0x2f: {  	lr =	sadd.s32 s0, s3;
	s0 =	sld [smem:$0x3F9F]  }
0x30: {  	s3 =	sld [smem:$0x3FA2]  }
0x31: {  	[smem:$0x3FAB] =	sst s10  }
0x32: {  	s10 =	sld [smem:$0x3FA9];
	_ =	sdelay $0x3  }
0x33: {  	p0 =	seq.s32 s10, $0x1;
	s10 =	sld [smem:$0x3FAB];
	_ =	sdelay $0x3  }
0x34: {  	[smem:$0x3FAB] =	sst s10  }
0x35: {  	s10 =	sld [smem:$0x3FAA];
	_ =	sdelay $0x3  }
0x36: {  	p1 =	seq.s32 s10, $0x1;
	s10 =	sld [smem:$0x3FAB];
	_ =	sdelay $0x3  }
0x37: {  	[smem:$0x3FAB] =	sst s10  }
0x38: {  	s10 =	sld [smem:$0x3FAC]  }
0x39: {  	_ = 	snop;
	(pc) =	sbr.ind lr, $3  }
0x3a: {  	_ = 	snop  }
0x3b: {  	_ = 	snop  }
0x3c: {  	p2 =	seq.s32 s10, $0x1;
	s10 =	sld [smem:$0x3FAB]  }
0x3d: {  	_ =	shalt  }
0x3e: {  	_ =	shalt  }
0x3f: {  	_ =	shalt  }
0x40: {  	_ =	shalt  }
0x41: {  	_ =	shalt  }
0x42: {  	_ =	shalt  }
0x43: {  	_ =	shalt  }
0x44: {  	_ =	shalt  }
0x45: {  	_ =	shalt  }
0x46: {  	_ =	shalt  }
0x47: {  	_ =	shalt  }
0x48: {  	_ =	shalt  }
0x49: {  	_ =	shalt  }
0x4a: {  	_ =	shalt  }
0x4b: {  	_ =	shalt  }
0x4c: {  	_ =	shalt  }
0x4d: {  	_ =	shalt  }
0x4e: {  	_ =	shalt  }
0x4f: {  	_ =	shalt  }
0x50: {  	_ =	shalt  }
0x51: {  	_ =	shalt  }
0x52: {  	_ =	shalt  }
0x53: {  	_ =	shalt  }
0x54: {  	_ =	shalt  }
0x55: {  	_ =	shalt  }
0x56: {  	_ =	shalt  }
0x57: {  	_ =	shalt  }
0x58: {  	_ =	shalt  }
0x59: {  	_ =	shalt  }
0x5a: {  	_ =	shalt  }
0x5b: {  	_ =	shalt  }
0x5c: {  	_ =	shalt  }
0x5d: {  	_ =	shalt  }
0x5e: {  	_ =	shalt  }
0x5f: {  	_ =	shalt  }
0x60: {  	_ =	shalt  }
0x61: {  	_ =	shalt  }
0x62: {  	_ =	shalt  }
0x63: {  	_ =	shalt  }
0x64: {  	_ =	shalt  }
0x65: {  	_ =	shalt  }
0x66: {  	_ =	shalt  }
0x67: {  	_ =	shalt  }
0x68: {  	_ =	shalt  }
0x69: {  	_ =	shalt  }
0x6a: {  	_ =	shalt  }
0x6b: {  	_ =	shalt  }
0x6c: {  	_ =	shalt  }
0x6d: {  	_ =	shalt  }
0x6e: {  	_ =	shalt  }
0x6f: {  	_ =	shalt  }
0x70: {  	_ =	shalt  }
0x71: {  	_ =	shalt  }
0x72: {  	_ =	shalt  }
0x73: {  	_ =	shalt  }
0x74: {  	_ =	shalt  }
0x75: {  	_ =	shalt  }
0x76: {  	_ =	shalt  }
0x77: {  	_ =	shalt  }
0x78: {  	_ =	shalt  }
0x79: {  	_ =	shalt  }
0x7a: {  	_ =	shalt  }
0x7b: {  	_ =	shalt  }
0x7c: {  	_ =	shalt  }
0x7d: {  	_ =	shalt  }
0x7e: {  	_ =	shalt  }
0x7f: {  	_ =	shalt  }
0x80: {  	_ =	shalt  }
0x81: {  	_ =	shalt  }
0x82: {  	_ =	shalt  }
0x83: {  	_ =	shalt  }
0x84: {  	_ =	shalt  }
0x85: {  	_ =	shalt  }
0x86: {  	_ =	shalt  }
0x87: {  	_ =	shalt  }
.Lfunc_end0:
.L_simem_size_0:
called_computation.4_lowered:
.L_overlay_start_0:
0x88: {  	s2 =	sld [smem:$0x3FD9]  }
0x89: {  	s3 =	sld [smem:$0x3FFE];
	_ =	sdelay $0x1  }
0x8a: {  	s1 =	srdreg.scid  }
0x8b: {  	s0 =	sand.u32 $0x1, s1  }
0x8c: {  	s16 =	sshll.u32 s0, $0xA;
	s2 =	sadd.s32 s3, s2  }
0x8d: {  	s2 =	sadd.s32 s2, s16  }
0x8e: {  	[smem:$0x3FB7] =	sst s2  }
0x8f: {  	_ = 	snop  }
0x90: {  	(tm) =	ssettm $0x1  }
0x91: {  	s17 =	sld [smem:$0x3FFB];
	_ =	sdelay $0x3  }
0x92: {  	_ =	strace s17  }
0x93: {  	s2 =	sld [smem:$0x3FFC];
	_ =	sdelay $0x3  }
0x94: {  	_ =	strace s2  }
0x95: {  	s2 =	sld [smem:$0x3FFD];
	_ =	sdelay $0x3  }
0x96: {  	_ =	strace s2  }
0x97: {  	_ =	strace $0x8FFFFFFF  }
0x98: {  	s18 =	sld [smem:$0x3FDB];
	_ =	sdelay $0x1  }
0x99: {  	s19 =	simm.s32 $_scs_section_size  }
0x9a: {  	s4 =	simm.s32 $_size__tile_overlayer_lowered;
	s5 =	simm.s32 $_tile_overlayer_lowered  }
0x9b: {  	s22 =	simm.s32 $0x1BFF;
	s21 =	sshll.u32 s5, $0x1;
	s2 =	sadd.s32 s19, s18  }
0x9c: {  	s6 =	simm.s32 $0x0;
	s20 =	sshll.u32 s4, $0x1;
	s4 =	sadd.s32 s21, s2  }
0x9d: {  	[timem:s6], [sflag:s22] =	dma.local [hbm:s4], s20  }
0x9e: {  	_ =	swait.ge [sflag:s22], s20  }
0x9f: {  	s3 =	ssub.s32 $0x0, s20;
	[sflag:s22] =	ssyncset.done $0x0  }
0xa0: {  	[sflag:s22] =	ssyncadd.s32 s3;
	_ =	sdelay $0x1  }
0xa1: {  	s23 =	simm.s32 $0x1B8B  }
0xa2: {  	_ =	swait.ge [sflag:s23], $0x1  }
0xa3: {  	[sflag:s23] =	ssyncset.done $0x0  }
0xa4: {  	s25 =	simm.s32 $0x1B8E;
	s24 =	sld [smem:$0x3FFE];
	[sflag:s23] =	ssyncadd.s32 $0xFFFFFFFF  }
0xa5: {  	s26 =	simm.s32 $execute0_lowered;
	[smem:$0x3FD2] =	sst s25  }
0xa6: {  	s4 =	sshll.u32 s26, $0x1;
	_ =	strace $0x80000052;
	[dreg:$0x1] =	wrdreg $0xFFFFFFFF  }
0xa7: {  	s28 =	simm.s32 $_size_execute0_lowered;
	s2 =	sadd.s32 s2, s4;
	[dreg:$0x0] =	wrdreg $0x0  }
0xa8: {  	s4 =	sshll.u32 s28, $0x1;
	[dreg:$0x2] =	wrdreg s2  }
0xa9: {  	[dreg:$0x3] =	wrdreg s4  }
0xaa: {  	[dreg:$0x4] =	wrdreg $0xC0  }
0xab: {  	_ =	task [dreg:s6], $0x5FFFF  }
0xac: {  	[dreg:$0x1] =	wrdreg $0xFFFFFFFF  }
0xad: {  	[dreg:$0x0] =	wrdreg $0x60  }
0xae: {  	[dreg:$0x2] =	wrdreg s24  }
0xaf: {  	[dreg:$0x3] =	wrdreg $0xA8000  }
0xb0: {  	[dreg:$0x4] =	wrdreg $0x9  }
0xb1: {  	_ =	task.clear_ibuf [dreg:s6], $0x5FFFF;
	_ =	strace $0x90000052  }
0xb2: {  	s29 =	simm.s32 $0x9;
	_ =	strace $0x80000054  }
0xb3: {  	_ =	swait.ge [sflag:s29], $0x1  }
0xb4: {  	[sflag:s29] =	ssyncadd.s32 $0xFFFFFFFF  }
0xb5: {  	_ =	strace $0x90000054  }
0xb6: {  	_ =	sfence  }
0xb7: {  	s30 =	sld [smem:$0x0];
	_ =	sdelay $0x2  }
0xb8: {  	s31 =	sshll.u32 s1, $0xD;
	s1 =	sshrl.u32 s1, $0x2  }
0xb9: {  	s3 =	sand.u32 $0x4000, s31;
	s1 =	sadd.s32 s1, s30  }
0xba: {  	s0 =	sor.u32 s3, s0;
	s1 =	sshll.u32 s1, $0x11  }
0xbb: {  	s0 =	sor.u32 s1, s0  }
0xbc: {  	s0 =	sadd.s32 $0x8F2B, s0  }
0xbd: {  	[sflag:s0] =	ssyncadd.remote.s32 $0x1  }
0xbe: {  	_ =	sfence.sel $0xFFFF  }
0xbf: {  	[dreg:$0x0] =	wrdreg $0xFFFFFFFF;
	(pc) =	sbr.abs _section_cstart, $3  }
0xc0: {  	[dreg:$0x1] =	wrdreg $0xFFFFFFFF  }
0xc1: {  	_ =	task.clear_ibuf [dreg:s6], $0x2FFFF;
	_ =	strace $0x9FFFFFFF  }
0xc2: {  	(tm) =	ssettm $0x7FFFFFFF  }
0xc3: {  	_ =	shalt  }
tec
execute0_lowered:
.L_overlay_start_1:
0x0: {  	(tag) =	ssettag $0x1  }
0x1: {  	s6 =	rddreg [dreg:$0x0]  }
0x2: {  	s2 =	rddreg [dreg:$0x1]  }
0x3: {  	s0 =	srdreg.scid;
	s1 =	rddreg [dreg:$0x2]  }
0x4: {  	s3 =	simm.s32 $0x0;
	s14 =	simm.s32 $0x80;
	s5 =	sand.u32 $0x1, s0  }
0x5: {  	s15 =	simm.s32 $0x2800;
	s0 =	stileid.u32;
	s4 =	smul.u32 $0x14000, s5  }
0x6: {  	s16 =	simm.s32 $0x6800;
	s17 =	simm.s32 $0x1;
	s7 =	smul.u32 $0x1400, s0  }
0x7: {  	s18 =	simm.s32 $0x2700;
	s19 =	simm.s32 $0x2780;
	s8 =	smul.u32 $0x140000, s5  }
0x8: {  	s20 =	simm.s32 $0x0;
	[smem:$0x7FF] =	sst s3;
	s9 =	smul.u32 $0x14000, s0  }
0x9: {  	_ =	strace $0x80000053;
	s30 =	ssub.s32 $0x2, s5;
	s11 =	smul.u32 $0x50000, s0  }
0xa: {  	s5 =	sadd.s32 $0x39000, s6;
	s12 =	sshll.u32 s0, $0x6;
	s10 =	sshrl.u32 s30, $0x1  }
0xb: {  	s12 =	sor.u32 $0x1C02, s12;
	s7 =	sadd.s32 s7, s4;
	s4 =	sadd.s32 $0x6200, s6  }
0xc: {  	s8 =	sadd.s32 s9, s8;
	s9 =	ssub.s32 s30, s10;
	s31 =	sshrl.u32 s11, $0x2  }
0xd: {  	s10 =	simm.s32 $0x2;
	s11 =	simm.s32 $0x1400;
	s7 =	sshrl.u32 s7, $0x3  }
0xe: {  	s8 =	sshrl.u32 s8, $0x3;
	s13 =	sadd.s32 s31, s2;
	s9 =	smax.u32 s9, $0x1  }
0xf: {  	s7 =	sadd.s32 s7, s6;
	s8 =	sadd.s32 s8, s6;
	s13 =	sshrl.u32 s13, $0x3  }
0x10: {  	s6 =	sadd.s32 $0x2F000, s7;
	s7 =	sadd.s32 $0x34000, s7;
	s8 =	sadd.s32 $0x63800, s8  }
.LBB2_1:
0x11: {  	[tilespmem:s3], [sflag:$0x2] =	stream.linear.gather [hbm4b:s6+s3], $0x1400, $0x38;
	[tilespmem:$0x1E800] =	vst v63  }
0x12: {  	_ =	swait.ge [sflag:s10], $0x1400  }
0x13: {  	[sflag:s10] =	ssyncset.done $0x0  }
0x14: {  	[sflag:s10] =	ssyncadd.s32 $0xFFFFEC00  }
0x15: {  	[tilespmem:s11], [sflag:$0x2] =	stream.linear.gather [hbm4b:s7+s3], $0x1400, $0x38;
	[tilespmem:$0x1E800] =	vst v63  }
0x16: {  	_ =	swait.ge [sflag:s10], $0x1400  }
0x17: {  	[sflag:s10] =	ssyncset.done $0x0  }
0x18: {  	[sflag:s10] =	ssyncadd.s32 $0xFFFFEC00  }
0x19: {  	[spmem:s13], [sflag:s12] =	dma.local [hbm:s5], $0x2800  }
0x1a: {  	_ =	swait.ge [sflag:s10], $0x2800  }
0x1b: {  	[sflag:s10] =	ssyncset.done $0x0  }
0x1c: {  	[sflag:s10] =	ssyncadd.s32 $0xFFFFD800  }
0x1d: {  	[bflag:$0x0] =	sbarrier.arrive $0xFFFF  }
0x1e: {  	[tilespmem:s15], [sflag:$0x1] =	stream.indirect.gather [hbm4b:s4+s14], $0x80, s3, s14, $0xb8;
	[tilespmem:$0x1E800] =	vst v63  }
0x1f: {  	_ = 	snop  }
0x20: {  	[tilespmem:s16], [sflag:$0x1] =	stream.indirect.gather [hbm4b:s4+s14], $0x80, s14, s14, $0xb8;
	[tilespmem:$0x1E800] =	vst v63  }
0x21: {  	_ =	swait.ge [sflag:s17], $0x4000  }
0x22: {  	[sflag:s17] =	ssyncset.done $0x0  }
0x23: {  	s21 =	simm.s32 $0x1400;
	[sflag:s17] =	ssyncadd.s32 $0xFFFFC000  }
0x24: {  	[spmem:s2] =	stream.indirect.scatter.add.f32 [tilespmem:s15], [sflag:$0x2], $0x80, s21, s14, $0xb8;
	[tilespmem:$0x1E800] =	vst v63  }
0x25: {  	_ =	swait.ge [sflag:s10], $0x4000  }
0x26: {  	[sflag:s10] =	ssyncset.done $0x0  }
0x27: {  	s30 =	simm.s32 $0x100;
	[sflag:s10] =	ssyncadd.s32 $0xFFFFC000  }
0x28: {  	[tilespmem:s15], [sflag:$0x1] =	stream.indirect.gather [hbm4b:s4+s14], $0x80, s30, s14, $0xb8;
	[tilespmem:$0x1E800] =	vst v63  }
0x29: {  	_ =	swait.ge [sflag:s17], $0x4000  }
0x2a: {  	[sflag:s17] =	ssyncset.done $0x0  }
0x2b: {  	s31 =	simm.s32 $0x1480;
	[sflag:s17] =	ssyncadd.s32 $0xFFFFC000  }
0x2c: {  	[spmem:s2] =	stream.indirect.scatter.add.f32 [tilespmem:s16], [sflag:$0x2], $0x80, s31, s14, $0xb8;
	[tilespmem:$0x1E800] =	vst v63  }
0x2d: {  	_ =	swait.ge [sflag:s10], $0x4000  }
0x2e: {  	[sflag:s10] =	ssyncset.done $0x0  }
0x2f: {  	s22 =	simm.s32 $0x180;
	s21 =	simm.s32 $0x400;
	[sflag:s10] =	ssyncadd.s32 $0xFFFFC000  }
.LBB2_2:
0x30: {  	[tilespmem:s16], [sflag:$0x1] =	stream.indirect.gather [hbm4b:s4+s14], $0x80, s22, s14, $0xb8;
	[tilespmem:$0x1E800] =	vst v63  }
0x31: {  	s22 =	smov.u32 s21  }
0x32: {  	p0 =	sne.s32 s21, $0x4800;
	s21 =	sadd.s32 $0x400, s21;
	_ =	swait.ge [sflag:s17], $0x4000  }
0x33: {  	s22 =	sshra.s32 s22, $0x2;
	[sflag:s17] =	ssyncset.done $0x0  }
0x34: {  	s23 =	sadd.s32 $0x1400, s22;
	[sflag:s17] =	ssyncadd.s32 $0xFFFFC000  }
0x35: {  	[spmem:s2] =	stream.indirect.scatter.add.f32 [tilespmem:s15], [sflag:$0x2], $0x80, s23, s14, $0xb8;
	[tilespmem:$0x1E800] =	vst v63  }
0x36: {  	_ =	swait.ge [sflag:s10], $0x4000  }
0x37: {  	[sflag:s10] =	ssyncset.done $0x0  }
0x38: {  	s23 =	sadd.s32 $0x100, s22;
	[sflag:s10] =	ssyncadd.s32 $0xFFFFC000  }
0x39: {  	[tilespmem:s15], [sflag:$0x1] =	stream.indirect.gather [hbm4b:s4+s14], $0x80, s23, s14, $0xb8;
	[tilespmem:$0x1E800] =	vst v63  }
0x3a: {  	_ =	swait.ge [sflag:s17], $0x4000  }
0x3b: {  	[sflag:s17] =	ssyncset.done $0x0  }
.Ltmp0:
0x3c: {  	s23 =	sadd.s32 $0x1480, s22;
	[sflag:s17] =	ssyncadd.s32 $0xFFFFC000;
	(pc) =	sbr.rel @p0 .LBB2_2-.Ltmp0, $4  }
0x3d: {  	[spmem:s2] =	stream.indirect.scatter.add.f32 [tilespmem:s16], [sflag:$0x2], $0x80, s23, s14, $0xb8;
	[tilespmem:$0x1E800] =	vst v63  }
0x3e: {  	_ =	swait.ge [sflag:s10], $0x4000  }
0x3f: {  	[sflag:s10] =	ssyncset.done $0x0  }
0x40: {  	s22 =	sadd.s32 $0x180, s22;
	[sflag:s10] =	ssyncadd.s32 $0xFFFFC000  }
0x41: {  	[tilespmem:s16], [sflag:$0x1] =	stream.indirect.gather [hbm4b:s4+s14], $0x80, s22, s14, $0xb8;
	[tilespmem:$0x1E800] =	vst v63  }
0x42: {  	_ =	swait.ge [sflag:s17], $0x4000  }
0x43: {  	[sflag:s17] =	ssyncset.done $0x0  }
0x44: {  	[sflag:s17] =	ssyncadd.s32 $0xFFFFC000  }
0x45: {  	[spmem:s2] =	stream.indirect.scatter.add.f32 [tilespmem:s15], [sflag:$0x2], $0x80, s18, s14, $0xb8;
	[tilespmem:$0x1E800] =	vst v63  }
0x46: {  	_ =	swait.ge [sflag:s10], $0x4000  }
0x47: {  	[sflag:s10] =	ssyncset.done $0x0  }
0x48: {  	[sflag:s10] =	ssyncadd.s32 $0xFFFFC000  }
0x49: {  	_ =	swait.ge [sflag:s17], $0x4000  }
0x4a: {  	[sflag:s17] =	ssyncset.done $0x0  }
0x4b: {  	[sflag:s17] =	ssyncadd.s32 $0xFFFFC000  }
0x4c: {  	[spmem:s2] =	stream.indirect.scatter.add.f32 [tilespmem:s16], [sflag:$0x2], $0x80, s19, s14, $0xb8;
	[tilespmem:$0x1E800] =	vst v63  }
0x4d: {  	_ =	swait.ge [sflag:s10], $0x4000  }
0x4e: {  	s20 =	sadd.s32 $0x1, s20;
	[sflag:s10] =	ssyncset.done $0x0  }
0x4f: {  	p0 =	sne.s32 s20, s9;
	[sflag:s10] =	ssyncadd.s32 $0xFFFFC000  }
.Ltmp1:
0x50: {  	[bflag:$0x0] =	sbarrier.arrive $0xFFFF;
	(pc) =	sbr.rel @p0 .LBB2_1-.Ltmp1, $4  }
0x51: {  	[hbm:s8], [sflag:s12] =	dma.local [spmem:s13], $0x2800  }
0x52: {  	_ =	swait.ge [sflag:s10], $0x2800  }
0x53: {  	[sflag:s10] =	ssyncset.done $0x0  }
0x54: {  	[sflag:s10] =	ssyncadd.s32 $0xFFFFD800  }
0x55: {  	_ =	sfence.sel $0x180000  }
0x56: {  	[bflag:$0x0] =	sbarrier.arrive $0xFFFF  }
0x57: {  	p0 =	sne.s32 s0, $0x0;
	_ =	strace $0x90000053  }
0x58: {  	s0 =	sadd.s32 @!p0 $0x100000, s1;
	[bflag:$0x2] =	sbarrier.arrive $0xFFFF  }
0x59: {  	[sflag:s0] =	ssyncadd.tile.s32 @!p0 $0x1;
	_ =	shalt  }
.Lfunc_end2:
_tile_overlayer_lowered:
.L_overlay_start_2:
0x5a: {  	(tag) =	ssettag $0x2  }
0x5b: {  	s0 =	rddreg [dreg:$0x0];
	s2 =	stileid.u32  }
0x5c: {  	s1 =	rddreg [dreg:$0x1];
	p0 =	sne.s32 s2, $0x0  }
0x5d: {  	s3 =	rddreg [dreg:$0x2];
	[bflag:$0x3] =	sbarrier.arrive $0xFFFF;
	s2 =	simm.s32 @!p0 $0x1C02  }
0x5e: {  	[timem:s3], [sflag:s2] =	dma.local @!p0 [hbm:s0], s1  }
0x5f: {  	s0 =	simm.s32 @!p0 $0x2  }
0x60: {  	_ =	swait.ge @!p0 [sflag:s0], s1  }
0x61: {  	s1 =	ssub.s32 @!p0 $0x0, s1;
	[sflag:s0] =	ssyncset.done @!p0 $0x0  }
0x62: {  	[sflag:s0] =	ssyncadd.s32 @!p0 s1  }
0x63: {  	[bflag:$0x3] =	sbarrier.arrive $0xFFFF  }
0x64: {  	_ =	shalt  }

// kernel: kernel.33.cloned.1.call-start
scs
__scs_entry_jumppad:
0x0: {  	(pc) =	sbr.rel $0x88, $3  }
0x1: {  	(tag) =	ssettag $0x0;
	lr =	simm.s32 $0x1  }
0x2: {  	[smem:$0x3F90] =	sst lr;
	_ =	strace $0xD0000000  }
0x3: {  	_ = 	snop  }
0x4: {  	_ = 	snop  }
0x5: {  	_ = 	snop  }
0x6: {  	_ = 	snop  }
0x7: {  	_ = 	snop  }
__scs_overlays_trampoline_lowered:
0x8: {  	[smem:$0x3F9F] =	sst s0  }
0x9: {  	[smem:$0x3FA0] =	sst s1  }
0xa: {  	[smem:$0x3FA1] =	sst s2  }
0xb: {  	[smem:$0x3FA2] =	sst s3  }
0xc: {  	[smem:$0x3FA3] =	sst s4  }
0xd: {  	[smem:$0x3FA4] =	sst s5  }
0xe: {  	[smem:$0x3FA5] =	sst s6  }
0xf: {  	[smem:$0x3FA6] =	sst s7  }
0x10: {  	[smem:$0x3FA7] =	sst s8  }
0x11: {  	[smem:$0x3FA8] =	sst s9;
	s0 =	simm.s32 @!p0 $0x0  }
0x12: {  	s1 =	sld [smem:$0x3F8E];
	s0 =	simm.s32 @p0 $0x1  }
0x13: {  	[smem:$0x3FA9] =	sst s0;
	s0 =	simm.s32 @!p1 $0x0  }
0x14: {  	s2 =	sld [smem:$0x3F8D];
	s0 =	simm.s32 @p1 $0x1  }
0x15: {  	[smem:$0x3FAA] =	sst s0;
	s0 =	simm.s32 @!p2 $0x0  }
0x16: {  	s3 =	sld [smem:$0x3FDB];
	s0 =	simm.s32 @p2 $0x1  }
0x17: {  	s4 =	simm.s32 $0x1BF5;
	[smem:$0x3FAC] =	sst s0  }
0x18: {  	s0 =	sld [smem:$0x3F8F];
	_ =	swait.ge [sflag:s4], $0x0  }
0x19: {  	s7 =	sld [smem:$0x3F90]  }
0x1a: {  	s8 =	sadd.s32 $0xFFFFE003, lr  }
0x1b: {  	s9 =	sadd.s32 $0xFFFFFEF7, lr;
	s5 =	simm.s32 $0xFFFFFFFF;
	p2 =	slt.u32 s8, $0xFFFFF086  }
0x1c: {  	p1 =	slt.u32 s9, $0xF7A;
	s5 =	simm.s32 @!p2 $0x0  }
0x1d: {  	s5 =	simm.s32 @p1 $0x1;
	p0 =	seq.s32 s7, s2  }
0x1e: {  	s7 =	smul.u32 @!p0 $0xF7A, s2;
	p2 =	seq.s32 @!p0 s5, $0x0  }
0x1f: {  	s9 =	smul.u32 $0xF7A, s1;
	s8 =	simm.s32 @!p0 $0x1BF5;
	p2 =	por !p2, p0  }
0x20: {  	[sflag:s8] =	ssyncset.s32 @!p0 $0xFFFFF086;
	s6 =	sadd.s32 @!p0 s3, s7;
	s7 =	simm.s32 @!p0 $0x108  }
0x21: {  	s3 =	sadd.s32 s3, s9;
	s6 =	sadd.s32 @!p0 $0x88, s6;
	s7 =	simm.s32 @p2 $0x1082  }
0x22: {  	[simem:s7], [sflag:s8] =	dma.local @!p0 [hbm:s6], $0xF7A  }
0x23: {  	s9 =	sor.u32 $0xD0000000, s2;
	s6 =	simm.s32 $0x108;
	_ =	swait.ge @!p0 [sflag:s8], $0x0  }
0x24: {  	s3 =	sadd.s32 $0x88, s3;
	s6 =	simm.s32 @!p1 $0x1082;
	[sflag:s4] =	ssyncset.s32 $0xFFFFF086  }
0x25: {  	[simem:s6], [sflag:s4] =	dma.local [hbm:s3], $0xF7A  }
0x26: {  	[smem:$0x3F90] =	sst s1;
	(tag) =	ssettag s2;
	_ =	strace s9  }
0x27: {  	s1 =	sld [smem:$0x3FA0]  }
0x28: {  	s2 =	sld [smem:$0x3FA1]  }
0x29: {  	s4 =	sld [smem:$0x3FA3]  }
0x2a: {  	p0 =	seq.s32 s5, $0x0;
	s5 =	sld [smem:$0x3FA4]  }
0x2b: {  	s6 =	sld [smem:$0x3FA5]  }
0x2c: {  	s7 =	sld [smem:$0x3FA6]  }
0x2d: {  	s3 =	simm.s32 $0x108;
	s8 =	sld [smem:$0x3FA7]  }
0x2e: {  	s3 =	simm.s32 @!p0 $0x1082;
	s9 =	sld [smem:$0x3FA8]  }
0x2f: {  	lr =	sadd.s32 s0, s3;
	s0 =	sld [smem:$0x3F9F]  }
0x30: {  	s3 =	sld [smem:$0x3FA2]  }
0x31: {  	[smem:$0x3FAB] =	sst s10  }
0x32: {  	s10 =	sld [smem:$0x3FA9];
	_ =	sdelay $0x3  }
0x33: {  	p0 =	seq.s32 s10, $0x1;
	s10 =	sld [smem:$0x3FAB];
	_ =	sdelay $0x3  }
0x34: {  	[smem:$0x3FAB] =	sst s10  }
0x35: {  	s10 =	sld [smem:$0x3FAA];
	_ =	sdelay $0x3  }
0x36: {  	p1 =	seq.s32 s10, $0x1;
	s10 =	sld [smem:$0x3FAB];
	_ =	sdelay $0x3  }
0x37: {  	[smem:$0x3FAB] =	sst s10  }
0x38: {  	s10 =	sld [smem:$0x3FAC]  }
0x39: {  	_ = 	snop;
	(pc) =	sbr.ind lr, $3  }
0x3a: {  	_ = 	snop  }
0x3b: {  	_ = 	snop  }
0x3c: {  	p2 =	seq.s32 s10, $0x1;
	s10 =	sld [smem:$0x3FAB]  }
0x3d: {  	_ =	shalt  }
0x3e: {  	_ =	shalt  }
0x3f: {  	_ =	shalt  }
0x40: {  	_ =	shalt  }
0x41: {  	_ =	shalt  }
0x42: {  	_ =	shalt  }
0x43: {  	_ =	shalt  }
0x44: {  	_ =	shalt  }
0x45: {  	_ =	shalt  }
0x46: {  	_ =	shalt  }
0x47: {  	_ =	shalt  }
0x48: {  	_ =	shalt  }
0x49: {  	_ =	shalt  }
0x4a: {  	_ =	shalt  }
0x4b: {  	_ =	shalt  }
0x4c: {  	_ =	shalt  }
0x4d: {  	_ =	shalt  }
0x4e: {  	_ =	shalt  }
0x4f: {  	_ =	shalt  }
0x50: {  	_ =	shalt  }
0x51: {  	_ =	shalt  }
0x52: {  	_ =	shalt  }
0x53: {  	_ =	shalt  }
0x54: {  	_ =	shalt  }
0x55: {  	_ =	shalt  }
0x56: {  	_ =	shalt  }
0x57: {  	_ =	shalt  }
0x58: {  	_ =	shalt  }
0x59: {  	_ =	shalt  }
0x5a: {  	_ =	shalt  }
0x5b: {  	_ =	shalt  }
0x5c: {  	_ =	shalt  }
0x5d: {  	_ =	shalt  }
0x5e: {  	_ =	shalt  }
0x5f: {  	_ =	shalt  }
0x60: {  	_ =	shalt  }
0x61: {  	_ =	shalt  }
0x62: {  	_ =	shalt  }
0x63: {  	_ =	shalt  }
0x64: {  	_ =	shalt  }
0x65: {  	_ =	shalt  }
0x66: {  	_ =	shalt  }
0x67: {  	_ =	shalt  }
0x68: {  	_ =	shalt  }
0x69: {  	_ =	shalt  }
0x6a: {  	_ =	shalt  }
0x6b: {  	_ =	shalt  }
0x6c: {  	_ =	shalt  }
0x6d: {  	_ =	shalt  }
0x6e: {  	_ =	shalt  }
0x6f: {  	_ =	shalt  }
0x70: {  	_ =	shalt  }
0x71: {  	_ =	shalt  }
0x72: {  	_ =	shalt  }
0x73: {  	_ =	shalt  }
0x74: {  	_ =	shalt  }
0x75: {  	_ =	shalt  }
0x76: {  	_ =	shalt  }
0x77: {  	_ =	shalt  }
0x78: {  	_ =	shalt  }
0x79: {  	_ =	shalt  }
0x7a: {  	_ =	shalt  }
0x7b: {  	_ =	shalt  }
0x7c: {  	_ =	shalt  }
0x7d: {  	_ =	shalt  }
0x7e: {  	_ =	shalt  }
0x7f: {  	_ =	shalt  }
0x80: {  	_ =	shalt  }
0x81: {  	_ =	shalt  }
0x82: {  	_ =	shalt  }
0x83: {  	_ =	shalt  }
0x84: {  	_ =	shalt  }
0x85: {  	_ =	shalt  }
0x86: {  	_ =	shalt  }
0x87: {  	_ =	shalt  }
.Lfunc_end0:
.L_simem_size_0:
called_computation.5_lowered:
.L_overlay_start_0:
0x88: {  	s2 =	sld [smem:$0x3FD9]  }
0x89: {  	s3 =	sld [smem:$0x3FFE];
	_ =	sdelay $0x1  }
0x8a: {  	s1 =	srdreg.scid  }
0x8b: {  	s0 =	sand.u32 $0x1, s1  }
0x8c: {  	s16 =	sshll.u32 s0, $0xA;
	s2 =	sadd.s32 s3, s2  }
0x8d: {  	s2 =	sadd.s32 s2, s16  }
0x8e: {  	[smem:$0x3FB7] =	sst s2  }
0x8f: {  	_ = 	snop  }
0x90: {  	(tm) =	ssettm $0x1  }
0x91: {  	s17 =	sld [smem:$0x3FFB];
	_ =	sdelay $0x3  }
0x92: {  	_ =	strace s17  }
0x93: {  	s2 =	sld [smem:$0x3FFC];
	_ =	sdelay $0x3  }
0x94: {  	_ =	strace s2  }
0x95: {  	s2 =	sld [smem:$0x3FFD];
	_ =	sdelay $0x3  }
0x96: {  	_ =	strace s2  }
0x97: {  	_ =	strace $0x8FFFFFFF  }
0x98: {  	s18 =	sld [smem:$0x3FDB];
	_ =	sdelay $0x1  }
0x99: {  	s19 =	simm.s32 $_scs_section_size  }
0x9a: {  	s4 =	simm.s32 $_size__tile_overlayer_lowered;
	s5 =	simm.s32 $_tile_overlayer_lowered  }
0x9b: {  	s22 =	simm.s32 $0x1BFF;
	s21 =	sshll.u32 s5, $0x1;
	s2 =	sadd.s32 s19, s18  }
0x9c: {  	s6 =	simm.s32 $0x0;
	s20 =	sshll.u32 s4, $0x1;
	s4 =	sadd.s32 s21, s2  }
0x9d: {  	[timem:s6], [sflag:s22] =	dma.local [hbm:s4], s20  }
0x9e: {  	_ =	swait.ge [sflag:s22], s20  }
0x9f: {  	s3 =	ssub.s32 $0x0, s20;
	[sflag:s22] =	ssyncset.done $0x0  }
0xa0: {  	[sflag:s22] =	ssyncadd.s32 s3;
	_ =	sdelay $0x1  }
0xa1: {  	s23 =	simm.s32 $0x1B8B  }
0xa2: {  	_ =	swait.ge [sflag:s23], $0x1  }
0xa3: {  	[sflag:s23] =	ssyncset.done $0x0  }
0xa4: {  	s25 =	simm.s32 $0x1B8E;
	s24 =	sld [smem:$0x3FFE];
	[sflag:s23] =	ssyncadd.s32 $0xFFFFFFFF  }
0xa5: {  	s26 =	simm.s32 $execute0_lowered;
	[smem:$0x3FD2] =	sst s25  }
0xa6: {  	s4 =	sshll.u32 s26, $0x1;
	_ =	strace $0x80000055;
	[dreg:$0x1] =	wrdreg $0xFFFFFFFF  }
0xa7: {  	s28 =	simm.s32 $_size_execute0_lowered;
	s2 =	sadd.s32 s2, s4;
	[dreg:$0x0] =	wrdreg $0x0  }
0xa8: {  	s4 =	sshll.u32 s28, $0x1;
	[dreg:$0x2] =	wrdreg s2  }
0xa9: {  	[dreg:$0x3] =	wrdreg s4  }
0xaa: {  	[dreg:$0x4] =	wrdreg $0xC0  }
0xab: {  	_ =	task [dreg:s6], $0x5FFFF  }
0xac: {  	[dreg:$0x1] =	wrdreg $0xFFFFFFFF  }
0xad: {  	[dreg:$0x0] =	wrdreg $0x60  }
0xae: {  	[dreg:$0x2] =	wrdreg s24  }
0xaf: {  	[dreg:$0x3] =	wrdreg $0xA8000  }
0xb0: {  	[dreg:$0x4] =	wrdreg $0x9  }
0xb1: {  	_ =	task.clear_ibuf [dreg:s6], $0x5FFFF;
	_ =	strace $0x90000055  }
0xb2: {  	s29 =	simm.s32 $0x9;
	_ =	strace $0x80000057  }
0xb3: {  	_ =	swait.ge [sflag:s29], $0x1  }
0xb4: {  	[sflag:s29] =	ssyncadd.s32 $0xFFFFFFFF  }
0xb5: {  	_ =	strace $0x90000057  }
0xb6: {  	_ =	sfence  }
0xb7: {  	s30 =	sld [smem:$0x0];
	_ =	sdelay $0x2  }
0xb8: {  	s31 =	sshll.u32 s1, $0xD;
	s1 =	sshrl.u32 s1, $0x2  }
0xb9: {  	s3 =	sand.u32 $0x4000, s31;
	s1 =	sadd.s32 s1, s30  }
0xba: {  	s0 =	sor.u32 s3, s0;
	s1 =	sshll.u32 s1, $0x11  }
0xbb: {  	s0 =	sor.u32 s1, s0  }
0xbc: {  	s0 =	sadd.s32 $0x8F2B, s0  }
0xbd: {  	[sflag:s0] =	ssyncadd.remote.s32 $0x1  }
0xbe: {  	_ =	sfence.sel $0xFFFF  }
0xbf: {  	[dreg:$0x0] =	wrdreg $0xFFFFFFFF;
	(pc) =	sbr.abs _section_cstart, $3  }
0xc0: {  	[dreg:$0x1] =	wrdreg $0xFFFFFFFF  }
0xc1: {  	_ =	task.clear_ibuf [dreg:s6], $0x2FFFF;
	_ =	strace $0x9FFFFFFF  }
0xc2: {  	(tm) =	ssettm $0x7FFFFFFF  }
0xc3: {  	_ =	shalt  }
tec
execute0_lowered:
.L_overlay_start_1:
0x0: {  	(tag) =	ssettag $0x1  }
0x1: {  	s6 =	rddreg [dreg:$0x0]  }
0x2: {  	s2 =	rddreg [dreg:$0x1]  }
0x3: {  	s0 =	srdreg.scid;
	s1 =	rddreg [dreg:$0x2]  }
0x4: {  	s3 =	simm.s32 $0x0;
	s14 =	simm.s32 $0x80;
	s5 =	sand.u32 $0x1, s0  }
0x5: {  	s15 =	simm.s32 $0x2800;
	s0 =	stileid.u32;
	s4 =	smul.u32 $0x14000, s5  }
0x6: {  	s16 =	simm.s32 $0x6800;
	s17 =	simm.s32 $0x1;
	s7 =	smul.u32 $0x1400, s0  }
0x7: {  	s18 =	simm.s32 $0x2700;
	s19 =	simm.s32 $0x2780;
	s8 =	smul.u32 $0x140000, s5  }
0x8: {  	s20 =	simm.s32 $0x0;
	[smem:$0x7FF] =	sst s3;
	s9 =	smul.u32 $0x14000, s0  }
0x9: {  	_ =	strace $0x80000056;
	s30 =	ssub.s32 $0x2, s5;
	s11 =	smul.u32 $0x50000, s0  }
0xa: {  	s5 =	sadd.s32 $0x39000, s6;
	s12 =	sshll.u32 s0, $0x6;
	s10 =	sshrl.u32 s30, $0x1  }
0xb: {  	s12 =	sor.u32 $0x1C02, s12;
	s7 =	sadd.s32 s7, s4;
	s4 =	sadd.s32 $0x6200, s6  }
0xc: {  	s8 =	sadd.s32 s9, s8;
	s9 =	ssub.s32 s30, s10;
	s31 =	sshrl.u32 s11, $0x2  }
0xd: {  	s10 =	simm.s32 $0x2;
	s11 =	simm.s32 $0x1400;
	s7 =	sshrl.u32 s7, $0x3  }
0xe: {  	s8 =	sshrl.u32 s8, $0x3;
	s13 =	sadd.s32 s31, s2;
	s9 =	smax.u32 s9, $0x1  }
0xf: {  	s7 =	sadd.s32 s7, s6;
	s8 =	sadd.s32 s8, s6;
	s13 =	sshrl.u32 s13, $0x3  }
0x10: {  	s6 =	sadd.s32 $0x34000, s7;
	s7 =	sadd.s32 $0x2F000, s7;
	s8 =	sadd.s32 $0x63800, s8  }
.LBB2_1:
0x11: {  	[tilespmem:s3], [sflag:$0x2] =	stream.linear.gather [hbm4b:s6+s3], $0x1400, $0x38;
	[tilespmem:$0x1E800] =	vst v63  }
0x12: {  	_ =	swait.ge [sflag:s10], $0x1400  }
0x13: {  	[sflag:s10] =	ssyncset.done $0x0  }
0x14: {  	[sflag:s10] =	ssyncadd.s32 $0xFFFFEC00  }
0x15: {  	[tilespmem:s11], [sflag:$0x2] =	stream.linear.gather [hbm4b:s7+s3], $0x1400, $0x38;
	[tilespmem:$0x1E800] =	vst v63  }
0x16: {  	_ =	swait.ge [sflag:s10], $0x1400  }
0x17: {  	[sflag:s10] =	ssyncset.done $0x0  }
0x18: {  	[sflag:s10] =	ssyncadd.s32 $0xFFFFEC00  }
0x19: {  	[spmem:s13], [sflag:s12] =	dma.local [hbm:s5], $0x2800  }
0x1a: {  	_ =	swait.ge [sflag:s10], $0x2800  }
0x1b: {  	[sflag:s10] =	ssyncset.done $0x0  }
0x1c: {  	[sflag:s10] =	ssyncadd.s32 $0xFFFFD800  }
0x1d: {  	[bflag:$0x0] =	sbarrier.arrive $0xFFFF  }
0x1e: {  	[tilespmem:s15], [sflag:$0x1] =	stream.indirect.gather [hbm4b:s4+s14], $0x80, s3, s14, $0xb8;
	[tilespmem:$0x1E800] =	vst v63  }
0x1f: {  	_ = 	snop  }
0x20: {  	[tilespmem:s16], [sflag:$0x1] =	stream.indirect.gather [hbm4b:s4+s14], $0x80, s14, s14, $0xb8;
	[tilespmem:$0x1E800] =	vst v63  }
0x21: {  	_ =	swait.ge [sflag:s17], $0x4000  }
0x22: {  	[sflag:s17] =	ssyncset.done $0x0  }
0x23: {  	s21 =	simm.s32 $0x1400;
	[sflag:s17] =	ssyncadd.s32 $0xFFFFC000  }
0x24: {  	[spmem:s2] =	stream.indirect.scatter.add.f32 [tilespmem:s15], [sflag:$0x2], $0x80, s21, s14, $0xb8;
	[tilespmem:$0x1E800] =	vst v63  }
0x25: {  	_ =	swait.ge [sflag:s10], $0x4000  }
0x26: {  	[sflag:s10] =	ssyncset.done $0x0  }
0x27: {  	s30 =	simm.s32 $0x100;
	[sflag:s10] =	ssyncadd.s32 $0xFFFFC000  }
0x28: {  	[tilespmem:s15], [sflag:$0x1] =	stream.indirect.gather [hbm4b:s4+s14], $0x80, s30, s14, $0xb8;
	[tilespmem:$0x1E800] =	vst v63  }
0x29: {  	_ =	swait.ge [sflag:s17], $0x4000  }
0x2a: {  	[sflag:s17] =	ssyncset.done $0x0  }
0x2b: {  	s31 =	simm.s32 $0x1480;
	[sflag:s17] =	ssyncadd.s32 $0xFFFFC000  }
0x2c: {  	[spmem:s2] =	stream.indirect.scatter.add.f32 [tilespmem:s16], [sflag:$0x2], $0x80, s31, s14, $0xb8;
	[tilespmem:$0x1E800] =	vst v63  }
0x2d: {  	_ =	swait.ge [sflag:s10], $0x4000  }
0x2e: {  	[sflag:s10] =	ssyncset.done $0x0  }
0x2f: {  	s22 =	simm.s32 $0x180;
	s21 =	simm.s32 $0x400;
	[sflag:s10] =	ssyncadd.s32 $0xFFFFC000  }
.LBB2_2:
0x30: {  	[tilespmem:s16], [sflag:$0x1] =	stream.indirect.gather [hbm4b:s4+s14], $0x80, s22, s14, $0xb8;
	[tilespmem:$0x1E800] =	vst v63  }
0x31: {  	s22 =	smov.u32 s21  }
0x32: {  	p0 =	sne.s32 s21, $0x4800;
	s21 =	sadd.s32 $0x400, s21;
	_ =	swait.ge [sflag:s17], $0x4000  }
0x33: {  	s22 =	sshra.s32 s22, $0x2;
	[sflag:s17] =	ssyncset.done $0x0  }
0x34: {  	s23 =	sadd.s32 $0x1400, s22;
	[sflag:s17] =	ssyncadd.s32 $0xFFFFC000  }
0x35: {  	[spmem:s2] =	stream.indirect.scatter.add.f32 [tilespmem:s15], [sflag:$0x2], $0x80, s23, s14, $0xb8;
	[tilespmem:$0x1E800] =	vst v63  }
0x36: {  	_ =	swait.ge [sflag:s10], $0x4000  }
0x37: {  	[sflag:s10] =	ssyncset.done $0x0  }
0x38: {  	s23 =	sadd.s32 $0x100, s22;
	[sflag:s10] =	ssyncadd.s32 $0xFFFFC000  }
0x39: {  	[tilespmem:s15], [sflag:$0x1] =	stream.indirect.gather [hbm4b:s4+s14], $0x80, s23, s14, $0xb8;
	[tilespmem:$0x1E800] =	vst v63  }
0x3a: {  	_ =	swait.ge [sflag:s17], $0x4000  }
0x3b: {  	[sflag:s17] =	ssyncset.done $0x0  }
.Ltmp0:
0x3c: {  	s23 =	sadd.s32 $0x1480, s22;
	[sflag:s17] =	ssyncadd.s32 $0xFFFFC000;
	(pc) =	sbr.rel @p0 .LBB2_2-.Ltmp0, $4  }
0x3d: {  	[spmem:s2] =	stream.indirect.scatter.add.f32 [tilespmem:s16], [sflag:$0x2], $0x80, s23, s14, $0xb8;
	[tilespmem:$0x1E800] =	vst v63  }
0x3e: {  	_ =	swait.ge [sflag:s10], $0x4000  }
0x3f: {  	[sflag:s10] =	ssyncset.done $0x0  }
0x40: {  	s22 =	sadd.s32 $0x180, s22;
	[sflag:s10] =	ssyncadd.s32 $0xFFFFC000  }
0x41: {  	[tilespmem:s16], [sflag:$0x1] =	stream.indirect.gather [hbm4b:s4+s14], $0x80, s22, s14, $0xb8;
	[tilespmem:$0x1E800] =	vst v63  }
0x42: {  	_ =	swait.ge [sflag:s17], $0x4000  }
0x43: {  	[sflag:s17] =	ssyncset.done $0x0  }
0x44: {  	[sflag:s17] =	ssyncadd.s32 $0xFFFFC000  }
0x45: {  	[spmem:s2] =	stream.indirect.scatter.add.f32 [tilespmem:s15], [sflag:$0x2], $0x80, s18, s14, $0xb8;
	[tilespmem:$0x1E800] =	vst v63  }
0x46: {  	_ =	swait.ge [sflag:s10], $0x4000  }
0x47: {  	[sflag:s10] =	ssyncset.done $0x0  }
0x48: {  	[sflag:s10] =	ssyncadd.s32 $0xFFFFC000  }
0x49: {  	_ =	swait.ge [sflag:s17], $0x4000  }
0x4a: {  	[sflag:s17] =	ssyncset.done $0x0  }
0x4b: {  	[sflag:s17] =	ssyncadd.s32 $0xFFFFC000  }
0x4c: {  	[spmem:s2] =	stream.indirect.scatter.add.f32 [tilespmem:s16], [sflag:$0x2], $0x80, s19, s14, $0xb8;
	[tilespmem:$0x1E800] =	vst v63  }
0x4d: {  	_ =	swait.ge [sflag:s10], $0x4000  }
0x4e: {  	s20 =	sadd.s32 $0x1, s20;
	[sflag:s10] =	ssyncset.done $0x0  }
0x4f: {  	p0 =	sne.s32 s20, s9;
	[sflag:s10] =	ssyncadd.s32 $0xFFFFC000  }
.Ltmp1:
0x50: {  	[bflag:$0x0] =	sbarrier.arrive $0xFFFF;
	(pc) =	sbr.rel @p0 .LBB2_1-.Ltmp1, $4  }
0x51: {  	[hbm:s8], [sflag:s12] =	dma.local [spmem:s13], $0x2800  }
0x52: {  	_ =	swait.ge [sflag:s10], $0x2800  }
0x53: {  	[sflag:s10] =	ssyncset.done $0x0  }
0x54: {  	[sflag:s10] =	ssyncadd.s32 $0xFFFFD800  }
0x55: {  	_ =	sfence.sel $0x180000  }
0x56: {  	[bflag:$0x0] =	sbarrier.arrive $0xFFFF  }
0x57: {  	p0 =	sne.s32 s0, $0x0;
	_ =	strace $0x90000056  }
0x58: {  	s0 =	sadd.s32 @!p0 $0x100000, s1;
	[bflag:$0x2] =	sbarrier.arrive $0xFFFF  }
0x59: {  	[sflag:s0] =	ssyncadd.tile.s32 @!p0 $0x1;
	_ =	shalt  }
.Lfunc_end2:
_tile_overlayer_lowered:
.L_overlay_start_2:
0x5a: {  	(tag) =	ssettag $0x2  }
0x5b: {  	s0 =	rddreg [dreg:$0x0];
	s2 =	stileid.u32  }
0x5c: {  	s1 =	rddreg [dreg:$0x1];
	p0 =	sne.s32 s2, $0x0  }
0x5d: {  	s3 =	rddreg [dreg:$0x2];
	[bflag:$0x3] =	sbarrier.arrive $0xFFFF;
	s2 =	simm.s32 @!p0 $0x1C02  }
0x5e: {  	[timem:s3], [sflag:s2] =	dma.local @!p0 [hbm:s0], s1  }
0x5f: {  	s0 =	simm.s32 @!p0 $0x2  }
0x60: {  	_ =	swait.ge @!p0 [sflag:s0], s1  }
0x61: {  	s1 =	ssub.s32 @!p0 $0x0, s1;
	[sflag:s0] =	ssyncset.done @!p0 $0x0  }
0x62: {  	[sflag:s0] =	ssyncadd.s32 @!p0 s1  }
0x63: {  	[bflag:$0x3] =	sbarrier.arrive $0xFFFF  }
0x64: {  	_ =	shalt  }

// kernel: kernel.36.cloned.1.call-start
scs
__scs_entry_jumppad:
0x0: {  	(pc) =	sbr.rel $0x88, $3  }
0x1: {  	(tag) =	ssettag $0x0;
	lr =	simm.s32 $0x1  }
0x2: {  	[smem:$0x3F90] =	sst lr;
	_ =	strace $0xD0000000  }
0x3: {  	_ = 	snop  }
0x4: {  	_ = 	snop  }
0x5: {  	_ = 	snop  }
0x6: {  	_ = 	snop  }
0x7: {  	_ = 	snop  }
__scs_overlays_trampoline_lowered:
0x8: {  	[smem:$0x3F9F] =	sst s0  }
0x9: {  	[smem:$0x3FA0] =	sst s1  }
0xa: {  	[smem:$0x3FA1] =	sst s2  }
0xb: {  	[smem:$0x3FA2] =	sst s3  }
0xc: {  	[smem:$0x3FA3] =	sst s4  }
0xd: {  	[smem:$0x3FA4] =	sst s5  }
0xe: {  	[smem:$0x3FA5] =	sst s6  }
0xf: {  	[smem:$0x3FA6] =	sst s7  }
0x10: {  	[smem:$0x3FA7] =	sst s8  }
0x11: {  	[smem:$0x3FA8] =	sst s9;
	s0 =	simm.s32 @!p0 $0x0  }
0x12: {  	s1 =	sld [smem:$0x3F8E];
	s0 =	simm.s32 @p0 $0x1  }
0x13: {  	[smem:$0x3FA9] =	sst s0;
	s0 =	simm.s32 @!p1 $0x0  }
0x14: {  	s2 =	sld [smem:$0x3F8D];
	s0 =	simm.s32 @p1 $0x1  }
0x15: {  	[smem:$0x3FAA] =	sst s0;
	s0 =	simm.s32 @!p2 $0x0  }
0x16: {  	s3 =	sld [smem:$0x3FDB];
	s0 =	simm.s32 @p2 $0x1  }
0x17: {  	s4 =	simm.s32 $0x1BF5;
	[smem:$0x3FAC] =	sst s0  }
0x18: {  	s0 =	sld [smem:$0x3F8F];
	_ =	swait.ge [sflag:s4], $0x0  }
0x19: {  	s7 =	sld [smem:$0x3F90]  }
0x1a: {  	s8 =	sadd.s32 $0xFFFFE003, lr  }
0x1b: {  	s9 =	sadd.s32 $0xFFFFFEF7, lr;
	s5 =	simm.s32 $0xFFFFFFFF;
	p2 =	slt.u32 s8, $0xFFFFF086  }
0x1c: {  	p1 =	slt.u32 s9, $0xF7A;
	s5 =	simm.s32 @!p2 $0x0  }
0x1d: {  	s5 =	simm.s32 @p1 $0x1;
	p0 =	seq.s32 s7, s2  }
0x1e: {  	s7 =	smul.u32 @!p0 $0xF7A, s2;
	p2 =	seq.s32 @!p0 s5, $0x0  }
0x1f: {  	s9 =	smul.u32 $0xF7A, s1;
	s8 =	simm.s32 @!p0 $0x1BF5;
	p2 =	por !p2, p0  }
0x20: {  	[sflag:s8] =	ssyncset.s32 @!p0 $0xFFFFF086;
	s6 =	sadd.s32 @!p0 s3, s7;
	s7 =	simm.s32 @!p0 $0x108  }
0x21: {  	s3 =	sadd.s32 s3, s9;
	s6 =	sadd.s32 @!p0 $0x88, s6;
	s7 =	simm.s32 @p2 $0x1082  }
0x22: {  	[simem:s7], [sflag:s8] =	dma.local @!p0 [hbm:s6], $0xF7A  }
0x23: {  	s9 =	sor.u32 $0xD0000000, s2;
	s6 =	simm.s32 $0x108;
	_ =	swait.ge @!p0 [sflag:s8], $0x0  }
0x24: {  	s3 =	sadd.s32 $0x88, s3;
	s6 =	simm.s32 @!p1 $0x1082;
	[sflag:s4] =	ssyncset.s32 $0xFFFFF086  }
0x25: {  	[simem:s6], [sflag:s4] =	dma.local [hbm:s3], $0xF7A  }
0x26: {  	[smem:$0x3F90] =	sst s1;
	(tag) =	ssettag s2;
	_ =	strace s9  }
0x27: {  	s1 =	sld [smem:$0x3FA0]  }
0x28: {  	s2 =	sld [smem:$0x3FA1]  }
0x29: {  	s4 =	sld [smem:$0x3FA3]  }
0x2a: {  	p0 =	seq.s32 s5, $0x0;
	s5 =	sld [smem:$0x3FA4]  }
0x2b: {  	s6 =	sld [smem:$0x3FA5]  }
0x2c: {  	s7 =	sld [smem:$0x3FA6]  }
0x2d: {  	s3 =	simm.s32 $0x108;
	s8 =	sld [smem:$0x3FA7]  }
0x2e: {  	s3 =	simm.s32 @!p0 $0x1082;
	s9 =	sld [smem:$0x3FA8]  }
0x2f: {  	lr =	sadd.s32 s0, s3;
	s0 =	sld [smem:$0x3F9F]  }
0x30: {  	s3 =	sld [smem:$0x3FA2]  }
0x31: {  	[smem:$0x3FAB] =	sst s10  }
0x32: {  	s10 =	sld [smem:$0x3FA9];
	_ =	sdelay $0x3  }
0x33: {  	p0 =	seq.s32 s10, $0x1;
	s10 =	sld [smem:$0x3FAB];
	_ =	sdelay $0x3  }
0x34: {  	[smem:$0x3FAB] =	sst s10  }
0x35: {  	s10 =	sld [smem:$0x3FAA];
	_ =	sdelay $0x3  }
0x36: {  	p1 =	seq.s32 s10, $0x1;
	s10 =	sld [smem:$0x3FAB];
	_ =	sdelay $0x3  }
0x37: {  	[smem:$0x3FAB] =	sst s10  }
0x38: {  	s10 =	sld [smem:$0x3FAC]  }
0x39: {  	_ = 	snop;
	(pc) =	sbr.ind lr, $3  }
0x3a: {  	_ = 	snop  }
0x3b: {  	_ = 	snop  }
0x3c: {  	p2 =	seq.s32 s10, $0x1;
	s10 =	sld [smem:$0x3FAB]  }
0x3d: {  	_ =	shalt  }
0x3e: {  	_ =	shalt  }
0x3f: {  	_ =	shalt  }
0x40: {  	_ =	shalt  }
0x41: {  	_ =	shalt  }
0x42: {  	_ =	shalt  }
0x43: {  	_ =	shalt  }
0x44: {  	_ =	shalt  }
0x45: {  	_ =	shalt  }
0x46: {  	_ =	shalt  }
0x47: {  	_ =	shalt  }
0x48: {  	_ =	shalt  }
0x49: {  	_ =	shalt  }
0x4a: {  	_ =	shalt  }
0x4b: {  	_ =	shalt  }
0x4c: {  	_ =	shalt  }
0x4d: {  	_ =	shalt  }
0x4e: {  	_ =	shalt  }
0x4f: {  	_ =	shalt  }
0x50: {  	_ =	shalt  }
0x51: {  	_ =	shalt  }
0x52: {  	_ =	shalt  }
0x53: {  	_ =	shalt  }
0x54: {  	_ =	shalt  }
0x55: {  	_ =	shalt  }
0x56: {  	_ =	shalt  }
0x57: {  	_ =	shalt  }
0x58: {  	_ =	shalt  }
0x59: {  	_ =	shalt  }
0x5a: {  	_ =	shalt  }
0x5b: {  	_ =	shalt  }
0x5c: {  	_ =	shalt  }
0x5d: {  	_ =	shalt  }
0x5e: {  	_ =	shalt  }
0x5f: {  	_ =	shalt  }
0x60: {  	_ =	shalt  }
0x61: {  	_ =	shalt  }
0x62: {  	_ =	shalt  }
0x63: {  	_ =	shalt  }
0x64: {  	_ =	shalt  }
0x65: {  	_ =	shalt  }
0x66: {  	_ =	shalt  }
0x67: {  	_ =	shalt  }
0x68: {  	_ =	shalt  }
0x69: {  	_ =	shalt  }
0x6a: {  	_ =	shalt  }
0x6b: {  	_ =	shalt  }
0x6c: {  	_ =	shalt  }
0x6d: {  	_ =	shalt  }
0x6e: {  	_ =	shalt  }
0x6f: {  	_ =	shalt  }
0x70: {  	_ =	shalt  }
0x71: {  	_ =	shalt  }
0x72: {  	_ =	shalt  }
0x73: {  	_ =	shalt  }
0x74: {  	_ =	shalt  }
0x75: {  	_ =	shalt  }
0x76: {  	_ =	shalt  }
0x77: {  	_ =	shalt  }
0x78: {  	_ =	shalt  }
0x79: {  	_ =	shalt  }
0x7a: {  	_ =	shalt  }
0x7b: {  	_ =	shalt  }
0x7c: {  	_ =	shalt  }
0x7d: {  	_ =	shalt  }
0x7e: {  	_ =	shalt  }
0x7f: {  	_ =	shalt  }
0x80: {  	_ =	shalt  }
0x81: {  	_ =	shalt  }
0x82: {  	_ =	shalt  }
0x83: {  	_ =	shalt  }
0x84: {  	_ =	shalt  }
0x85: {  	_ =	shalt  }
0x86: {  	_ =	shalt  }
0x87: {  	_ =	shalt  }
.Lfunc_end0:
.L_simem_size_0:
called_computation.6_lowered:
.L_overlay_start_0:
0x88: {  	s2 =	sld [smem:$0x3FD9]  }
0x89: {  	s3 =	sld [smem:$0x3FFE];
	_ =	sdelay $0x1  }
0x8a: {  	s1 =	srdreg.scid  }
0x8b: {  	s0 =	sand.u32 $0x1, s1  }
0x8c: {  	s16 =	sshll.u32 s0, $0xA;
	s2 =	sadd.s32 s3, s2  }
0x8d: {  	s2 =	sadd.s32 s2, s16  }
0x8e: {  	[smem:$0x3FB7] =	sst s2  }
0x8f: {  	_ = 	snop  }
0x90: {  	(tm) =	ssettm $0x1  }
0x91: {  	s17 =	sld [smem:$0x3FFB];
	_ =	sdelay $0x3  }
0x92: {  	_ =	strace s17  }
0x93: {  	s2 =	sld [smem:$0x3FFC];
	_ =	sdelay $0x3  }
0x94: {  	_ =	strace s2  }
0x95: {  	s2 =	sld [smem:$0x3FFD];
	_ =	sdelay $0x3  }
0x96: {  	_ =	strace s2  }
0x97: {  	_ =	strace $0x8FFFFFFF  }
0x98: {  	s18 =	sld [smem:$0x3FDB];
	_ =	sdelay $0x1  }
0x99: {  	s19 =	simm.s32 $_scs_section_size  }
0x9a: {  	s4 =	simm.s32 $_size__tile_overlayer_lowered;
	s5 =	simm.s32 $_tile_overlayer_lowered  }
0x9b: {  	s22 =	simm.s32 $0x1BFF;
	s21 =	sshll.u32 s5, $0x1;
	s2 =	sadd.s32 s19, s18  }
0x9c: {  	s6 =	simm.s32 $0x0;
	s20 =	sshll.u32 s4, $0x1;
	s4 =	sadd.s32 s21, s2  }
0x9d: {  	[timem:s6], [sflag:s22] =	dma.local [hbm:s4], s20  }
0x9e: {  	_ =	swait.ge [sflag:s22], s20  }
0x9f: {  	s3 =	ssub.s32 $0x0, s20;
	[sflag:s22] =	ssyncset.done $0x0  }
0xa0: {  	[sflag:s22] =	ssyncadd.s32 s3;
	_ =	sdelay $0x1  }
0xa1: {  	s23 =	simm.s32 $0x1B8B  }
0xa2: {  	_ =	swait.ge [sflag:s23], $0x1  }
0xa3: {  	[sflag:s23] =	ssyncset.done $0x0  }
0xa4: {  	s25 =	simm.s32 $0x1B8E;
	s24 =	sld [smem:$0x3FFE];
	[sflag:s23] =	ssyncadd.s32 $0xFFFFFFFF  }
0xa5: {  	s26 =	simm.s32 $execute0_lowered;
	[smem:$0x3FD2] =	sst s25  }
0xa6: {  	s4 =	sshll.u32 s26, $0x1;
	_ =	strace $0x80000058;
	[dreg:$0x1] =	wrdreg $0xFFFFFFFF  }
0xa7: {  	s28 =	simm.s32 $_size_execute0_lowered;
	s2 =	sadd.s32 s2, s4;
	[dreg:$0x0] =	wrdreg $0x0  }
0xa8: {  	s4 =	sshll.u32 s28, $0x1;
	[dreg:$0x2] =	wrdreg s2  }
0xa9: {  	[dreg:$0x3] =	wrdreg s4  }
0xaa: {  	[dreg:$0x4] =	wrdreg $0xC0  }
0xab: {  	_ =	task [dreg:s6], $0x5FFFF  }
0xac: {  	[dreg:$0x1] =	wrdreg $0xFFFFFFFF  }
0xad: {  	[dreg:$0x0] =	wrdreg $0x60  }
0xae: {  	[dreg:$0x2] =	wrdreg s24  }
0xaf: {  	[dreg:$0x3] =	wrdreg $0xA8000  }
0xb0: {  	[dreg:$0x4] =	wrdreg $0x9  }
0xb1: {  	_ =	task.clear_ibuf [dreg:s6], $0x5FFFF;
	_ =	strace $0x90000058  }
0xb2: {  	s29 =	simm.s32 $0x9;
	_ =	strace $0x8000005A  }
0xb3: {  	_ =	swait.ge [sflag:s29], $0x1  }
0xb4: {  	[sflag:s29] =	ssyncadd.s32 $0xFFFFFFFF  }
0xb5: {  	_ =	strace $0x9000005A  }
0xb6: {  	_ =	sfence  }
0xb7: {  	s30 =	sld [smem:$0x0];
	_ =	sdelay $0x2  }
0xb8: {  	s31 =	sshll.u32 s1, $0xD;
	s1 =	sshrl.u32 s1, $0x2  }
0xb9: {  	s3 =	sand.u32 $0x4000, s31;
	s1 =	sadd.s32 s1, s30  }
0xba: {  	s0 =	sor.u32 s3, s0;
	s1 =	sshll.u32 s1, $0x11  }
0xbb: {  	s0 =	sor.u32 s1, s0  }
0xbc: {  	s0 =	sadd.s32 $0x8F2B, s0  }
0xbd: {  	[sflag:s0] =	ssyncadd.remote.s32 $0x1  }
0xbe: {  	_ =	sfence.sel $0xFFFF  }
0xbf: {  	[dreg:$0x0] =	wrdreg $0xFFFFFFFF;
	(pc) =	sbr.abs _section_cstart, $3  }
0xc0: {  	[dreg:$0x1] =	wrdreg $0xFFFFFFFF  }
0xc1: {  	_ =	task.clear_ibuf [dreg:s6], $0x2FFFF;
	_ =	strace $0x9FFFFFFF  }
0xc2: {  	(tm) =	ssettm $0x7FFFFFFF  }
0xc3: {  	_ =	shalt  }
tec
execute0_lowered:
.L_overlay_start_1:
0x0: {  	(tag) =	ssettag $0x1  }
0x1: {  	s6 =	rddreg [dreg:$0x0]  }
0x2: {  	s2 =	rddreg [dreg:$0x1]  }
0x3: {  	s0 =	srdreg.scid;
	s1 =	rddreg [dreg:$0x2]  }
0x4: {  	s3 =	simm.s32 $0x0;
	s14 =	simm.s32 $0x80;
	s5 =	sand.u32 $0x1, s0  }
0x5: {  	s15 =	simm.s32 $0x2800;
	s0 =	stileid.u32;
	s4 =	smul.u32 $0x14000, s5  }
0x6: {  	s16 =	simm.s32 $0x6800;
	s17 =	simm.s32 $0x1;
	s7 =	smul.u32 $0x1400, s0  }
0x7: {  	s18 =	simm.s32 $0x2700;
	s19 =	simm.s32 $0x2780;
	s8 =	smul.u32 $0x140000, s5  }
0x8: {  	s20 =	simm.s32 $0x0;
	[smem:$0x7FF] =	sst s3;
	s9 =	smul.u32 $0x14000, s0  }
0x9: {  	_ =	strace $0x80000059;
	s30 =	ssub.s32 $0x2, s5;
	s11 =	smul.u32 $0x50000, s0  }
0xa: {  	s5 =	sadd.s32 $0x39000, s6;
	s12 =	sshll.u32 s0, $0x6;
	s10 =	sshrl.u32 s30, $0x1  }
0xb: {  	s12 =	sor.u32 $0x1C02, s12;
	s7 =	sadd.s32 s7, s4;
	s4 =	sadd.s32 $0x6200, s6  }
0xc: {  	s8 =	sadd.s32 s9, s8;
	s9 =	ssub.s32 s30, s10;
	s31 =	sshrl.u32 s11, $0x2  }
0xd: {  	s10 =	simm.s32 $0x2;
	s11 =	simm.s32 $0x1400;
	s7 =	sshrl.u32 s7, $0x3  }
0xe: {  	s8 =	sshrl.u32 s8, $0x3;
	s13 =	sadd.s32 s31, s2;
	s9 =	smax.u32 s9, $0x1  }
0xf: {  	s7 =	sadd.s32 s7, s6;
	s8 =	sadd.s32 s8, s6;
	s13 =	sshrl.u32 s13, $0x3  }
0x10: {  	s6 =	sadd.s32 $0x2F000, s7;
	s7 =	sadd.s32 $0x34000, s7;
	s8 =	sadd.s32 $0x63800, s8  }
.LBB2_1:
0x11: {  	[tilespmem:s3], [sflag:$0x2] =	stream.linear.gather [hbm4b:s6+s3], $0x1400, $0x38;
	[tilespmem:$0x1E800] =	vst v63  }
0x12: {  	_ =	swait.ge [sflag:s10], $0x1400  }
0x13: {  	[sflag:s10] =	ssyncset.done $0x0  }
0x14: {  	[sflag:s10] =	ssyncadd.s32 $0xFFFFEC00  }
0x15: {  	[tilespmem:s11], [sflag:$0x2] =	stream.linear.gather [hbm4b:s7+s3], $0x1400, $0x38;
	[tilespmem:$0x1E800] =	vst v63  }
0x16: {  	_ =	swait.ge [sflag:s10], $0x1400  }
0x17: {  	[sflag:s10] =	ssyncset.done $0x0  }
0x18: {  	[sflag:s10] =	ssyncadd.s32 $0xFFFFEC00  }
0x19: {  	[spmem:s13], [sflag:s12] =	dma.local [hbm:s5], $0x2800  }
0x1a: {  	_ =	swait.ge [sflag:s10], $0x2800  }
0x1b: {  	[sflag:s10] =	ssyncset.done $0x0  }
0x1c: {  	[sflag:s10] =	ssyncadd.s32 $0xFFFFD800  }
0x1d: {  	[bflag:$0x0] =	sbarrier.arrive $0xFFFF  }
0x1e: {  	[tilespmem:s15], [sflag:$0x1] =	stream.indirect.gather [hbm4b:s4+s14], $0x80, s3, s14, $0xb8;
	[tilespmem:$0x1E800] =	vst v63  }
0x1f: {  	_ = 	snop  }
0x20: {  	[tilespmem:s16], [sflag:$0x1] =	stream.indirect.gather [hbm4b:s4+s14], $0x80, s14, s14, $0xb8;
	[tilespmem:$0x1E800] =	vst v63  }
0x21: {  	_ =	swait.ge [sflag:s17], $0x4000  }
0x22: {  	[sflag:s17] =	ssyncset.done $0x0  }
0x23: {  	s21 =	simm.s32 $0x1400;
	[sflag:s17] =	ssyncadd.s32 $0xFFFFC000  }
0x24: {  	[spmem:s2] =	stream.indirect.scatter.add.f32 [tilespmem:s15], [sflag:$0x2], $0x80, s21, s14, $0xb8;
	[tilespmem:$0x1E800] =	vst v63  }
0x25: {  	_ =	swait.ge [sflag:s10], $0x4000  }
0x26: {  	[sflag:s10] =	ssyncset.done $0x0  }
0x27: {  	s30 =	simm.s32 $0x100;
	[sflag:s10] =	ssyncadd.s32 $0xFFFFC000  }
0x28: {  	[tilespmem:s15], [sflag:$0x1] =	stream.indirect.gather [hbm4b:s4+s14], $0x80, s30, s14, $0xb8;
	[tilespmem:$0x1E800] =	vst v63  }
0x29: {  	_ =	swait.ge [sflag:s17], $0x4000  }
0x2a: {  	[sflag:s17] =	ssyncset.done $0x0  }
0x2b: {  	s31 =	simm.s32 $0x1480;
	[sflag:s17] =	ssyncadd.s32 $0xFFFFC000  }
0x2c: {  	[spmem:s2] =	stream.indirect.scatter.add.f32 [tilespmem:s16], [sflag:$0x2], $0x80, s31, s14, $0xb8;
	[tilespmem:$0x1E800] =	vst v63  }
0x2d: {  	_ =	swait.ge [sflag:s10], $0x4000  }
0x2e: {  	[sflag:s10] =	ssyncset.done $0x0  }
0x2f: {  	s22 =	simm.s32 $0x180;
	s21 =	simm.s32 $0x400;
	[sflag:s10] =	ssyncadd.s32 $0xFFFFC000  }
.LBB2_2:
0x30: {  	[tilespmem:s16], [sflag:$0x1] =	stream.indirect.gather [hbm4b:s4+s14], $0x80, s22, s14, $0xb8;
	[tilespmem:$0x1E800] =	vst v63  }
0x31: {  	s22 =	smov.u32 s21  }
0x32: {  	p0 =	sne.s32 s21, $0x4800;
	s21 =	sadd.s32 $0x400, s21;
	_ =	swait.ge [sflag:s17], $0x4000  }
0x33: {  	s22 =	sshra.s32 s22, $0x2;
	[sflag:s17] =	ssyncset.done $0x0  }
0x34: {  	s23 =	sadd.s32 $0x1400, s22;
	[sflag:s17] =	ssyncadd.s32 $0xFFFFC000  }
0x35: {  	[spmem:s2] =	stream.indirect.scatter.add.f32 [tilespmem:s15], [sflag:$0x2], $0x80, s23, s14, $0xb8;
	[tilespmem:$0x1E800] =	vst v63  }
0x36: {  	_ =	swait.ge [sflag:s10], $0x4000  }
0x37: {  	[sflag:s10] =	ssyncset.done $0x0  }
0x38: {  	s23 =	sadd.s32 $0x100, s22;
	[sflag:s10] =	ssyncadd.s32 $0xFFFFC000  }
0x39: {  	[tilespmem:s15], [sflag:$0x1] =	stream.indirect.gather [hbm4b:s4+s14], $0x80, s23, s14, $0xb8;
	[tilespmem:$0x1E800] =	vst v63  }
0x3a: {  	_ =	swait.ge [sflag:s17], $0x4000  }
0x3b: {  	[sflag:s17] =	ssyncset.done $0x0  }
.Ltmp0:
0x3c: {  	s23 =	sadd.s32 $0x1480, s22;
	[sflag:s17] =	ssyncadd.s32 $0xFFFFC000;
	(pc) =	sbr.rel @p0 .LBB2_2-.Ltmp0, $4  }
0x3d: {  	[spmem:s2] =	stream.indirect.scatter.add.f32 [tilespmem:s16], [sflag:$0x2], $0x80, s23, s14, $0xb8;
	[tilespmem:$0x1E800] =	vst v63  }
0x3e: {  	_ =	swait.ge [sflag:s10], $0x4000  }
0x3f: {  	[sflag:s10] =	ssyncset.done $0x0  }
0x40: {  	s22 =	sadd.s32 $0x180, s22;
	[sflag:s10] =	ssyncadd.s32 $0xFFFFC000  }
0x41: {  	[tilespmem:s16], [sflag:$0x1] =	stream.indirect.gather [hbm4b:s4+s14], $0x80, s22, s14, $0xb8;
	[tilespmem:$0x1E800] =	vst v63  }
0x42: {  	_ =	swait.ge [sflag:s17], $0x4000  }
0x43: {  	[sflag:s17] =	ssyncset.done $0x0  }
0x44: {  	[sflag:s17] =	ssyncadd.s32 $0xFFFFC000  }
0x45: {  	[spmem:s2] =	stream.indirect.scatter.add.f32 [tilespmem:s15], [sflag:$0x2], $0x80, s18, s14, $0xb8;
	[tilespmem:$0x1E800] =	vst v63  }
0x46: {  	_ =	swait.ge [sflag:s10], $0x4000  }
0x47: {  	[sflag:s10] =	ssyncset.done $0x0  }
0x48: {  	[sflag:s10] =	ssyncadd.s32 $0xFFFFC000  }
0x49: {  	_ =	swait.ge [sflag:s17], $0x4000  }
0x4a: {  	[sflag:s17] =	ssyncset.done $0x0  }
0x4b: {  	[sflag:s17] =	ssyncadd.s32 $0xFFFFC000  }
0x4c: {  	[spmem:s2] =	stream.indirect.scatter.add.f32 [tilespmem:s16], [sflag:$0x2], $0x80, s19, s14, $0xb8;
	[tilespmem:$0x1E800] =	vst v63  }
0x4d: {  	_ =	swait.ge [sflag:s10], $0x4000  }
0x4e: {  	s20 =	sadd.s32 $0x1, s20;
	[sflag:s10] =	ssyncset.done $0x0  }
0x4f: {  	p0 =	sne.s32 s20, s9;
	[sflag:s10] =	ssyncadd.s32 $0xFFFFC000  }
.Ltmp1:
0x50: {  	[bflag:$0x0] =	sbarrier.arrive $0xFFFF;
	(pc) =	sbr.rel @p0 .LBB2_1-.Ltmp1, $4  }
0x51: {  	[hbm:s8], [sflag:s12] =	dma.local [spmem:s13], $0x2800  }
0x52: {  	_ =	swait.ge [sflag:s10], $0x2800  }
0x53: {  	[sflag:s10] =	ssyncset.done $0x0  }
0x54: {  	[sflag:s10] =	ssyncadd.s32 $0xFFFFD800  }
0x55: {  	_ =	sfence.sel $0x180000  }
0x56: {  	[bflag:$0x0] =	sbarrier.arrive $0xFFFF  }
0x57: {  	p0 =	sne.s32 s0, $0x0;
	_ =	strace $0x90000059  }
0x58: {  	s0 =	sadd.s32 @!p0 $0x100000, s1;
	[bflag:$0x2] =	sbarrier.arrive $0xFFFF  }
0x59: {  	[sflag:s0] =	ssyncadd.tile.s32 @!p0 $0x1;
	_ =	shalt  }
.Lfunc_end2:
_tile_overlayer_lowered:
.L_overlay_start_2:
0x5a: {  	(tag) =	ssettag $0x2  }
0x5b: {  	s0 =	rddreg [dreg:$0x0];
	s2 =	stileid.u32  }
0x5c: {  	s1 =	rddreg [dreg:$0x1];
	p0 =	sne.s32 s2, $0x0  }
0x5d: {  	s3 =	rddreg [dreg:$0x2];
	[bflag:$0x3] =	sbarrier.arrive $0xFFFF;
	s2 =	simm.s32 @!p0 $0x1C02  }
0x5e: {  	[timem:s3], [sflag:s2] =	dma.local @!p0 [hbm:s0], s1  }
0x5f: {  	s0 =	simm.s32 @!p0 $0x2  }
0x60: {  	_ =	swait.ge @!p0 [sflag:s0], s1  }
0x61: {  	s1 =	ssub.s32 @!p0 $0x0, s1;
	[sflag:s0] =	ssyncset.done @!p0 $0x0  }
0x62: {  	[sflag:s0] =	ssyncadd.s32 @!p0 s1  }
0x63: {  	[bflag:$0x3] =	sbarrier.arrive $0xFFFF  }
0x64: {  	_ =	shalt  }

</sc_bundles>
